<compile_context>
chip_gen: v7x
topology: tpu7x:2x2x1
jax: 0.10.2.dev20260603
libtpu: 0.0.44.dev20260713+nightly
codegen_flags: <defaults>
</compile_context>

<pallas_src>
import jax
import jax.numpy as jnp
from jax import lax
from jax.experimental import pallas as pl
from jax.experimental.pallas import tpu as pltpu
from jax.experimental.pallas import tpu_sc as plsc

T = 12
N = 10000
E = 320000
NP = 10240
H = 128
H2 = 256
B = 1024
NB = NP // B
NC = 2
NS = 16
CH = 80
E2 = 327680
NCH = 128
ER = E2 // CH
ATOT = 10112
WR = ATOT // NS
AC0 = 228
AC1 = 28



def _deg_body(dstr, ones80, zeros128, out, dst_v, ones_v, sem, acc):
    c = lax.axis_index("c")
    s = lax.axis_index("s")
    w = c * NS + s
    pltpu.sync_copy(ones80, ones_v)

    def per_t(t, carry):
        pltpu.sync_copy(zeros128, acc.at[pl.ds(s * WR, WR), :])
        plsc.subcore_barrier()
        base_row = t * ER + w * NCH
        pltpu.sync_copy(dstr.at[pl.ds(base_row, NCH)], dst_v)

        def group(g, carry):
            for u in range(8):
                i = g * 8 + u
                pltpu.make_async_copy(
                    ones_v, acc.at[dst_v.at[i]], sem).start(add=True)
            for _u in range(8):
                pltpu.make_async_copy(
                    ones_v, acc.at[dst_v.at[0]], sem).wait()
            return carry
        lax.fori_loop(0, NCH // 8, group, 0)
        plsc.subcore_barrier()
        ob = (c * T + t) * NP + s * WR
        pltpu.sync_copy(acc.at[pl.ds(s * WR, WR), :],
                        out.at[pl.ds(ob, WR), :])
        return carry
    lax.fori_loop(0, T, per_t, 0)


def _emb_body(catp, num2, f0, f1, f2, xc012, x3,
              i0v, i1v, i2v, buf, nv, sm0, sm1, sm2, smn):
    c = lax.axis_index("c")
    s = lax.axis_index("s")
    w = c * NS + s

    def unit(k, carry):
        uid = w + NC * NS * k
        t = uid // 16
        rb = uid - t * 16
        pltpu.sync_copy(catp.at[pl.ds((t * 3 + 0) * 128 + rb * 8, 8)], i0v)
        pltpu.sync_copy(catp.at[pl.ds((t * 3 + 1) * 128 + rb * 8, 8)], i1v)
        pltpu.sync_copy(catp.at[pl.ds((t * 3 + 2) * 128 + rb * 8, 8)], i2v)
        for u in range(8):
            r = rb * 8 + u

            @pl.when(r < 125)
            def _(r=r, u=u):
                d0 = pltpu.make_async_copy(f0.at[i0v.at[u]], buf, sm0)
                d0.start()
                dn = pltpu.make_async_copy(
                    num2.at[pl.ds(t * N + r * CH, CH), :], nv, smn)
                dn.start()
                d0.wait()
                d1 = pltpu.make_async_copy(f1.at[i1v.at[u]], buf, sm1)
                d2 = pltpu.make_async_copy(f2.at[i2v.at[u]], buf, sm2)
                d1.start(add=True)
                d2.start(add=True)
                d1.wait()
                d2.wait()
                dn.wait()
                ob = t * NP + r * CH
                pltpu.sync_copy(buf, xc012.at[pl.ds(ob, CH), :])
                pltpu.sync_copy(nv, x3.at[pl.ds(ob, CH), :])
        return carry
    lax.fori_loop(0, T * 16 // (NC * NS), unit, 0)


def _agg_body(y, srcf, dstf, zeros128, out,
              si0, si1, si2, si3, di0, di1, di2, di3, r0, r1, r2, r3,
              i0, i1, i2, i3, g0, g1, g2, g3, s0, s1, s2, s3, acc):
    c = lax.axis_index("c")
    s = lax.axis_index("s")
    w = c * NS + s
    sis = (si0, si1, si2, si3)
    dis = (di0, di1, di2, di3)
    rbufs = (r0, r1, r2, r3)
    isems = (i0, i1, i2, i3)
    gsems = (g0, g1, g2, g3)
    ssems = (s0, s1, s2, s3)

    def idx_start(base, i, b):
        pltpu.make_async_copy(
            srcf.at[pl.ds(base + i * CH, CH)], sis[b], isems[b]).start()
        pltpu.make_async_copy(
            dstf.at[pl.ds(base + i * CH, CH)], dis[b], isems[b]).start()

    def idx_wait(b):
        pltpu.make_async_copy(srcf.at[pl.ds(0, CH)], sis[b], isems[b]).wait()
        pltpu.make_async_copy(dstf.at[pl.ds(0, CH)], dis[b], isems[b]).wait()

    def gather_start(b):
        pltpu.make_async_copy(y.at[sis[b]], rbufs[b], gsems[b]).start()

    def gather_wait(b):
        pltpu.make_async_copy(y.at[sis[b]], rbufs[b], gsems[b]).wait()

    def scat_start(b):
        pltpu.make_async_copy(
            rbufs[b], acc.at[dis[b]], ssems[b]).start(add=True)

    def scat_wait(b):
        pltpu.make_async_copy(
            rbufs[b], acc.at[dis[b]], ssems[b]).wait()

    ncht = jnp.where(c == 0, AC0, AC1)

    def per_t(t, carry):
        pltpu.sync_copy(zeros128, acc.at[pl.ds(s * WR, WR), :])
        plsc.subcore_barrier()
        base = t * E2 + jnp.where(
            c == 0, s * (AC0 * CH), NS * (AC0 * CH) + s * (AC1 * CH))
        idx_start(base, 0, 0)
        idx_start(base, 1, 1)
        idx_wait(0)
        gather_start(0)

        def grp(g4, carry):
            for u in range(4):
                i = g4 * 4 + u
                b = u
                b1 = (u + 1) % 4
                b2 = (u + 2) % 4

                @pl.when(i < ncht)
                def _(b=b):
                    gather_wait(b)
                    scat_start(b)

                @pl.when(jnp.logical_and(i - 2 >= 0, i - 2 < ncht))
                def _(b2=b2):
                    scat_wait(b2)

                @pl.when(i + 2 < ncht)
                def _(i=i, b2=b2):
                    idx_start(base, i + 2, b2)

                @pl.when(i + 1 < ncht)
                def _(b1=b1):
                    idx_wait(b1)
                    gather_start(b1)
            return carry
        lax.fori_loop(0, AC0 // 4 + 1, grp, 0)
        plsc.subcore_barrier()
        ob = (c * T + t) * NP + s * WR
        pltpu.sync_copy(acc.at[pl.ds(s * WR, WR), :],
                        out.at[pl.ds(ob, WR), :])
        return carry
    lax.fori_loop(0, T, per_t, 0)



def _prep_body(p0, p1, c012, x3, dinv_ref, y1_ref):
    deg = p0[:, 0:1] + p1[:, 0:1] + 1.0
    dinv = lax.rsqrt(deg)
    dinv_ref[...] = jnp.broadcast_to(dinv, (B, 8))
    xc = jnp.concatenate([c012[:, 0:96], x3[...]], axis=1)
    y1_ref[...] = dinv * xc


def _mid_body(p0, p1, y1, dv, w1, b1r, w2, y2_ref):
    dinv = dv[:, 0:1]
    s1 = dinv * (p0[...] + p1[...] + y1[...])
    g1 = jnp.maximum(
        jnp.dot(s1, w1[0], preferred_element_type=jnp.float32) + b1r[0], 0.0)
    h2 = jnp.dot(g1, w2[0], preferred_element_type=jnp.float32)
    y2_ref[...] = dinv * h2


def _gru_body(q0, q1, y2, dv, b2r, wih, whh, bihr, bhhr, out_ref, h_scr):
    t = pl.program_id(0)
    nb = pl.program_id(1)

    @pl.when(t == 0)
    def _():
        h_scr[pl.ds(nb * B, B), :] = jnp.zeros((B, H), jnp.float32)

    dinv = dv[:, 0:1]
    x_t = dinv * (q0[...] + q1[...] + y2[...]) + b2r[0]
    h = h_scr[pl.ds(nb * B, B), :]
    gi = jnp.dot(x_t, wih[...], preferred_element_type=jnp.float32) + bihr[...]
    gh = jnp.dot(h, whh[...], preferred_element_type=jnp.float32) + bhhr[...]
    r = jax.nn.sigmoid(gi[:, 0:H] + gh[:, 0:H])
    z = jax.nn.sigmoid(gi[:, H:2 * H] + gh[:, H:2 * H])
    n_ = jnp.tanh(gi[:, 2 * H:3 * H] + r * gh[:, 2 * H:3 * H])
    hn = (1.0 - z) * n_ + z * h
    h_scr[pl.ds(nb * B, B), :] = hn
    out_ref[...] = hn



def kernel(cat_x, num_x, edges, emb0, emb1, emb2,
           W1, b1, W2, b2, Wih, Whh, bih, bhh):
    f32 = jnp.float32
    i32 = jnp.int32
    cat_t = jnp.transpose(cat_x.astype(i32), (0, 2, 1))
    catp = jnp.pad(cat_t.reshape(T * 3, 125, CH),
                   ((0, 0), (0, 3), (0, 0))).reshape(T * 3 * 128, CH)
    num2 = num_x.reshape(T * N, 32)
    src = edges[:, 0, :].astype(i32)
    dst = edges[:, 1, :].astype(i32)
    epad = E2 - E
    srcp = jnp.concatenate([src, jnp.zeros((T, epad), i32)], axis=1)
    dstp = jnp.concatenate([dst, jnp.full((T, epad), N, i32)], axis=1)
    src_adj = srcp + (jnp.arange(T, dtype=i32) * NP)[:, None]
    srcf = src_adj.reshape(T * E2)
    dstf = dstp.reshape(T * E2)
    dstr = dstp.reshape(T * ER, CH)
    ones80 = jnp.ones((CH, H), f32)
    zeros128 = jnp.zeros((WR, H), f32)
    f0 = jnp.pad(emb0, ((0, 0), (0, 96)))
    f1 = jnp.pad(emb1, ((0, 0), (32, 64)))
    f2 = jnp.pad(emb2, ((0, 0), (64, 32)))

    mesh = plsc.VectorSubcoreMesh(core_axis_name="c", subcore_axis_name="s")

    degp = pl.kernel(
        _deg_body,
        out_type=jax.ShapeDtypeStruct((NC * T * NP, H), f32),
        mesh=mesh,
        scratch_types=[
            pltpu.VMEM((NCH, CH), i32),
            pltpu.VMEM((CH, H), f32),
            pltpu.SemaphoreType.DMA,
            pltpu.VMEM_SHARED((ATOT, H), f32),
        ],
    )(dstr, ones80, zeros128)

    xc012, x3 = pl.kernel(
        _emb_body,
        out_type=(jax.ShapeDtypeStruct((T * NP, H), f32),
                  jax.ShapeDtypeStruct((T * NP, 32), f32)),
        mesh=mesh,
        scratch_types=[
            pltpu.VMEM((8, CH), i32),
            pltpu.VMEM((8, CH), i32),
            pltpu.VMEM((8, CH), i32),
            pltpu.VMEM((CH, H), f32),
            pltpu.VMEM((CH, 32), f32),
            pltpu.SemaphoreType.DMA,
            pltpu.SemaphoreType.DMA,
            pltpu.SemaphoreType.DMA,
            pltpu.SemaphoreType.DMA,
        ],
    )(catp, num2, f0, f1, f2)

    dinvT, y1 = pl.pallas_call(
        _prep_body,
        grid=(T, NB),
        in_specs=[
            pl.BlockSpec((B, H), lambda t, nb: (t * NB + nb, 0)),
            pl.BlockSpec((B, H), lambda t, nb: ((T + t) * NB + nb, 0)),
            pl.BlockSpec((B, H), lambda t, nb: (t * NB + nb, 0)),
            pl.BlockSpec((B, 32), lambda t, nb: (t * NB + nb, 0)),
        ],
        out_specs=[
            pl.BlockSpec((B, 8), lambda t, nb: (t * NB + nb, 0)),
            pl.BlockSpec((B, H), lambda t, nb: (t * NB + nb, 0)),
        ],
        out_shape=[
            jax.ShapeDtypeStruct((T * NP, 8), f32),
            jax.ShapeDtypeStruct((T * NP, H), f32),
        ],
    )(degp, degp, xc012, x3)

    def agg(yarr):
        return pl.kernel(
            _agg_body,
            out_type=jax.ShapeDtypeStruct((NC * T * NP, H), f32),
            mesh=mesh,
            scratch_types=(
                [pltpu.VMEM((CH,), i32) for _ in range(8)]
                + [pltpu.VMEM((CH, H), f32) for _ in range(4)]
                + [pltpu.SemaphoreType.DMA for _ in range(12)]
                + [pltpu.VMEM_SHARED((ATOT, H), f32)]
            ),
        )(yarr, srcf, dstf, zeros128)

    P = agg(y1)

    y2 = pl.pallas_call(
        _mid_body,
        grid=(T, NB),
        in_specs=[
            pl.BlockSpec((B, H), lambda t, nb: (t * NB + nb, 0)),
            pl.BlockSpec((B, H), lambda t, nb: ((T + t) * NB + nb, 0)),
            pl.BlockSpec((B, H), lambda t, nb: (t * NB + nb, 0)),
            pl.BlockSpec((B, 8), lambda t, nb: (t * NB + nb, 0)),
            pl.BlockSpec((1, H, H2), lambda t, nb: (t, 0, 0)),
            pl.BlockSpec((1, 1, H2), lambda t, nb: (t, 0, 0)),
            pl.BlockSpec((1, H2, H), lambda t, nb: (t, 0, 0)),
        ],
        out_specs=pl.BlockSpec((B, H), lambda t, nb: (t * NB + nb, 0)),
        out_shape=jax.ShapeDtypeStruct((T * NP, H), f32),
    )(P, P, y1, dinvT, W1, b1.reshape(T, 1, H2), W2)

    Q = agg(y2)

    h = pl.pallas_call(
        _gru_body,
        grid=(T, NB),
        in_specs=[
            pl.BlockSpec((B, H), lambda t, nb: (t * NB + nb, 0)),
            pl.BlockSpec((B, H), lambda t, nb: ((T + t) * NB + nb, 0)),
            pl.BlockSpec((B, H), lambda t, nb: (t * NB + nb, 0)),
            pl.BlockSpec((B, 8), lambda t, nb: (t * NB + nb, 0)),
            pl.BlockSpec((1, 1, H), lambda t, nb: (t, 0, 0)),
            pl.BlockSpec((H, 3 * H), lambda t, nb: (0, 0)),
            pl.BlockSpec((H, 3 * H), lambda t, nb: (0, 0)),
            pl.BlockSpec((1, 3 * H), lambda t, nb: (0, 0)),
            pl.BlockSpec((1, 3 * H), lambda t, nb: (0, 0)),
        ],
        out_specs=pl.BlockSpec((B, H), lambda t, nb: (nb, 0)),
        out_shape=jax.ShapeDtypeStruct((NP, H), f32),
        scratch_shapes=[pltpu.VMEM((NP, H), f32)],
    )(Q, Q, y2, dinvT, b2.reshape(T, 1, H), jnp.transpose(Wih),
      jnp.transpose(Whh), bih.reshape(1, 3 * H), bhh.reshape(1, 3 * H))
    return h[:N]

# --- scband reference (transcript-rebuilt; emitter-appended) ---
"""Pipeline reference for scband-gcn-gru-81131932221696 (READ-ONLY COPY).

The authoritative reference and input builder live on the scoring server;
editing this copy changes nothing except your own understanding.
"""

import jax, jax.numpy as jnp
import numpy as np

N = 10000
E = 320000
T = 12
ENT = 32
NUMD = 32
H = 128
H2 = 256
VOCAB = 1000


def setup_inputs(seed: int = 0) -> dict:
    key = jax.random.key(seed)
    ks = jax.random.split(key, 12)
    cat_x = jax.random.randint(ks[0], (T, N, 3), 0, VOCAB)
    num_x = jax.random.normal(ks[1], (T, N, NUMD), dtype=jnp.float32)
    edges = jax.random.randint(ks[2], (T, 2, E), 0, N)
    emb0 = jax.random.normal(ks[3], (VOCAB, ENT), dtype=jnp.float32) * 0.02
    emb1 = jax.random.normal(ks[4], (VOCAB, ENT), dtype=jnp.float32) * 0.02
    emb2 = jax.random.normal(ks[5], (VOCAB, ENT), dtype=jnp.float32) * 0.02
    W1 = jax.random.normal(ks[6], (T, H, H2), dtype=jnp.float32) * 0.05
    b1 = jnp.zeros((T, H2), dtype=jnp.float32)
    W2 = jax.random.normal(ks[7], (T, H2, H), dtype=jnp.float32) * 0.05
    b2 = jnp.zeros((T, H), dtype=jnp.float32)
    Wih = jax.random.normal(ks[8], (3 * H, H), dtype=jnp.float32) * 0.05
    Whh = jax.random.normal(ks[9], (3 * H, H), dtype=jnp.float32) * 0.05
    bih = jnp.zeros((3 * H,), dtype=jnp.float32)
    bhh = jnp.zeros((3 * H,), dtype=jnp.float32)
    return {"cat_x": cat_x, "num_x": num_x, "edges": edges,
            "emb0": emb0, "emb1": emb1, "emb2": emb2,
            "W1": W1, "b1": b1, "W2": W2, "b2": b2,
            "Wih": Wih, "Whh": Whh, "bih": bih, "bhh": bhh}


def gcn_conv(x, src, dst, W, b):
    # PyG GCNConv: linear first, then symmetric-normalized aggregation with self-loops, bias last
    h = x @ W
    n = x.shape[0]
    sl = jnp.arange(n)
    src2 = jnp.concatenate([src, sl])
    dst2 = jnp.concatenate([dst, sl])
    deg = jnp.zeros((n,), x.dtype).at[dst2].add(1.0)
    dinv = jnp.where(deg > 0, 1.0 / jnp.sqrt(deg), 0.0)
    norm = dinv[src2] * dinv[dst2]
    msgs = h[src2] * norm[:, None]
    out = jnp.zeros_like(h).at[dst2].add(msgs)
    return out + b


def reference(cat_x, num_x, edges, emb0, emb1, emb2, W1, b1, W2, b2, Wih, Whh, bih, bhh):
    seq = []
    for m in range(T):
        xc = jnp.concatenate([emb0[cat_x[m, :, 0]], emb1[cat_x[m, :, 1]],
                              emb2[cat_x[m, :, 2]], num_x[m]], axis=-1)
        g1 = jax.nn.relu(gcn_conv(xc, edges[m, 0], edges[m, 1], W1[m], b1[m]))
        g2 = gcn_conv(g1, edges[m, 0], edges[m, 1], W2[m], b2[m])
        seq.append(g2)
    h = jnp.zeros((N, H), dtype=num_x.dtype)
    for m in range(T):
        x_t = seq[m]
        gi = x_t @ Wih.T + bih
        gh = h @ Whh.T + bhh
        ir, iz, inn = jnp.split(gi, 3, axis=-1)
        hr, hz, hn = jnp.split(gh, 3, axis=-1)
        r = jax.nn.sigmoid(ir + hr)
        z = jax.nn.sigmoid(iz + hz)
        n_ = jnp.tanh(inn + r * hn)
        h = (1.0 - z) * n_ + z * h
    return h

if __name__ == "__main__":
    import jax
    _d = setup_inputs()
    print(jax.jit(kernel)(*tuple(_d.values())))

</pallas_src>

<mosaic_0001>
#map = affine_map<(d0, d1) -> (0, 0)>
module attributes {stable_mosaic.version = 14 : i64} {
  func.func @_emb_body(%arg0: i32, %arg1: i32, %arg2: memref<4608x80xi32, #tpu.memory_space<hbm>>, %arg3: memref<120000x32xf32, #tpu.memory_space<hbm>>, %arg4: memref<1000x128xf32, #tpu.memory_space<hbm>>, %arg5: memref<1000x128xf32, #tpu.memory_space<hbm>>, %arg6: memref<1000x128xf32, #tpu.memory_space<hbm>>, %arg7: memref<122880x128xf32, #tpu.memory_space<hbm>>, %arg8: memref<122880x32xf32, #tpu.memory_space<hbm>>, %arg9: memref<8x80xi32, #tpu.memory_space<vmem>>, %arg10: memref<8x80xi32, #tpu.memory_space<vmem>>, %arg11: memref<8x80xi32, #tpu.memory_space<vmem>>, %arg12: memref<80x128xf32, #tpu.memory_space<vmem>>, %arg13: memref<80x32xf32, #tpu.memory_space<vmem>>, %arg14: memref<!tpu.dma_semaphore, #tpu.memory_space<semaphore_mem>>, %arg15: memref<!tpu.dma_semaphore, #tpu.memory_space<semaphore_mem>>, %arg16: memref<!tpu.dma_semaphore, #tpu.memory_space<semaphore_mem>>, %arg17: memref<!tpu.dma_semaphore, #tpu.memory_space<semaphore_mem>>) attributes {dimension_semantics = [#tpu.dimension_semantics<core_parallel>, #tpu.dimension_semantics<subcore_parallel>], iteration_bounds = array<i64: 2, 16>, scalar_prefetch = 0 : i64, scratch_operands = 9 : i64, tpu.core_type = #tpu.core_type<sc_vector_subcore>, window_params = [{transform_indices = #map}, {transform_indices = #map}, {transform_indices = #map}, {transform_indices = #map}, {transform_indices = #map}, {transform_indices = #map}, {transform_indices = #map}]} {
    %mul3A = arith.constant 16 : i32
    %mul3A_0 = arith.muli %arg0, %mul3A : i32
    %add3A = arith.addi %mul3A_0, %arg1 : i32
    %scan3A = arith.constant 0 : i32
    %scan3A_1 = arith.constant 0 : i32
    %scan3A_2 = arith.constant 6 : i32
    %scan3A_3 = arith.addi %scan3A_1, %scan3A_2 : i32
    %scan3A_4 = arith.constant 1 : i32
    scf.for %scan3A_6 = %scan3A_1 to %scan3A_3 step %scan3A_4  : i32 {
      %mul3A_7 = arith.constant 32 : i32
      %mul3A_8 = arith.muli %mul3A_7, %scan3A_6 : i32
      %add3A_9 = arith.addi %add3A, %mul3A_8 : i32
      %jit3A = arith.constant 16 : i32
      %div3A = arith.divsi %add3A_9, %jit3A : i32
      %sign3A = arith.constant 0 : i32
      %sign3A_10 = arith.cmpi sgt, %add3A_9, %sign3A : i32
      %sign3A_11 = arith.extui %sign3A_10 : i1 to i32
      %sign3A_12 = arith.constant 0 : i32
      %sign3A_13 = arith.cmpi slt, %add3A_9, %sign3A_12 : i32
      %sign3A_14 = arith.extui %sign3A_13 : i1 to i32
      %sign3A_15 = arith.subi %sign3A_11, %sign3A_14 : i32
      %sign3A_16 = arith.constant 0 : i32
      %sign3A_17 = arith.cmpi sgt, %jit3A, %sign3A_16 : i32
      %sign3A_18 = arith.extui %sign3A_17 : i1 to i32
      %sign3A_19 = arith.constant 0 : i32
      %sign3A_20 = arith.cmpi slt, %jit3A, %sign3A_19 : i32
      %sign3A_21 = arith.extui %sign3A_20 : i1 to i32
      %sign3A_22 = arith.subi %sign3A_18, %sign3A_21 : i32
      %ne3A = arith.cmpi ne, %sign3A_15, %sign3A_22 : i32
      %rem3A = arith.remsi %add3A_9, %jit3A : i32
      %ne3A_23 = arith.constant 0 : i32
      %ne3A_24 = arith.cmpi ne, %rem3A, %ne3A_23 : i32
      %and3A = arith.andi %ne3A, %ne3A_24 : i1
      %sub3A = arith.constant 1 : i32
      %sub3A_25 = arith.subi %div3A, %sub3A : i32
      %select_n3A = arith.select %and3A, %sub3A_25, %div3A : i32
      %mul3A_26 = arith.constant 16 : i32
      %mul3A_27 = arith.muli %select_n3A, %mul3A_26 : i32
      %sub3A_28 = arith.subi %add3A_9, %mul3A_27 : i32
      %mul3A_29 = arith.constant 3 : i32
      %mul3A_30 = arith.muli %select_n3A, %mul3A_29 : i32
      %add3A_31 = arith.constant 0 : i32
      %add3A_32 = arith.addi %mul3A_30, %add3A_31 : i32
      %mul3A_33 = arith.constant 128 : i32
      %mul3A_34 = arith.muli %add3A_32, %mul3A_33 : i32
      %mul3A_35 = arith.constant 8 : i32
      %mul3A_36 = arith.muli %sub3A_28, %mul3A_35 : i32
      %add3A_37 = arith.addi %mul3A_34, %mul3A_36 : i32
      "tpu.region"() ({
        %run_scoped3A = tpu.sem_alloc : memref<!tpu.dma_semaphore, #tpu.memory_space<semaphore_mem>>
        %dma_start3A = arith.constant 0 : i32
        %dma_start3A_125 = tpu.memref_slice %arg2[%add3A_37, %dma_start3A] : memref<4608x80xi32, #tpu.memory_space<hbm>> -> memref<8x80xi32, #tpu.memory_space<hbm>>
        %dma_start3A_126 = arith.constant 0 : i32
        %dma_start3A_127 = tpu.memref_slice %arg2[%add3A_37, %dma_start3A_126] : memref<4608x80xi32, #tpu.memory_space<hbm>> -> memref<8x80xi32, #tpu.memory_space<hbm>>
        tpu.enqueue_dma source(%dma_start3A_127 : memref<8x80xi32, #tpu.memory_space<hbm>>) target(%arg9 : memref<8x80xi32, #tpu.memory_space<vmem>>) target_semaphore(%run_scoped3A : memref<!tpu.dma_semaphore, #tpu.memory_space<semaphore_mem>>)
        %dma_wait3A = arith.constant 0 : i32
        %dma_wait3A_128 = tpu.memref_slice %arg2[%add3A_37, %dma_wait3A] : memref<4608x80xi32, #tpu.memory_space<hbm>> -> memref<8x80xi32, #tpu.memory_space<hbm>>
        %dma_wait3A_129 = arith.constant 0 : i32
        %dma_wait3A_130 = tpu.memref_slice %arg2[%add3A_37, %dma_wait3A_129] : memref<4608x80xi32, #tpu.memory_space<hbm>> -> memref<8x80xi32, #tpu.memory_space<hbm>>
        tpu.wait_dma2 semaphore(%run_scoped3A : memref<!tpu.dma_semaphore, #tpu.memory_space<semaphore_mem>>) src(%dma_wait3A_130 : memref<8x80xi32, #tpu.memory_space<hbm>>) dst(%arg9 : memref<8x80xi32, #tpu.memory_space<vmem>>)
        tpu.yield
      }) : () -> ()
      %mul3A_38 = arith.constant 3 : i32
      %mul3A_39 = arith.muli %select_n3A, %mul3A_38 : i32
      %add3A_40 = arith.constant 1 : i32
      %add3A_41 = arith.addi %mul3A_39, %add3A_40 : i32
      %mul3A_42 = arith.constant 128 : i32
      %mul3A_43 = arith.muli %add3A_41, %mul3A_42 : i32
      %mul3A_44 = arith.constant 8 : i32
      %mul3A_45 = arith.muli %sub3A_28, %mul3A_44 : i32
      %add3A_46 = arith.addi %mul3A_43, %mul3A_45 : i32
      "tpu.region"() ({
        %run_scoped3A = tpu.sem_alloc : memref<!tpu.dma_semaphore, #tpu.memory_space<semaphore_mem>>
        %dma_start3A = arith.constant 0 : i32
        %dma_start3A_125 = tpu.memref_slice %arg2[%add3A_46, %dma_start3A] : memref<4608x80xi32, #tpu.memory_space<hbm>> -> memref<8x80xi32, #tpu.memory_space<hbm>>
        %dma_start3A_126 = arith.constant 0 : i32
        %dma_start3A_127 = tpu.memref_slice %arg2[%add3A_46, %dma_start3A_126] : memref<4608x80xi32, #tpu.memory_space<hbm>> -> memref<8x80xi32, #tpu.memory_space<hbm>>
        tpu.enqueue_dma source(%dma_start3A_127 : memref<8x80xi32, #tpu.memory_space<hbm>>) target(%arg10 : memref<8x80xi32, #tpu.memory_space<vmem>>) target_semaphore(%run_scoped3A : memref<!tpu.dma_semaphore, #tpu.memory_space<semaphore_mem>>)
        %dma_wait3A = arith.constant 0 : i32
        %dma_wait3A_128 = tpu.memref_slice %arg2[%add3A_46, %dma_wait3A] : memref<4608x80xi32, #tpu.memory_space<hbm>> -> memref<8x80xi32, #tpu.memory_space<hbm>>
        %dma_wait3A_129 = arith.constant 0 : i32
        %dma_wait3A_130 = tpu.memref_slice %arg2[%add3A_46, %dma_wait3A_129] : memref<4608x80xi32, #tpu.memory_space<hbm>> -> memref<8x80xi32, #tpu.memory_space<hbm>>
        tpu.wait_dma2 semaphore(%run_scoped3A : memref<!tpu.dma_semaphore, #tpu.memory_space<semaphore_mem>>) src(%dma_wait3A_130 : memref<8x80xi32, #tpu.memory_space<hbm>>) dst(%arg10 : memref<8x80xi32, #tpu.memory_space<vmem>>)
        tpu.yield
      }) : () -> ()
      %mul3A_47 = arith.constant 3 : i32
      %mul3A_48 = arith.muli %select_n3A, %mul3A_47 : i32
      %add3A_49 = arith.constant 2 : i32
      %add3A_50 = arith.addi %mul3A_48, %add3A_49 : i32
      %mul3A_51 = arith.constant 128 : i32
      %mul3A_52 = arith.muli %add3A_50, %mul3A_51 : i32
      %mul3A_53 = arith.constant 8 : i32
      %mul3A_54 = arith.muli %sub3A_28, %mul3A_53 : i32
      %add3A_55 = arith.addi %mul3A_52, %mul3A_54 : i32
      "tpu.region"() ({
        %run_scoped3A = tpu.sem_alloc : memref<!tpu.dma_semaphore, #tpu.memory_space<semaphore_mem>>
        %dma_start3A = arith.constant 0 : i32
        %dma_start3A_125 = tpu.memref_slice %arg2[%add3A_55, %dma_start3A] : memref<4608x80xi32, #tpu.memory_space<hbm>> -> memref<8x80xi32, #tpu.memory_space<hbm>>
        %dma_start3A_126 = arith.constant 0 : i32
        %dma_start3A_127 = tpu.memref_slice %arg2[%add3A_55, %dma_start3A_126] : memref<4608x80xi32, #tpu.memory_space<hbm>> -> memref<8x80xi32, #tpu.memory_space<hbm>>
        tpu.enqueue_dma source(%dma_start3A_127 : memref<8x80xi32, #tpu.memory_space<hbm>>) target(%arg11 : memref<8x80xi32, #tpu.memory_space<vmem>>) target_semaphore(%run_scoped3A : memref<!tpu.dma_semaphore, #tpu.memory_space<semaphore_mem>>)
        %dma_wait3A = arith.constant 0 : i32
        %dma_wait3A_128 = tpu.memref_slice %arg2[%add3A_55, %dma_wait3A] : memref<4608x80xi32, #tpu.memory_space<hbm>> -> memref<8x80xi32, #tpu.memory_space<hbm>>
        %dma_wait3A_129 = arith.constant 0 : i32
        %dma_wait3A_130 = tpu.memref_slice %arg2[%add3A_55, %dma_wait3A_129] : memref<4608x80xi32, #tpu.memory_space<hbm>> -> memref<8x80xi32, #tpu.memory_space<hbm>>
        tpu.wait_dma2 semaphore(%run_scoped3A : memref<!tpu.dma_semaphore, #tpu.memory_space<semaphore_mem>>) src(%dma_wait3A_130 : memref<8x80xi32, #tpu.memory_space<hbm>>) dst(%arg11 : memref<8x80xi32, #tpu.memory_space<vmem>>)
        tpu.yield
      }) : () -> ()
      %mul3A_56 = arith.constant 8 : i32
      %mul3A_57 = arith.muli %sub3A_28, %mul3A_56 : i32
      %add3A_58 = arith.constant 0 : i32
      %add3A_59 = arith.addi %mul3A_57, %add3A_58 : i32
      %lt3A = arith.constant 125 : i32
      %lt3A_60 = arith.cmpi slt, %add3A_59, %lt3A : i32
      %convert_element_type3A = arith.extui %lt3A_60 : i1 to i32
      %cond3A = arith.constant 0 : i32
      %cond3A_61 = arith.cmpi ne, %convert_element_type3A, %cond3A : i32
      scf.if %cond3A_61 {
        %dma_start3A = arith.constant 0 : i32
        %dma_start3A_125 = arith.constant 0 : i32
        %dma_start3A_126 = tpu.memref_slice %arg9[%dma_start3A, %dma_start3A_125] : memref<8x80xi32, #tpu.memory_space<vmem>> -> memref<1x80xi32, #tpu.memory_space<vmem>>
        %dma_start3A_127 = tpu.memref_squeeze %dma_start3A_126 : memref<1x80xi32, #tpu.memory_space<vmem>> -> memref<80xi32, #tpu.memory_space<vmem>>
        %dma_start3A_128 = arith.constant 0 : i32
        %dma_start3A_129 = arith.constant 0 : i32
        %dma_start3A_130 = tpu.memref_slice %arg4[%dma_start3A_128, %dma_start3A_129] : memref<1000x128xf32, #tpu.memory_space<hbm>> -> memref<1000x128xf32, #tpu.memory_space<hbm>>
        tpu.enqueue_indirect_dma source(%dma_start3A_130 : memref<1000x128xf32, #tpu.memory_space<hbm>>) target(%arg12 : memref<80x128xf32, #tpu.memory_space<vmem>>) offsets(%dma_start3A_127 : memref<80xi32, #tpu.memory_space<vmem>>) semaphore(%arg14 : memref<!tpu.dma_semaphore, #tpu.memory_space<semaphore_mem>>)
        %mul3A_131 = arith.constant 10000 : i32
        %mul3A_132 = arith.muli %select_n3A, %mul3A_131 : i32
        %mul3A_133 = arith.constant 80 : i32
        %mul3A_134 = arith.muli %add3A_59, %mul3A_133 : i32
        %add3A_135 = arith.addi %mul3A_132, %mul3A_134 : i32
        %dma_start3A_136 = arith.constant 0 : i32
        %dma_start3A_137 = tpu.memref_slice %arg3[%add3A_135, %dma_start3A_136] : memref<120000x32xf32, #tpu.memory_space<hbm>> -> memref<80x32xf32, #tpu.memory_space<hbm>>
        %dma_start3A_138 = arith.constant 0 : i32
        %dma_start3A_139 = tpu.memref_slice %arg3[%add3A_135, %dma_start3A_138] : memref<120000x32xf32, #tpu.memory_space<hbm>> -> memref<80x32xf32, #tpu.memory_space<hbm>>
        tpu.enqueue_dma source(%dma_start3A_139 : memref<80x32xf32, #tpu.memory_space<hbm>>) target(%arg13 : memref<80x32xf32, #tpu.memory_space<vmem>>) target_semaphore(%arg17 : memref<!tpu.dma_semaphore, #tpu.memory_space<semaphore_mem>>)
        %dma_wait3A = arith.constant 0 : i32
        %dma_wait3A_140 = arith.constant 0 : i32
        %dma_wait3A_141 = tpu.memref_slice %arg9[%dma_wait3A, %dma_wait3A_140] : memref<8x80xi32, #tpu.memory_space<vmem>> -> memref<1x80xi32, #tpu.memory_space<vmem>>
        %dma_wait3A_142 = tpu.memref_squeeze %dma_wait3A_141 : memref<1x80xi32, #tpu.memory_space<vmem>> -> memref<80xi32, #tpu.memory_space<vmem>>
        %dma_wait3A_143 = arith.constant 0 : i32
        %dma_wait3A_144 = arith.constant 0 : i32
        %dma_wait3A_145 = tpu.memref_slice %arg4[%dma_wait3A_143, %dma_wait3A_144] : memref<1000x128xf32, #tpu.memory_space<hbm>> -> memref<1000x128xf32, #tpu.memory_space<hbm>>
        tpu.wait_indirect_dma semaphore(%arg14 : memref<!tpu.dma_semaphore, #tpu.memory_space<semaphore_mem>>) src(%dma_wait3A_145 : memref<1000x128xf32, #tpu.memory_space<hbm>>) dst(%arg12 : memref<80x128xf32, #tpu.memory_space<vmem>>)
        %dma_start3A_146 = arith.constant 0 : i32
        %dma_start3A_147 = arith.constant 0 : i32
        %dma_start3A_148 = tpu.memref_slice %arg10[%dma_start3A_146, %dma_start3A_147] : memref<8x80xi32, #tpu.memory_space<vmem>> -> memref<1x80xi32, #tpu.memory_space<vmem>>
        %dma_start3A_149 = tpu.memref_squeeze %dma_start3A_148 : memref<1x80xi32, #tpu.memory_space<vmem>> -> memref<80xi32, #tpu.memory_space<vmem>>
        %dma_start3A_150 = arith.constant 0 : i32
        %dma_start3A_151 = arith.constant 0 : i32
        %dma_start3A_152 = tpu.memref_slice %arg5[%dma_start3A_150, %dma_start3A_151] : memref<1000x128xf32, #tpu.memory_space<hbm>> -> memref<1000x128xf32, #tpu.memory_space<hbm>>
        tpu.enqueue_indirect_dma source(%dma_start3A_152 : memref<1000x128xf32, #tpu.memory_space<hbm>>) target(%arg12 : memref<80x128xf32, #tpu.memory_space<vmem>>) offsets(%dma_start3A_149 : memref<80xi32, #tpu.memory_space<vmem>>) semaphore(%arg15 : memref<!tpu.dma_semaphore, #tpu.memory_space<semaphore_mem>>) {add = true}
        %dma_start3A_153 = arith.constant 0 : i32
        %dma_start3A_154 = arith.constant 0 : i32
        %dma_start3A_155 = tpu.memref_slice %arg11[%dma_start3A_153, %dma_start3A_154] : memref<8x80xi32, #tpu.memory_space<vmem>> -> memref<1x80xi32, #tpu.memory_space<vmem>>
        %dma_start3A_156 = tpu.memref_squeeze %dma_start3A_155 : memref<1x80xi32, #tpu.memory_space<vmem>> -> memref<80xi32, #tpu.memory_space<vmem>>
        %dma_start3A_157 = arith.constant 0 : i32
        %dma_start3A_158 = arith.constant 0 : i32
        %dma_start3A_159 = tpu.memref_slice %arg6[%dma_start3A_157, %dma_start3A_158] : memref<1000x128xf32, #tpu.memory_space<hbm>> -> memref<1000x128xf32, #tpu.memory_space<hbm>>
        tpu.enqueue_indirect_dma source(%dma_start3A_159 : memref<1000x128xf32, #tpu.memory_space<hbm>>) target(%arg12 : memref<80x128xf32, #tpu.memory_space<vmem>>) offsets(%dma_start3A_156 : memref<80xi32, #tpu.memory_space<vmem>>) semaphore(%arg16 : memref<!tpu.dma_semaphore, #tpu.memory_space<semaphore_mem>>) {add = true}
        %dma_wait3A_160 = arith.constant 0 : i32
        %dma_wait3A_161 = arith.constant 0 : i32
        %dma_wait3A_162 = tpu.memref_slice %arg10[%dma_wait3A_160, %dma_wait3A_161] : memref<8x80xi32, #tpu.memory_space<vmem>> -> memref<1x80xi32, #tpu.memory_space<vmem>>
        %dma_wait3A_163 = tpu.memref_squeeze %dma_wait3A_162 : memref<1x80xi32, #tpu.memory_space<vmem>> -> memref<80xi32, #tpu.memory_space<vmem>>
        %dma_wait3A_164 = arith.constant 0 : i32
        %dma_wait3A_165 = arith.constant 0 : i32
        %dma_wait3A_166 = tpu.memref_slice %arg5[%dma_wait3A_164, %dma_wait3A_165] : memref<1000x128xf32, #tpu.memory_space<hbm>> -> memref<1000x128xf32, #tpu.memory_space<hbm>>
        tpu.wait_indirect_dma semaphore(%arg15 : memref<!tpu.dma_semaphore, #tpu.memory_space<semaphore_mem>>) src(%dma_wait3A_166 : memref<1000x128xf32, #tpu.memory_space<hbm>>) dst(%arg12 : memref<80x128xf32, #tpu.memory_space<vmem>>)
        %dma_wait3A_167 = arith.constant 0 : i32
        %dma_wait3A_168 = arith.constant 0 : i32
        %dma_wait3A_169 = tpu.memref_slice %arg11[%dma_wait3A_167, %dma_wait3A_168] : memref<8x80xi32, #tpu.memory_space<vmem>> -> memref<1x80xi32, #tpu.memory_space<vmem>>
        %dma_wait3A_170 = tpu.memref_squeeze %dma_wait3A_169 : memref<1x80xi32, #tpu.memory_space<vmem>> -> memref<80xi32, #tpu.memory_space<vmem>>
        %dma_wait3A_171 = arith.constant 0 : i32
        %dma_wait3A_172 = arith.constant 0 : i32
        %dma_wait3A_173 = tpu.memref_slice %arg6[%dma_wait3A_171, %dma_wait3A_172] : memref<1000x128xf32, #tpu.memory_space<hbm>> -> memref<1000x128xf32, #tpu.memory_space<hbm>>
        tpu.wait_indirect_dma semaphore(%arg16 : memref<!tpu.dma_semaphore, #tpu.memory_space<semaphore_mem>>) src(%dma_wait3A_173 : memref<1000x128xf32, #tpu.memory_space<hbm>>) dst(%arg12 : memref<80x128xf32, #tpu.memory_space<vmem>>)
        %dma_wait3A_174 = arith.constant 0 : i32
        %dma_wait3A_175 = tpu.memref_slice %arg3[%add3A_135, %dma_wait3A_174] : memref<120000x32xf32, #tpu.memory_space<hbm>> -> memref<80x32xf32, #tpu.memory_space<hbm>>
        %dma_wait3A_176 = arith.constant 0 : i32
        %dma_wait3A_177 = tpu.memref_slice %arg3[%add3A_135, %dma_wait3A_176] : memref<120000x32xf32, #tpu.memory_space<hbm>> -> memref<80x32xf32, #tpu.memory_space<hbm>>
        tpu.wait_dma2 semaphore(%arg17 : memref<!tpu.dma_semaphore, #tpu.memory_space<semaphore_mem>>) src(%dma_wait3A_177 : memref<80x32xf32, #tpu.memory_space<hbm>>) dst(%arg13 : memref<80x32xf32, #tpu.memory_space<vmem>>)
        %mul3A_178 = arith.constant 10240 : i32
        %mul3A_179 = arith.muli %select_n3A, %mul3A_178 : i32
        %mul3A_180 = arith.constant 80 : i32
        %mul3A_181 = arith.muli %add3A_59, %mul3A_180 : i32
        %add3A_182 = arith.addi %mul3A_179, %mul3A_181 : i32
        "tpu.region"() ({
          %run_scoped3A = tpu.sem_alloc : memref<!tpu.dma_semaphore, #tpu.memory_space<semaphore_mem>>
          %dma_start3A_183 = arith.constant 0 : i32
          %dma_start3A_184 = tpu.memref_slice %arg7[%add3A_182, %dma_start3A_183] : memref<122880x128xf32, #tpu.memory_space<hbm>> -> memref<80x128xf32, #tpu.memory_space<hbm>>
          %dma_start3A_185 = arith.constant 0 : i32
          %dma_start3A_186 = tpu.memref_slice %arg7[%add3A_182, %dma_start3A_185] : memref<122880x128xf32, #tpu.memory_space<hbm>> -> memref<80x128xf32, #tpu.memory_space<hbm>>
          tpu.enqueue_dma source(%arg12 : memref<80x128xf32, #tpu.memory_space<vmem>>) target(%dma_start3A_186 : memref<80x128xf32, #tpu.memory_space<hbm>>) target_semaphore(%run_scoped3A : memref<!tpu.dma_semaphore, #tpu.memory_space<semaphore_mem>>)
          %dma_wait3A_187 = arith.constant 0 : i32
          %dma_wait3A_188 = tpu.memref_slice %arg7[%add3A_182, %dma_wait3A_187] : memref<122880x128xf32, #tpu.memory_space<hbm>> -> memref<80x128xf32, #tpu.memory_space<hbm>>
          %dma_wait3A_189 = arith.constant 0 : i32
          %dma_wait3A_190 = tpu.memref_slice %arg7[%add3A_182, %dma_wait3A_189] : memref<122880x128xf32, #tpu.memory_space<hbm>> -> memref<80x128xf32, #tpu.memory_space<hbm>>
          tpu.wait_dma2 semaphore(%run_scoped3A : memref<!tpu.dma_semaphore, #tpu.memory_space<semaphore_mem>>) src(%arg12 : memref<80x128xf32, #tpu.memory_space<vmem>>) dst(%dma_wait3A_190 : memref<80x128xf32, #tpu.memory_space<hbm>>)
          tpu.yield
        }) : () -> ()
        "tpu.region"() ({
          %run_scoped3A = tpu.sem_alloc : memref<!tpu.dma_semaphore, #tpu.memory_space<semaphore_mem>>
          %dma_start3A_183 = arith.constant 0 : i32
          %dma_start3A_184 = tpu.memref_slice %arg8[%add3A_182, %dma_start3A_183] : memref<122880x32xf32, #tpu.memory_space<hbm>> -> memref<80x32xf32, #tpu.memory_space<hbm>>
          %dma_start3A_185 = arith.constant 0 : i32
          %dma_start3A_186 = tpu.memref_slice %arg8[%add3A_182, %dma_start3A_185] : memref<122880x32xf32, #tpu.memory_space<hbm>> -> memref<80x32xf32, #tpu.memory_space<hbm>>
          tpu.enqueue_dma source(%arg13 : memref<80x32xf32, #tpu.memory_space<vmem>>) target(%dma_start3A_186 : memref<80x32xf32, #tpu.memory_space<hbm>>) target_semaphore(%run_scoped3A : memref<!tpu.dma_semaphore, #tpu.memory_space<semaphore_mem>>)
          %dma_wait3A_187 = arith.constant 0 : i32
          %dma_wait3A_188 = tpu.memref_slice %arg8[%add3A_182, %dma_wait3A_187] : memref<122880x32xf32, #tpu.memory_space<hbm>> -> memref<80x32xf32, #tpu.memory_space<hbm>>
          %dma_wait3A_189 = arith.constant 0 : i32
          %dma_wait3A_190 = tpu.memref_slice %arg8[%add3A_182, %dma_wait3A_189] : memref<122880x32xf32, #tpu.memory_space<hbm>> -> memref<80x32xf32, #tpu.memory_space<hbm>>
          tpu.wait_dma2 semaphore(%run_scoped3A : memref<!tpu.dma_semaphore, #tpu.memory_space<semaphore_mem>>) src(%arg13 : memref<80x32xf32, #tpu.memory_space<vmem>>) dst(%dma_wait3A_190 : memref<80x32xf32, #tpu.memory_space<hbm>>)
          tpu.yield
        }) : () -> ()
      } else {
      }
      %mul3A_62 = arith.constant 8 : i32
      %mul3A_63 = arith.muli %sub3A_28, %mul3A_62 : i32
      %add3A_64 = arith.constant 1 : i32
      %add3A_65 = arith.addi %mul3A_63, %add3A_64 : i32
      %lt3A_66 = arith.constant 125 : i32
      %lt3A_67 = arith.cmpi slt, %add3A_65, %lt3A_66 : i32
      %convert_element_type3A_68 = arith.extui %lt3A_67 : i1 to i32
      %cond3A_69 = arith.constant 0 : i32
      %cond3A_70 = arith.cmpi ne, %convert_element_type3A_68, %cond3A_69 : i32
      scf.if %cond3A_70 {
        %dma_start3A = arith.constant 1 : i32
        %dma_start3A_125 = arith.constant 0 : i32
        %dma_start3A_126 = tpu.memref_slice %arg9[%dma_start3A, %dma_start3A_125] : memref<8x80xi32, #tpu.memory_space<vmem>> -> memref<1x80xi32, #tpu.memory_space<vmem>>
        %dma_start3A_127 = tpu.memref_squeeze %dma_start3A_126 : memref<1x80xi32, #tpu.memory_space<vmem>> -> memref<80xi32, #tpu.memory_space<vmem>>
        %dma_start3A_128 = arith.constant 0 : i32
        %dma_start3A_129 = arith.constant 0 : i32
        %dma_start3A_130 = tpu.memref_slice %arg4[%dma_start3A_128, %dma_start3A_129] : memref<1000x128xf32, #tpu.memory_space<hbm>> -> memref<1000x128xf32, #tpu.memory_space<hbm>>
        tpu.enqueue_indirect_dma source(%dma_start3A_130 : memref<1000x128xf32, #tpu.memory_space<hbm>>) target(%arg12 : memref<80x128xf32, #tpu.memory_space<vmem>>) offsets(%dma_start3A_127 : memref<80xi32, #tpu.memory_space<vmem>>) semaphore(%arg14 : memref<!tpu.dma_semaphore, #tpu.memory_space<semaphore_mem>>)
        %mul3A_131 = arith.constant 10000 : i32
        %mul3A_132 = arith.muli %select_n3A, %mul3A_131 : i32
        %mul3A_133 = arith.constant 80 : i32
        %mul3A_134 = arith.muli %add3A_65, %mul3A_133 : i32
        %add3A_135 = arith.addi %mul3A_132, %mul3A_134 : i32
        %dma_start3A_136 = arith.constant 0 : i32
        %dma_start3A_137 = tpu.memref_slice %arg3[%add3A_135, %dma_start3A_136] : memref<120000x32xf32, #tpu.memory_space<hbm>> -> memref<80x32xf32, #tpu.memory_space<hbm>>
        %dma_start3A_138 = arith.constant 0 : i32
        %dma_start3A_139 = tpu.memref_slice %arg3[%add3A_135, %dma_start3A_138] : memref<120000x32xf32, #tpu.memory_space<hbm>> -> memref<80x32xf32, #tpu.memory_space<hbm>>
        tpu.enqueue_dma source(%dma_start3A_139 : memref<80x32xf32, #tpu.memory_space<hbm>>) target(%arg13 : memref<80x32xf32, #tpu.memory_space<vmem>>) target_semaphore(%arg17 : memref<!tpu.dma_semaphore, #tpu.memory_space<semaphore_mem>>)
        %dma_wait3A = arith.constant 1 : i32
        %dma_wait3A_140 = arith.constant 0 : i32
        %dma_wait3A_141 = tpu.memref_slice %arg9[%dma_wait3A, %dma_wait3A_140] : memref<8x80xi32, #tpu.memory_space<vmem>> -> memref<1x80xi32, #tpu.memory_space<vmem>>
        %dma_wait3A_142 = tpu.memref_squeeze %dma_wait3A_141 : memref<1x80xi32, #tpu.memory_space<vmem>> -> memref<80xi32, #tpu.memory_space<vmem>>
        %dma_wait3A_143 = arith.constant 0 : i32
        %dma_wait3A_144 = arith.constant 0 : i32
        %dma_wait3A_145 = tpu.memref_slice %arg4[%dma_wait3A_143, %dma_wait3A_144] : memref<1000x128xf32, #tpu.memory_space<hbm>> -> memref<1000x128xf32, #tpu.memory_space<hbm>>
        tpu.wait_indirect_dma semaphore(%arg14 : memref<!tpu.dma_semaphore, #tpu.memory_space<semaphore_mem>>) src(%dma_wait3A_145 : memref<1000x128xf32, #tpu.memory_space<hbm>>) dst(%arg12 : memref<80x128xf32, #tpu.memory_space<vmem>>)
        %dma_start3A_146 = arith.constant 1 : i32
        %dma_start3A_147 = arith.constant 0 : i32
        %dma_start3A_148 = tpu.memref_slice %arg10[%dma_start3A_146, %dma_start3A_147] : memref<8x80xi32, #tpu.memory_space<vmem>> -> memref<1x80xi32, #tpu.memory_space<vmem>>
        %dma_start3A_149 = tpu.memref_squeeze %dma_start3A_148 : memref<1x80xi32, #tpu.memory_space<vmem>> -> memref<80xi32, #tpu.memory_space<vmem>>
        %dma_start3A_150 = arith.constant 0 : i32
        %dma_start3A_151 = arith.constant 0 : i32
        %dma_start3A_152 = tpu.memref_slice %arg5[%dma_start3A_150, %dma_start3A_151] : memref<1000x128xf32, #tpu.memory_space<hbm>> -> memref<1000x128xf32, #tpu.memory_space<hbm>>
        tpu.enqueue_indirect_dma source(%dma_start3A_152 : memref<1000x128xf32, #tpu.memory_space<hbm>>) target(%arg12 : memref<80x128xf32, #tpu.memory_space<vmem>>) offsets(%dma_start3A_149 : memref<80xi32, #tpu.memory_space<vmem>>) semaphore(%arg15 : memref<!tpu.dma_semaphore, #tpu.memory_space<semaphore_mem>>) {add = true}
        %dma_start3A_153 = arith.constant 1 : i32
        %dma_start3A_154 = arith.constant 0 : i32
        %dma_start3A_155 = tpu.memref_slice %arg11[%dma_start3A_153, %dma_start3A_154] : memref<8x80xi32, #tpu.memory_space<vmem>> -> memref<1x80xi32, #tpu.memory_space<vmem>>
        %dma_start3A_156 = tpu.memref_squeeze %dma_start3A_155 : memref<1x80xi32, #tpu.memory_space<vmem>> -> memref<80xi32, #tpu.memory_space<vmem>>
        %dma_start3A_157 = arith.constant 0 : i32
        %dma_start3A_158 = arith.constant 0 : i32
        %dma_start3A_159 = tpu.memref_slice %arg6[%dma_start3A_157, %dma_start3A_158] : memref<1000x128xf32, #tpu.memory_space<hbm>> -> memref<1000x128xf32, #tpu.memory_space<hbm>>
        tpu.enqueue_indirect_dma source(%dma_start3A_159 : memref<1000x128xf32, #tpu.memory_space<hbm>>) target(%arg12 : memref<80x128xf32, #tpu.memory_space<vmem>>) offsets(%dma_start3A_156 : memref<80xi32, #tpu.memory_space<vmem>>) semaphore(%arg16 : memref<!tpu.dma_semaphore, #tpu.memory_space<semaphore_mem>>) {add = true}
        %dma_wait3A_160 = arith.constant 1 : i32
        %dma_wait3A_161 = arith.constant 0 : i32
        %dma_wait3A_162 = tpu.memref_slice %arg10[%dma_wait3A_160, %dma_wait3A_161] : memref<8x80xi32, #tpu.memory_space<vmem>> -> memref<1x80xi32, #tpu.memory_space<vmem>>
        %dma_wait3A_163 = tpu.memref_squeeze %dma_wait3A_162 : memref<1x80xi32, #tpu.memory_space<vmem>> -> memref<80xi32, #tpu.memory_space<vmem>>
        %dma_wait3A_164 = arith.constant 0 : i32
        %dma_wait3A_165 = arith.constant 0 : i32
        %dma_wait3A_166 = tpu.memref_slice %arg5[%dma_wait3A_164, %dma_wait3A_165] : memref<1000x128xf32, #tpu.memory_space<hbm>> -> memref<1000x128xf32, #tpu.memory_space<hbm>>
        tpu.wait_indirect_dma semaphore(%arg15 : memref<!tpu.dma_semaphore, #tpu.memory_space<semaphore_mem>>) src(%dma_wait3A_166 : memref<1000x128xf32, #tpu.memory_space<hbm>>) dst(%arg12 : memref<80x128xf32, #tpu.memory_space<vmem>>)
        %dma_wait3A_167 = arith.constant 1 : i32
        %dma_wait3A_168 = arith.constant 0 : i32
        %dma_wait3A_169 = tpu.memref_slice %arg11[%dma_wait3A_167, %dma_wait3A_168] : memref<8x80xi32, #tpu.memory_space<vmem>> -> memref<1x80xi32, #tpu.memory_space<vmem>>
        %dma_wait3A_170 = tpu.memref_squeeze %dma_wait3A_169 : memref<1x80xi32, #tpu.memory_space<vmem>> -> memref<80xi32, #tpu.memory_space<vmem>>
        %dma_wait3A_171 = arith.constant 0 : i32
        %dma_wait3A_172 = arith.constant 0 : i32
        %dma_wait3A_173 = tpu.memref_slice %arg6[%dma_wait3A_171, %dma_wait3A_172] : memref<1000x128xf32, #tpu.memory_space<hbm>> -> memref<1000x128xf32, #tpu.memory_space<hbm>>
        tpu.wait_indirect_dma semaphore(%arg16 : memref<!tpu.dma_semaphore, #tpu.memory_space<semaphore_mem>>) src(%dma_wait3A_173 : memref<1000x128xf32, #tpu.memory_space<hbm>>) dst(%arg12 : memref<80x128xf32, #tpu.memory_space<vmem>>)
        %dma_wait3A_174 = arith.constant 0 : i32
        %dma_wait3A_175 = tpu.memref_slice %arg3[%add3A_135, %dma_wait3A_174] : memref<120000x32xf32, #tpu.memory_space<hbm>> -> memref<80x32xf32, #tpu.memory_space<hbm>>
        %dma_wait3A_176 = arith.constant 0 : i32
        %dma_wait3A_177 = tpu.memref_slice %arg3[%add3A_135, %dma_wait3A_176] : memref<120000x32xf32, #tpu.memory_space<hbm>> -> memref<80x32xf32, #tpu.memory_space<hbm>>
        tpu.wait_dma2 semaphore(%arg17 : memref<!tpu.dma_semaphore, #tpu.memory_space<semaphore_mem>>) src(%dma_wait3A_177 : memref<80x32xf32, #tpu.memory_space<hbm>>) dst(%arg13 : memref<80x32xf32, #tpu.memory_space<vmem>>)
        %mul3A_178 = arith.constant 10240 : i32
        %mul3A_179 = arith.muli %select_n3A, %mul3A_178 : i32
        %mul3A_180 = arith.constant 80 : i32
        %mul3A_181 = arith.muli %add3A_65, %mul3A_180 : i32
        %add3A_182 = arith.addi %mul3A_179, %mul3A_181 : i32
        "tpu.region"() ({
          %run_scoped3A = tpu.sem_alloc : memref<!tpu.dma_semaphore, #tpu.memory_space<semaphore_mem>>
          %dma_start3A_183 = arith.constant 0 : i32
          %dma_start3A_184 = tpu.memref_slice %arg7[%add3A_182, %dma_start3A_183] : memref<122880x128xf32, #tpu.memory_space<hbm>> -> memref<80x128xf32, #tpu.memory_space<hbm>>
          %dma_start3A_185 = arith.constant 0 : i32
          %dma_start3A_186 = tpu.memref_slice %arg7[%add3A_182, %dma_start3A_185] : memref<122880x128xf32, #tpu.memory_space<hbm>> -> memref<80x128xf32, #tpu.memory_space<hbm>>
          tpu.enqueue_dma source(%arg12 : memref<80x128xf32, #tpu.memory_space<vmem>>) target(%dma_start3A_186 : memref<80x128xf32, #tpu.memory_space<hbm>>) target_semaphore(%run_scoped3A : memref<!tpu.dma_semaphore, #tpu.memory_space<semaphore_mem>>)
          %dma_wait3A_187 = arith.constant 0 : i32
          %dma_wait3A_188 = tpu.memref_slice %arg7[%add3A_182, %dma_wait3A_187] : memref<122880x128xf32, #tpu.memory_space<hbm>> -> memref<80x128xf32, #tpu.memory_space<hbm>>
          %dma_wait3A_189 = arith.constant 0 : i32
          %dma_wait3A_190 = tpu.memref_slice %arg7[%add3A_182, %dma_wait3A_189] : memref<122880x128xf32, #tpu.memory_space<hbm>> -> memref<80x128xf32, #tpu.memory_space<hbm>>
          tpu.wait_dma2 semaphore(%run_scoped3A : memref<!tpu.dma_semaphore, #tpu.memory_space<semaphore_mem>>) src(%arg12 : memref<80x128xf32, #tpu.memory_space<vmem>>) dst(%dma_wait3A_190 : memref<80x128xf32, #tpu.memory_space<hbm>>)
          tpu.yield
        }) : () -> ()
        "tpu.region"() ({
          %run_scoped3A = tpu.sem_alloc : memref<!tpu.dma_semaphore, #tpu.memory_space<semaphore_mem>>
          %dma_start3A_183 = arith.constant 0 : i32
          %dma_start3A_184 = tpu.memref_slice %arg8[%add3A_182, %dma_start3A_183] : memref<122880x32xf32, #tpu.memory_space<hbm>> -> memref<80x32xf32, #tpu.memory_space<hbm>>
          %dma_start3A_185 = arith.constant 0 : i32
          %dma_start3A_186 = tpu.memref_slice %arg8[%add3A_182, %dma_start3A_185] : memref<122880x32xf32, #tpu.memory_space<hbm>> -> memref<80x32xf32, #tpu.memory_space<hbm>>
          tpu.enqueue_dma source(%arg13 : memref<80x32xf32, #tpu.memory_space<vmem>>) target(%dma_start3A_186 : memref<80x32xf32, #tpu.memory_space<hbm>>) target_semaphore(%run_scoped3A : memref<!tpu.dma_semaphore, #tpu.memory_space<semaphore_mem>>)
          %dma_wait3A_187 = arith.constant 0 : i32
          %dma_wait3A_188 = tpu.memref_slice %arg8[%add3A_182, %dma_wait3A_187] : memref<122880x32xf32, #tpu.memory_space<hbm>> -> memref<80x32xf32, #tpu.memory_space<hbm>>
          %dma_wait3A_189 = arith.constant 0 : i32
          %dma_wait3A_190 = tpu.memref_slice %arg8[%add3A_182, %dma_wait3A_189] : memref<122880x32xf32, #tpu.memory_space<hbm>> -> memref<80x32xf32, #tpu.memory_space<hbm>>
          tpu.wait_dma2 semaphore(%run_scoped3A : memref<!tpu.dma_semaphore, #tpu.memory_space<semaphore_mem>>) src(%arg13 : memref<80x32xf32, #tpu.memory_space<vmem>>) dst(%dma_wait3A_190 : memref<80x32xf32, #tpu.memory_space<hbm>>)
          tpu.yield
        }) : () -> ()
      } else {
      }
      %mul3A_71 = arith.constant 8 : i32
      %mul3A_72 = arith.muli %sub3A_28, %mul3A_71 : i32
      %add3A_73 = arith.constant 2 : i32
      %add3A_74 = arith.addi %mul3A_72, %add3A_73 : i32
      %lt3A_75 = arith.constant 125 : i32
      %lt3A_76 = arith.cmpi slt, %add3A_74, %lt3A_75 : i32
      %convert_element_type3A_77 = arith.extui %lt3A_76 : i1 to i32
      %cond3A_78 = arith.constant 0 : i32
      %cond3A_79 = arith.cmpi ne, %convert_element_type3A_77, %cond3A_78 : i32
      scf.if %cond3A_79 {
        %dma_start3A = arith.constant 2 : i32
        %dma_start3A_125 = arith.constant 0 : i32
        %dma_start3A_126 = tpu.memref_slice %arg9[%dma_start3A, %dma_start3A_125] : memref<8x80xi32, #tpu.memory_space<vmem>> -> memref<1x80xi32, #tpu.memory_space<vmem>>
        %dma_start3A_127 = tpu.memref_squeeze %dma_start3A_126 : memref<1x80xi32, #tpu.memory_space<vmem>> -> memref<80xi32, #tpu.memory_space<vmem>>
        %dma_start3A_128 = arith.constant 0 : i32
        %dma_start3A_129 = arith.constant 0 : i32
        %dma_start3A_130 = tpu.memref_slice %arg4[%dma_start3A_128, %dma_start3A_129] : memref<1000x128xf32, #tpu.memory_space<hbm>> -> memref<1000x128xf32, #tpu.memory_space<hbm>>
        tpu.enqueue_indirect_dma source(%dma_start3A_130 : memref<1000x128xf32, #tpu.memory_space<hbm>>) target(%arg12 : memref<80x128xf32, #tpu.memory_space<vmem>>) offsets(%dma_start3A_127 : memref<80xi32, #tpu.memory_space<vmem>>) semaphore(%arg14 : memref<!tpu.dma_semaphore, #tpu.memory_space<semaphore_mem>>)
        %mul3A_131 = arith.constant 10000 : i32
        %mul3A_132 = arith.muli %select_n3A, %mul3A_131 : i32
        %mul3A_133 = arith.constant 80 : i32
        %mul3A_134 = arith.muli %add3A_74, %mul3A_133 : i32
        %add3A_135 = arith.addi %mul3A_132, %mul3A_134 : i32
        %dma_start3A_136 = arith.constant 0 : i32
        %dma_start3A_137 = tpu.memref_slice %arg3[%add3A_135, %dma_start3A_136] : memref<120000x32xf32, #tpu.memory_space<hbm>> -> memref<80x32xf32, #tpu.memory_space<hbm>>
        %dma_start3A_138 = arith.constant 0 : i32
        %dma_start3A_139 = tpu.memref_slice %arg3[%add3A_135, %dma_start3A_138] : memref<120000x32xf32, #tpu.memory_space<hbm>> -> memref<80x32xf32, #tpu.memory_space<hbm>>
        tpu.enqueue_dma source(%dma_start3A_139 : memref<80x32xf32, #tpu.memory_space<hbm>>) target(%arg13 : memref<80x32xf32, #tpu.memory_space<vmem>>) target_semaphore(%arg17 : memref<!tpu.dma_semaphore, #tpu.memory_space<semaphore_mem>>)
        %dma_wait3A = arith.constant 2 : i32
        %dma_wait3A_140 = arith.constant 0 : i32
        %dma_wait3A_141 = tpu.memref_slice %arg9[%dma_wait3A, %dma_wait3A_140] : memref<8x80xi32, #tpu.memory_space<vmem>> -> memref<1x80xi32, #tpu.memory_space<vmem>>
        %dma_wait3A_142 = tpu.memref_squeeze %dma_wait3A_141 : memref<1x80xi32, #tpu.memory_space<vmem>> -> memref<80xi32, #tpu.memory_space<vmem>>
        %dma_wait3A_143 = arith.constant 0 : i32
        %dma_wait3A_144 = arith.constant 0 : i32
        %dma_wait3A_145 = tpu.memref_slice %arg4[%dma_wait3A_143, %dma_wait3A_144] : memref<1000x128xf32, #tpu.memory_space<hbm>> -> memref<1000x128xf32, #tpu.memory_space<hbm>>
        tpu.wait_indirect_dma semaphore(%arg14 : memref<!tpu.dma_semaphore, #tpu.memory_space<semaphore_mem>>) src(%dma_wait3A_145 : memref<1000x128xf32, #tpu.memory_space<hbm>>) dst(%arg12 : memref<80x128xf32, #tpu.memory_space<vmem>>)
        %dma_start3A_146 = arith.constant 2 : i32
        %dma_start3A_147 = arith.constant 0 : i32
        %dma_start3A_148 = tpu.memref_slice %arg10[%dma_start3A_146, %dma_start3A_147] : memref<8x80xi32, #tpu.memory_space<vmem>> -> memref<1x80xi32, #tpu.memory_space<vmem>>
        %dma_start3A_149 = tpu.memref_squeeze %dma_start3A_148 : memref<1x80xi32, #tpu.memory_space<vmem>> -> memref<80xi32, #tpu.memory_space<vmem>>
        %dma_start3A_150 = arith.constant 0 : i32
        %dma_start3A_151 = arith.constant 0 : i32
        %dma_start3A_152 = tpu.memref_slice %arg5[%dma_start3A_150, %dma_start3A_151] : memref<1000x128xf32, #tpu.memory_space<hbm>> -> memref<1000x128xf32, #tpu.memory_space<hbm>>
        tpu.enqueue_indirect_dma source(%dma_start3A_152 : memref<1000x128xf32, #tpu.memory_space<hbm>>) target(%arg12 : memref<80x128xf32, #tpu.memory_space<vmem>>) offsets(%dma_start3A_149 : memref<80xi32, #tpu.memory_space<vmem>>) semaphore(%arg15 : memref<!tpu.dma_semaphore, #tpu.memory_space<semaphore_mem>>) {add = true}
        %dma_start3A_153 = arith.constant 2 : i32
        %dma_start3A_154 = arith.constant 0 : i32
        %dma_start3A_155 = tpu.memref_slice %arg11[%dma_start3A_153, %dma_start3A_154] : memref<8x80xi32, #tpu.memory_space<vmem>> -> memref<1x80xi32, #tpu.memory_space<vmem>>
        %dma_start3A_156 = tpu.memref_squeeze %dma_start3A_155 : memref<1x80xi32, #tpu.memory_space<vmem>> -> memref<80xi32, #tpu.memory_space<vmem>>
        %dma_start3A_157 = arith.constant 0 : i32
        %dma_start3A_158 = arith.constant 0 : i32
        %dma_start3A_159 = tpu.memref_slice %arg6[%dma_start3A_157, %dma_start3A_158] : memref<1000x128xf32, #tpu.memory_space<hbm>> -> memref<1000x128xf32, #tpu.memory_space<hbm>>
        tpu.enqueue_indirect_dma source(%dma_start3A_159 : memref<1000x128xf32, #tpu.memory_space<hbm>>) target(%arg12 : memref<80x128xf32, #tpu.memory_space<vmem>>) offsets(%dma_start3A_156 : memref<80xi32, #tpu.memory_space<vmem>>) semaphore(%arg16 : memref<!tpu.dma_semaphore, #tpu.memory_space<semaphore_mem>>) {add = true}
        %dma_wait3A_160 = arith.constant 2 : i32
        %dma_wait3A_161 = arith.constant 0 : i32
        %dma_wait3A_162 = tpu.memref_slice %arg10[%dma_wait3A_160, %dma_wait3A_161] : memref<8x80xi32, #tpu.memory_space<vmem>> -> memref<1x80xi32, #tpu.memory_space<vmem>>
        %dma_wait3A_163 = tpu.memref_squeeze %dma_wait3A_162 : memref<1x80xi32, #tpu.memory_space<vmem>> -> memref<80xi32, #tpu.memory_space<vmem>>
        %dma_wait3A_164 = arith.constant 0 : i32
        %dma_wait3A_165 = arith.constant 0 : i32
        %dma_wait3A_166 = tpu.memref_slice %arg5[%dma_wait3A_164, %dma_wait3A_165] : memref<1000x128xf32, #tpu.memory_space<hbm>> -> memref<1000x128xf32, #tpu.memory_space<hbm>>
        tpu.wait_indirect_dma semaphore(%arg15 : memref<!tpu.dma_semaphore, #tpu.memory_space<semaphore_mem>>) src(%dma_wait3A_166 : memref<1000x128xf32, #tpu.memory_space<hbm>>) dst(%arg12 : memref<80x128xf32, #tpu.memory_space<vmem>>)
        %dma_wait3A_167 = arith.constant 2 : i32
        %dma_wait3A_168 = arith.constant 0 : i32
        %dma_wait3A_169 = tpu.memref_slice %arg11[%dma_wait3A_167, %dma_wait3A_168] : memref<8x80xi32, #tpu.memory_space<vmem>> -> memref<1x80xi32, #tpu.memory_space<vmem>>
        %dma_wait3A_170 = tpu.memref_squeeze %dma_wait3A_169 : memref<1x80xi32, #tpu.memory_space<vmem>> -> memref<80xi32, #tpu.memory_space<vmem>>
        %dma_wait3A_171 = arith.constant 0 : i32
        %dma_wait3A_172 = arith.constant 0 : i32
        %dma_wait3A_173 = tpu.memref_slice %arg6[%dma_wait3A_171, %dma_wait3A_172] : memref<1000x128xf32, #tpu.memory_space<hbm>> -> memref<1000x128xf32, #tpu.memory_space<hbm>>
        tpu.wait_indirect_dma semaphore(%arg16 : memref<!tpu.dma_semaphore, #tpu.memory_space<semaphore_mem>>) src(%dma_wait3A_173 : memref<1000x128xf32, #tpu.memory_space<hbm>>) dst(%arg12 : memref<80x128xf32, #tpu.memory_space<vmem>>)
        %dma_wait3A_174 = arith.constant 0 : i32
        %dma_wait3A_175 = tpu.memref_slice %arg3[%add3A_135, %dma_wait3A_174] : memref<120000x32xf32, #tpu.memory_space<hbm>> -> memref<80x32xf32, #tpu.memory_space<hbm>>
        %dma_wait3A_176 = arith.constant 0 : i32
        %dma_wait3A_177 = tpu.memref_slice %arg3[%add3A_135, %dma_wait3A_176] : memref<120000x32xf32, #tpu.memory_space<hbm>> -> memref<80x32xf32, #tpu.memory_space<hbm>>
        tpu.wait_dma2 semaphore(%arg17 : memref<!tpu.dma_semaphore, #tpu.memory_space<semaphore_mem>>) src(%dma_wait3A_177 : memref<80x32xf32, #tpu.memory_space<hbm>>) dst(%arg13 : memref<80x32xf32, #tpu.memory_space<vmem>>)
        %mul3A_178 = arith.constant 10240 : i32
        %mul3A_179 = arith.muli %select_n3A, %mul3A_178 : i32
        %mul3A_180 = arith.constant 80 : i32
        %mul3A_181 = arith.muli %add3A_74, %mul3A_180 : i32
        %add3A_182 = arith.addi %mul3A_179, %mul3A_181 : i32
        "tpu.region"() ({
          %run_scoped3A = tpu.sem_alloc : memref<!tpu.dma_semaphore, #tpu.memory_space<semaphore_mem>>
          %dma_start3A_183 = arith.constant 0 : i32
          %dma_start3A_184 = tpu.memref_slice %arg7[%add3A_182, %dma_start3A_183] : memref<122880x128xf32, #tpu.memory_space<hbm>> -> memref<80x128xf32, #tpu.memory_space<hbm>>
          %dma_start3A_185 = arith.constant 0 : i32
          %dma_start3A_186 = tpu.memref_slice %arg7[%add3A_182, %dma_start3A_185] : memref<122880x128xf32, #tpu.memory_space<hbm>> -> memref<80x128xf32, #tpu.memory_space<hbm>>
          tpu.enqueue_dma source(%arg12 : memref<80x128xf32, #tpu.memory_space<vmem>>) target(%dma_start3A_186 : memref<80x128xf32, #tpu.memory_space<hbm>>) target_semaphore(%run_scoped3A : memref<!tpu.dma_semaphore, #tpu.memory_space<semaphore_mem>>)
          %dma_wait3A_187 = arith.constant 0 : i32
          %dma_wait3A_188 = tpu.memref_slice %arg7[%add3A_182, %dma_wait3A_187] : memref<122880x128xf32, #tpu.memory_space<hbm>> -> memref<80x128xf32, #tpu.memory_space<hbm>>
          %dma_wait3A_189 = arith.constant 0 : i32
          %dma_wait3A_190 = tpu.memref_slice %arg7[%add3A_182, %dma_wait3A_189] : memref<122880x128xf32, #tpu.memory_space<hbm>> -> memref<80x128xf32, #tpu.memory_space<hbm>>
          tpu.wait_dma2 semaphore(%run_scoped3A : memref<!tpu.dma_semaphore, #tpu.memory_space<semaphore_mem>>) src(%arg12 : memref<80x128xf32, #tpu.memory_space<vmem>>) dst(%dma_wait3A_190 : memref<80x128xf32, #tpu.memory_space<hbm>>)
          tpu.yield
        }) : () -> ()
        "tpu.region"() ({
          %run_scoped3A = tpu.sem_alloc : memref<!tpu.dma_semaphore, #tpu.memory_space<semaphore_mem>>
          %dma_start3A_183 = arith.constant 0 : i32
          %dma_start3A_184 = tpu.memref_slice %arg8[%add3A_182, %dma_start3A_183] : memref<122880x32xf32, #tpu.memory_space<hbm>> -> memref<80x32xf32, #tpu.memory_space<hbm>>
          %dma_start3A_185 = arith.constant 0 : i32
          %dma_start3A_186 = tpu.memref_slice %arg8[%add3A_182, %dma_start3A_185] : memref<122880x32xf32, #tpu.memory_space<hbm>> -> memref<80x32xf32, #tpu.memory_space<hbm>>
          tpu.enqueue_dma source(%arg13 : memref<80x32xf32, #tpu.memory_space<vmem>>) target(%dma_start3A_186 : memref<80x32xf32, #tpu.memory_space<hbm>>) target_semaphore(%run_scoped3A : memref<!tpu.dma_semaphore, #tpu.memory_space<semaphore_mem>>)
          %dma_wait3A_187 = arith.constant 0 : i32
          %dma_wait3A_188 = tpu.memref_slice %arg8[%add3A_182, %dma_wait3A_187] : memref<122880x32xf32, #tpu.memory_space<hbm>> -> memref<80x32xf32, #tpu.memory_space<hbm>>
          %dma_wait3A_189 = arith.constant 0 : i32
          %dma_wait3A_190 = tpu.memref_slice %arg8[%add3A_182, %dma_wait3A_189] : memref<122880x32xf32, #tpu.memory_space<hbm>> -> memref<80x32xf32, #tpu.memory_space<hbm>>
          tpu.wait_dma2 semaphore(%run_scoped3A : memref<!tpu.dma_semaphore, #tpu.memory_space<semaphore_mem>>) src(%arg13 : memref<80x32xf32, #tpu.memory_space<vmem>>) dst(%dma_wait3A_190 : memref<80x32xf32, #tpu.memory_space<hbm>>)
          tpu.yield
        }) : () -> ()
      } else {
      }
      %mul3A_80 = arith.constant 8 : i32
      %mul3A_81 = arith.muli %sub3A_28, %mul3A_80 : i32
      %add3A_82 = arith.constant 3 : i32
      %add3A_83 = arith.addi %mul3A_81, %add3A_82 : i32
      %lt3A_84 = arith.constant 125 : i32
      %lt3A_85 = arith.cmpi slt, %add3A_83, %lt3A_84 : i32
      %convert_element_type3A_86 = arith.extui %lt3A_85 : i1 to i32
      %cond3A_87 = arith.constant 0 : i32
      %cond3A_88 = arith.cmpi ne, %convert_element_type3A_86, %cond3A_87 : i32
      scf.if %cond3A_88 {
        %dma_start3A = arith.constant 3 : i32
        %dma_start3A_125 = arith.constant 0 : i32
        %dma_start3A_126 = tpu.memref_slice %arg9[%dma_start3A, %dma_start3A_125] : memref<8x80xi32, #tpu.memory_space<vmem>> -> memref<1x80xi32, #tpu.memory_space<vmem>>
        %dma_start3A_127 = tpu.memref_squeeze %dma_start3A_126 : memref<1x80xi32, #tpu.memory_space<vmem>> -> memref<80xi32, #tpu.memory_space<vmem>>
        %dma_start3A_128 = arith.constant 0 : i32
        %dma_start3A_129 = arith.constant 0 : i32
        %dma_start3A_130 = tpu.memref_slice %arg4[%dma_start3A_128, %dma_start3A_129] : memref<1000x128xf32, #tpu.memory_space<hbm>> -> memref<1000x128xf32, #tpu.memory_space<hbm>>
        tpu.enqueue_indirect_dma source(%dma_start3A_130 : memref<1000x128xf32, #tpu.memory_space<hbm>>) target(%arg12 : memref<80x128xf32, #tpu.memory_space<vmem>>) offsets(%dma_start3A_127 : memref<80xi32, #tpu.memory_space<vmem>>) semaphore(%arg14 : memref<!tpu.dma_semaphore, #tpu.memory_space<semaphore_mem>>)
        %mul3A_131 = arith.constant 10000 : i32
        %mul3A_132 = arith.muli %select_n3A, %mul3A_131 : i32
        %mul3A_133 = arith.constant 80 : i32
        %mul3A_134 = arith.muli %add3A_83, %mul3A_133 : i32
        %add3A_135 = arith.addi %mul3A_132, %mul3A_134 : i32
        %dma_start3A_136 = arith.constant 0 : i32
        %dma_start3A_137 = tpu.memref_slice %arg3[%add3A_135, %dma_start3A_136] : memref<120000x32xf32, #tpu.memory_space<hbm>> -> memref<80x32xf32, #tpu.memory_space<hbm>>
        %dma_start3A_138 = arith.constant 0 : i32
        %dma_start3A_139 = tpu.memref_slice %arg3[%add3A_135, %dma_start3A_138] : memref<120000x32xf32, #tpu.memory_space<hbm>> -> memref<80x32xf32, #tpu.memory_space<hbm>>
        tpu.enqueue_dma source(%dma_start3A_139 : memref<80x32xf32, #tpu.memory_space<hbm>>) target(%arg13 : memref<80x32xf32, #tpu.memory_space<vmem>>) target_semaphore(%arg17 : memref<!tpu.dma_semaphore, #tpu.memory_space<semaphore_mem>>)
        %dma_wait3A = arith.constant 3 : i32
        %dma_wait3A_140 = arith.constant 0 : i32
        %dma_wait3A_141 = tpu.memref_slice %arg9[%dma_wait3A, %dma_wait3A_140] : memref<8x80xi32, #tpu.memory_space<vmem>> -> memref<1x80xi32, #tpu.memory_space<vmem>>
        %dma_wait3A_142 = tpu.memref_squeeze %dma_wait3A_141 : memref<1x80xi32, #tpu.memory_space<vmem>> -> memref<80xi32, #tpu.memory_space<vmem>>
        %dma_wait3A_143 = arith.constant 0 : i32
        %dma_wait3A_144 = arith.constant 0 : i32
        %dma_wait3A_145 = tpu.memref_slice %arg4[%dma_wait3A_143, %dma_wait3A_144] : memref<1000x128xf32, #tpu.memory_space<hbm>> -> memref<1000x128xf32, #tpu.memory_space<hbm>>
        tpu.wait_indirect_dma semaphore(%arg14 : memref<!tpu.dma_semaphore, #tpu.memory_space<semaphore_mem>>) src(%dma_wait3A_145 : memref<1000x128xf32, #tpu.memory_space<hbm>>) dst(%arg12 : memref<80x128xf32, #tpu.memory_space<vmem>>)
        %dma_start3A_146 = arith.constant 3 : i32
        %dma_start3A_147 = arith.constant 0 : i32
        %dma_start3A_148 = tpu.memref_slice %arg10[%dma_start3A_146, %dma_start3A_147] : memref<8x80xi32, #tpu.memory_space<vmem>> -> memref<1x80xi32, #tpu.memory_space<vmem>>
        %dma_start3A_149 = tpu.memref_squeeze %dma_start3A_148 : memref<1x80xi32, #tpu.memory_space<vmem>> -> memref<80xi32, #tpu.memory_space<vmem>>
        %dma_start3A_150 = arith.constant 0 : i32
        %dma_start3A_151 = arith.constant 0 : i32
        %dma_start3A_152 = tpu.memref_slice %arg5[%dma_start3A_150, %dma_start3A_151] : memref<1000x128xf32, #tpu.memory_space<hbm>> -> memref<1000x128xf32, #tpu.memory_space<hbm>>
        tpu.enqueue_indirect_dma source(%dma_start3A_152 : memref<1000x128xf32, #tpu.memory_space<hbm>>) target(%arg12 : memref<80x128xf32, #tpu.memory_space<vmem>>) offsets(%dma_start3A_149 : memref<80xi32, #tpu.memory_space<vmem>>) semaphore(%arg15 : memref<!tpu.dma_semaphore, #tpu.memory_space<semaphore_mem>>) {add = true}
        %dma_start3A_153 = arith.constant 3 : i32
        %dma_start3A_154 = arith.constant 0 : i32
        %dma_start3A_155 = tpu.memref_slice %arg11[%dma_start3A_153, %dma_start3A_154] : memref<8x80xi32, #tpu.memory_space<vmem>> -> memref<1x80xi32, #tpu.memory_space<vmem>>
        %dma_start3A_156 = tpu.memref_squeeze %dma_start3A_155 : memref<1x80xi32, #tpu.memory_space<vmem>> -> memref<80xi32, #tpu.memory_space<vmem>>
        %dma_start3A_157 = arith.constant 0 : i32
        %dma_start3A_158 = arith.constant 0 : i32
        %dma_start3A_159 = tpu.memref_slice %arg6[%dma_start3A_157, %dma_start3A_158] : memref<1000x128xf32, #tpu.memory_space<hbm>> -> memref<1000x128xf32, #tpu.memory_space<hbm>>
        tpu.enqueue_indirect_dma source(%dma_start3A_159 : memref<1000x128xf32, #tpu.memory_space<hbm>>) target(%arg12 : memref<80x128xf32, #tpu.memory_space<vmem>>) offsets(%dma_start3A_156 : memref<80xi32, #tpu.memory_space<vmem>>) semaphore(%arg16 : memref<!tpu.dma_semaphore, #tpu.memory_space<semaphore_mem>>) {add = true}
        %dma_wait3A_160 = arith.constant 3 : i32
        %dma_wait3A_161 = arith.constant 0 : i32
        %dma_wait3A_162 = tpu.memref_slice %arg10[%dma_wait3A_160, %dma_wait3A_161] : memref<8x80xi32, #tpu.memory_space<vmem>> -> memref<1x80xi32, #tpu.memory_space<vmem>>
        %dma_wait3A_163 = tpu.memref_squeeze %dma_wait3A_162 : memref<1x80xi32, #tpu.memory_space<vmem>> -> memref<80xi32, #tpu.memory_space<vmem>>
        %dma_wait3A_164 = arith.constant 0 : i32
        %dma_wait3A_165 = arith.constant 0 : i32
        %dma_wait3A_166 = tpu.memref_slice %arg5[%dma_wait3A_164, %dma_wait3A_165] : memref<1000x128xf32, #tpu.memory_space<hbm>> -> memref<1000x128xf32, #tpu.memory_space<hbm>>
        tpu.wait_indirect_dma semaphore(%arg15 : memref<!tpu.dma_semaphore, #tpu.memory_space<semaphore_mem>>) src(%dma_wait3A_166 : memref<1000x128xf32, #tpu.memory_space<hbm>>) dst(%arg12 : memref<80x128xf32, #tpu.memory_space<vmem>>)
        %dma_wait3A_167 = arith.constant 3 : i32
        %dma_wait3A_168 = arith.constant 0 : i32
        %dma_wait3A_169 = tpu.memref_slice %arg11[%dma_wait3A_167, %dma_wait3A_168] : memref<8x80xi32, #tpu.memory_space<vmem>> -> memref<1x80xi32, #tpu.memory_space<vmem>>
        %dma_wait3A_170 = tpu.memref_squeeze %dma_wait3A_169 : memref<1x80xi32, #tpu.memory_space<vmem>> -> memref<80xi32, #tpu.memory_space<vmem>>
        %dma_wait3A_171 = arith.constant 0 : i32
        %dma_wait3A_172 = arith.constant 0 : i32
        %dma_wait3A_173 = tpu.memref_slice %arg6[%dma_wait3A_171, %dma_wait3A_172] : memref<1000x128xf32, #tpu.memory_space<hbm>> -> memref<1000x128xf32, #tpu.memory_space<hbm>>
        tpu.wait_indirect_dma semaphore(%arg16 : memref<!tpu.dma_semaphore, #tpu.memory_space<semaphore_mem>>) src(%dma_wait3A_173 : memref<1000x128xf32, #tpu.memory_space<hbm>>) dst(%arg12 : memref<80x128xf32, #tpu.memory_space<vmem>>)
        %dma_wait3A_174 = arith.constant 0 : i32
        %dma_wait3A_175 = tpu.memref_slice %arg3[%add3A_135, %dma_wait3A_174] : memref<120000x32xf32, #tpu.memory_space<hbm>> -> memref<80x32xf32, #tpu.memory_space<hbm>>
        %dma_wait3A_176 = arith.constant 0 : i32
        %dma_wait3A_177 = tpu.memref_slice %arg3[%add3A_135, %dma_wait3A_176] : memref<120000x32xf32, #tpu.memory_space<hbm>> -> memref<80x32xf32, #tpu.memory_space<hbm>>
        tpu.wait_dma2 semaphore(%arg17 : memref<!tpu.dma_semaphore, #tpu.memory_space<semaphore_mem>>) src(%dma_wait3A_177 : memref<80x32xf32, #tpu.memory_space<hbm>>) dst(%arg13 : memref<80x32xf32, #tpu.memory_space<vmem>>)
        %mul3A_178 = arith.constant 10240 : i32
        %mul3A_179 = arith.muli %select_n3A, %mul3A_178 : i32
        %mul3A_180 = arith.constant 80 : i32
        %mul3A_181 = arith.muli %add3A_83, %mul3A_180 : i32
        %add3A_182 = arith.addi %mul3A_179, %mul3A_181 : i32
        "tpu.region"() ({
          %run_scoped3A = tpu.sem_alloc : memref<!tpu.dma_semaphore, #tpu.memory_space<semaphore_mem>>
          %dma_start3A_183 = arith.constant 0 : i32
          %dma_start3A_184 = tpu.memref_slice %arg7[%add3A_182, %dma_start3A_183] : memref<122880x128xf32, #tpu.memory_space<hbm>> -> memref<80x128xf32, #tpu.memory_space<hbm>>
          %dma_start3A_185 = arith.constant 0 : i32
          %dma_start3A_186 = tpu.memref_slice %arg7[%add3A_182, %dma_start3A_185] : memref<122880x128xf32, #tpu.memory_space<hbm>> -> memref<80x128xf32, #tpu.memory_space<hbm>>
          tpu.enqueue_dma source(%arg12 : memref<80x128xf32, #tpu.memory_space<vmem>>) target(%dma_start3A_186 : memref<80x128xf32, #tpu.memory_space<hbm>>) target_semaphore(%run_scoped3A : memref<!tpu.dma_semaphore, #tpu.memory_space<semaphore_mem>>)
          %dma_wait3A_187 = arith.constant 0 : i32
          %dma_wait3A_188 = tpu.memref_slice %arg7[%add3A_182, %dma_wait3A_187] : memref<122880x128xf32, #tpu.memory_space<hbm>> -> memref<80x128xf32, #tpu.memory_space<hbm>>
          %dma_wait3A_189 = arith.constant 0 : i32
          %dma_wait3A_190 = tpu.memref_slice %arg7[%add3A_182, %dma_wait3A_189] : memref<122880x128xf32, #tpu.memory_space<hbm>> -> memref<80x128xf32, #tpu.memory_space<hbm>>
          tpu.wait_dma2 semaphore(%run_scoped3A : memref<!tpu.dma_semaphore, #tpu.memory_space<semaphore_mem>>) src(%arg12 : memref<80x128xf32, #tpu.memory_space<vmem>>) dst(%dma_wait3A_190 : memref<80x128xf32, #tpu.memory_space<hbm>>)
          tpu.yield
        }) : () -> ()
        "tpu.region"() ({
          %run_scoped3A = tpu.sem_alloc : memref<!tpu.dma_semaphore, #tpu.memory_space<semaphore_mem>>
          %dma_start3A_183 = arith.constant 0 : i32
          %dma_start3A_184 = tpu.memref_slice %arg8[%add3A_182, %dma_start3A_183] : memref<122880x32xf32, #tpu.memory_space<hbm>> -> memref<80x32xf32, #tpu.memory_space<hbm>>
          %dma_start3A_185 = arith.constant 0 : i32
          %dma_start3A_186 = tpu.memref_slice %arg8[%add3A_182, %dma_start3A_185] : memref<122880x32xf32, #tpu.memory_space<hbm>> -> memref<80x32xf32, #tpu.memory_space<hbm>>
          tpu.enqueue_dma source(%arg13 : memref<80x32xf32, #tpu.memory_space<vmem>>) target(%dma_start3A_186 : memref<80x32xf32, #tpu.memory_space<hbm>>) target_semaphore(%run_scoped3A : memref<!tpu.dma_semaphore, #tpu.memory_space<semaphore_mem>>)
          %dma_wait3A_187 = arith.constant 0 : i32
          %dma_wait3A_188 = tpu.memref_slice %arg8[%add3A_182, %dma_wait3A_187] : memref<122880x32xf32, #tpu.memory_space<hbm>> -> memref<80x32xf32, #tpu.memory_space<hbm>>
          %dma_wait3A_189 = arith.constant 0 : i32
          %dma_wait3A_190 = tpu.memref_slice %arg8[%add3A_182, %dma_wait3A_189] : memref<122880x32xf32, #tpu.memory_space<hbm>> -> memref<80x32xf32, #tpu.memory_space<hbm>>
          tpu.wait_dma2 semaphore(%run_scoped3A : memref<!tpu.dma_semaphore, #tpu.memory_space<semaphore_mem>>) src(%arg13 : memref<80x32xf32, #tpu.memory_space<vmem>>) dst(%dma_wait3A_190 : memref<80x32xf32, #tpu.memory_space<hbm>>)
          tpu.yield
        }) : () -> ()
      } else {
      }
      %mul3A_89 = arith.constant 8 : i32
      %mul3A_90 = arith.muli %sub3A_28, %mul3A_89 : i32
      %add3A_91 = arith.constant 4 : i32
      %add3A_92 = arith.addi %mul3A_90, %add3A_91 : i32
      %lt3A_93 = arith.constant 125 : i32
      %lt3A_94 = arith.cmpi slt, %add3A_92, %lt3A_93 : i32
      %convert_element_type3A_95 = arith.extui %lt3A_94 : i1 to i32
      %cond3A_96 = arith.constant 0 : i32
      %cond3A_97 = arith.cmpi ne, %convert_element_type3A_95, %cond3A_96 : i32
      scf.if %cond3A_97 {
        %dma_start3A = arith.constant 4 : i32
        %dma_start3A_125 = arith.constant 0 : i32
        %dma_start3A_126 = tpu.memref_slice %arg9[%dma_start3A, %dma_start3A_125] : memref<8x80xi32, #tpu.memory_space<vmem>> -> memref<1x80xi32, #tpu.memory_space<vmem>>
        %dma_start3A_127 = tpu.memref_squeeze %dma_start3A_126 : memref<1x80xi32, #tpu.memory_space<vmem>> -> memref<80xi32, #tpu.memory_space<vmem>>
        %dma_start3A_128 = arith.constant 0 : i32
        %dma_start3A_129 = arith.constant 0 : i32
        %dma_start3A_130 = tpu.memref_slice %arg4[%dma_start3A_128, %dma_start3A_129] : memref<1000x128xf32, #tpu.memory_space<hbm>> -> memref<1000x128xf32, #tpu.memory_space<hbm>>
        tpu.enqueue_indirect_dma source(%dma_start3A_130 : memref<1000x128xf32, #tpu.memory_space<hbm>>) target(%arg12 : memref<80x128xf32, #tpu.memory_space<vmem>>) offsets(%dma_start3A_127 : memref<80xi32, #tpu.memory_space<vmem>>) semaphore(%arg14 : memref<!tpu.dma_semaphore, #tpu.memory_space<semaphore_mem>>)
        %mul3A_131 = arith.constant 10000 : i32
        %mul3A_132 = arith.muli %select_n3A, %mul3A_131 : i32
        %mul3A_133 = arith.constant 80 : i32
        %mul3A_134 = arith.muli %add3A_92, %mul3A_133 : i32
        %add3A_135 = arith.addi %mul3A_132, %mul3A_134 : i32
        %dma_start3A_136 = arith.constant 0 : i32
        %dma_start3A_137 = tpu.memref_slice %arg3[%add3A_135, %dma_start3A_136] : memref<120000x32xf32, #tpu.memory_space<hbm>> -> memref<80x32xf32, #tpu.memory_space<hbm>>
        %dma_start3A_138 = arith.constant 0 : i32
        %dma_start3A_139 = tpu.memref_slice %arg3[%add3A_135, %dma_start3A_138] : memref<120000x32xf32, #tpu.memory_space<hbm>> -> memref<80x32xf32, #tpu.memory_space<hbm>>
        tpu.enqueue_dma source(%dma_start3A_139 : memref<80x32xf32, #tpu.memory_space<hbm>>) target(%arg13 : memref<80x32xf32, #tpu.memory_space<vmem>>) target_semaphore(%arg17 : memref<!tpu.dma_semaphore, #tpu.memory_space<semaphore_mem>>)
        %dma_wait3A = arith.constant 4 : i32
        %dma_wait3A_140 = arith.constant 0 : i32
        %dma_wait3A_141 = tpu.memref_slice %arg9[%dma_wait3A, %dma_wait3A_140] : memref<8x80xi32, #tpu.memory_space<vmem>> -> memref<1x80xi32, #tpu.memory_space<vmem>>
        %dma_wait3A_142 = tpu.memref_squeeze %dma_wait3A_141 : memref<1x80xi32, #tpu.memory_space<vmem>> -> memref<80xi32, #tpu.memory_space<vmem>>
        %dma_wait3A_143 = arith.constant 0 : i32
        %dma_wait3A_144 = arith.constant 0 : i32
        %dma_wait3A_145 = tpu.memref_slice %arg4[%dma_wait3A_143, %dma_wait3A_144] : memref<1000x128xf32, #tpu.memory_space<hbm>> -> memref<1000x128xf32, #tpu.memory_space<hbm>>
        tpu.wait_indirect_dma semaphore(%arg14 : memref<!tpu.dma_semaphore, #tpu.memory_space<semaphore_mem>>) src(%dma_wait3A_145 : memref<1000x128xf32, #tpu.memory_space<hbm>>) dst(%arg12 : memref<80x128xf32, #tpu.memory_space<vmem>>)
        %dma_start3A_146 = arith.constant 4 : i32
        %dma_start3A_147 = arith.constant 0 : i32
        %dma_start3A_148 = tpu.memref_slice %arg10[%dma_start3A_146, %dma_start3A_147] : memref<8x80xi32, #tpu.memory_space<vmem>> -> memref<1x80xi32, #tpu.memory_space<vmem>>
        %dma_start3A_149 = tpu.memref_squeeze %dma_start3A_148 : memref<1x80xi32, #tpu.memory_space<vmem>> -> memref<80xi32, #tpu.memory_space<vmem>>
        %dma_start3A_150 = arith.constant 0 : i32
        %dma_start3A_151 = arith.constant 0 : i32
        %dma_start3A_152 = tpu.memref_slice %arg5[%dma_start3A_150, %dma_start3A_151] : memref<1000x128xf32, #tpu.memory_space<hbm>> -> memref<1000x128xf32, #tpu.memory_space<hbm>>
        tpu.enqueue_indirect_dma source(%dma_start3A_152 : memref<1000x128xf32, #tpu.memory_space<hbm>>) target(%arg12 : memref<80x128xf32, #tpu.memory_space<vmem>>) offsets(%dma_start3A_149 : memref<80xi32, #tpu.memory_space<vmem>>) semaphore(%arg15 : memref<!tpu.dma_semaphore, #tpu.memory_space<semaphore_mem>>) {add = true}
        %dma_start3A_153 = arith.constant 4 : i32
        %dma_start3A_154 = arith.constant 0 : i32
        %dma_start3A_155 = tpu.memref_slice %arg11[%dma_start3A_153, %dma_start3A_154] : memref<8x80xi32, #tpu.memory_space<vmem>> -> memref<1x80xi32, #tpu.memory_space<vmem>>
        %dma_start3A_156 = tpu.memref_squeeze %dma_start3A_155 : memref<1x80xi32, #tpu.memory_space<vmem>> -> memref<80xi32, #tpu.memory_space<vmem>>
        %dma_start3A_157 = arith.constant 0 : i32
        %dma_start3A_158 = arith.constant 0 : i32
        %dma_start3A_159 = tpu.memref_slice %arg6[%dma_start3A_157, %dma_start3A_158] : memref<1000x128xf32, #tpu.memory_space<hbm>> -> memref<1000x128xf32, #tpu.memory_space<hbm>>
        tpu.enqueue_indirect_dma source(%dma_start3A_159 : memref<1000x128xf32, #tpu.memory_space<hbm>>) target(%arg12 : memref<80x128xf32, #tpu.memory_space<vmem>>) offsets(%dma_start3A_156 : memref<80xi32, #tpu.memory_space<vmem>>) semaphore(%arg16 : memref<!tpu.dma_semaphore, #tpu.memory_space<semaphore_mem>>) {add = true}
        %dma_wait3A_160 = arith.constant 4 : i32
        %dma_wait3A_161 = arith.constant 0 : i32
        %dma_wait3A_162 = tpu.memref_slice %arg10[%dma_wait3A_160, %dma_wait3A_161] : memref<8x80xi32, #tpu.memory_space<vmem>> -> memref<1x80xi32, #tpu.memory_space<vmem>>
        %dma_wait3A_163 = tpu.memref_squeeze %dma_wait3A_162 : memref<1x80xi32, #tpu.memory_space<vmem>> -> memref<80xi32, #tpu.memory_space<vmem>>
        %dma_wait3A_164 = arith.constant 0 : i32
        %dma_wait3A_165 = arith.constant 0 : i32
        %dma_wait3A_166 = tpu.memref_slice %arg5[%dma_wait3A_164, %dma_wait3A_165] : memref<1000x128xf32, #tpu.memory_space<hbm>> -> memref<1000x128xf32, #tpu.memory_space<hbm>>
        tpu.wait_indirect_dma semaphore(%arg15 : memref<!tpu.dma_semaphore, #tpu.memory_space<semaphore_mem>>) src(%dma_wait3A_166 : memref<1000x128xf32, #tpu.memory_space<hbm>>) dst(%arg12 : memref<80x128xf32, #tpu.memory_space<vmem>>)
        %dma_wait3A_167 = arith.constant 4 : i32
        %dma_wait3A_168 = arith.constant 0 : i32
        %dma_wait3A_169 = tpu.memref_slice %arg11[%dma_wait3A_167, %dma_wait3A_168] : memref<8x80xi32, #tpu.memory_space<vmem>> -> memref<1x80xi32, #tpu.memory_space<vmem>>
        %dma_wait3A_170 = tpu.memref_squeeze %dma_wait3A_169 : memref<1x80xi32, #tpu.memory_space<vmem>> -> memref<80xi32, #tpu.memory_space<vmem>>
        %dma_wait3A_171 = arith.constant 0 : i32
        %dma_wait3A_172 = arith.constant 0 : i32
        %dma_wait3A_173 = tpu.memref_slice %arg6[%dma_wait3A_171, %dma_wait3A_172] : memref<1000x128xf32, #tpu.memory_space<hbm>> -> memref<1000x128xf32, #tpu.memory_space<hbm>>
        tpu.wait_indirect_dma semaphore(%arg16 : memref<!tpu.dma_semaphore, #tpu.memory_space<semaphore_mem>>) src(%dma_wait3A_173 : memref<1000x128xf32, #tpu.memory_space<hbm>>) dst(%arg12 : memref<80x128xf32, #tpu.memory_space<vmem>>)
        %dma_wait3A_174 = arith.constant 0 : i32
        %dma_wait3A_175 = tpu.memref_slice %arg3[%add3A_135, %dma_wait3A_174] : memref<120000x32xf32, #tpu.memory_space<hbm>> -> memref<80x32xf32, #tpu.memory_space<hbm>>
        %dma_wait3A_176 = arith.constant 0 : i32
        %dma_wait3A_177 = tpu.memref_slice %arg3[%add3A_135, %dma_wait3A_176] : memref<120000x32xf32, #tpu.memory_space<hbm>> -> memref<80x32xf32, #tpu.memory_space<hbm>>
        tpu.wait_dma2 semaphore(%arg17 : memref<!tpu.dma_semaphore, #tpu.memory_space<semaphore_mem>>) src(%dma_wait3A_177 : memref<80x32xf32, #tpu.memory_space<hbm>>) dst(%arg13 : memref<80x32xf32, #tpu.memory_space<vmem>>)
        %mul3A_178 = arith.constant 10240 : i32
        %mul3A_179 = arith.muli %select_n3A, %mul3A_178 : i32
        %mul3A_180 = arith.constant 80 : i32
        %mul3A_181 = arith.muli %add3A_92, %mul3A_180 : i32
        %add3A_182 = arith.addi %mul3A_179, %mul3A_181 : i32
        "tpu.region"() ({
          %run_scoped3A = tpu.sem_alloc : memref<!tpu.dma_semaphore, #tpu.memory_space<semaphore_mem>>
          %dma_start3A_183 = arith.constant 0 : i32
          %dma_start3A_184 = tpu.memref_slice %arg7[%add3A_182, %dma_start3A_183] : memref<122880x128xf32, #tpu.memory_space<hbm>> -> memref<80x128xf32, #tpu.memory_space<hbm>>
          %dma_start3A_185 = arith.constant 0 : i32
          %dma_start3A_186 = tpu.memref_slice %arg7[%add3A_182, %dma_start3A_185] : memref<122880x128xf32, #tpu.memory_space<hbm>> -> memref<80x128xf32, #tpu.memory_space<hbm>>
          tpu.enqueue_dma source(%arg12 : memref<80x128xf32, #tpu.memory_space<vmem>>) target(%dma_start3A_186 : memref<80x128xf32, #tpu.memory_space<hbm>>) target_semaphore(%run_scoped3A : memref<!tpu.dma_semaphore, #tpu.memory_space<semaphore_mem>>)
          %dma_wait3A_187 = arith.constant 0 : i32
          %dma_wait3A_188 = tpu.memref_slice %arg7[%add3A_182, %dma_wait3A_187] : memref<122880x128xf32, #tpu.memory_space<hbm>> -> memref<80x128xf32, #tpu.memory_space<hbm>>
          %dma_wait3A_189 = arith.constant 0 : i32
          %dma_wait3A_190 = tpu.memref_slice %arg7[%add3A_182, %dma_wait3A_189] : memref<122880x128xf32, #tpu.memory_space<hbm>> -> memref<80x128xf32, #tpu.memory_space<hbm>>
          tpu.wait_dma2 semaphore(%run_scoped3A : memref<!tpu.dma_semaphore, #tpu.memory_space<semaphore_mem>>) src(%arg12 : memref<80x128xf32, #tpu.memory_space<vmem>>) dst(%dma_wait3A_190 : memref<80x128xf32, #tpu.memory_space<hbm>>)
          tpu.yield
        }) : () -> ()
        "tpu.region"() ({
          %run_scoped3A = tpu.sem_alloc : memref<!tpu.dma_semaphore, #tpu.memory_space<semaphore_mem>>
          %dma_start3A_183 = arith.constant 0 : i32
          %dma_start3A_184 = tpu.memref_slice %arg8[%add3A_182, %dma_start3A_183] : memref<122880x32xf32, #tpu.memory_space<hbm>> -> memref<80x32xf32, #tpu.memory_space<hbm>>
          %dma_start3A_185 = arith.constant 0 : i32
          %dma_start3A_186 = tpu.memref_slice %arg8[%add3A_182, %dma_start3A_185] : memref<122880x32xf32, #tpu.memory_space<hbm>> -> memref<80x32xf32, #tpu.memory_space<hbm>>
          tpu.enqueue_dma source(%arg13 : memref<80x32xf32, #tpu.memory_space<vmem>>) target(%dma_start3A_186 : memref<80x32xf32, #tpu.memory_space<hbm>>) target_semaphore(%run_scoped3A : memref<!tpu.dma_semaphore, #tpu.memory_space<semaphore_mem>>)
          %dma_wait3A_187 = arith.constant 0 : i32
          %dma_wait3A_188 = tpu.memref_slice %arg8[%add3A_182, %dma_wait3A_187] : memref<122880x32xf32, #tpu.memory_space<hbm>> -> memref<80x32xf32, #tpu.memory_space<hbm>>
          %dma_wait3A_189 = arith.constant 0 : i32
          %dma_wait3A_190 = tpu.memref_slice %arg8[%add3A_182, %dma_wait3A_189] : memref<122880x32xf32, #tpu.memory_space<hbm>> -> memref<80x32xf32, #tpu.memory_space<hbm>>
          tpu.wait_dma2 semaphore(%run_scoped3A : memref<!tpu.dma_semaphore, #tpu.memory_space<semaphore_mem>>) src(%arg13 : memref<80x32xf32, #tpu.memory_space<vmem>>) dst(%dma_wait3A_190 : memref<80x32xf32, #tpu.memory_space<hbm>>)
          tpu.yield
        }) : () -> ()
      } else {
      }
      %mul3A_98 = arith.constant 8 : i32
      %mul3A_99 = arith.muli %sub3A_28, %mul3A_98 : i32
      %add3A_100 = arith.constant 5 : i32
      %add3A_101 = arith.addi %mul3A_99, %add3A_100 : i32
      %lt3A_102 = arith.constant 125 : i32
      %lt3A_103 = arith.cmpi slt, %add3A_101, %lt3A_102 : i32
      %convert_element_type3A_104 = arith.extui %lt3A_103 : i1 to i32
      %cond3A_105 = arith.constant 0 : i32
      %cond3A_106 = arith.cmpi ne, %convert_element_type3A_104, %cond3A_105 : i32
      scf.if %cond3A_106 {
        %dma_start3A = arith.constant 5 : i32
        %dma_start3A_125 = arith.constant 0 : i32
        %dma_start3A_126 = tpu.memref_slice %arg9[%dma_start3A, %dma_start3A_125] : memref<8x80xi32, #tpu.memory_space<vmem>> -> memref<1x80xi32, #tpu.memory_space<vmem>>
        %dma_start3A_127 = tpu.memref_squeeze %dma_start3A_126 : memref<1x80xi32, #tpu.memory_space<vmem>> -> memref<80xi32, #tpu.memory_space<vmem>>
        %dma_start3A_128 = arith.constant 0 : i32
        %dma_start3A_129 = arith.constant 0 : i32
        %dma_start3A_130 = tpu.memref_slice %arg4[%dma_start3A_128, %dma_start3A_129] : memref<1000x128xf32, #tpu.memory_space<hbm>> -> memref<1000x128xf32, #tpu.memory_space<hbm>>
        tpu.enqueue_indirect_dma source(%dma_start3A_130 : memref<1000x128xf32, #tpu.memory_space<hbm>>) target(%arg12 : memref<80x128xf32, #tpu.memory_space<vmem>>) offsets(%dma_start3A_127 : memref<80xi32, #tpu.memory_space<vmem>>) semaphore(%arg14 : memref<!tpu.dma_semaphore, #tpu.memory_space<semaphore_mem>>)
        %mul3A_131 = arith.constant 10000 : i32
        %mul3A_132 = arith.muli %select_n3A, %mul3A_131 : i32
        %mul3A_133 = arith.constant 80 : i32
        %mul3A_134 = arith.muli %add3A_101, %mul3A_133 : i32
        %add3A_135 = arith.addi %mul3A_132, %mul3A_134 : i32
        %dma_start3A_136 = arith.constant 0 : i32
        %dma_start3A_137 = tpu.memref_slice %arg3[%add3A_135, %dma_start3A_136] : memref<120000x32xf32, #tpu.memory_space<hbm>> -> memref<80x32xf32, #tpu.memory_space<hbm>>
        %dma_start3A_138 = arith.constant 0 : i32
        %dma_start3A_139 = tpu.memref_slice %arg3[%add3A_135, %dma_start3A_138] : memref<120000x32xf32, #tpu.memory_space<hbm>> -> memref<80x32xf32, #tpu.memory_space<hbm>>
        tpu.enqueue_dma source(%dma_start3A_139 : memref<80x32xf32, #tpu.memory_space<hbm>>) target(%arg13 : memref<80x32xf32, #tpu.memory_space<vmem>>) target_semaphore(%arg17 : memref<!tpu.dma_semaphore, #tpu.memory_space<semaphore_mem>>)
        %dma_wait3A = arith.constant 5 : i32
        %dma_wait3A_140 = arith.constant 0 : i32
        %dma_wait3A_141 = tpu.memref_slice %arg9[%dma_wait3A, %dma_wait3A_140] : memref<8x80xi32, #tpu.memory_space<vmem>> -> memref<1x80xi32, #tpu.memory_space<vmem>>
        %dma_wait3A_142 = tpu.memref_squeeze %dma_wait3A_141 : memref<1x80xi32, #tpu.memory_space<vmem>> -> memref<80xi32, #tpu.memory_space<vmem>>
        %dma_wait3A_143 = arith.constant 0 : i32
        %dma_wait3A_144 = arith.constant 0 : i32
        %dma_wait3A_145 = tpu.memref_slice %arg4[%dma_wait3A_143, %dma_wait3A_144] : memref<1000x128xf32, #tpu.memory_space<hbm>> -> memref<1000x128xf32, #tpu.memory_space<hbm>>
        tpu.wait_indirect_dma semaphore(%arg14 : memref<!tpu.dma_semaphore, #tpu.memory_space<semaphore_mem>>) src(%dma_wait3A_145 : memref<1000x128xf32, #tpu.memory_space<hbm>>) dst(%arg12 : memref<80x128xf32, #tpu.memory_space<vmem>>)
        %dma_start3A_146 = arith.constant 5 : i32
        %dma_start3A_147 = arith.constant 0 : i32
        %dma_start3A_148 = tpu.memref_slice %arg10[%dma_start3A_146, %dma_start3A_147] : memref<8x80xi32, #tpu.memory_space<vmem>> -> memref<1x80xi32, #tpu.memory_space<vmem>>
        %dma_start3A_149 = tpu.memref_squeeze %dma_start3A_148 : memref<1x80xi32, #tpu.memory_space<vmem>> -> memref<80xi32, #tpu.memory_space<vmem>>
        %dma_start3A_150 = arith.constant 0 : i32
        %dma_start3A_151 = arith.constant 0 : i32
        %dma_start3A_152 = tpu.memref_slice %arg5[%dma_start3A_150, %dma_start3A_151] : memref<1000x128xf32, #tpu.memory_space<hbm>> -> memref<1000x128xf32, #tpu.memory_space<hbm>>
        tpu.enqueue_indirect_dma source(%dma_start3A_152 : memref<1000x128xf32, #tpu.memory_space<hbm>>) target(%arg12 : memref<80x128xf32, #tpu.memory_space<vmem>>) offsets(%dma_start3A_149 : memref<80xi32, #tpu.memory_space<vmem>>) semaphore(%arg15 : memref<!tpu.dma_semaphore, #tpu.memory_space<semaphore_mem>>) {add = true}
        %dma_start3A_153 = arith.constant 5 : i32
        %dma_start3A_154 = arith.constant 0 : i32
        %dma_start3A_155 = tpu.memref_slice %arg11[%dma_start3A_153, %dma_start3A_154] : memref<8x80xi32, #tpu.memory_space<vmem>> -> memref<1x80xi32, #tpu.memory_space<vmem>>
        %dma_start3A_156 = tpu.memref_squeeze %dma_start3A_155 : memref<1x80xi32, #tpu.memory_space<vmem>> -> memref<80xi32, #tpu.memory_space<vmem>>
        %dma_start3A_157 = arith.constant 0 : i32
        %dma_start3A_158 = arith.constant 0 : i32
        %dma_start3A_159 = tpu.memref_slice %arg6[%dma_start3A_157, %dma_start3A_158] : memref<1000x128xf32, #tpu.memory_space<hbm>> -> memref<1000x128xf32, #tpu.memory_space<hbm>>
        tpu.enqueue_indirect_dma source(%dma_start3A_159 : memref<1000x128xf32, #tpu.memory_space<hbm>>) target(%arg12 : memref<80x128xf32, #tpu.memory_space<vmem>>) offsets(%dma_start3A_156 : memref<80xi32, #tpu.memory_space<vmem>>) semaphore(%arg16 : memref<!tpu.dma_semaphore, #tpu.memory_space<semaphore_mem>>) {add = true}
        %dma_wait3A_160 = arith.constant 5 : i32
        %dma_wait3A_161 = arith.constant 0 : i32
        %dma_wait3A_162 = tpu.memref_slice %arg10[%dma_wait3A_160, %dma_wait3A_161] : memref<8x80xi32, #tpu.memory_space<vmem>> -> memref<1x80xi32, #tpu.memory_space<vmem>>
        %dma_wait3A_163 = tpu.memref_squeeze %dma_wait3A_162 : memref<1x80xi32, #tpu.memory_space<vmem>> -> memref<80xi32, #tpu.memory_space<vmem>>
        %dma_wait3A_164 = arith.constant 0 : i32
        %dma_wait3A_165 = arith.constant 0 : i32
        %dma_wait3A_166 = tpu.memref_slice %arg5[%dma_wait3A_164, %dma_wait3A_165] : memref<1000x128xf32, #tpu.memory_space<hbm>> -> memref<1000x128xf32, #tpu.memory_space<hbm>>
        tpu.wait_indirect_dma semaphore(%arg15 : memref<!tpu.dma_semaphore, #tpu.memory_space<semaphore_mem>>) src(%dma_wait3A_166 : memref<1000x128xf32, #tpu.memory_space<hbm>>) dst(%arg12 : memref<80x128xf32, #tpu.memory_space<vmem>>)
        %dma_wait3A_167 = arith.constant 5 : i32
        %dma_wait3A_168 = arith.constant 0 : i32
        %dma_wait3A_169 = tpu.memref_slice %arg11[%dma_wait3A_167, %dma_wait3A_168] : memref<8x80xi32, #tpu.memory_space<vmem>> -> memref<1x80xi32, #tpu.memory_space<vmem>>
        %dma_wait3A_170 = tpu.memref_squeeze %dma_wait3A_169 : memref<1x80xi32, #tpu.memory_space<vmem>> -> memref<80xi32, #tpu.memory_space<vmem>>
        %dma_wait3A_171 = arith.constant 0 : i32
        %dma_wait3A_172 = arith.constant 0 : i32
        %dma_wait3A_173 = tpu.memref_slice %arg6[%dma_wait3A_171, %dma_wait3A_172] : memref<1000x128xf32, #tpu.memory_space<hbm>> -> memref<1000x128xf32, #tpu.memory_space<hbm>>
        tpu.wait_indirect_dma semaphore(%arg16 : memref<!tpu.dma_semaphore, #tpu.memory_space<semaphore_mem>>) src(%dma_wait3A_173 : memref<1000x128xf32, #tpu.memory_space<hbm>>) dst(%arg12 : memref<80x128xf32, #tpu.memory_space<vmem>>)
        %dma_wait3A_174 = arith.constant 0 : i32
        %dma_wait3A_175 = tpu.memref_slice %arg3[%add3A_135, %dma_wait3A_174] : memref<120000x32xf32, #tpu.memory_space<hbm>> -> memref<80x32xf32, #tpu.memory_space<hbm>>
        %dma_wait3A_176 = arith.constant 0 : i32
        %dma_wait3A_177 = tpu.memref_slice %arg3[%add3A_135, %dma_wait3A_176] : memref<120000x32xf32, #tpu.memory_space<hbm>> -> memref<80x32xf32, #tpu.memory_space<hbm>>
        tpu.wait_dma2 semaphore(%arg17 : memref<!tpu.dma_semaphore, #tpu.memory_space<semaphore_mem>>) src(%dma_wait3A_177 : memref<80x32xf32, #tpu.memory_space<hbm>>) dst(%arg13 : memref<80x32xf32, #tpu.memory_space<vmem>>)
        %mul3A_178 = arith.constant 10240 : i32
        %mul3A_179 = arith.muli %select_n3A, %mul3A_178 : i32
        %mul3A_180 = arith.constant 80 : i32
        %mul3A_181 = arith.muli %add3A_101, %mul3A_180 : i32
        %add3A_182 = arith.addi %mul3A_179, %mul3A_181 : i32
        "tpu.region"() ({
          %run_scoped3A = tpu.sem_alloc : memref<!tpu.dma_semaphore, #tpu.memory_space<semaphore_mem>>
          %dma_start3A_183 = arith.constant 0 : i32
          %dma_start3A_184 = tpu.memref_slice %arg7[%add3A_182, %dma_start3A_183] : memref<122880x128xf32, #tpu.memory_space<hbm>> -> memref<80x128xf32, #tpu.memory_space<hbm>>
          %dma_start3A_185 = arith.constant 0 : i32
          %dma_start3A_186 = tpu.memref_slice %arg7[%add3A_182, %dma_start3A_185] : memref<122880x128xf32, #tpu.memory_space<hbm>> -> memref<80x128xf32, #tpu.memory_space<hbm>>
          tpu.enqueue_dma source(%arg12 : memref<80x128xf32, #tpu.memory_space<vmem>>) target(%dma_start3A_186 : memref<80x128xf32, #tpu.memory_space<hbm>>) target_semaphore(%run_scoped3A : memref<!tpu.dma_semaphore, #tpu.memory_space<semaphore_mem>>)
          %dma_wait3A_187 = arith.constant 0 : i32
          %dma_wait3A_188 = tpu.memref_slice %arg7[%add3A_182, %dma_wait3A_187] : memref<122880x128xf32, #tpu.memory_space<hbm>> -> memref<80x128xf32, #tpu.memory_space<hbm>>
          %dma_wait3A_189 = arith.constant 0 : i32
          %dma_wait3A_190 = tpu.memref_slice %arg7[%add3A_182, %dma_wait3A_189] : memref<122880x128xf32, #tpu.memory_space<hbm>> -> memref<80x128xf32, #tpu.memory_space<hbm>>
          tpu.wait_dma2 semaphore(%run_scoped3A : memref<!tpu.dma_semaphore, #tpu.memory_space<semaphore_mem>>) src(%arg12 : memref<80x128xf32, #tpu.memory_space<vmem>>) dst(%dma_wait3A_190 : memref<80x128xf32, #tpu.memory_space<hbm>>)
          tpu.yield
        }) : () -> ()
        "tpu.region"() ({
          %run_scoped3A = tpu.sem_alloc : memref<!tpu.dma_semaphore, #tpu.memory_space<semaphore_mem>>
          %dma_start3A_183 = arith.constant 0 : i32
          %dma_start3A_184 = tpu.memref_slice %arg8[%add3A_182, %dma_start3A_183] : memref<122880x32xf32, #tpu.memory_space<hbm>> -> memref<80x32xf32, #tpu.memory_space<hbm>>
          %dma_start3A_185 = arith.constant 0 : i32
          %dma_start3A_186 = tpu.memref_slice %arg8[%add3A_182, %dma_start3A_185] : memref<122880x32xf32, #tpu.memory_space<hbm>> -> memref<80x32xf32, #tpu.memory_space<hbm>>
          tpu.enqueue_dma source(%arg13 : memref<80x32xf32, #tpu.memory_space<vmem>>) target(%dma_start3A_186 : memref<80x32xf32, #tpu.memory_space<hbm>>) target_semaphore(%run_scoped3A : memref<!tpu.dma_semaphore, #tpu.memory_space<semaphore_mem>>)
          %dma_wait3A_187 = arith.constant 0 : i32
          %dma_wait3A_188 = tpu.memref_slice %arg8[%add3A_182, %dma_wait3A_187] : memref<122880x32xf32, #tpu.memory_space<hbm>> -> memref<80x32xf32, #tpu.memory_space<hbm>>
          %dma_wait3A_189 = arith.constant 0 : i32
          %dma_wait3A_190 = tpu.memref_slice %arg8[%add3A_182, %dma_wait3A_189] : memref<122880x32xf32, #tpu.memory_space<hbm>> -> memref<80x32xf32, #tpu.memory_space<hbm>>
          tpu.wait_dma2 semaphore(%run_scoped3A : memref<!tpu.dma_semaphore, #tpu.memory_space<semaphore_mem>>) src(%arg13 : memref<80x32xf32, #tpu.memory_space<vmem>>) dst(%dma_wait3A_190 : memref<80x32xf32, #tpu.memory_space<hbm>>)
          tpu.yield
        }) : () -> ()
      } else {
      }
      %mul3A_107 = arith.constant 8 : i32
      %mul3A_108 = arith.muli %sub3A_28, %mul3A_107 : i32
      %add3A_109 = arith.constant 6 : i32
      %add3A_110 = arith.addi %mul3A_108, %add3A_109 : i32
      %lt3A_111 = arith.constant 125 : i32
      %lt3A_112 = arith.cmpi slt, %add3A_110, %lt3A_111 : i32
      %convert_element_type3A_113 = arith.extui %lt3A_112 : i1 to i32
      %cond3A_114 = arith.constant 0 : i32
      %cond3A_115 = arith.cmpi ne, %convert_element_type3A_113, %cond3A_114 : i32
      scf.if %cond3A_115 {
        %dma_start3A = arith.constant 6 : i32
        %dma_start3A_125 = arith.constant 0 : i32
        %dma_start3A_126 = tpu.memref_slice %arg9[%dma_start3A, %dma_start3A_125] : memref<8x80xi32, #tpu.memory_space<vmem>> -> memref<1x80xi32, #tpu.memory_space<vmem>>
        %dma_start3A_127 = tpu.memref_squeeze %dma_start3A_126 : memref<1x80xi32, #tpu.memory_space<vmem>> -> memref<80xi32, #tpu.memory_space<vmem>>
        %dma_start3A_128 = arith.constant 0 : i32
        %dma_start3A_129 = arith.constant 0 : i32
        %dma_start3A_130 = tpu.memref_slice %arg4[%dma_start3A_128, %dma_start3A_129] : memref<1000x128xf32, #tpu.memory_space<hbm>> -> memref<1000x128xf32, #tpu.memory_space<hbm>>
        tpu.enqueue_indirect_dma source(%dma_start3A_130 : memref<1000x128xf32, #tpu.memory_space<hbm>>) target(%arg12 : memref<80x128xf32, #tpu.memory_space<vmem>>) offsets(%dma_start3A_127 : memref<80xi32, #tpu.memory_space<vmem>>) semaphore(%arg14 : memref<!tpu.dma_semaphore, #tpu.memory_space<semaphore_mem>>)
        %mul3A_131 = arith.constant 10000 : i32
        %mul3A_132 = arith.muli %select_n3A, %mul3A_131 : i32
        %mul3A_133 = arith.constant 80 : i32
        %mul3A_134 = arith.muli %add3A_110, %mul3A_133 : i32
        %add3A_135 = arith.addi %mul3A_132, %mul3A_134 : i32
        %dma_start3A_136 = arith.constant 0 : i32
        %dma_start3A_137 = tpu.memref_slice %arg3[%add3A_135, %dma_start3A_136] : memref<120000x32xf32, #tpu.memory_space<hbm>> -> memref<80x32xf32, #tpu.memory_space<hbm>>
        %dma_start3A_138 = arith.constant 0 : i32
        %dma_start3A_139 = tpu.memref_slice %arg3[%add3A_135, %dma_start3A_138] : memref<120000x32xf32, #tpu.memory_space<hbm>> -> memref<80x32xf32, #tpu.memory_space<hbm>>
        tpu.enqueue_dma source(%dma_start3A_139 : memref<80x32xf32, #tpu.memory_space<hbm>>) target(%arg13 : memref<80x32xf32, #tpu.memory_space<vmem>>) target_semaphore(%arg17 : memref<!tpu.dma_semaphore, #tpu.memory_space<semaphore_mem>>)
        %dma_wait3A = arith.constant 6 : i32
        %dma_wait3A_140 = arith.constant 0 : i32
        %dma_wait3A_141 = tpu.memref_slice %arg9[%dma_wait3A, %dma_wait3A_140] : memref<8x80xi32, #tpu.memory_space<vmem>> -> memref<1x80xi32, #tpu.memory_space<vmem>>
        %dma_wait3A_142 = tpu.memref_squeeze %dma_wait3A_141 : memref<1x80xi32, #tpu.memory_space<vmem>> -> memref<80xi32, #tpu.memory_space<vmem>>
        %dma_wait3A_143 = arith.constant 0 : i32
        %dma_wait3A_144 = arith.constant 0 : i32
        %dma_wait3A_145 = tpu.memref_slice %arg4[%dma_wait3A_143, %dma_wait3A_144] : memref<1000x128xf32, #tpu.memory_space<hbm>> -> memref<1000x128xf32, #tpu.memory_space<hbm>>
        tpu.wait_indirect_dma semaphore(%arg14 : memref<!tpu.dma_semaphore, #tpu.memory_space<semaphore_mem>>) src(%dma_wait3A_145 : memref<1000x128xf32, #tpu.memory_space<hbm>>) dst(%arg12 : memref<80x128xf32, #tpu.memory_space<vmem>>)
        %dma_start3A_146 = arith.constant 6 : i32
        %dma_start3A_147 = arith.constant 0 : i32
        %dma_start3A_148 = tpu.memref_slice %arg10[%dma_start3A_146, %dma_start3A_147] : memref<8x80xi32, #tpu.memory_space<vmem>> -> memref<1x80xi32, #tpu.memory_space<vmem>>
        %dma_start3A_149 = tpu.memref_squeeze %dma_start3A_148 : memref<1x80xi32, #tpu.memory_space<vmem>> -> memref<80xi32, #tpu.memory_space<vmem>>
        %dma_start3A_150 = arith.constant 0 : i32
        %dma_start3A_151 = arith.constant 0 : i32
        %dma_start3A_152 = tpu.memref_slice %arg5[%dma_start3A_150, %dma_start3A_151] : memref<1000x128xf32, #tpu.memory_space<hbm>> -> memref<1000x128xf32, #tpu.memory_space<hbm>>
        tpu.enqueue_indirect_dma source(%dma_start3A_152 : memref<1000x128xf32, #tpu.memory_space<hbm>>) target(%arg12 : memref<80x128xf32, #tpu.memory_space<vmem>>) offsets(%dma_start3A_149 : memref<80xi32, #tpu.memory_space<vmem>>) semaphore(%arg15 : memref<!tpu.dma_semaphore, #tpu.memory_space<semaphore_mem>>) {add = true}
        %dma_start3A_153 = arith.constant 6 : i32
        %dma_start3A_154 = arith.constant 0 : i32
        %dma_start3A_155 = tpu.memref_slice %arg11[%dma_start3A_153, %dma_start3A_154] : memref<8x80xi32, #tpu.memory_space<vmem>> -> memref<1x80xi32, #tpu.memory_space<vmem>>
        %dma_start3A_156 = tpu.memref_squeeze %dma_start3A_155 : memref<1x80xi32, #tpu.memory_space<vmem>> -> memref<80xi32, #tpu.memory_space<vmem>>
        %dma_start3A_157 = arith.constant 0 : i32
        %dma_start3A_158 = arith.constant 0 : i32
        %dma_start3A_159 = tpu.memref_slice %arg6[%dma_start3A_157, %dma_start3A_158] : memref<1000x128xf32, #tpu.memory_space<hbm>> -> memref<1000x128xf32, #tpu.memory_space<hbm>>
        tpu.enqueue_indirect_dma source(%dma_start3A_159 : memref<1000x128xf32, #tpu.memory_space<hbm>>) target(%arg12 : memref<80x128xf32, #tpu.memory_space<vmem>>) offsets(%dma_start3A_156 : memref<80xi32, #tpu.memory_space<vmem>>) semaphore(%arg16 : memref<!tpu.dma_semaphore, #tpu.memory_space<semaphore_mem>>) {add = true}
        %dma_wait3A_160 = arith.constant 6 : i32
        %dma_wait3A_161 = arith.constant 0 : i32
        %dma_wait3A_162 = tpu.memref_slice %arg10[%dma_wait3A_160, %dma_wait3A_161] : memref<8x80xi32, #tpu.memory_space<vmem>> -> memref<1x80xi32, #tpu.memory_space<vmem>>
        %dma_wait3A_163 = tpu.memref_squeeze %dma_wait3A_162 : memref<1x80xi32, #tpu.memory_space<vmem>> -> memref<80xi32, #tpu.memory_space<vmem>>
        %dma_wait3A_164 = arith.constant 0 : i32
        %dma_wait3A_165 = arith.constant 0 : i32
        %dma_wait3A_166 = tpu.memref_slice %arg5[%dma_wait3A_164, %dma_wait3A_165] : memref<1000x128xf32, #tpu.memory_space<hbm>> -> memref<1000x128xf32, #tpu.memory_space<hbm>>
        tpu.wait_indirect_dma semaphore(%arg15 : memref<!tpu.dma_semaphore, #tpu.memory_space<semaphore_mem>>) src(%dma_wait3A_166 : memref<1000x128xf32, #tpu.memory_space<hbm>>) dst(%arg12 : memref<80x128xf32, #tpu.memory_space<vmem>>)
        %dma_wait3A_167 = arith.constant 6 : i32
        %dma_wait3A_168 = arith.constant 0 : i32
        %dma_wait3A_169 = tpu.memref_slice %arg11[%dma_wait3A_167, %dma_wait3A_168] : memref<8x80xi32, #tpu.memory_space<vmem>> -> memref<1x80xi32, #tpu.memory_space<vmem>>
        %dma_wait3A_170 = tpu.memref_squeeze %dma_wait3A_169 : memref<1x80xi32, #tpu.memory_space<vmem>> -> memref<80xi32, #tpu.memory_space<vmem>>
        %dma_wait3A_171 = arith.constant 0 : i32
        %dma_wait3A_172 = arith.constant 0 : i32
        %dma_wait3A_173 = tpu.memref_slice %arg6[%dma_wait3A_171, %dma_wait3A_172] : memref<1000x128xf32, #tpu.memory_space<hbm>> -> memref<1000x128xf32, #tpu.memory_space<hbm>>
        tpu.wait_indirect_dma semaphore(%arg16 : memref<!tpu.dma_semaphore, #tpu.memory_space<semaphore_mem>>) src(%dma_wait3A_173 : memref<1000x128xf32, #tpu.memory_space<hbm>>) dst(%arg12 : memref<80x128xf32, #tpu.memory_space<vmem>>)
        %dma_wait3A_174 = arith.constant 0 : i32
        %dma_wait3A_175 = tpu.memref_slice %arg3[%add3A_135, %dma_wait3A_174] : memref<120000x32xf32, #tpu.memory_space<hbm>> -> memref<80x32xf32, #tpu.memory_space<hbm>>
        %dma_wait3A_176 = arith.constant 0 : i32
        %dma_wait3A_177 = tpu.memref_slice %arg3[%add3A_135, %dma_wait3A_176] : memref<120000x32xf32, #tpu.memory_space<hbm>> -> memref<80x32xf32, #tpu.memory_space<hbm>>
        tpu.wait_dma2 semaphore(%arg17 : memref<!tpu.dma_semaphore, #tpu.memory_space<semaphore_mem>>) src(%dma_wait3A_177 : memref<80x32xf32, #tpu.memory_space<hbm>>) dst(%arg13 : memref<80x32xf32, #tpu.memory_space<vmem>>)
        %mul3A_178 = arith.constant 10240 : i32
        %mul3A_179 = arith.muli %select_n3A, %mul3A_178 : i32
        %mul3A_180 = arith.constant 80 : i32
        %mul3A_181 = arith.muli %add3A_110, %mul3A_180 : i32
        %add3A_182 = arith.addi %mul3A_179, %mul3A_181 : i32
        "tpu.region"() ({
          %run_scoped3A = tpu.sem_alloc : memref<!tpu.dma_semaphore, #tpu.memory_space<semaphore_mem>>
          %dma_start3A_183 = arith.constant 0 : i32
          %dma_start3A_184 = tpu.memref_slice %arg7[%add3A_182, %dma_start3A_183] : memref<122880x128xf32, #tpu.memory_space<hbm>> -> memref<80x128xf32, #tpu.memory_space<hbm>>
          %dma_start3A_185 = arith.constant 0 : i32
          %dma_start3A_186 = tpu.memref_slice %arg7[%add3A_182, %dma_start3A_185] : memref<122880x128xf32, #tpu.memory_space<hbm>> -> memref<80x128xf32, #tpu.memory_space<hbm>>
          tpu.enqueue_dma source(%arg12 : memref<80x128xf32, #tpu.memory_space<vmem>>) target(%dma_start3A_186 : memref<80x128xf32, #tpu.memory_space<hbm>>) target_semaphore(%run_scoped3A : memref<!tpu.dma_semaphore, #tpu.memory_space<semaphore_mem>>)
          %dma_wait3A_187 = arith.constant 0 : i32
          %dma_wait3A_188 = tpu.memref_slice %arg7[%add3A_182, %dma_wait3A_187] : memref<122880x128xf32, #tpu.memory_space<hbm>> -> memref<80x128xf32, #tpu.memory_space<hbm>>
          %dma_wait3A_189 = arith.constant 0 : i32
          %dma_wait3A_190 = tpu.memref_slice %arg7[%add3A_182, %dma_wait3A_189] : memref<122880x128xf32, #tpu.memory_space<hbm>> -> memref<80x128xf32, #tpu.memory_space<hbm>>
          tpu.wait_dma2 semaphore(%run_scoped3A : memref<!tpu.dma_semaphore, #tpu.memory_space<semaphore_mem>>) src(%arg12 : memref<80x128xf32, #tpu.memory_space<vmem>>) dst(%dma_wait3A_190 : memref<80x128xf32, #tpu.memory_space<hbm>>)
          tpu.yield
        }) : () -> ()
        "tpu.region"() ({
          %run_scoped3A = tpu.sem_alloc : memref<!tpu.dma_semaphore, #tpu.memory_space<semaphore_mem>>
          %dma_start3A_183 = arith.constant 0 : i32
          %dma_start3A_184 = tpu.memref_slice %arg8[%add3A_182, %dma_start3A_183] : memref<122880x32xf32, #tpu.memory_space<hbm>> -> memref<80x32xf32, #tpu.memory_space<hbm>>
          %dma_start3A_185 = arith.constant 0 : i32
          %dma_start3A_186 = tpu.memref_slice %arg8[%add3A_182, %dma_start3A_185] : memref<122880x32xf32, #tpu.memory_space<hbm>> -> memref<80x32xf32, #tpu.memory_space<hbm>>
          tpu.enqueue_dma source(%arg13 : memref<80x32xf32, #tpu.memory_space<vmem>>) target(%dma_start3A_186 : memref<80x32xf32, #tpu.memory_space<hbm>>) target_semaphore(%run_scoped3A : memref<!tpu.dma_semaphore, #tpu.memory_space<semaphore_mem>>)
          %dma_wait3A_187 = arith.constant 0 : i32
          %dma_wait3A_188 = tpu.memref_slice %arg8[%add3A_182, %dma_wait3A_187] : memref<122880x32xf32, #tpu.memory_space<hbm>> -> memref<80x32xf32, #tpu.memory_space<hbm>>
          %dma_wait3A_189 = arith.constant 0 : i32
          %dma_wait3A_190 = tpu.memref_slice %arg8[%add3A_182, %dma_wait3A_189] : memref<122880x32xf32, #tpu.memory_space<hbm>> -> memref<80x32xf32, #tpu.memory_space<hbm>>
          tpu.wait_dma2 semaphore(%run_scoped3A : memref<!tpu.dma_semaphore, #tpu.memory_space<semaphore_mem>>) src(%arg13 : memref<80x32xf32, #tpu.memory_space<vmem>>) dst(%dma_wait3A_190 : memref<80x32xf32, #tpu.memory_space<hbm>>)
          tpu.yield
        }) : () -> ()
      } else {
      }
      %mul3A_116 = arith.constant 8 : i32
      %mul3A_117 = arith.muli %sub3A_28, %mul3A_116 : i32
      %add3A_118 = arith.constant 7 : i32
      %add3A_119 = arith.addi %mul3A_117, %add3A_118 : i32
      %lt3A_120 = arith.constant 125 : i32
      %lt3A_121 = arith.cmpi slt, %add3A_119, %lt3A_120 : i32
      %convert_element_type3A_122 = arith.extui %lt3A_121 : i1 to i32
      %cond3A_123 = arith.constant 0 : i32
      %cond3A_124 = arith.cmpi ne, %convert_element_type3A_122, %cond3A_123 : i32
      scf.if %cond3A_124 {
        %dma_start3A = arith.constant 7 : i32
        %dma_start3A_125 = arith.constant 0 : i32
        %dma_start3A_126 = tpu.memref_slice %arg9[%dma_start3A, %dma_start3A_125] : memref<8x80xi32, #tpu.memory_space<vmem>> -> memref<1x80xi32, #tpu.memory_space<vmem>>
        %dma_start3A_127 = tpu.memref_squeeze %dma_start3A_126 : memref<1x80xi32, #tpu.memory_space<vmem>> -> memref<80xi32, #tpu.memory_space<vmem>>
        %dma_start3A_128 = arith.constant 0 : i32
        %dma_start3A_129 = arith.constant 0 : i32
        %dma_start3A_130 = tpu.memref_slice %arg4[%dma_start3A_128, %dma_start3A_129] : memref<1000x128xf32, #tpu.memory_space<hbm>> -> memref<1000x128xf32, #tpu.memory_space<hbm>>
        tpu.enqueue_indirect_dma source(%dma_start3A_130 : memref<1000x128xf32, #tpu.memory_space<hbm>>) target(%arg12 : memref<80x128xf32, #tpu.memory_space<vmem>>) offsets(%dma_start3A_127 : memref<80xi32, #tpu.memory_space<vmem>>) semaphore(%arg14 : memref<!tpu.dma_semaphore, #tpu.memory_space<semaphore_mem>>)
        %mul3A_131 = arith.constant 10000 : i32
        %mul3A_132 = arith.muli %select_n3A, %mul3A_131 : i32
        %mul3A_133 = arith.constant 80 : i32
        %mul3A_134 = arith.muli %add3A_119, %mul3A_133 : i32
        %add3A_135 = arith.addi %mul3A_132, %mul3A_134 : i32
        %dma_start3A_136 = arith.constant 0 : i32
        %dma_start3A_137 = tpu.memref_slice %arg3[%add3A_135, %dma_start3A_136] : memref<120000x32xf32, #tpu.memory_space<hbm>> -> memref<80x32xf32, #tpu.memory_space<hbm>>
        %dma_start3A_138 = arith.constant 0 : i32
        %dma_start3A_139 = tpu.memref_slice %arg3[%add3A_135, %dma_start3A_138] : memref<120000x32xf32, #tpu.memory_space<hbm>> -> memref<80x32xf32, #tpu.memory_space<hbm>>
        tpu.enqueue_dma source(%dma_start3A_139 : memref<80x32xf32, #tpu.memory_space<hbm>>) target(%arg13 : memref<80x32xf32, #tpu.memory_space<vmem>>) target_semaphore(%arg17 : memref<!tpu.dma_semaphore, #tpu.memory_space<semaphore_mem>>)
        %dma_wait3A = arith.constant 7 : i32
        %dma_wait3A_140 = arith.constant 0 : i32
        %dma_wait3A_141 = tpu.memref_slice %arg9[%dma_wait3A, %dma_wait3A_140] : memref<8x80xi32, #tpu.memory_space<vmem>> -> memref<1x80xi32, #tpu.memory_space<vmem>>
        %dma_wait3A_142 = tpu.memref_squeeze %dma_wait3A_141 : memref<1x80xi32, #tpu.memory_space<vmem>> -> memref<80xi32, #tpu.memory_space<vmem>>
        %dma_wait3A_143 = arith.constant 0 : i32
        %dma_wait3A_144 = arith.constant 0 : i32
        %dma_wait3A_145 = tpu.memref_slice %arg4[%dma_wait3A_143, %dma_wait3A_144] : memref<1000x128xf32, #tpu.memory_space<hbm>> -> memref<1000x128xf32, #tpu.memory_space<hbm>>
        tpu.wait_indirect_dma semaphore(%arg14 : memref<!tpu.dma_semaphore, #tpu.memory_space<semaphore_mem>>) src(%dma_wait3A_145 : memref<1000x128xf32, #tpu.memory_space<hbm>>) dst(%arg12 : memref<80x128xf32, #tpu.memory_space<vmem>>)
        %dma_start3A_146 = arith.constant 7 : i32
        %dma_start3A_147 = arith.constant 0 : i32
        %dma_start3A_148 = tpu.memref_slice %arg10[%dma_start3A_146, %dma_start3A_147] : memref<8x80xi32, #tpu.memory_space<vmem>> -> memref<1x80xi32, #tpu.memory_space<vmem>>
        %dma_start3A_149 = tpu.memref_squeeze %dma_start3A_148 : memref<1x80xi32, #tpu.memory_space<vmem>> -> memref<80xi32, #tpu.memory_space<vmem>>
        %dma_start3A_150 = arith.constant 0 : i32
        %dma_start3A_151 = arith.constant 0 : i32
        %dma_start3A_152 = tpu.memref_slice %arg5[%dma_start3A_150, %dma_start3A_151] : memref<1000x128xf32, #tpu.memory_space<hbm>> -> memref<1000x128xf32, #tpu.memory_space<hbm>>
        tpu.enqueue_indirect_dma source(%dma_start3A_152 : memref<1000x128xf32, #tpu.memory_space<hbm>>) target(%arg12 : memref<80x128xf32, #tpu.memory_space<vmem>>) offsets(%dma_start3A_149 : memref<80xi32, #tpu.memory_space<vmem>>) semaphore(%arg15 : memref<!tpu.dma_semaphore, #tpu.memory_space<semaphore_mem>>) {add = true}
        %dma_start3A_153 = arith.constant 7 : i32
        %dma_start3A_154 = arith.constant 0 : i32
        %dma_start3A_155 = tpu.memref_slice %arg11[%dma_start3A_153, %dma_start3A_154] : memref<8x80xi32, #tpu.memory_space<vmem>> -> memref<1x80xi32, #tpu.memory_space<vmem>>
        %dma_start3A_156 = tpu.memref_squeeze %dma_start3A_155 : memref<1x80xi32, #tpu.memory_space<vmem>> -> memref<80xi32, #tpu.memory_space<vmem>>
        %dma_start3A_157 = arith.constant 0 : i32
        %dma_start3A_158 = arith.constant 0 : i32
        %dma_start3A_159 = tpu.memref_slice %arg6[%dma_start3A_157, %dma_start3A_158] : memref<1000x128xf32, #tpu.memory_space<hbm>> -> memref<1000x128xf32, #tpu.memory_space<hbm>>
        tpu.enqueue_indirect_dma source(%dma_start3A_159 : memref<1000x128xf32, #tpu.memory_space<hbm>>) target(%arg12 : memref<80x128xf32, #tpu.memory_space<vmem>>) offsets(%dma_start3A_156 : memref<80xi32, #tpu.memory_space<vmem>>) semaphore(%arg16 : memref<!tpu.dma_semaphore, #tpu.memory_space<semaphore_mem>>) {add = true}
        %dma_wait3A_160 = arith.constant 7 : i32
        %dma_wait3A_161 = arith.constant 0 : i32
        %dma_wait3A_162 = tpu.memref_slice %arg10[%dma_wait3A_160, %dma_wait3A_161] : memref<8x80xi32, #tpu.memory_space<vmem>> -> memref<1x80xi32, #tpu.memory_space<vmem>>
        %dma_wait3A_163 = tpu.memref_squeeze %dma_wait3A_162 : memref<1x80xi32, #tpu.memory_space<vmem>> -> memref<80xi32, #tpu.memory_space<vmem>>
        %dma_wait3A_164 = arith.constant 0 : i32
        %dma_wait3A_165 = arith.constant 0 : i32
        %dma_wait3A_166 = tpu.memref_slice %arg5[%dma_wait3A_164, %dma_wait3A_165] : memref<1000x128xf32, #tpu.memory_space<hbm>> -> memref<1000x128xf32, #tpu.memory_space<hbm>>
        tpu.wait_indirect_dma semaphore(%arg15 : memref<!tpu.dma_semaphore, #tpu.memory_space<semaphore_mem>>) src(%dma_wait3A_166 : memref<1000x128xf32, #tpu.memory_space<hbm>>) dst(%arg12 : memref<80x128xf32, #tpu.memory_space<vmem>>)
        %dma_wait3A_167 = arith.constant 7 : i32
        %dma_wait3A_168 = arith.constant 0 : i32
        %dma_wait3A_169 = tpu.memref_slice %arg11[%dma_wait3A_167, %dma_wait3A_168] : memref<8x80xi32, #tpu.memory_space<vmem>> -> memref<1x80xi32, #tpu.memory_space<vmem>>
        %dma_wait3A_170 = tpu.memref_squeeze %dma_wait3A_169 : memref<1x80xi32, #tpu.memory_space<vmem>> -> memref<80xi32, #tpu.memory_space<vmem>>
        %dma_wait3A_171 = arith.constant 0 : i32
        %dma_wait3A_172 = arith.constant 0 : i32
        %dma_wait3A_173 = tpu.memref_slice %arg6[%dma_wait3A_171, %dma_wait3A_172] : memref<1000x128xf32, #tpu.memory_space<hbm>> -> memref<1000x128xf32, #tpu.memory_space<hbm>>
        tpu.wait_indirect_dma semaphore(%arg16 : memref<!tpu.dma_semaphore, #tpu.memory_space<semaphore_mem>>) src(%dma_wait3A_173 : memref<1000x128xf32, #tpu.memory_space<hbm>>) dst(%arg12 : memref<80x128xf32, #tpu.memory_space<vmem>>)
        %dma_wait3A_174 = arith.constant 0 : i32
        %dma_wait3A_175 = tpu.memref_slice %arg3[%add3A_135, %dma_wait3A_174] : memref<120000x32xf32, #tpu.memory_space<hbm>> -> memref<80x32xf32, #tpu.memory_space<hbm>>
        %dma_wait3A_176 = arith.constant 0 : i32
        %dma_wait3A_177 = tpu.memref_slice %arg3[%add3A_135, %dma_wait3A_176] : memref<120000x32xf32, #tpu.memory_space<hbm>> -> memref<80x32xf32, #tpu.memory_space<hbm>>
        tpu.wait_dma2 semaphore(%arg17 : memref<!tpu.dma_semaphore, #tpu.memory_space<semaphore_mem>>) src(%dma_wait3A_177 : memref<80x32xf32, #tpu.memory_space<hbm>>) dst(%arg13 : memref<80x32xf32, #tpu.memory_space<vmem>>)
        %mul3A_178 = arith.constant 10240 : i32
        %mul3A_179 = arith.muli %select_n3A, %mul3A_178 : i32
        %mul3A_180 = arith.constant 80 : i32
        %mul3A_181 = arith.muli %add3A_119, %mul3A_180 : i32
        %add3A_182 = arith.addi %mul3A_179, %mul3A_181 : i32
        "tpu.region"() ({
          %run_scoped3A = tpu.sem_alloc : memref<!tpu.dma_semaphore, #tpu.memory_space<semaphore_mem>>
          %dma_start3A_183 = arith.constant 0 : i32
          %dma_start3A_184 = tpu.memref_slice %arg7[%add3A_182, %dma_start3A_183] : memref<122880x128xf32, #tpu.memory_space<hbm>> -> memref<80x128xf32, #tpu.memory_space<hbm>>
          %dma_start3A_185 = arith.constant 0 : i32
          %dma_start3A_186 = tpu.memref_slice %arg7[%add3A_182, %dma_start3A_185] : memref<122880x128xf32, #tpu.memory_space<hbm>> -> memref<80x128xf32, #tpu.memory_space<hbm>>
          tpu.enqueue_dma source(%arg12 : memref<80x128xf32, #tpu.memory_space<vmem>>) target(%dma_start3A_186 : memref<80x128xf32, #tpu.memory_space<hbm>>) target_semaphore(%run_scoped3A : memref<!tpu.dma_semaphore, #tpu.memory_space<semaphore_mem>>)
          %dma_wait3A_187 = arith.constant 0 : i32
          %dma_wait3A_188 = tpu.memref_slice %arg7[%add3A_182, %dma_wait3A_187] : memref<122880x128xf32, #tpu.memory_space<hbm>> -> memref<80x128xf32, #tpu.memory_space<hbm>>
          %dma_wait3A_189 = arith.constant 0 : i32
          %dma_wait3A_190 = tpu.memref_slice %arg7[%add3A_182, %dma_wait3A_189] : memref<122880x128xf32, #tpu.memory_space<hbm>> -> memref<80x128xf32, #tpu.memory_space<hbm>>
          tpu.wait_dma2 semaphore(%run_scoped3A : memref<!tpu.dma_semaphore, #tpu.memory_space<semaphore_mem>>) src(%arg12 : memref<80x128xf32, #tpu.memory_space<vmem>>) dst(%dma_wait3A_190 : memref<80x128xf32, #tpu.memory_space<hbm>>)
          tpu.yield
        }) : () -> ()
        "tpu.region"() ({
          %run_scoped3A = tpu.sem_alloc : memref<!tpu.dma_semaphore, #tpu.memory_space<semaphore_mem>>
          %dma_start3A_183 = arith.constant 0 : i32
          %dma_start3A_184 = tpu.memref_slice %arg8[%add3A_182, %dma_start3A_183] : memref<122880x32xf32, #tpu.memory_space<hbm>> -> memref<80x32xf32, #tpu.memory_space<hbm>>
          %dma_start3A_185 = arith.constant 0 : i32
          %dma_start3A_186 = tpu.memref_slice %arg8[%add3A_182, %dma_start3A_185] : memref<122880x32xf32, #tpu.memory_space<hbm>> -> memref<80x32xf32, #tpu.memory_space<hbm>>
          tpu.enqueue_dma source(%arg13 : memref<80x32xf32, #tpu.memory_space<vmem>>) target(%dma_start3A_186 : memref<80x32xf32, #tpu.memory_space<hbm>>) target_semaphore(%run_scoped3A : memref<!tpu.dma_semaphore, #tpu.memory_space<semaphore_mem>>)
          %dma_wait3A_187 = arith.constant 0 : i32
          %dma_wait3A_188 = tpu.memref_slice %arg8[%add3A_182, %dma_wait3A_187] : memref<122880x32xf32, #tpu.memory_space<hbm>> -> memref<80x32xf32, #tpu.memory_space<hbm>>
          %dma_wait3A_189 = arith.constant 0 : i32
          %dma_wait3A_190 = tpu.memref_slice %arg8[%add3A_182, %dma_wait3A_189] : memref<122880x32xf32, #tpu.memory_space<hbm>> -> memref<80x32xf32, #tpu.memory_space<hbm>>
          tpu.wait_dma2 semaphore(%run_scoped3A : memref<!tpu.dma_semaphore, #tpu.memory_space<semaphore_mem>>) src(%arg13 : memref<80x32xf32, #tpu.memory_space<vmem>>) dst(%dma_wait3A_190 : memref<80x32xf32, #tpu.memory_space<hbm>>)
          tpu.yield
        }) : () -> ()
      } else {
      }
    }
    %scan3A_5 = arith.constant 6 : i32
    return
  }
}

#map = affine_map<(d0, d1) -> (0, 0)>
#map1 = affine_map<(d0, d1) -> (0)>
module attributes {stable_mosaic.version = 14 : i64} {
  func.func @_agg_body(%arg0: i32, %arg1: i32, %arg2: memref<122880x128xf32, #tpu.memory_space<hbm>>, %arg3: memref<3932160xi32, #tpu.memory_space<hbm>>, %arg4: memref<3932160xi32, #tpu.memory_space<hbm>>, %arg5: memref<632x128xf32, #tpu.memory_space<hbm>>, %arg6: memref<245760x128xf32, #tpu.memory_space<hbm>>, %arg7: memref<80xi32, #tpu.memory_space<vmem>>, %arg8: memref<80xi32, #tpu.memory_space<vmem>>, %arg9: memref<80xi32, #tpu.memory_space<vmem>>, %arg10: memref<80xi32, #tpu.memory_space<vmem>>, %arg11: memref<80xi32, #tpu.memory_space<vmem>>, %arg12: memref<80xi32, #tpu.memory_space<vmem>>, %arg13: memref<80xi32, #tpu.memory_space<vmem>>, %arg14: memref<80xi32, #tpu.memory_space<vmem>>, %arg15: memref<80x128xf32, #tpu.memory_space<vmem>>, %arg16: memref<80x128xf32, #tpu.memory_space<vmem>>, %arg17: memref<80x128xf32, #tpu.memory_space<vmem>>, %arg18: memref<80x128xf32, #tpu.memory_space<vmem>>, %arg19: memref<!tpu.dma_semaphore, #tpu.memory_space<semaphore_mem>>, %arg20: memref<!tpu.dma_semaphore, #tpu.memory_space<semaphore_mem>>, %arg21: memref<!tpu.dma_semaphore, #tpu.memory_space<semaphore_mem>>, %arg22: memref<!tpu.dma_semaphore, #tpu.memory_space<semaphore_mem>>, %arg23: memref<!tpu.dma_semaphore, #tpu.memory_space<semaphore_mem>>, %arg24: memref<!tpu.dma_semaphore, #tpu.memory_space<semaphore_mem>>, %arg25: memref<!tpu.dma_semaphore, #tpu.memory_space<semaphore_mem>>, %arg26: memref<!tpu.dma_semaphore, #tpu.memory_space<semaphore_mem>>, %arg27: memref<!tpu.dma_semaphore, #tpu.memory_space<semaphore_mem>>, %arg28: memref<!tpu.dma_semaphore, #tpu.memory_space<semaphore_mem>>, %arg29: memref<!tpu.dma_semaphore, #tpu.memory_space<semaphore_mem>>, %arg30: memref<!tpu.dma_semaphore, #tpu.memory_space<semaphore_mem>>, %arg31: memref<10112x128xf32, #tpu.memory_space<vmem_shared>>) attributes {dimension_semantics = [#tpu.dimension_semantics<core_parallel>, #tpu.dimension_semantics<subcore_parallel>], iteration_bounds = array<i64: 2, 16>, scalar_prefetch = 0 : i64, scratch_operands = 25 : i64, tpu.core_type = #tpu.core_type<sc_vector_subcore>, window_params = [{transform_indices = #map}, {transform_indices = #map1}, {transform_indices = #map1}, {transform_indices = #map}, {transform_indices = #map}]} {
    %mul3A = arith.constant 16 : i32
    %mul3A_0 = arith.muli %arg0, %mul3A : i32
    %add3A = arith.addi %mul3A_0, %arg1 : i32
    %eq3A = arith.constant 0 : i32
    %eq3A_1 = arith.cmpi eq, %arg0, %eq3A : i32
    %jit3A = arith.constant 228 : i32
    %jit3A_2 = arith.constant 28 : i32
    %select_n3A = arith.select %eq3A_1, %jit3A, %jit3A_2 : i32
    %scan3A = arith.constant 0 : i32
    %scan3A_3 = arith.constant 0 : i32
    %scan3A_4 = arith.constant 12 : i32
    %scan3A_5 = arith.addi %scan3A_3, %scan3A_4 : i32
    %scan3A_6 = arith.constant 1 : i32
    scf.for %scan3A_8 = %scan3A_3 to %scan3A_5 step %scan3A_6  : i32 {
      %mul3A_9 = arith.constant 632 : i32
      %mul3A_10 = arith.muli %arg1, %mul3A_9 : i32
      "tpu.region"() ({
        %run_scoped3A = tpu.sem_alloc : memref<!tpu.dma_semaphore, #tpu.memory_space<semaphore_mem>>
        %dma_start3A_65 = arith.constant 0 : i32
        %dma_start3A_66 = tpu.memref_slice %arg31[%mul3A_10, %dma_start3A_65] : memref<10112x128xf32, #tpu.memory_space<vmem_shared>> -> memref<632x128xf32, #tpu.memory_space<vmem_shared>>
        tpu.enqueue_dma source(%arg5 : memref<632x128xf32, #tpu.memory_space<hbm>>) target(%dma_start3A_66 : memref<632x128xf32, #tpu.memory_space<vmem_shared>>) target_semaphore(%run_scoped3A : memref<!tpu.dma_semaphore, #tpu.memory_space<semaphore_mem>>)
        %dma_wait3A_67 = arith.constant 0 : i32
        %dma_wait3A_68 = tpu.memref_slice %arg31[%mul3A_10, %dma_wait3A_67] : memref<10112x128xf32, #tpu.memory_space<vmem_shared>> -> memref<632x128xf32, #tpu.memory_space<vmem_shared>>
        tpu.wait_dma2 semaphore(%run_scoped3A : memref<!tpu.dma_semaphore, #tpu.memory_space<semaphore_mem>>) src(%arg5 : memref<632x128xf32, #tpu.memory_space<hbm>>) dst(%dma_wait3A_68 : memref<632x128xf32, #tpu.memory_space<vmem_shared>>)
        tpu.yield
      }) : () -> ()
      %barrier3A = arith.constant 0 : index
      tpu.barrier barrier_id(%barrier3A)
      %mul3A_11 = arith.constant 327680 : i32
      %mul3A_12 = arith.muli %scan3A_8, %mul3A_11 : i32
      %eq3A_13 = arith.constant 0 : i32
      %eq3A_14 = arith.cmpi eq, %arg0, %eq3A_13 : i32
      %mul3A_15 = arith.constant 18240 : i32
      %mul3A_16 = arith.muli %arg1, %mul3A_15 : i32
      %mul3A_17 = arith.constant 2240 : i32
      %mul3A_18 = arith.muli %arg1, %mul3A_17 : i32
      %add3A_19 = arith.constant 291840 : i32
      %add3A_20 = arith.addi %add3A_19, %mul3A_18 : i32
      %select_n3A_21 = arith.select %eq3A_14, %mul3A_16, %add3A_20 : i32
      %add3A_22 = arith.addi %mul3A_12, %select_n3A_21 : i32
      %add3A_23 = arith.constant 0 : i32
      %add3A_24 = arith.addi %add3A_22, %add3A_23 : i32
      %dma_start3A = tpu.memref_slice %arg3[%add3A_24] : memref<3932160xi32, #tpu.memory_space<hbm>> -> memref<80xi32, #tpu.memory_space<hbm>>
      %dma_start3A_25 = tpu.memref_slice %arg3[%add3A_24] : memref<3932160xi32, #tpu.memory_space<hbm>> -> memref<80xi32, #tpu.memory_space<hbm>>
      tpu.enqueue_dma source(%dma_start3A_25 : memref<80xi32, #tpu.memory_space<hbm>>) target(%arg7 : memref<80xi32, #tpu.memory_space<vmem>>) target_semaphore(%arg19 : memref<!tpu.dma_semaphore, #tpu.memory_space<semaphore_mem>>)
      %add3A_26 = arith.constant 0 : i32
      %add3A_27 = arith.addi %add3A_22, %add3A_26 : i32
      %dma_start3A_28 = tpu.memref_slice %arg4[%add3A_27] : memref<3932160xi32, #tpu.memory_space<hbm>> -> memref<80xi32, #tpu.memory_space<hbm>>
      %dma_start3A_29 = tpu.memref_slice %arg4[%add3A_27] : memref<3932160xi32, #tpu.memory_space<hbm>> -> memref<80xi32, #tpu.memory_space<hbm>>
      tpu.enqueue_dma source(%dma_start3A_29 : memref<80xi32, #tpu.memory_space<hbm>>) target(%arg11 : memref<80xi32, #tpu.memory_space<vmem>>) target_semaphore(%arg19 : memref<!tpu.dma_semaphore, #tpu.memory_space<semaphore_mem>>)
      %add3A_30 = arith.constant 80 : i32
      %add3A_31 = arith.addi %add3A_22, %add3A_30 : i32
      %dma_start3A_32 = tpu.memref_slice %arg3[%add3A_31] : memref<3932160xi32, #tpu.memory_space<hbm>> -> memref<80xi32, #tpu.memory_space<hbm>>
      %dma_start3A_33 = tpu.memref_slice %arg3[%add3A_31] : memref<3932160xi32, #tpu.memory_space<hbm>> -> memref<80xi32, #tpu.memory_space<hbm>>
      tpu.enqueue_dma source(%dma_start3A_33 : memref<80xi32, #tpu.memory_space<hbm>>) target(%arg8 : memref<80xi32, #tpu.memory_space<vmem>>) target_semaphore(%arg20 : memref<!tpu.dma_semaphore, #tpu.memory_space<semaphore_mem>>)
      %add3A_34 = arith.constant 80 : i32
      %add3A_35 = arith.addi %add3A_22, %add3A_34 : i32
      %dma_start3A_36 = tpu.memref_slice %arg4[%add3A_35] : memref<3932160xi32, #tpu.memory_space<hbm>> -> memref<80xi32, #tpu.memory_space<hbm>>
      %dma_start3A_37 = tpu.memref_slice %arg4[%add3A_35] : memref<3932160xi32, #tpu.memory_space<hbm>> -> memref<80xi32, #tpu.memory_space<hbm>>
      tpu.enqueue_dma source(%dma_start3A_37 : memref<80xi32, #tpu.memory_space<hbm>>) target(%arg12 : memref<80xi32, #tpu.memory_space<vmem>>) target_semaphore(%arg20 : memref<!tpu.dma_semaphore, #tpu.memory_space<semaphore_mem>>)
      %dma_wait3A = arith.constant 0 : i32
      %dma_wait3A_38 = tpu.memref_slice %arg3[%dma_wait3A] : memref<3932160xi32, #tpu.memory_space<hbm>> -> memref<80xi32, #tpu.memory_space<hbm>>
      %dma_wait3A_39 = arith.constant 0 : i32
      %dma_wait3A_40 = tpu.memref_slice %arg3[%dma_wait3A_39] : memref<3932160xi32, #tpu.memory_space<hbm>> -> memref<80xi32, #tpu.memory_space<hbm>>
      tpu.wait_dma2 semaphore(%arg19 : memref<!tpu.dma_semaphore, #tpu.memory_space<semaphore_mem>>) src(%dma_wait3A_40 : memref<80xi32, #tpu.memory_space<hbm>>) dst(%arg7 : memref<80xi32, #tpu.memory_space<vmem>>)
      %dma_wait3A_41 = arith.constant 0 : i32
      %dma_wait3A_42 = tpu.memref_slice %arg4[%dma_wait3A_41] : memref<3932160xi32, #tpu.memory_space<hbm>> -> memref<80xi32, #tpu.memory_space<hbm>>
      %dma_wait3A_43 = arith.constant 0 : i32
      %dma_wait3A_44 = tpu.memref_slice %arg4[%dma_wait3A_43] : memref<3932160xi32, #tpu.memory_space<hbm>> -> memref<80xi32, #tpu.memory_space<hbm>>
      tpu.wait_dma2 semaphore(%arg19 : memref<!tpu.dma_semaphore, #tpu.memory_space<semaphore_mem>>) src(%dma_wait3A_44 : memref<80xi32, #tpu.memory_space<hbm>>) dst(%arg11 : memref<80xi32, #tpu.memory_space<vmem>>)
      %dma_start3A_45 = arith.constant 0 : i32
      %dma_start3A_46 = arith.constant 0 : i32
      %dma_start3A_47 = tpu.memref_slice %arg2[%dma_start3A_45, %dma_start3A_46] : memref<122880x128xf32, #tpu.memory_space<hbm>> -> memref<122880x128xf32, #tpu.memory_space<hbm>>
      tpu.enqueue_indirect_dma source(%dma_start3A_47 : memref<122880x128xf32, #tpu.memory_space<hbm>>) target(%arg15 : memref<80x128xf32, #tpu.memory_space<vmem>>) offsets(%arg7 : memref<80xi32, #tpu.memory_space<vmem>>) semaphore(%arg23 : memref<!tpu.dma_semaphore, #tpu.memory_space<semaphore_mem>>)
      %scan3A_48 = arith.constant 0 : i32
      %scan3A_49 = arith.constant 0 : i32
      %scan3A_50 = arith.constant 58 : i32
      %scan3A_51 = arith.addi %scan3A_49, %scan3A_50 : i32
      %scan3A_52 = arith.constant 1 : i32
      scf.for %scan3A_65 = %scan3A_49 to %scan3A_51 step %scan3A_52  : i32 {
        %mul3A_66 = arith.constant 4 : i32
        %mul3A_67 = arith.muli %scan3A_65, %mul3A_66 : i32
        %add3A_68 = arith.constant 0 : i32
        %add3A_69 = arith.addi %mul3A_67, %add3A_68 : i32
        %lt3A = arith.cmpi slt, %add3A_69, %select_n3A : i32
        %convert_element_type3A = arith.extui %lt3A : i1 to i32
        %cond3A = arith.constant 0 : i32
        %cond3A_70 = arith.cmpi ne, %convert_element_type3A, %cond3A : i32
        scf.if %cond3A_70 {
          %dma_wait3A_184 = arith.constant 0 : i32
          %dma_wait3A_185 = arith.constant 0 : i32
          %dma_wait3A_186 = tpu.memref_slice %arg2[%dma_wait3A_184, %dma_wait3A_185] : memref<122880x128xf32, #tpu.memory_space<hbm>> -> memref<122880x128xf32, #tpu.memory_space<hbm>>
          tpu.wait_indirect_dma semaphore(%arg23 : memref<!tpu.dma_semaphore, #tpu.memory_space<semaphore_mem>>) src(%dma_wait3A_186 : memref<122880x128xf32, #tpu.memory_space<hbm>>) dst(%arg15 : memref<80x128xf32, #tpu.memory_space<vmem>>)
          %dma_start3A_187 = arith.constant 0 : i32
          %dma_start3A_188 = arith.constant 0 : i32
          %dma_start3A_189 = tpu.memref_slice %arg31[%dma_start3A_187, %dma_start3A_188] : memref<10112x128xf32, #tpu.memory_space<vmem_shared>> -> memref<10112x128xf32, #tpu.memory_space<vmem_shared>>
          tpu.enqueue_indirect_dma source(%arg15 : memref<80x128xf32, #tpu.memory_space<vmem>>) target(%dma_start3A_189 : memref<10112x128xf32, #tpu.memory_space<vmem_shared>>) offsets(%arg11 : memref<80xi32, #tpu.memory_space<vmem>>) semaphore(%arg27 : memref<!tpu.dma_semaphore, #tpu.memory_space<semaphore_mem>>) {add = true}
        } else {
        }
        %sub3A = arith.constant 2 : i32
        %sub3A_71 = arith.subi %add3A_69, %sub3A : i32
        %ge3A = arith.constant 0 : i32
        %ge3A_72 = arith.cmpi sge, %sub3A_71, %ge3A : i32
        %sub3A_73 = arith.constant 2 : i32
        %sub3A_74 = arith.subi %add3A_69, %sub3A_73 : i32
        %lt3A_75 = arith.cmpi slt, %sub3A_74, %select_n3A : i32
        %and3A = arith.andi %ge3A_72, %lt3A_75 : i1
        %convert_element_type3A_76 = arith.extui %and3A : i1 to i32
        %cond3A_77 = arith.constant 0 : i32
        %cond3A_78 = arith.cmpi ne, %convert_element_type3A_76, %cond3A_77 : i32
        scf.if %cond3A_78 {
          %dma_wait3A_184 = arith.constant 0 : i32
          %dma_wait3A_185 = arith.constant 0 : i32
          %dma_wait3A_186 = tpu.memref_slice %arg31[%dma_wait3A_184, %dma_wait3A_185] : memref<10112x128xf32, #tpu.memory_space<vmem_shared>> -> memref<10112x128xf32, #tpu.memory_space<vmem_shared>>
          tpu.wait_indirect_dma semaphore(%arg29 : memref<!tpu.dma_semaphore, #tpu.memory_space<semaphore_mem>>) src(%arg17 : memref<80x128xf32, #tpu.memory_space<vmem>>) dst(%dma_wait3A_186 : memref<10112x128xf32, #tpu.memory_space<vmem_shared>>)
        } else {
        }
        %add3A_79 = arith.constant 2 : i32
        %add3A_80 = arith.addi %add3A_69, %add3A_79 : i32
        %lt3A_81 = arith.cmpi slt, %add3A_80, %select_n3A : i32
        %convert_element_type3A_82 = arith.extui %lt3A_81 : i1 to i32
        %cond3A_83 = arith.constant 0 : i32
        %cond3A_84 = arith.cmpi ne, %convert_element_type3A_82, %cond3A_83 : i32
        scf.if %cond3A_84 {
          %add3A_184 = arith.constant 2 : i32
          %add3A_185 = arith.addi %add3A_69, %add3A_184 : i32
          %mul3A_186 = arith.constant 80 : i32
          %mul3A_187 = arith.muli %add3A_185, %mul3A_186 : i32
          %add3A_188 = arith.addi %add3A_22, %mul3A_187 : i32
          %dma_start3A_189 = tpu.memref_slice %arg3[%add3A_188] : memref<3932160xi32, #tpu.memory_space<hbm>> -> memref<80xi32, #tpu.memory_space<hbm>>
          %dma_start3A_190 = tpu.memref_slice %arg3[%add3A_188] : memref<3932160xi32, #tpu.memory_space<hbm>> -> memref<80xi32, #tpu.memory_space<hbm>>
          tpu.enqueue_dma source(%dma_start3A_190 : memref<80xi32, #tpu.memory_space<hbm>>) target(%arg9 : memref<80xi32, #tpu.memory_space<vmem>>) target_semaphore(%arg21 : memref<!tpu.dma_semaphore, #tpu.memory_space<semaphore_mem>>)
          %mul3A_191 = arith.constant 80 : i32
          %mul3A_192 = arith.muli %add3A_185, %mul3A_191 : i32
          %add3A_193 = arith.addi %add3A_22, %mul3A_192 : i32
          %dma_start3A_194 = tpu.memref_slice %arg4[%add3A_193] : memref<3932160xi32, #tpu.memory_space<hbm>> -> memref<80xi32, #tpu.memory_space<hbm>>
          %dma_start3A_195 = tpu.memref_slice %arg4[%add3A_193] : memref<3932160xi32, #tpu.memory_space<hbm>> -> memref<80xi32, #tpu.memory_space<hbm>>
          tpu.enqueue_dma source(%dma_start3A_195 : memref<80xi32, #tpu.memory_space<hbm>>) target(%arg13 : memref<80xi32, #tpu.memory_space<vmem>>) target_semaphore(%arg21 : memref<!tpu.dma_semaphore, #tpu.memory_space<semaphore_mem>>)
        } else {
        }
        %add3A_85 = arith.constant 1 : i32
        %add3A_86 = arith.addi %add3A_69, %add3A_85 : i32
        %lt3A_87 = arith.cmpi slt, %add3A_86, %select_n3A : i32
        %convert_element_type3A_88 = arith.extui %lt3A_87 : i1 to i32
        %cond3A_89 = arith.constant 0 : i32
        %cond3A_90 = arith.cmpi ne, %convert_element_type3A_88, %cond3A_89 : i32
        scf.if %cond3A_90 {
          %dma_wait3A_184 = arith.constant 0 : i32
          %dma_wait3A_185 = tpu.memref_slice %arg3[%dma_wait3A_184] : memref<3932160xi32, #tpu.memory_space<hbm>> -> memref<80xi32, #tpu.memory_space<hbm>>
          %dma_wait3A_186 = arith.constant 0 : i32
          %dma_wait3A_187 = tpu.memref_slice %arg3[%dma_wait3A_186] : memref<3932160xi32, #tpu.memory_space<hbm>> -> memref<80xi32, #tpu.memory_space<hbm>>
          tpu.wait_dma2 semaphore(%arg20 : memref<!tpu.dma_semaphore, #tpu.memory_space<semaphore_mem>>) src(%dma_wait3A_187 : memref<80xi32, #tpu.memory_space<hbm>>) dst(%arg8 : memref<80xi32, #tpu.memory_space<vmem>>)
          %dma_wait3A_188 = arith.constant 0 : i32
          %dma_wait3A_189 = tpu.memref_slice %arg4[%dma_wait3A_188] : memref<3932160xi32, #tpu.memory_space<hbm>> -> memref<80xi32, #tpu.memory_space<hbm>>
          %dma_wait3A_190 = arith.constant 0 : i32
          %dma_wait3A_191 = tpu.memref_slice %arg4[%dma_wait3A_190] : memref<3932160xi32, #tpu.memory_space<hbm>> -> memref<80xi32, #tpu.memory_space<hbm>>
          tpu.wait_dma2 semaphore(%arg20 : memref<!tpu.dma_semaphore, #tpu.memory_space<semaphore_mem>>) src(%dma_wait3A_191 : memref<80xi32, #tpu.memory_space<hbm>>) dst(%arg12 : memref<80xi32, #tpu.memory_space<vmem>>)
          %dma_start3A_192 = arith.constant 0 : i32
          %dma_start3A_193 = arith.constant 0 : i32
          %dma_start3A_194 = tpu.memref_slice %arg2[%dma_start3A_192, %dma_start3A_193] : memref<122880x128xf32, #tpu.memory_space<hbm>> -> memref<122880x128xf32, #tpu.memory_space<hbm>>
          tpu.enqueue_indirect_dma source(%dma_start3A_194 : memref<122880x128xf32, #tpu.memory_space<hbm>>) target(%arg16 : memref<80x128xf32, #tpu.memory_space<vmem>>) offsets(%arg8 : memref<80xi32, #tpu.memory_space<vmem>>) semaphore(%arg24 : memref<!tpu.dma_semaphore, #tpu.memory_space<semaphore_mem>>)
        } else {
        }
        %mul3A_91 = arith.constant 4 : i32
        %mul3A_92 = arith.muli %scan3A_65, %mul3A_91 : i32
        %add3A_93 = arith.constant 1 : i32
        %add3A_94 = arith.addi %mul3A_92, %add3A_93 : i32
        %lt3A_95 = arith.cmpi slt, %add3A_94, %select_n3A : i32
        %convert_element_type3A_96 = arith.extui %lt3A_95 : i1 to i32
        %cond3A_97 = arith.constant 0 : i32
        %cond3A_98 = arith.cmpi ne, %convert_element_type3A_96, %cond3A_97 : i32
        scf.if %cond3A_98 {
          %dma_wait3A_184 = arith.constant 0 : i32
          %dma_wait3A_185 = arith.constant 0 : i32
          %dma_wait3A_186 = tpu.memref_slice %arg2[%dma_wait3A_184, %dma_wait3A_185] : memref<122880x128xf32, #tpu.memory_space<hbm>> -> memref<122880x128xf32, #tpu.memory_space<hbm>>
          tpu.wait_indirect_dma semaphore(%arg24 : memref<!tpu.dma_semaphore, #tpu.memory_space<semaphore_mem>>) src(%dma_wait3A_186 : memref<122880x128xf32, #tpu.memory_space<hbm>>) dst(%arg16 : memref<80x128xf32, #tpu.memory_space<vmem>>)
          %dma_start3A_187 = arith.constant 0 : i32
          %dma_start3A_188 = arith.constant 0 : i32
          %dma_start3A_189 = tpu.memref_slice %arg31[%dma_start3A_187, %dma_start3A_188] : memref<10112x128xf32, #tpu.memory_space<vmem_shared>> -> memref<10112x128xf32, #tpu.memory_space<vmem_shared>>
          tpu.enqueue_indirect_dma source(%arg16 : memref<80x128xf32, #tpu.memory_space<vmem>>) target(%dma_start3A_189 : memref<10112x128xf32, #tpu.memory_space<vmem_shared>>) offsets(%arg12 : memref<80xi32, #tpu.memory_space<vmem>>) semaphore(%arg28 : memref<!tpu.dma_semaphore, #tpu.memory_space<semaphore_mem>>) {add = true}
        } else {
        }
        %sub3A_99 = arith.constant 2 : i32
        %sub3A_100 = arith.subi %add3A_94, %sub3A_99 : i32
        %ge3A_101 = arith.constant 0 : i32
        %ge3A_102 = arith.cmpi sge, %sub3A_100, %ge3A_101 : i32
        %sub3A_103 = arith.constant 2 : i32
        %sub3A_104 = arith.subi %add3A_94, %sub3A_103 : i32
        %lt3A_105 = arith.cmpi slt, %sub3A_104, %select_n3A : i32
        %and3A_106 = arith.andi %ge3A_102, %lt3A_105 : i1
        %convert_element_type3A_107 = arith.extui %and3A_106 : i1 to i32
        %cond3A_108 = arith.constant 0 : i32
        %cond3A_109 = arith.cmpi ne, %convert_element_type3A_107, %cond3A_108 : i32
        scf.if %cond3A_109 {
          %dma_wait3A_184 = arith.constant 0 : i32
          %dma_wait3A_185 = arith.constant 0 : i32
          %dma_wait3A_186 = tpu.memref_slice %arg31[%dma_wait3A_184, %dma_wait3A_185] : memref<10112x128xf32, #tpu.memory_space<vmem_shared>> -> memref<10112x128xf32, #tpu.memory_space<vmem_shared>>
          tpu.wait_indirect_dma semaphore(%arg30 : memref<!tpu.dma_semaphore, #tpu.memory_space<semaphore_mem>>) src(%arg18 : memref<80x128xf32, #tpu.memory_space<vmem>>) dst(%dma_wait3A_186 : memref<10112x128xf32, #tpu.memory_space<vmem_shared>>)
        } else {
        }
        %add3A_110 = arith.constant 2 : i32
        %add3A_111 = arith.addi %add3A_94, %add3A_110 : i32
        %lt3A_112 = arith.cmpi slt, %add3A_111, %select_n3A : i32
        %convert_element_type3A_113 = arith.extui %lt3A_112 : i1 to i32
        %cond3A_114 = arith.constant 0 : i32
        %cond3A_115 = arith.cmpi ne, %convert_element_type3A_113, %cond3A_114 : i32
        scf.if %cond3A_115 {
          %add3A_184 = arith.constant 2 : i32
          %add3A_185 = arith.addi %add3A_94, %add3A_184 : i32
          %mul3A_186 = arith.constant 80 : i32
          %mul3A_187 = arith.muli %add3A_185, %mul3A_186 : i32
          %add3A_188 = arith.addi %add3A_22, %mul3A_187 : i32
          %dma_start3A_189 = tpu.memref_slice %arg3[%add3A_188] : memref<3932160xi32, #tpu.memory_space<hbm>> -> memref<80xi32, #tpu.memory_space<hbm>>
          %dma_start3A_190 = tpu.memref_slice %arg3[%add3A_188] : memref<3932160xi32, #tpu.memory_space<hbm>> -> memref<80xi32, #tpu.memory_space<hbm>>
          tpu.enqueue_dma source(%dma_start3A_190 : memref<80xi32, #tpu.memory_space<hbm>>) target(%arg10 : memref<80xi32, #tpu.memory_space<vmem>>) target_semaphore(%arg22 : memref<!tpu.dma_semaphore, #tpu.memory_space<semaphore_mem>>)
          %mul3A_191 = arith.constant 80 : i32
          %mul3A_192 = arith.muli %add3A_185, %mul3A_191 : i32
          %add3A_193 = arith.addi %add3A_22, %mul3A_192 : i32
          %dma_start3A_194 = tpu.memref_slice %arg4[%add3A_193] : memref<3932160xi32, #tpu.memory_space<hbm>> -> memref<80xi32, #tpu.memory_space<hbm>>
          %dma_start3A_195 = tpu.memref_slice %arg4[%add3A_193] : memref<3932160xi32, #tpu.memory_space<hbm>> -> memref<80xi32, #tpu.memory_space<hbm>>
          tpu.enqueue_dma source(%dma_start3A_195 : memref<80xi32, #tpu.memory_space<hbm>>) target(%arg14 : memref<80xi32, #tpu.memory_space<vmem>>) target_semaphore(%arg22 : memref<!tpu.dma_semaphore, #tpu.memory_space<semaphore_mem>>)
        } else {
        }
        %add3A_116 = arith.constant 1 : i32
        %add3A_117 = arith.addi %add3A_94, %add3A_116 : i32
        %lt3A_118 = arith.cmpi slt, %add3A_117, %select_n3A : i32
        %convert_element_type3A_119 = arith.extui %lt3A_118 : i1 to i32
        %cond3A_120 = arith.constant 0 : i32
        %cond3A_121 = arith.cmpi ne, %convert_element_type3A_119, %cond3A_120 : i32
        scf.if %cond3A_121 {
          %dma_wait3A_184 = arith.constant 0 : i32
          %dma_wait3A_185 = tpu.memref_slice %arg3[%dma_wait3A_184] : memref<3932160xi32, #tpu.memory_space<hbm>> -> memref<80xi32, #tpu.memory_space<hbm>>
          %dma_wait3A_186 = arith.constant 0 : i32
          %dma_wait3A_187 = tpu.memref_slice %arg3[%dma_wait3A_186] : memref<3932160xi32, #tpu.memory_space<hbm>> -> memref<80xi32, #tpu.memory_space<hbm>>
          tpu.wait_dma2 semaphore(%arg21 : memref<!tpu.dma_semaphore, #tpu.memory_space<semaphore_mem>>) src(%dma_wait3A_187 : memref<80xi32, #tpu.memory_space<hbm>>) dst(%arg9 : memref<80xi32, #tpu.memory_space<vmem>>)
          %dma_wait3A_188 = arith.constant 0 : i32
          %dma_wait3A_189 = tpu.memref_slice %arg4[%dma_wait3A_188] : memref<3932160xi32, #tpu.memory_space<hbm>> -> memref<80xi32, #tpu.memory_space<hbm>>
          %dma_wait3A_190 = arith.constant 0 : i32
          %dma_wait3A_191 = tpu.memref_slice %arg4[%dma_wait3A_190] : memref<3932160xi32, #tpu.memory_space<hbm>> -> memref<80xi32, #tpu.memory_space<hbm>>
          tpu.wait_dma2 semaphore(%arg21 : memref<!tpu.dma_semaphore, #tpu.memory_space<semaphore_mem>>) src(%dma_wait3A_191 : memref<80xi32, #tpu.memory_space<hbm>>) dst(%arg13 : memref<80xi32, #tpu.memory_space<vmem>>)
          %dma_start3A_192 = arith.constant 0 : i32
          %dma_start3A_193 = arith.constant 0 : i32
          %dma_start3A_194 = tpu.memref_slice %arg2[%dma_start3A_192, %dma_start3A_193] : memref<122880x128xf32, #tpu.memory_space<hbm>> -> memref<122880x128xf32, #tpu.memory_space<hbm>>
          tpu.enqueue_indirect_dma source(%dma_start3A_194 : memref<122880x128xf32, #tpu.memory_space<hbm>>) target(%arg17 : memref<80x128xf32, #tpu.memory_space<vmem>>) offsets(%arg9 : memref<80xi32, #tpu.memory_space<vmem>>) semaphore(%arg25 : memref<!tpu.dma_semaphore, #tpu.memory_space<semaphore_mem>>)
        } else {
        }
        %mul3A_122 = arith.constant 4 : i32
        %mul3A_123 = arith.muli %scan3A_65, %mul3A_122 : i32
        %add3A_124 = arith.constant 2 : i32
        %add3A_125 = arith.addi %mul3A_123, %add3A_124 : i32
        %lt3A_126 = arith.cmpi slt, %add3A_125, %select_n3A : i32
        %convert_element_type3A_127 = arith.extui %lt3A_126 : i1 to i32
        %cond3A_128 = arith.constant 0 : i32
        %cond3A_129 = arith.cmpi ne, %convert_element_type3A_127, %cond3A_128 : i32
        scf.if %cond3A_129 {
          %dma_wait3A_184 = arith.constant 0 : i32
          %dma_wait3A_185 = arith.constant 0 : i32
          %dma_wait3A_186 = tpu.memref_slice %arg2[%dma_wait3A_184, %dma_wait3A_185] : memref<122880x128xf32, #tpu.memory_space<hbm>> -> memref<122880x128xf32, #tpu.memory_space<hbm>>
          tpu.wait_indirect_dma semaphore(%arg25 : memref<!tpu.dma_semaphore, #tpu.memory_space<semaphore_mem>>) src(%dma_wait3A_186 : memref<122880x128xf32, #tpu.memory_space<hbm>>) dst(%arg17 : memref<80x128xf32, #tpu.memory_space<vmem>>)
          %dma_start3A_187 = arith.constant 0 : i32
          %dma_start3A_188 = arith.constant 0 : i32
          %dma_start3A_189 = tpu.memref_slice %arg31[%dma_start3A_187, %dma_start3A_188] : memref<10112x128xf32, #tpu.memory_space<vmem_shared>> -> memref<10112x128xf32, #tpu.memory_space<vmem_shared>>
          tpu.enqueue_indirect_dma source(%arg17 : memref<80x128xf32, #tpu.memory_space<vmem>>) target(%dma_start3A_189 : memref<10112x128xf32, #tpu.memory_space<vmem_shared>>) offsets(%arg13 : memref<80xi32, #tpu.memory_space<vmem>>) semaphore(%arg29 : memref<!tpu.dma_semaphore, #tpu.memory_space<semaphore_mem>>) {add = true}
        } else {
        }
        %sub3A_130 = arith.constant 2 : i32
        %sub3A_131 = arith.subi %add3A_125, %sub3A_130 : i32
        %ge3A_132 = arith.constant 0 : i32
        %ge3A_133 = arith.cmpi sge, %sub3A_131, %ge3A_132 : i32
        %sub3A_134 = arith.constant 2 : i32
        %sub3A_135 = arith.subi %add3A_125, %sub3A_134 : i32
        %lt3A_136 = arith.cmpi slt, %sub3A_135, %select_n3A : i32
        %and3A_137 = arith.andi %ge3A_133, %lt3A_136 : i1
        %convert_element_type3A_138 = arith.extui %and3A_137 : i1 to i32
        %cond3A_139 = arith.constant 0 : i32
        %cond3A_140 = arith.cmpi ne, %convert_element_type3A_138, %cond3A_139 : i32
        scf.if %cond3A_140 {
          %dma_wait3A_184 = arith.constant 0 : i32
          %dma_wait3A_185 = arith.constant 0 : i32
          %dma_wait3A_186 = tpu.memref_slice %arg31[%dma_wait3A_184, %dma_wait3A_185] : memref<10112x128xf32, #tpu.memory_space<vmem_shared>> -> memref<10112x128xf32, #tpu.memory_space<vmem_shared>>
          tpu.wait_indirect_dma semaphore(%arg27 : memref<!tpu.dma_semaphore, #tpu.memory_space<semaphore_mem>>) src(%arg15 : memref<80x128xf32, #tpu.memory_space<vmem>>) dst(%dma_wait3A_186 : memref<10112x128xf32, #tpu.memory_space<vmem_shared>>)
        } else {
        }
        %add3A_141 = arith.constant 2 : i32
        %add3A_142 = arith.addi %add3A_125, %add3A_141 : i32
        %lt3A_143 = arith.cmpi slt, %add3A_142, %select_n3A : i32
        %convert_element_type3A_144 = arith.extui %lt3A_143 : i1 to i32
        %cond3A_145 = arith.constant 0 : i32
        %cond3A_146 = arith.cmpi ne, %convert_element_type3A_144, %cond3A_145 : i32
        scf.if %cond3A_146 {
          %add3A_184 = arith.constant 2 : i32
          %add3A_185 = arith.addi %add3A_125, %add3A_184 : i32
          %mul3A_186 = arith.constant 80 : i32
          %mul3A_187 = arith.muli %add3A_185, %mul3A_186 : i32
          %add3A_188 = arith.addi %add3A_22, %mul3A_187 : i32
          %dma_start3A_189 = tpu.memref_slice %arg3[%add3A_188] : memref<3932160xi32, #tpu.memory_space<hbm>> -> memref<80xi32, #tpu.memory_space<hbm>>
          %dma_start3A_190 = tpu.memref_slice %arg3[%add3A_188] : memref<3932160xi32, #tpu.memory_space<hbm>> -> memref<80xi32, #tpu.memory_space<hbm>>
          tpu.enqueue_dma source(%dma_start3A_190 : memref<80xi32, #tpu.memory_space<hbm>>) target(%arg7 : memref<80xi32, #tpu.memory_space<vmem>>) target_semaphore(%arg19 : memref<!tpu.dma_semaphore, #tpu.memory_space<semaphore_mem>>)
          %mul3A_191 = arith.constant 80 : i32
          %mul3A_192 = arith.muli %add3A_185, %mul3A_191 : i32
          %add3A_193 = arith.addi %add3A_22, %mul3A_192 : i32
          %dma_start3A_194 = tpu.memref_slice %arg4[%add3A_193] : memref<3932160xi32, #tpu.memory_space<hbm>> -> memref<80xi32, #tpu.memory_space<hbm>>
          %dma_start3A_195 = tpu.memref_slice %arg4[%add3A_193] : memref<3932160xi32, #tpu.memory_space<hbm>> -> memref<80xi32, #tpu.memory_space<hbm>>
          tpu.enqueue_dma source(%dma_start3A_195 : memref<80xi32, #tpu.memory_space<hbm>>) target(%arg11 : memref<80xi32, #tpu.memory_space<vmem>>) target_semaphore(%arg19 : memref<!tpu.dma_semaphore, #tpu.memory_space<semaphore_mem>>)
        } else {
        }
        %add3A_147 = arith.constant 1 : i32
        %add3A_148 = arith.addi %add3A_125, %add3A_147 : i32
        %lt3A_149 = arith.cmpi slt, %add3A_148, %select_n3A : i32
        %convert_element_type3A_150 = arith.extui %lt3A_149 : i1 to i32
        %cond3A_151 = arith.constant 0 : i32
        %cond3A_152 = arith.cmpi ne, %convert_element_type3A_150, %cond3A_151 : i32
        scf.if %cond3A_152 {
          %dma_wait3A_184 = arith.constant 0 : i32
          %dma_wait3A_185 = tpu.memref_slice %arg3[%dma_wait3A_184] : memref<3932160xi32, #tpu.memory_space<hbm>> -> memref<80xi32, #tpu.memory_space<hbm>>
          %dma_wait3A_186 = arith.constant 0 : i32
          %dma_wait3A_187 = tpu.memref_slice %arg3[%dma_wait3A_186] : memref<3932160xi32, #tpu.memory_space<hbm>> -> memref<80xi32, #tpu.memory_space<hbm>>
          tpu.wait_dma2 semaphore(%arg22 : memref<!tpu.dma_semaphore, #tpu.memory_space<semaphore_mem>>) src(%dma_wait3A_187 : memref<80xi32, #tpu.memory_space<hbm>>) dst(%arg10 : memref<80xi32, #tpu.memory_space<vmem>>)
          %dma_wait3A_188 = arith.constant 0 : i32
          %dma_wait3A_189 = tpu.memref_slice %arg4[%dma_wait3A_188] : memref<3932160xi32, #tpu.memory_space<hbm>> -> memref<80xi32, #tpu.memory_space<hbm>>
          %dma_wait3A_190 = arith.constant 0 : i32
          %dma_wait3A_191 = tpu.memref_slice %arg4[%dma_wait3A_190] : memref<3932160xi32, #tpu.memory_space<hbm>> -> memref<80xi32, #tpu.memory_space<hbm>>
          tpu.wait_dma2 semaphore(%arg22 : memref<!tpu.dma_semaphore, #tpu.memory_space<semaphore_mem>>) src(%dma_wait3A_191 : memref<80xi32, #tpu.memory_space<hbm>>) dst(%arg14 : memref<80xi32, #tpu.memory_space<vmem>>)
          %dma_start3A_192 = arith.constant 0 : i32
          %dma_start3A_193 = arith.constant 0 : i32
          %dma_start3A_194 = tpu.memref_slice %arg2[%dma_start3A_192, %dma_start3A_193] : memref<122880x128xf32, #tpu.memory_space<hbm>> -> memref<122880x128xf32, #tpu.memory_space<hbm>>
          tpu.enqueue_indirect_dma source(%dma_start3A_194 : memref<122880x128xf32, #tpu.memory_space<hbm>>) target(%arg18 : memref<80x128xf32, #tpu.memory_space<vmem>>) offsets(%arg10 : memref<80xi32, #tpu.memory_space<vmem>>) semaphore(%arg26 : memref<!tpu.dma_semaphore, #tpu.memory_space<semaphore_mem>>)
        } else {
        }
        %mul3A_153 = arith.constant 4 : i32
        %mul3A_154 = arith.muli %scan3A_65, %mul3A_153 : i32
        %add3A_155 = arith.constant 3 : i32
        %add3A_156 = arith.addi %mul3A_154, %add3A_155 : i32
        %lt3A_157 = arith.cmpi slt, %add3A_156, %select_n3A : i32
        %convert_element_type3A_158 = arith.extui %lt3A_157 : i1 to i32
        %cond3A_159 = arith.constant 0 : i32
        %cond3A_160 = arith.cmpi ne, %convert_element_type3A_158, %cond3A_159 : i32
        scf.if %cond3A_160 {
          %dma_wait3A_184 = arith.constant 0 : i32
          %dma_wait3A_185 = arith.constant 0 : i32
          %dma_wait3A_186 = tpu.memref_slice %arg2[%dma_wait3A_184, %dma_wait3A_185] : memref<122880x128xf32, #tpu.memory_space<hbm>> -> memref<122880x128xf32, #tpu.memory_space<hbm>>
          tpu.wait_indirect_dma semaphore(%arg26 : memref<!tpu.dma_semaphore, #tpu.memory_space<semaphore_mem>>) src(%dma_wait3A_186 : memref<122880x128xf32, #tpu.memory_space<hbm>>) dst(%arg18 : memref<80x128xf32, #tpu.memory_space<vmem>>)
          %dma_start3A_187 = arith.constant 0 : i32
          %dma_start3A_188 = arith.constant 0 : i32
          %dma_start3A_189 = tpu.memref_slice %arg31[%dma_start3A_187, %dma_start3A_188] : memref<10112x128xf32, #tpu.memory_space<vmem_shared>> -> memref<10112x128xf32, #tpu.memory_space<vmem_shared>>
          tpu.enqueue_indirect_dma source(%arg18 : memref<80x128xf32, #tpu.memory_space<vmem>>) target(%dma_start3A_189 : memref<10112x128xf32, #tpu.memory_space<vmem_shared>>) offsets(%arg14 : memref<80xi32, #tpu.memory_space<vmem>>) semaphore(%arg30 : memref<!tpu.dma_semaphore, #tpu.memory_space<semaphore_mem>>) {add = true}
        } else {
        }
        %sub3A_161 = arith.constant 2 : i32
        %sub3A_162 = arith.subi %add3A_156, %sub3A_161 : i32
        %ge3A_163 = arith.constant 0 : i32
        %ge3A_164 = arith.cmpi sge, %sub3A_162, %ge3A_163 : i32
        %sub3A_165 = arith.constant 2 : i32
        %sub3A_166 = arith.subi %add3A_156, %sub3A_165 : i32
        %lt3A_167 = arith.cmpi slt, %sub3A_166, %select_n3A : i32
        %and3A_168 = arith.andi %ge3A_164, %lt3A_167 : i1
        %convert_element_type3A_169 = arith.extui %and3A_168 : i1 to i32
        %cond3A_170 = arith.constant 0 : i32
        %cond3A_171 = arith.cmpi ne, %convert_element_type3A_169, %cond3A_170 : i32
        scf.if %cond3A_171 {
          %dma_wait3A_184 = arith.constant 0 : i32
          %dma_wait3A_185 = arith.constant 0 : i32
          %dma_wait3A_186 = tpu.memref_slice %arg31[%dma_wait3A_184, %dma_wait3A_185] : memref<10112x128xf32, #tpu.memory_space<vmem_shared>> -> memref<10112x128xf32, #tpu.memory_space<vmem_shared>>
          tpu.wait_indirect_dma semaphore(%arg28 : memref<!tpu.dma_semaphore, #tpu.memory_space<semaphore_mem>>) src(%arg16 : memref<80x128xf32, #tpu.memory_space<vmem>>) dst(%dma_wait3A_186 : memref<10112x128xf32, #tpu.memory_space<vmem_shared>>)
        } else {
        }
        %add3A_172 = arith.constant 2 : i32
        %add3A_173 = arith.addi %add3A_156, %add3A_172 : i32
        %lt3A_174 = arith.cmpi slt, %add3A_173, %select_n3A : i32
        %convert_element_type3A_175 = arith.extui %lt3A_174 : i1 to i32
        %cond3A_176 = arith.constant 0 : i32
        %cond3A_177 = arith.cmpi ne, %convert_element_type3A_175, %cond3A_176 : i32
        scf.if %cond3A_177 {
          %add3A_184 = arith.constant 2 : i32
          %add3A_185 = arith.addi %add3A_156, %add3A_184 : i32
          %mul3A_186 = arith.constant 80 : i32
          %mul3A_187 = arith.muli %add3A_185, %mul3A_186 : i32
          %add3A_188 = arith.addi %add3A_22, %mul3A_187 : i32
          %dma_start3A_189 = tpu.memref_slice %arg3[%add3A_188] : memref<3932160xi32, #tpu.memory_space<hbm>> -> memref<80xi32, #tpu.memory_space<hbm>>
          %dma_start3A_190 = tpu.memref_slice %arg3[%add3A_188] : memref<3932160xi32, #tpu.memory_space<hbm>> -> memref<80xi32, #tpu.memory_space<hbm>>
          tpu.enqueue_dma source(%dma_start3A_190 : memref<80xi32, #tpu.memory_space<hbm>>) target(%arg8 : memref<80xi32, #tpu.memory_space<vmem>>) target_semaphore(%arg20 : memref<!tpu.dma_semaphore, #tpu.memory_space<semaphore_mem>>)
          %mul3A_191 = arith.constant 80 : i32
          %mul3A_192 = arith.muli %add3A_185, %mul3A_191 : i32
          %add3A_193 = arith.addi %add3A_22, %mul3A_192 : i32
          %dma_start3A_194 = tpu.memref_slice %arg4[%add3A_193] : memref<3932160xi32, #tpu.memory_space<hbm>> -> memref<80xi32, #tpu.memory_space<hbm>>
          %dma_start3A_195 = tpu.memref_slice %arg4[%add3A_193] : memref<3932160xi32, #tpu.memory_space<hbm>> -> memref<80xi32, #tpu.memory_space<hbm>>
          tpu.enqueue_dma source(%dma_start3A_195 : memref<80xi32, #tpu.memory_space<hbm>>) target(%arg12 : memref<80xi32, #tpu.memory_space<vmem>>) target_semaphore(%arg20 : memref<!tpu.dma_semaphore, #tpu.memory_space<semaphore_mem>>)
        } else {
        }
        %add3A_178 = arith.constant 1 : i32
        %add3A_179 = arith.addi %add3A_156, %add3A_178 : i32
        %lt3A_180 = arith.cmpi slt, %add3A_179, %select_n3A : i32
        %convert_element_type3A_181 = arith.extui %lt3A_180 : i1 to i32
        %cond3A_182 = arith.constant 0 : i32
        %cond3A_183 = arith.cmpi ne, %convert_element_type3A_181, %cond3A_182 : i32
        scf.if %cond3A_183 {
          %dma_wait3A_184 = arith.constant 0 : i32
          %dma_wait3A_185 = tpu.memref_slice %arg3[%dma_wait3A_184] : memref<3932160xi32, #tpu.memory_space<hbm>> -> memref<80xi32, #tpu.memory_space<hbm>>
          %dma_wait3A_186 = arith.constant 0 : i32
          %dma_wait3A_187 = tpu.memref_slice %arg3[%dma_wait3A_186] : memref<3932160xi32, #tpu.memory_space<hbm>> -> memref<80xi32, #tpu.memory_space<hbm>>
          tpu.wait_dma2 semaphore(%arg19 : memref<!tpu.dma_semaphore, #tpu.memory_space<semaphore_mem>>) src(%dma_wait3A_187 : memref<80xi32, #tpu.memory_space<hbm>>) dst(%arg7 : memref<80xi32, #tpu.memory_space<vmem>>)
          %dma_wait3A_188 = arith.constant 0 : i32
          %dma_wait3A_189 = tpu.memref_slice %arg4[%dma_wait3A_188] : memref<3932160xi32, #tpu.memory_space<hbm>> -> memref<80xi32, #tpu.memory_space<hbm>>
          %dma_wait3A_190 = arith.constant 0 : i32
          %dma_wait3A_191 = tpu.memref_slice %arg4[%dma_wait3A_190] : memref<3932160xi32, #tpu.memory_space<hbm>> -> memref<80xi32, #tpu.memory_space<hbm>>
          tpu.wait_dma2 semaphore(%arg19 : memref<!tpu.dma_semaphore, #tpu.memory_space<semaphore_mem>>) src(%dma_wait3A_191 : memref<80xi32, #tpu.memory_space<hbm>>) dst(%arg11 : memref<80xi32, #tpu.memory_space<vmem>>)
          %dma_start3A_192 = arith.constant 0 : i32
          %dma_start3A_193 = arith.constant 0 : i32
          %dma_start3A_194 = tpu.memref_slice %arg2[%dma_start3A_192, %dma_start3A_193] : memref<122880x128xf32, #tpu.memory_space<hbm>> -> memref<122880x128xf32, #tpu.memory_space<hbm>>
          tpu.enqueue_indirect_dma source(%dma_start3A_194 : memref<122880x128xf32, #tpu.memory_space<hbm>>) target(%arg15 : memref<80x128xf32, #tpu.memory_space<vmem>>) offsets(%arg7 : memref<80xi32, #tpu.memory_space<vmem>>) semaphore(%arg23 : memref<!tpu.dma_semaphore, #tpu.memory_space<semaphore_mem>>)
        } else {
        }
      }
      %scan3A_53 = arith.constant 58 : i32
      %barrier3A_54 = arith.constant 0 : index
      tpu.barrier barrier_id(%barrier3A_54)
      %mul3A_55 = arith.constant 12 : i32
      %mul3A_56 = arith.muli %arg0, %mul3A_55 : i32
      %add3A_57 = arith.addi %mul3A_56, %scan3A_8 : i32
      %mul3A_58 = arith.constant 10240 : i32
      %mul3A_59 = arith.muli %add3A_57, %mul3A_58 : i32
      %mul3A_60 = arith.constant 632 : i32
      %mul3A_61 = arith.muli %arg1, %mul3A_60 : i32
      %add3A_62 = arith.addi %mul3A_59, %mul3A_61 : i32
      %mul3A_63 = arith.constant 632 : i32
      %mul3A_64 = arith.muli %arg1, %mul3A_63 : i32
      "tpu.region"() ({
        %run_scoped3A = tpu.sem_alloc : memref<!tpu.dma_semaphore, #tpu.memory_space<semaphore_mem>>
        %dma_start3A_65 = arith.constant 0 : i32
        %dma_start3A_66 = tpu.memref_slice %arg6[%add3A_62, %dma_start3A_65] : memref<245760x128xf32, #tpu.memory_space<hbm>> -> memref<632x128xf32, #tpu.memory_space<hbm>>
        %dma_start3A_67 = arith.constant 0 : i32
        %dma_start3A_68 = tpu.memref_slice %arg31[%mul3A_64, %dma_start3A_67] : memref<10112x128xf32, #tpu.memory_space<vmem_shared>> -> memref<632x128xf32, #tpu.memory_space<vmem_shared>>
        tpu.enqueue_dma source(%dma_start3A_68 : memref<632x128xf32, #tpu.memory_space<vmem_shared>>) target(%dma_start3A_66 : memref<632x128xf32, #tpu.memory_space<hbm>>) target_semaphore(%run_scoped3A : memref<!tpu.dma_semaphore, #tpu.memory_space<semaphore_mem>>)
        %dma_wait3A_69 = arith.constant 0 : i32
        %dma_wait3A_70 = tpu.memref_slice %arg6[%add3A_62, %dma_wait3A_69] : memref<245760x128xf32, #tpu.memory_space<hbm>> -> memref<632x128xf32, #tpu.memory_space<hbm>>
        %dma_wait3A_71 = arith.constant 0 : i32
        %dma_wait3A_72 = tpu.memref_slice %arg31[%mul3A_64, %dma_wait3A_71] : memref<10112x128xf32, #tpu.memory_space<vmem_shared>> -> memref<632x128xf32, #tpu.memory_space<vmem_shared>>
        tpu.wait_dma2 semaphore(%run_scoped3A : memref<!tpu.dma_semaphore, #tpu.memory_space<semaphore_mem>>) src(%dma_wait3A_72 : memref<632x128xf32, #tpu.memory_space<vmem_shared>>) dst(%dma_wait3A_70 : memref<632x128xf32, #tpu.memory_space<hbm>>)
        tpu.yield
      }) : () -> ()
    }
    %scan3A_7 = arith.constant 12 : i32
    return
  }
}

#map = affine_map<(d0, d1) -> (0, 0)>
module attributes {stable_mosaic.version = 14 : i64} {
  func.func @_deg_body(%arg0: i32, %arg1: i32, %arg2: memref<49152x80xi32, #tpu.memory_space<hbm>>, %arg3: memref<80x128xf32, #tpu.memory_space<hbm>>, %arg4: memref<632x128xf32, #tpu.memory_space<hbm>>, %arg5: memref<245760x128xf32, #tpu.memory_space<hbm>>, %arg6: memref<128x80xi32, #tpu.memory_space<vmem>>, %arg7: memref<80x128xf32, #tpu.memory_space<vmem>>, %arg8: memref<!tpu.dma_semaphore, #tpu.memory_space<semaphore_mem>>, %arg9: memref<10112x128xf32, #tpu.memory_space<vmem_shared>>) attributes {dimension_semantics = [#tpu.dimension_semantics<core_parallel>, #tpu.dimension_semantics<subcore_parallel>], iteration_bounds = array<i64: 2, 16>, scalar_prefetch = 0 : i64, scratch_operands = 4 : i64, tpu.core_type = #tpu.core_type<sc_vector_subcore>, window_params = [{transform_indices = #map}, {transform_indices = #map}, {transform_indices = #map}, {transform_indices = #map}]} {
    %mul3A = arith.constant 16 : i32
    %mul3A_0 = arith.muli %arg0, %mul3A : i32
    %add3A = arith.addi %mul3A_0, %arg1 : i32
    "tpu.region"() ({
      %run_scoped3A = tpu.sem_alloc : memref<!tpu.dma_semaphore, #tpu.memory_space<semaphore_mem>>
      tpu.enqueue_dma source(%arg3 : memref<80x128xf32, #tpu.memory_space<hbm>>) target(%arg7 : memref<80x128xf32, #tpu.memory_space<vmem>>) target_semaphore(%run_scoped3A : memref<!tpu.dma_semaphore, #tpu.memory_space<semaphore_mem>>)
      tpu.wait_dma2 semaphore(%run_scoped3A : memref<!tpu.dma_semaphore, #tpu.memory_space<semaphore_mem>>) src(%arg3 : memref<80x128xf32, #tpu.memory_space<hbm>>) dst(%arg7 : memref<80x128xf32, #tpu.memory_space<vmem>>)
      tpu.yield
    }) : () -> ()
    %scan3A = arith.constant 0 : i32
    %scan3A_1 = arith.constant 0 : i32
    %scan3A_2 = arith.constant 12 : i32
    %scan3A_3 = arith.addi %scan3A_1, %scan3A_2 : i32
    %scan3A_4 = arith.constant 1 : i32
    scf.for %scan3A_6 = %scan3A_1 to %scan3A_3 step %scan3A_4  : i32 {
      %mul3A_7 = arith.constant 632 : i32
      %mul3A_8 = arith.muli %arg1, %mul3A_7 : i32
      "tpu.region"() ({
        %run_scoped3A = tpu.sem_alloc : memref<!tpu.dma_semaphore, #tpu.memory_space<semaphore_mem>>
        %dma_start3A = arith.constant 0 : i32
        %dma_start3A_31 = tpu.memref_slice %arg9[%mul3A_8, %dma_start3A] : memref<10112x128xf32, #tpu.memory_space<vmem_shared>> -> memref<632x128xf32, #tpu.memory_space<vmem_shared>>
        tpu.enqueue_dma source(%arg4 : memref<632x128xf32, #tpu.memory_space<hbm>>) target(%dma_start3A_31 : memref<632x128xf32, #tpu.memory_space<vmem_shared>>) target_semaphore(%run_scoped3A : memref<!tpu.dma_semaphore, #tpu.memory_space<semaphore_mem>>)
        %dma_wait3A = arith.constant 0 : i32
        %dma_wait3A_32 = tpu.memref_slice %arg9[%mul3A_8, %dma_wait3A] : memref<10112x128xf32, #tpu.memory_space<vmem_shared>> -> memref<632x128xf32, #tpu.memory_space<vmem_shared>>
        tpu.wait_dma2 semaphore(%run_scoped3A : memref<!tpu.dma_semaphore, #tpu.memory_space<semaphore_mem>>) src(%arg4 : memref<632x128xf32, #tpu.memory_space<hbm>>) dst(%dma_wait3A_32 : memref<632x128xf32, #tpu.memory_space<vmem_shared>>)
        tpu.yield
      }) : () -> ()
      %barrier3A = arith.constant 0 : index
      tpu.barrier barrier_id(%barrier3A)
      %mul3A_9 = arith.constant 4096 : i32
      %mul3A_10 = arith.muli %scan3A_6, %mul3A_9 : i32
      %mul3A_11 = arith.constant 128 : i32
      %mul3A_12 = arith.muli %add3A, %mul3A_11 : i32
      %add3A_13 = arith.addi %mul3A_10, %mul3A_12 : i32
      "tpu.region"() ({
        %run_scoped3A = tpu.sem_alloc : memref<!tpu.dma_semaphore, #tpu.memory_space<semaphore_mem>>
        %dma_start3A = arith.constant 0 : i32
        %dma_start3A_31 = tpu.memref_slice %arg2[%add3A_13, %dma_start3A] : memref<49152x80xi32, #tpu.memory_space<hbm>> -> memref<128x80xi32, #tpu.memory_space<hbm>>
        %dma_start3A_32 = arith.constant 0 : i32
        %dma_start3A_33 = tpu.memref_slice %arg2[%add3A_13, %dma_start3A_32] : memref<49152x80xi32, #tpu.memory_space<hbm>> -> memref<128x80xi32, #tpu.memory_space<hbm>>
        tpu.enqueue_dma source(%dma_start3A_33 : memref<128x80xi32, #tpu.memory_space<hbm>>) target(%arg6 : memref<128x80xi32, #tpu.memory_space<vmem>>) target_semaphore(%run_scoped3A : memref<!tpu.dma_semaphore, #tpu.memory_space<semaphore_mem>>)
        %dma_wait3A = arith.constant 0 : i32
        %dma_wait3A_34 = tpu.memref_slice %arg2[%add3A_13, %dma_wait3A] : memref<49152x80xi32, #tpu.memory_space<hbm>> -> memref<128x80xi32, #tpu.memory_space<hbm>>
        %dma_wait3A_35 = arith.constant 0 : i32
        %dma_wait3A_36 = tpu.memref_slice %arg2[%add3A_13, %dma_wait3A_35] : memref<49152x80xi32, #tpu.memory_space<hbm>> -> memref<128x80xi32, #tpu.memory_space<hbm>>
        tpu.wait_dma2 semaphore(%run_scoped3A : memref<!tpu.dma_semaphore, #tpu.memory_space<semaphore_mem>>) src(%dma_wait3A_36 : memref<128x80xi32, #tpu.memory_space<hbm>>) dst(%arg6 : memref<128x80xi32, #tpu.memory_space<vmem>>)
        tpu.yield
      }) : () -> ()
      %scan3A_14 = arith.constant 0 : i32
      %scan3A_15 = arith.constant 0 : i32
      %scan3A_16 = arith.constant 16 : i32
      %scan3A_17 = arith.addi %scan3A_15, %scan3A_16 : i32
      %scan3A_18 = arith.constant 1 : i32
      scf.for %scan3A_31 = %scan3A_15 to %scan3A_17 step %scan3A_18  : i32 {
        %mul3A_32 = arith.constant 8 : i32
        %mul3A_33 = arith.muli %scan3A_31, %mul3A_32 : i32
        %add3A_34 = arith.constant 0 : i32
        %add3A_35 = arith.addi %mul3A_33, %add3A_34 : i32
        %dma_start3A = arith.constant 0 : i32
        %dma_start3A_36 = tpu.memref_slice %arg6[%add3A_35, %dma_start3A] : memref<128x80xi32, #tpu.memory_space<vmem>> -> memref<1x80xi32, #tpu.memory_space<vmem>>
        %dma_start3A_37 = tpu.memref_squeeze %dma_start3A_36 : memref<1x80xi32, #tpu.memory_space<vmem>> -> memref<80xi32, #tpu.memory_space<vmem>>
        %dma_start3A_38 = arith.constant 0 : i32
        %dma_start3A_39 = arith.constant 0 : i32
        %dma_start3A_40 = tpu.memref_slice %arg9[%dma_start3A_38, %dma_start3A_39] : memref<10112x128xf32, #tpu.memory_space<vmem_shared>> -> memref<10112x128xf32, #tpu.memory_space<vmem_shared>>
        tpu.enqueue_indirect_dma source(%arg7 : memref<80x128xf32, #tpu.memory_space<vmem>>) target(%dma_start3A_40 : memref<10112x128xf32, #tpu.memory_space<vmem_shared>>) offsets(%dma_start3A_37 : memref<80xi32, #tpu.memory_space<vmem>>) semaphore(%arg8 : memref<!tpu.dma_semaphore, #tpu.memory_space<semaphore_mem>>) {add = true}
        %mul3A_41 = arith.constant 8 : i32
        %mul3A_42 = arith.muli %scan3A_31, %mul3A_41 : i32
        %add3A_43 = arith.constant 1 : i32
        %add3A_44 = arith.addi %mul3A_42, %add3A_43 : i32
        %dma_start3A_45 = arith.constant 0 : i32
        %dma_start3A_46 = tpu.memref_slice %arg6[%add3A_44, %dma_start3A_45] : memref<128x80xi32, #tpu.memory_space<vmem>> -> memref<1x80xi32, #tpu.memory_space<vmem>>
        %dma_start3A_47 = tpu.memref_squeeze %dma_start3A_46 : memref<1x80xi32, #tpu.memory_space<vmem>> -> memref<80xi32, #tpu.memory_space<vmem>>
        %dma_start3A_48 = arith.constant 0 : i32
        %dma_start3A_49 = arith.constant 0 : i32
        %dma_start3A_50 = tpu.memref_slice %arg9[%dma_start3A_48, %dma_start3A_49] : memref<10112x128xf32, #tpu.memory_space<vmem_shared>> -> memref<10112x128xf32, #tpu.memory_space<vmem_shared>>
        tpu.enqueue_indirect_dma source(%arg7 : memref<80x128xf32, #tpu.memory_space<vmem>>) target(%dma_start3A_50 : memref<10112x128xf32, #tpu.memory_space<vmem_shared>>) offsets(%dma_start3A_47 : memref<80xi32, #tpu.memory_space<vmem>>) semaphore(%arg8 : memref<!tpu.dma_semaphore, #tpu.memory_space<semaphore_mem>>) {add = true}
        %mul3A_51 = arith.constant 8 : i32
        %mul3A_52 = arith.muli %scan3A_31, %mul3A_51 : i32
        %add3A_53 = arith.constant 2 : i32
        %add3A_54 = arith.addi %mul3A_52, %add3A_53 : i32
        %dma_start3A_55 = arith.constant 0 : i32
        %dma_start3A_56 = tpu.memref_slice %arg6[%add3A_54, %dma_start3A_55] : memref<128x80xi32, #tpu.memory_space<vmem>> -> memref<1x80xi32, #tpu.memory_space<vmem>>
        %dma_start3A_57 = tpu.memref_squeeze %dma_start3A_56 : memref<1x80xi32, #tpu.memory_space<vmem>> -> memref<80xi32, #tpu.memory_space<vmem>>
        %dma_start3A_58 = arith.constant 0 : i32
        %dma_start3A_59 = arith.constant 0 : i32
        %dma_start3A_60 = tpu.memref_slice %arg9[%dma_start3A_58, %dma_start3A_59] : memref<10112x128xf32, #tpu.memory_space<vmem_shared>> -> memref<10112x128xf32, #tpu.memory_space<vmem_shared>>
        tpu.enqueue_indirect_dma source(%arg7 : memref<80x128xf32, #tpu.memory_space<vmem>>) target(%dma_start3A_60 : memref<10112x128xf32, #tpu.memory_space<vmem_shared>>) offsets(%dma_start3A_57 : memref<80xi32, #tpu.memory_space<vmem>>) semaphore(%arg8 : memref<!tpu.dma_semaphore, #tpu.memory_space<semaphore_mem>>) {add = true}
        %mul3A_61 = arith.constant 8 : i32
        %mul3A_62 = arith.muli %scan3A_31, %mul3A_61 : i32
        %add3A_63 = arith.constant 3 : i32
        %add3A_64 = arith.addi %mul3A_62, %add3A_63 : i32
        %dma_start3A_65 = arith.constant 0 : i32
        %dma_start3A_66 = tpu.memref_slice %arg6[%add3A_64, %dma_start3A_65] : memref<128x80xi32, #tpu.memory_space<vmem>> -> memref<1x80xi32, #tpu.memory_space<vmem>>
        %dma_start3A_67 = tpu.memref_squeeze %dma_start3A_66 : memref<1x80xi32, #tpu.memory_space<vmem>> -> memref<80xi32, #tpu.memory_space<vmem>>
        %dma_start3A_68 = arith.constant 0 : i32
        %dma_start3A_69 = arith.constant 0 : i32
        %dma_start3A_70 = tpu.memref_slice %arg9[%dma_start3A_68, %dma_start3A_69] : memref<10112x128xf32, #tpu.memory_space<vmem_shared>> -> memref<10112x128xf32, #tpu.memory_space<vmem_shared>>
        tpu.enqueue_indirect_dma source(%arg7 : memref<80x128xf32, #tpu.memory_space<vmem>>) target(%dma_start3A_70 : memref<10112x128xf32, #tpu.memory_space<vmem_shared>>) offsets(%dma_start3A_67 : memref<80xi32, #tpu.memory_space<vmem>>) semaphore(%arg8 : memref<!tpu.dma_semaphore, #tpu.memory_space<semaphore_mem>>) {add = true}
        %mul3A_71 = arith.constant 8 : i32
        %mul3A_72 = arith.muli %scan3A_31, %mul3A_71 : i32
        %add3A_73 = arith.constant 4 : i32
        %add3A_74 = arith.addi %mul3A_72, %add3A_73 : i32
        %dma_start3A_75 = arith.constant 0 : i32
        %dma_start3A_76 = tpu.memref_slice %arg6[%add3A_74, %dma_start3A_75] : memref<128x80xi32, #tpu.memory_space<vmem>> -> memref<1x80xi32, #tpu.memory_space<vmem>>
        %dma_start3A_77 = tpu.memref_squeeze %dma_start3A_76 : memref<1x80xi32, #tpu.memory_space<vmem>> -> memref<80xi32, #tpu.memory_space<vmem>>
        %dma_start3A_78 = arith.constant 0 : i32
        %dma_start3A_79 = arith.constant 0 : i32
        %dma_start3A_80 = tpu.memref_slice %arg9[%dma_start3A_78, %dma_start3A_79] : memref<10112x128xf32, #tpu.memory_space<vmem_shared>> -> memref<10112x128xf32, #tpu.memory_space<vmem_shared>>
        tpu.enqueue_indirect_dma source(%arg7 : memref<80x128xf32, #tpu.memory_space<vmem>>) target(%dma_start3A_80 : memref<10112x128xf32, #tpu.memory_space<vmem_shared>>) offsets(%dma_start3A_77 : memref<80xi32, #tpu.memory_space<vmem>>) semaphore(%arg8 : memref<!tpu.dma_semaphore, #tpu.memory_space<semaphore_mem>>) {add = true}
        %mul3A_81 = arith.constant 8 : i32
        %mul3A_82 = arith.muli %scan3A_31, %mul3A_81 : i32
        %add3A_83 = arith.constant 5 : i32
        %add3A_84 = arith.addi %mul3A_82, %add3A_83 : i32
        %dma_start3A_85 = arith.constant 0 : i32
        %dma_start3A_86 = tpu.memref_slice %arg6[%add3A_84, %dma_start3A_85] : memref<128x80xi32, #tpu.memory_space<vmem>> -> memref<1x80xi32, #tpu.memory_space<vmem>>
        %dma_start3A_87 = tpu.memref_squeeze %dma_start3A_86 : memref<1x80xi32, #tpu.memory_space<vmem>> -> memref<80xi32, #tpu.memory_space<vmem>>
        %dma_start3A_88 = arith.constant 0 : i32
        %dma_start3A_89 = arith.constant 0 : i32
        %dma_start3A_90 = tpu.memref_slice %arg9[%dma_start3A_88, %dma_start3A_89] : memref<10112x128xf32, #tpu.memory_space<vmem_shared>> -> memref<10112x128xf32, #tpu.memory_space<vmem_shared>>
        tpu.enqueue_indirect_dma source(%arg7 : memref<80x128xf32, #tpu.memory_space<vmem>>) target(%dma_start3A_90 : memref<10112x128xf32, #tpu.memory_space<vmem_shared>>) offsets(%dma_start3A_87 : memref<80xi32, #tpu.memory_space<vmem>>) semaphore(%arg8 : memref<!tpu.dma_semaphore, #tpu.memory_space<semaphore_mem>>) {add = true}
        %mul3A_91 = arith.constant 8 : i32
        %mul3A_92 = arith.muli %scan3A_31, %mul3A_91 : i32
        %add3A_93 = arith.constant 6 : i32
        %add3A_94 = arith.addi %mul3A_92, %add3A_93 : i32
        %dma_start3A_95 = arith.constant 0 : i32
        %dma_start3A_96 = tpu.memref_slice %arg6[%add3A_94, %dma_start3A_95] : memref<128x80xi32, #tpu.memory_space<vmem>> -> memref<1x80xi32, #tpu.memory_space<vmem>>
        %dma_start3A_97 = tpu.memref_squeeze %dma_start3A_96 : memref<1x80xi32, #tpu.memory_space<vmem>> -> memref<80xi32, #tpu.memory_space<vmem>>
        %dma_start3A_98 = arith.constant 0 : i32
        %dma_start3A_99 = arith.constant 0 : i32
        %dma_start3A_100 = tpu.memref_slice %arg9[%dma_start3A_98, %dma_start3A_99] : memref<10112x128xf32, #tpu.memory_space<vmem_shared>> -> memref<10112x128xf32, #tpu.memory_space<vmem_shared>>
        tpu.enqueue_indirect_dma source(%arg7 : memref<80x128xf32, #tpu.memory_space<vmem>>) target(%dma_start3A_100 : memref<10112x128xf32, #tpu.memory_space<vmem_shared>>) offsets(%dma_start3A_97 : memref<80xi32, #tpu.memory_space<vmem>>) semaphore(%arg8 : memref<!tpu.dma_semaphore, #tpu.memory_space<semaphore_mem>>) {add = true}
        %mul3A_101 = arith.constant 8 : i32
        %mul3A_102 = arith.muli %scan3A_31, %mul3A_101 : i32
        %add3A_103 = arith.constant 7 : i32
        %add3A_104 = arith.addi %mul3A_102, %add3A_103 : i32
        %dma_start3A_105 = arith.constant 0 : i32
        %dma_start3A_106 = tpu.memref_slice %arg6[%add3A_104, %dma_start3A_105] : memref<128x80xi32, #tpu.memory_space<vmem>> -> memref<1x80xi32, #tpu.memory_space<vmem>>
        %dma_start3A_107 = tpu.memref_squeeze %dma_start3A_106 : memref<1x80xi32, #tpu.memory_space<vmem>> -> memref<80xi32, #tpu.memory_space<vmem>>
        %dma_start3A_108 = arith.constant 0 : i32
        %dma_start3A_109 = arith.constant 0 : i32
        %dma_start3A_110 = tpu.memref_slice %arg9[%dma_start3A_108, %dma_start3A_109] : memref<10112x128xf32, #tpu.memory_space<vmem_shared>> -> memref<10112x128xf32, #tpu.memory_space<vmem_shared>>
        tpu.enqueue_indirect_dma source(%arg7 : memref<80x128xf32, #tpu.memory_space<vmem>>) target(%dma_start3A_110 : memref<10112x128xf32, #tpu.memory_space<vmem_shared>>) offsets(%dma_start3A_107 : memref<80xi32, #tpu.memory_space<vmem>>) semaphore(%arg8 : memref<!tpu.dma_semaphore, #tpu.memory_space<semaphore_mem>>) {add = true}
        %dma_wait3A = arith.constant 0 : i32
        %dma_wait3A_111 = arith.constant 0 : i32
        %dma_wait3A_112 = tpu.memref_slice %arg6[%dma_wait3A, %dma_wait3A_111] : memref<128x80xi32, #tpu.memory_space<vmem>> -> memref<1x80xi32, #tpu.memory_space<vmem>>
        %dma_wait3A_113 = tpu.memref_squeeze %dma_wait3A_112 : memref<1x80xi32, #tpu.memory_space<vmem>> -> memref<80xi32, #tpu.memory_space<vmem>>
        %dma_wait3A_114 = arith.constant 0 : i32
        %dma_wait3A_115 = arith.constant 0 : i32
        %dma_wait3A_116 = tpu.memref_slice %arg9[%dma_wait3A_114, %dma_wait3A_115] : memref<10112x128xf32, #tpu.memory_space<vmem_shared>> -> memref<10112x128xf32, #tpu.memory_space<vmem_shared>>
        tpu.wait_indirect_dma semaphore(%arg8 : memref<!tpu.dma_semaphore, #tpu.memory_space<semaphore_mem>>) src(%arg7 : memref<80x128xf32, #tpu.memory_space<vmem>>) dst(%dma_wait3A_116 : memref<10112x128xf32, #tpu.memory_space<vmem_shared>>)
        %dma_wait3A_117 = arith.constant 0 : i32
        %dma_wait3A_118 = arith.constant 0 : i32
        %dma_wait3A_119 = tpu.memref_slice %arg6[%dma_wait3A_117, %dma_wait3A_118] : memref<128x80xi32, #tpu.memory_space<vmem>> -> memref<1x80xi32, #tpu.memory_space<vmem>>
        %dma_wait3A_120 = tpu.memref_squeeze %dma_wait3A_119 : memref<1x80xi32, #tpu.memory_space<vmem>> -> memref<80xi32, #tpu.memory_space<vmem>>
        %dma_wait3A_121 = arith.constant 0 : i32
        %dma_wait3A_122 = arith.constant 0 : i32
        %dma_wait3A_123 = tpu.memref_slice %arg9[%dma_wait3A_121, %dma_wait3A_122] : memref<10112x128xf32, #tpu.memory_space<vmem_shared>> -> memref<10112x128xf32, #tpu.memory_space<vmem_shared>>
        tpu.wait_indirect_dma semaphore(%arg8 : memref<!tpu.dma_semaphore, #tpu.memory_space<semaphore_mem>>) src(%arg7 : memref<80x128xf32, #tpu.memory_space<vmem>>) dst(%dma_wait3A_123 : memref<10112x128xf32, #tpu.memory_space<vmem_shared>>)
        %dma_wait3A_124 = arith.constant 0 : i32
        %dma_wait3A_125 = arith.constant 0 : i32
        %dma_wait3A_126 = tpu.memref_slice %arg6[%dma_wait3A_124, %dma_wait3A_125] : memref<128x80xi32, #tpu.memory_space<vmem>> -> memref<1x80xi32, #tpu.memory_space<vmem>>
        %dma_wait3A_127 = tpu.memref_squeeze %dma_wait3A_126 : memref<1x80xi32, #tpu.memory_space<vmem>> -> memref<80xi32, #tpu.memory_space<vmem>>
        %dma_wait3A_128 = arith.constant 0 : i32
        %dma_wait3A_129 = arith.constant 0 : i32
        %dma_wait3A_130 = tpu.memref_slice %arg9[%dma_wait3A_128, %dma_wait3A_129] : memref<10112x128xf32, #tpu.memory_space<vmem_shared>> -> memref<10112x128xf32, #tpu.memory_space<vmem_shared>>
        tpu.wait_indirect_dma semaphore(%arg8 : memref<!tpu.dma_semaphore, #tpu.memory_space<semaphore_mem>>) src(%arg7 : memref<80x128xf32, #tpu.memory_space<vmem>>) dst(%dma_wait3A_130 : memref<10112x128xf32, #tpu.memory_space<vmem_shared>>)
        %dma_wait3A_131 = arith.constant 0 : i32
        %dma_wait3A_132 = arith.constant 0 : i32
        %dma_wait3A_133 = tpu.memref_slice %arg6[%dma_wait3A_131, %dma_wait3A_132] : memref<128x80xi32, #tpu.memory_space<vmem>> -> memref<1x80xi32, #tpu.memory_space<vmem>>
        %dma_wait3A_134 = tpu.memref_squeeze %dma_wait3A_133 : memref<1x80xi32, #tpu.memory_space<vmem>> -> memref<80xi32, #tpu.memory_space<vmem>>
        %dma_wait3A_135 = arith.constant 0 : i32
        %dma_wait3A_136 = arith.constant 0 : i32
        %dma_wait3A_137 = tpu.memref_slice %arg9[%dma_wait3A_135, %dma_wait3A_136] : memref<10112x128xf32, #tpu.memory_space<vmem_shared>> -> memref<10112x128xf32, #tpu.memory_space<vmem_shared>>
        tpu.wait_indirect_dma semaphore(%arg8 : memref<!tpu.dma_semaphore, #tpu.memory_space<semaphore_mem>>) src(%arg7 : memref<80x128xf32, #tpu.memory_space<vmem>>) dst(%dma_wait3A_137 : memref<10112x128xf32, #tpu.memory_space<vmem_shared>>)
        %dma_wait3A_138 = arith.constant 0 : i32
        %dma_wait3A_139 = arith.constant 0 : i32
        %dma_wait3A_140 = tpu.memref_slice %arg6[%dma_wait3A_138, %dma_wait3A_139] : memref<128x80xi32, #tpu.memory_space<vmem>> -> memref<1x80xi32, #tpu.memory_space<vmem>>
        %dma_wait3A_141 = tpu.memref_squeeze %dma_wait3A_140 : memref<1x80xi32, #tpu.memory_space<vmem>> -> memref<80xi32, #tpu.memory_space<vmem>>
        %dma_wait3A_142 = arith.constant 0 : i32
        %dma_wait3A_143 = arith.constant 0 : i32
        %dma_wait3A_144 = tpu.memref_slice %arg9[%dma_wait3A_142, %dma_wait3A_143] : memref<10112x128xf32, #tpu.memory_space<vmem_shared>> -> memref<10112x128xf32, #tpu.memory_space<vmem_shared>>
        tpu.wait_indirect_dma semaphore(%arg8 : memref<!tpu.dma_semaphore, #tpu.memory_space<semaphore_mem>>) src(%arg7 : memref<80x128xf32, #tpu.memory_space<vmem>>) dst(%dma_wait3A_144 : memref<10112x128xf32, #tpu.memory_space<vmem_shared>>)
        %dma_wait3A_145 = arith.constant 0 : i32
        %dma_wait3A_146 = arith.constant 0 : i32
        %dma_wait3A_147 = tpu.memref_slice %arg6[%dma_wait3A_145, %dma_wait3A_146] : memref<128x80xi32, #tpu.memory_space<vmem>> -> memref<1x80xi32, #tpu.memory_space<vmem>>
        %dma_wait3A_148 = tpu.memref_squeeze %dma_wait3A_147 : memref<1x80xi32, #tpu.memory_space<vmem>> -> memref<80xi32, #tpu.memory_space<vmem>>
        %dma_wait3A_149 = arith.constant 0 : i32
        %dma_wait3A_150 = arith.constant 0 : i32
        %dma_wait3A_151 = tpu.memref_slice %arg9[%dma_wait3A_149, %dma_wait3A_150] : memref<10112x128xf32, #tpu.memory_space<vmem_shared>> -> memref<10112x128xf32, #tpu.memory_space<vmem_shared>>
        tpu.wait_indirect_dma semaphore(%arg8 : memref<!tpu.dma_semaphore, #tpu.memory_space<semaphore_mem>>) src(%arg7 : memref<80x128xf32, #tpu.memory_space<vmem>>) dst(%dma_wait3A_151 : memref<10112x128xf32, #tpu.memory_space<vmem_shared>>)
        %dma_wait3A_152 = arith.constant 0 : i32
        %dma_wait3A_153 = arith.constant 0 : i32
        %dma_wait3A_154 = tpu.memref_slice %arg6[%dma_wait3A_152, %dma_wait3A_153] : memref<128x80xi32, #tpu.memory_space<vmem>> -> memref<1x80xi32, #tpu.memory_space<vmem>>
        %dma_wait3A_155 = tpu.memref_squeeze %dma_wait3A_154 : memref<1x80xi32, #tpu.memory_space<vmem>> -> memref<80xi32, #tpu.memory_space<vmem>>
        %dma_wait3A_156 = arith.constant 0 : i32
        %dma_wait3A_157 = arith.constant 0 : i32
        %dma_wait3A_158 = tpu.memref_slice %arg9[%dma_wait3A_156, %dma_wait3A_157] : memref<10112x128xf32, #tpu.memory_space<vmem_shared>> -> memref<10112x128xf32, #tpu.memory_space<vmem_shared>>
        tpu.wait_indirect_dma semaphore(%arg8 : memref<!tpu.dma_semaphore, #tpu.memory_space<semaphore_mem>>) src(%arg7 : memref<80x128xf32, #tpu.memory_space<vmem>>) dst(%dma_wait3A_158 : memref<10112x128xf32, #tpu.memory_space<vmem_shared>>)
        %dma_wait3A_159 = arith.constant 0 : i32
        %dma_wait3A_160 = arith.constant 0 : i32
        %dma_wait3A_161 = tpu.memref_slice %arg6[%dma_wait3A_159, %dma_wait3A_160] : memref<128x80xi32, #tpu.memory_space<vmem>> -> memref<1x80xi32, #tpu.memory_space<vmem>>
        %dma_wait3A_162 = tpu.memref_squeeze %dma_wait3A_161 : memref<1x80xi32, #tpu.memory_space<vmem>> -> memref<80xi32, #tpu.memory_space<vmem>>
        %dma_wait3A_163 = arith.constant 0 : i32
        %dma_wait3A_164 = arith.constant 0 : i32
        %dma_wait3A_165 = tpu.memref_slice %arg9[%dma_wait3A_163, %dma_wait3A_164] : memref<10112x128xf32, #tpu.memory_space<vmem_shared>> -> memref<10112x128xf32, #tpu.memory_space<vmem_shared>>
        tpu.wait_indirect_dma semaphore(%arg8 : memref<!tpu.dma_semaphore, #tpu.memory_space<semaphore_mem>>) src(%arg7 : memref<80x128xf32, #tpu.memory_space<vmem>>) dst(%dma_wait3A_165 : memref<10112x128xf32, #tpu.memory_space<vmem_shared>>)
      }
      %scan3A_19 = arith.constant 16 : i32
      %barrier3A_20 = arith.constant 0 : index
      tpu.barrier barrier_id(%barrier3A_20)
      %mul3A_21 = arith.constant 12 : i32
      %mul3A_22 = arith.muli %arg0, %mul3A_21 : i32
      %add3A_23 = arith.addi %mul3A_22, %scan3A_6 : i32
      %mul3A_24 = arith.constant 10240 : i32
      %mul3A_25 = arith.muli %add3A_23, %mul3A_24 : i32
      %mul3A_26 = arith.constant 632 : i32
      %mul3A_27 = arith.muli %arg1, %mul3A_26 : i32
      %add3A_28 = arith.addi %mul3A_25, %mul3A_27 : i32
      %mul3A_29 = arith.constant 632 : i32
      %mul3A_30 = arith.muli %arg1, %mul3A_29 : i32
      "tpu.region"() ({
        %run_scoped3A = tpu.sem_alloc : memref<!tpu.dma_semaphore, #tpu.memory_space<semaphore_mem>>
        %dma_start3A = arith.constant 0 : i32
        %dma_start3A_31 = tpu.memref_slice %arg5[%add3A_28, %dma_start3A] : memref<245760x128xf32, #tpu.memory_space<hbm>> -> memref<632x128xf32, #tpu.memory_space<hbm>>
        %dma_start3A_32 = arith.constant 0 : i32
        %dma_start3A_33 = tpu.memref_slice %arg9[%mul3A_30, %dma_start3A_32] : memref<10112x128xf32, #tpu.memory_space<vmem_shared>> -> memref<632x128xf32, #tpu.memory_space<vmem_shared>>
        tpu.enqueue_dma source(%dma_start3A_33 : memref<632x128xf32, #tpu.memory_space<vmem_shared>>) target(%dma_start3A_31 : memref<632x128xf32, #tpu.memory_space<hbm>>) target_semaphore(%run_scoped3A : memref<!tpu.dma_semaphore, #tpu.memory_space<semaphore_mem>>)
        %dma_wait3A = arith.constant 0 : i32
        %dma_wait3A_34 = tpu.memref_slice %arg5[%add3A_28, %dma_wait3A] : memref<245760x128xf32, #tpu.memory_space<hbm>> -> memref<632x128xf32, #tpu.memory_space<hbm>>
        %dma_wait3A_35 = arith.constant 0 : i32
        %dma_wait3A_36 = tpu.memref_slice %arg9[%mul3A_30, %dma_wait3A_35] : memref<10112x128xf32, #tpu.memory_space<vmem_shared>> -> memref<632x128xf32, #tpu.memory_space<vmem_shared>>
        tpu.wait_dma2 semaphore(%run_scoped3A : memref<!tpu.dma_semaphore, #tpu.memory_space<semaphore_mem>>) src(%dma_wait3A_36 : memref<632x128xf32, #tpu.memory_space<vmem_shared>>) dst(%dma_wait3A_34 : memref<632x128xf32, #tpu.memory_space<hbm>>)
        tpu.yield
      }) : () -> ()
    }
    %scan3A_5 = arith.constant 12 : i32
    return
  }
}

#map = affine_map<(d0, d1) -> (0, 0)>
#map1 = affine_map<(d0, d1) -> (0)>
module attributes {stable_mosaic.version = 14 : i64} {
  func.func @_agg_body(%arg0: i32, %arg1: i32, %arg2: memref<122880x128xf32, #tpu.memory_space<hbm>>, %arg3: memref<3932160xi32, #tpu.memory_space<hbm>>, %arg4: memref<3932160xi32, #tpu.memory_space<hbm>>, %arg5: memref<632x128xf32, #tpu.memory_space<hbm>>, %arg6: memref<245760x128xf32, #tpu.memory_space<hbm>>, %arg7: memref<80xi32, #tpu.memory_space<vmem>>, %arg8: memref<80xi32, #tpu.memory_space<vmem>>, %arg9: memref<80xi32, #tpu.memory_space<vmem>>, %arg10: memref<80xi32, #tpu.memory_space<vmem>>, %arg11: memref<80xi32, #tpu.memory_space<vmem>>, %arg12: memref<80xi32, #tpu.memory_space<vmem>>, %arg13: memref<80xi32, #tpu.memory_space<vmem>>, %arg14: memref<80xi32, #tpu.memory_space<vmem>>, %arg15: memref<80x128xf32, #tpu.memory_space<vmem>>, %arg16: memref<80x128xf32, #tpu.memory_space<vmem>>, %arg17: memref<80x128xf32, #tpu.memory_space<vmem>>, %arg18: memref<80x128xf32, #tpu.memory_space<vmem>>, %arg19: memref<!tpu.dma_semaphore, #tpu.memory_space<semaphore_mem>>, %arg20: memref<!tpu.dma_semaphore, #tpu.memory_space<semaphore_mem>>, %arg21: memref<!tpu.dma_semaphore, #tpu.memory_space<semaphore_mem>>, %arg22: memref<!tpu.dma_semaphore, #tpu.memory_space<semaphore_mem>>, %arg23: memref<!tpu.dma_semaphore, #tpu.memory_space<semaphore_mem>>, %arg24: memref<!tpu.dma_semaphore, #tpu.memory_space<semaphore_mem>>, %arg25: memref<!tpu.dma_semaphore, #tpu.memory_space<semaphore_mem>>, %arg26: memref<!tpu.dma_semaphore, #tpu.memory_space<semaphore_mem>>, %arg27: memref<!tpu.dma_semaphore, #tpu.memory_space<semaphore_mem>>, %arg28: memref<!tpu.dma_semaphore, #tpu.memory_space<semaphore_mem>>, %arg29: memref<!tpu.dma_semaphore, #tpu.memory_space<semaphore_mem>>, %arg30: memref<!tpu.dma_semaphore, #tpu.memory_space<semaphore_mem>>, %arg31: memref<10112x128xf32, #tpu.memory_space<vmem_shared>>) attributes {dimension_semantics = [#tpu.dimension_semantics<core_parallel>, #tpu.dimension_semantics<subcore_parallel>], iteration_bounds = array<i64: 2, 16>, scalar_prefetch = 0 : i64, scratch_operands = 25 : i64, tpu.core_type = #tpu.core_type<sc_vector_subcore>, window_params = [{transform_indices = #map}, {transform_indices = #map1}, {transform_indices = #map1}, {transform_indices = #map}, {transform_indices = #map}]} {
    %mul3A = arith.constant 16 : i32
    %mul3A_0 = arith.muli %arg0, %mul3A : i32
    %add3A = arith.addi %mul3A_0, %arg1 : i32
    %eq3A = arith.constant 0 : i32
    %eq3A_1 = arith.cmpi eq, %arg0, %eq3A : i32
    %jit3A = arith.constant 228 : i32
    %jit3A_2 = arith.constant 28 : i32
    %select_n3A = arith.select %eq3A_1, %jit3A, %jit3A_2 : i32
    %scan3A = arith.constant 0 : i32
    %scan3A_3 = arith.constant 0 : i32
    %scan3A_4 = arith.constant 12 : i32
    %scan3A_5 = arith.addi %scan3A_3, %scan3A_4 : i32
    %scan3A_6 = arith.constant 1 : i32
    scf.for %scan3A_8 = %scan3A_3 to %scan3A_5 step %scan3A_6  : i32 {
      %mul3A_9 = arith.constant 632 : i32
      %mul3A_10 = arith.muli %arg1, %mul3A_9 : i32
      "tpu.region"() ({
        %run_scoped3A = tpu.sem_alloc : memref<!tpu.dma_semaphore, #tpu.memory_space<semaphore_mem>>
        %dma_start3A_65 = arith.constant 0 : i32
        %dma_start3A_66 = tpu.memref_slice %arg31[%mul3A_10, %dma_start3A_65] : memref<10112x128xf32, #tpu.memory_space<vmem_shared>> -> memref<632x128xf32, #tpu.memory_space<vmem_shared>>
        tpu.enqueue_dma source(%arg5 : memref<632x128xf32, #tpu.memory_space<hbm>>) target(%dma_start3A_66 : memref<632x128xf32, #tpu.memory_space<vmem_shared>>) target_semaphore(%run_scoped3A : memref<!tpu.dma_semaphore, #tpu.memory_space<semaphore_mem>>)
        %dma_wait3A_67 = arith.constant 0 : i32
        %dma_wait3A_68 = tpu.memref_slice %arg31[%mul3A_10, %dma_wait3A_67] : memref<10112x128xf32, #tpu.memory_space<vmem_shared>> -> memref<632x128xf32, #tpu.memory_space<vmem_shared>>
        tpu.wait_dma2 semaphore(%run_scoped3A : memref<!tpu.dma_semaphore, #tpu.memory_space<semaphore_mem>>) src(%arg5 : memref<632x128xf32, #tpu.memory_space<hbm>>) dst(%dma_wait3A_68 : memref<632x128xf32, #tpu.memory_space<vmem_shared>>)
        tpu.yield
      }) : () -> ()
      %barrier3A = arith.constant 0 : index
      tpu.barrier barrier_id(%barrier3A)
      %mul3A_11 = arith.constant 327680 : i32
      %mul3A_12 = arith.muli %scan3A_8, %mul3A_11 : i32
      %eq3A_13 = arith.constant 0 : i32
      %eq3A_14 = arith.cmpi eq, %arg0, %eq3A_13 : i32
      %mul3A_15 = arith.constant 18240 : i32
      %mul3A_16 = arith.muli %arg1, %mul3A_15 : i32
      %mul3A_17 = arith.constant 2240 : i32
      %mul3A_18 = arith.muli %arg1, %mul3A_17 : i32
      %add3A_19 = arith.constant 291840 : i32
      %add3A_20 = arith.addi %add3A_19, %mul3A_18 : i32
      %select_n3A_21 = arith.select %eq3A_14, %mul3A_16, %add3A_20 : i32
      %add3A_22 = arith.addi %mul3A_12, %select_n3A_21 : i32
      %add3A_23 = arith.constant 0 : i32
      %add3A_24 = arith.addi %add3A_22, %add3A_23 : i32
      %dma_start3A = tpu.memref_slice %arg3[%add3A_24] : memref<3932160xi32, #tpu.memory_space<hbm>> -> memref<80xi32, #tpu.memory_space<hbm>>
      %dma_start3A_25 = tpu.memref_slice %arg3[%add3A_24] : memref<3932160xi32, #tpu.memory_space<hbm>> -> memref<80xi32, #tpu.memory_space<hbm>>
      tpu.enqueue_dma source(%dma_start3A_25 : memref<80xi32, #tpu.memory_space<hbm>>) target(%arg7 : memref<80xi32, #tpu.memory_space<vmem>>) target_semaphore(%arg19 : memref<!tpu.dma_semaphore, #tpu.memory_space<semaphore_mem>>)
      %add3A_26 = arith.constant 0 : i32
      %add3A_27 = arith.addi %add3A_22, %add3A_26 : i32
      %dma_start3A_28 = tpu.memref_slice %arg4[%add3A_27] : memref<3932160xi32, #tpu.memory_space<hbm>> -> memref<80xi32, #tpu.memory_space<hbm>>
      %dma_start3A_29 = tpu.memref_slice %arg4[%add3A_27] : memref<3932160xi32, #tpu.memory_space<hbm>> -> memref<80xi32, #tpu.memory_space<hbm>>
      tpu.enqueue_dma source(%dma_start3A_29 : memref<80xi32, #tpu.memory_space<hbm>>) target(%arg11 : memref<80xi32, #tpu.memory_space<vmem>>) target_semaphore(%arg19 : memref<!tpu.dma_semaphore, #tpu.memory_space<semaphore_mem>>)
      %add3A_30 = arith.constant 80 : i32
      %add3A_31 = arith.addi %add3A_22, %add3A_30 : i32
      %dma_start3A_32 = tpu.memref_slice %arg3[%add3A_31] : memref<3932160xi32, #tpu.memory_space<hbm>> -> memref<80xi32, #tpu.memory_space<hbm>>
      %dma_start3A_33 = tpu.memref_slice %arg3[%add3A_31] : memref<3932160xi32, #tpu.memory_space<hbm>> -> memref<80xi32, #tpu.memory_space<hbm>>
      tpu.enqueue_dma source(%dma_start3A_33 : memref<80xi32, #tpu.memory_space<hbm>>) target(%arg8 : memref<80xi32, #tpu.memory_space<vmem>>) target_semaphore(%arg20 : memref<!tpu.dma_semaphore, #tpu.memory_space<semaphore_mem>>)
      %add3A_34 = arith.constant 80 : i32
      %add3A_35 = arith.addi %add3A_22, %add3A_34 : i32
      %dma_start3A_36 = tpu.memref_slice %arg4[%add3A_35] : memref<3932160xi32, #tpu.memory_space<hbm>> -> memref<80xi32, #tpu.memory_space<hbm>>
      %dma_start3A_37 = tpu.memref_slice %arg4[%add3A_35] : memref<3932160xi32, #tpu.memory_space<hbm>> -> memref<80xi32, #tpu.memory_space<hbm>>
      tpu.enqueue_dma source(%dma_start3A_37 : memref<80xi32, #tpu.memory_space<hbm>>) target(%arg12 : memref<80xi32, #tpu.memory_space<vmem>>) target_semaphore(%arg20 : memref<!tpu.dma_semaphore, #tpu.memory_space<semaphore_mem>>)
      %dma_wait3A = arith.constant 0 : i32
      %dma_wait3A_38 = tpu.memref_slice %arg3[%dma_wait3A] : memref<3932160xi32, #tpu.memory_space<hbm>> -> memref<80xi32, #tpu.memory_space<hbm>>
      %dma_wait3A_39 = arith.constant 0 : i32
      %dma_wait3A_40 = tpu.memref_slice %arg3[%dma_wait3A_39] : memref<3932160xi32, #tpu.memory_space<hbm>> -> memref<80xi32, #tpu.memory_space<hbm>>
      tpu.wait_dma2 semaphore(%arg19 : memref<!tpu.dma_semaphore, #tpu.memory_space<semaphore_mem>>) src(%dma_wait3A_40 : memref<80xi32, #tpu.memory_space<hbm>>) dst(%arg7 : memref<80xi32, #tpu.memory_space<vmem>>)
      %dma_wait3A_41 = arith.constant 0 : i32
      %dma_wait3A_42 = tpu.memref_slice %arg4[%dma_wait3A_41] : memref<3932160xi32, #tpu.memory_space<hbm>> -> memref<80xi32, #tpu.memory_space<hbm>>
      %dma_wait3A_43 = arith.constant 0 : i32
      %dma_wait3A_44 = tpu.memref_slice %arg4[%dma_wait3A_43] : memref<3932160xi32, #tpu.memory_space<hbm>> -> memref<80xi32, #tpu.memory_space<hbm>>
      tpu.wait_dma2 semaphore(%arg19 : memref<!tpu.dma_semaphore, #tpu.memory_space<semaphore_mem>>) src(%dma_wait3A_44 : memref<80xi32, #tpu.memory_space<hbm>>) dst(%arg11 : memref<80xi32, #tpu.memory_space<vmem>>)
      %dma_start3A_45 = arith.constant 0 : i32
      %dma_start3A_46 = arith.constant 0 : i32
      %dma_start3A_47 = tpu.memref_slice %arg2[%dma_start3A_45, %dma_start3A_46] : memref<122880x128xf32, #tpu.memory_space<hbm>> -> memref<122880x128xf32, #tpu.memory_space<hbm>>
      tpu.enqueue_indirect_dma source(%dma_start3A_47 : memref<122880x128xf32, #tpu.memory_space<hbm>>) target(%arg15 : memref<80x128xf32, #tpu.memory_space<vmem>>) offsets(%arg7 : memref<80xi32, #tpu.memory_space<vmem>>) semaphore(%arg23 : memref<!tpu.dma_semaphore, #tpu.memory_space<semaphore_mem>>)
      %scan3A_48 = arith.constant 0 : i32
      %scan3A_49 = arith.constant 0 : i32
      %scan3A_50 = arith.constant 58 : i32
      %scan3A_51 = arith.addi %scan3A_49, %scan3A_50 : i32
      %scan3A_52 = arith.constant 1 : i32
      scf.for %scan3A_65 = %scan3A_49 to %scan3A_51 step %scan3A_52  : i32 {
        %mul3A_66 = arith.constant 4 : i32
        %mul3A_67 = arith.muli %scan3A_65, %mul3A_66 : i32
        %add3A_68 = arith.constant 0 : i32
        %add3A_69 = arith.addi %mul3A_67, %add3A_68 : i32
        %lt3A = arith.cmpi slt, %add3A_69, %select_n3A : i32
        %convert_element_type3A = arith.extui %lt3A : i1 to i32
        %cond3A = arith.constant 0 : i32
        %cond3A_70 = arith.cmpi ne, %convert_element_type3A, %cond3A : i32
        scf.if %cond3A_70 {
          %dma_wait3A_184 = arith.constant 0 : i32
          %dma_wait3A_185 = arith.constant 0 : i32
          %dma_wait3A_186 = tpu.memref_slice %arg2[%dma_wait3A_184, %dma_wait3A_185] : memref<122880x128xf32, #tpu.memory_space<hbm>> -> memref<122880x128xf32, #tpu.memory_space<hbm>>
          tpu.wait_indirect_dma semaphore(%arg23 : memref<!tpu.dma_semaphore, #tpu.memory_space<semaphore_mem>>) src(%dma_wait3A_186 : memref<122880x128xf32, #tpu.memory_space<hbm>>) dst(%arg15 : memref<80x128xf32, #tpu.memory_space<vmem>>)
          %dma_start3A_187 = arith.constant 0 : i32
          %dma_start3A_188 = arith.constant 0 : i32
          %dma_start3A_189 = tpu.memref_slice %arg31[%dma_start3A_187, %dma_start3A_188] : memref<10112x128xf32, #tpu.memory_space<vmem_shared>> -> memref<10112x128xf32, #tpu.memory_space<vmem_shared>>
          tpu.enqueue_indirect_dma source(%arg15 : memref<80x128xf32, #tpu.memory_space<vmem>>) target(%dma_start3A_189 : memref<10112x128xf32, #tpu.memory_space<vmem_shared>>) offsets(%arg11 : memref<80xi32, #tpu.memory_space<vmem>>) semaphore(%arg27 : memref<!tpu.dma_semaphore, #tpu.memory_space<semaphore_mem>>) {add = true}
        } else {
        }
        %sub3A = arith.constant 2 : i32
        %sub3A_71 = arith.subi %add3A_69, %sub3A : i32
        %ge3A = arith.constant 0 : i32
        %ge3A_72 = arith.cmpi sge, %sub3A_71, %ge3A : i32
        %sub3A_73 = arith.constant 2 : i32
        %sub3A_74 = arith.subi %add3A_69, %sub3A_73 : i32
        %lt3A_75 = arith.cmpi slt, %sub3A_74, %select_n3A : i32
        %and3A = arith.andi %ge3A_72, %lt3A_75 : i1
        %convert_element_type3A_76 = arith.extui %and3A : i1 to i32
        %cond3A_77 = arith.constant 0 : i32
        %cond3A_78 = arith.cmpi ne, %convert_element_type3A_76, %cond3A_77 : i32
        scf.if %cond3A_78 {
          %dma_wait3A_184 = arith.constant 0 : i32
          %dma_wait3A_185 = arith.constant 0 : i32
          %dma_wait3A_186 = tpu.memref_slice %arg31[%dma_wait3A_184, %dma_wait3A_185] : memref<10112x128xf32, #tpu.memory_space<vmem_shared>> -> memref<10112x128xf32, #tpu.memory_space<vmem_shared>>
          tpu.wait_indirect_dma semaphore(%arg29 : memref<!tpu.dma_semaphore, #tpu.memory_space<semaphore_mem>>) src(%arg17 : memref<80x128xf32, #tpu.memory_space<vmem>>) dst(%dma_wait3A_186 : memref<10112x128xf32, #tpu.memory_space<vmem_shared>>)
        } else {
        }
        %add3A_79 = arith.constant 2 : i32
        %add3A_80 = arith.addi %add3A_69, %add3A_79 : i32
        %lt3A_81 = arith.cmpi slt, %add3A_80, %select_n3A : i32
        %convert_element_type3A_82 = arith.extui %lt3A_81 : i1 to i32
        %cond3A_83 = arith.constant 0 : i32
        %cond3A_84 = arith.cmpi ne, %convert_element_type3A_82, %cond3A_83 : i32
        scf.if %cond3A_84 {
          %add3A_184 = arith.constant 2 : i32
          %add3A_185 = arith.addi %add3A_69, %add3A_184 : i32
          %mul3A_186 = arith.constant 80 : i32
          %mul3A_187 = arith.muli %add3A_185, %mul3A_186 : i32
          %add3A_188 = arith.addi %add3A_22, %mul3A_187 : i32
          %dma_start3A_189 = tpu.memref_slice %arg3[%add3A_188] : memref<3932160xi32, #tpu.memory_space<hbm>> -> memref<80xi32, #tpu.memory_space<hbm>>
          %dma_start3A_190 = tpu.memref_slice %arg3[%add3A_188] : memref<3932160xi32, #tpu.memory_space<hbm>> -> memref<80xi32, #tpu.memory_space<hbm>>
          tpu.enqueue_dma source(%dma_start3A_190 : memref<80xi32, #tpu.memory_space<hbm>>) target(%arg9 : memref<80xi32, #tpu.memory_space<vmem>>) target_semaphore(%arg21 : memref<!tpu.dma_semaphore, #tpu.memory_space<semaphore_mem>>)
          %mul3A_191 = arith.constant 80 : i32
          %mul3A_192 = arith.muli %add3A_185, %mul3A_191 : i32
          %add3A_193 = arith.addi %add3A_22, %mul3A_192 : i32
          %dma_start3A_194 = tpu.memref_slice %arg4[%add3A_193] : memref<3932160xi32, #tpu.memory_space<hbm>> -> memref<80xi32, #tpu.memory_space<hbm>>
          %dma_start3A_195 = tpu.memref_slice %arg4[%add3A_193] : memref<3932160xi32, #tpu.memory_space<hbm>> -> memref<80xi32, #tpu.memory_space<hbm>>
          tpu.enqueue_dma source(%dma_start3A_195 : memref<80xi32, #tpu.memory_space<hbm>>) target(%arg13 : memref<80xi32, #tpu.memory_space<vmem>>) target_semaphore(%arg21 : memref<!tpu.dma_semaphore, #tpu.memory_space<semaphore_mem>>)
        } else {
        }
        %add3A_85 = arith.constant 1 : i32
        %add3A_86 = arith.addi %add3A_69, %add3A_85 : i32
        %lt3A_87 = arith.cmpi slt, %add3A_86, %select_n3A : i32
        %convert_element_type3A_88 = arith.extui %lt3A_87 : i1 to i32
        %cond3A_89 = arith.constant 0 : i32
        %cond3A_90 = arith.cmpi ne, %convert_element_type3A_88, %cond3A_89 : i32
        scf.if %cond3A_90 {
          %dma_wait3A_184 = arith.constant 0 : i32
          %dma_wait3A_185 = tpu.memref_slice %arg3[%dma_wait3A_184] : memref<3932160xi32, #tpu.memory_space<hbm>> -> memref<80xi32, #tpu.memory_space<hbm>>
          %dma_wait3A_186 = arith.constant 0 : i32
          %dma_wait3A_187 = tpu.memref_slice %arg3[%dma_wait3A_186] : memref<3932160xi32, #tpu.memory_space<hbm>> -> memref<80xi32, #tpu.memory_space<hbm>>
          tpu.wait_dma2 semaphore(%arg20 : memref<!tpu.dma_semaphore, #tpu.memory_space<semaphore_mem>>) src(%dma_wait3A_187 : memref<80xi32, #tpu.memory_space<hbm>>) dst(%arg8 : memref<80xi32, #tpu.memory_space<vmem>>)
          %dma_wait3A_188 = arith.constant 0 : i32
          %dma_wait3A_189 = tpu.memref_slice %arg4[%dma_wait3A_188] : memref<3932160xi32, #tpu.memory_space<hbm>> -> memref<80xi32, #tpu.memory_space<hbm>>
          %dma_wait3A_190 = arith.constant 0 : i32
          %dma_wait3A_191 = tpu.memref_slice %arg4[%dma_wait3A_190] : memref<3932160xi32, #tpu.memory_space<hbm>> -> memref<80xi32, #tpu.memory_space<hbm>>
          tpu.wait_dma2 semaphore(%arg20 : memref<!tpu.dma_semaphore, #tpu.memory_space<semaphore_mem>>) src(%dma_wait3A_191 : memref<80xi32, #tpu.memory_space<hbm>>) dst(%arg12 : memref<80xi32, #tpu.memory_space<vmem>>)
          %dma_start3A_192 = arith.constant 0 : i32
          %dma_start3A_193 = arith.constant 0 : i32
          %dma_start3A_194 = tpu.memref_slice %arg2[%dma_start3A_192, %dma_start3A_193] : memref<122880x128xf32, #tpu.memory_space<hbm>> -> memref<122880x128xf32, #tpu.memory_space<hbm>>
          tpu.enqueue_indirect_dma source(%dma_start3A_194 : memref<122880x128xf32, #tpu.memory_space<hbm>>) target(%arg16 : memref<80x128xf32, #tpu.memory_space<vmem>>) offsets(%arg8 : memref<80xi32, #tpu.memory_space<vmem>>) semaphore(%arg24 : memref<!tpu.dma_semaphore, #tpu.memory_space<semaphore_mem>>)
        } else {
        }
        %mul3A_91 = arith.constant 4 : i32
        %mul3A_92 = arith.muli %scan3A_65, %mul3A_91 : i32
        %add3A_93 = arith.constant 1 : i32
        %add3A_94 = arith.addi %mul3A_92, %add3A_93 : i32
        %lt3A_95 = arith.cmpi slt, %add3A_94, %select_n3A : i32
        %convert_element_type3A_96 = arith.extui %lt3A_95 : i1 to i32
        %cond3A_97 = arith.constant 0 : i32
        %cond3A_98 = arith.cmpi ne, %convert_element_type3A_96, %cond3A_97 : i32
        scf.if %cond3A_98 {
          %dma_wait3A_184 = arith.constant 0 : i32
          %dma_wait3A_185 = arith.constant 0 : i32
          %dma_wait3A_186 = tpu.memref_slice %arg2[%dma_wait3A_184, %dma_wait3A_185] : memref<122880x128xf32, #tpu.memory_space<hbm>> -> memref<122880x128xf32, #tpu.memory_space<hbm>>
          tpu.wait_indirect_dma semaphore(%arg24 : memref<!tpu.dma_semaphore, #tpu.memory_space<semaphore_mem>>) src(%dma_wait3A_186 : memref<122880x128xf32, #tpu.memory_space<hbm>>) dst(%arg16 : memref<80x128xf32, #tpu.memory_space<vmem>>)
          %dma_start3A_187 = arith.constant 0 : i32
          %dma_start3A_188 = arith.constant 0 : i32
          %dma_start3A_189 = tpu.memref_slice %arg31[%dma_start3A_187, %dma_start3A_188] : memref<10112x128xf32, #tpu.memory_space<vmem_shared>> -> memref<10112x128xf32, #tpu.memory_space<vmem_shared>>
          tpu.enqueue_indirect_dma source(%arg16 : memref<80x128xf32, #tpu.memory_space<vmem>>) target(%dma_start3A_189 : memref<10112x128xf32, #tpu.memory_space<vmem_shared>>) offsets(%arg12 : memref<80xi32, #tpu.memory_space<vmem>>) semaphore(%arg28 : memref<!tpu.dma_semaphore, #tpu.memory_space<semaphore_mem>>) {add = true}
        } else {
        }
        %sub3A_99 = arith.constant 2 : i32
        %sub3A_100 = arith.subi %add3A_94, %sub3A_99 : i32
        %ge3A_101 = arith.constant 0 : i32
        %ge3A_102 = arith.cmpi sge, %sub3A_100, %ge3A_101 : i32
        %sub3A_103 = arith.constant 2 : i32
        %sub3A_104 = arith.subi %add3A_94, %sub3A_103 : i32
        %lt3A_105 = arith.cmpi slt, %sub3A_104, %select_n3A : i32
        %and3A_106 = arith.andi %ge3A_102, %lt3A_105 : i1
        %convert_element_type3A_107 = arith.extui %and3A_106 : i1 to i32
        %cond3A_108 = arith.constant 0 : i32
        %cond3A_109 = arith.cmpi ne, %convert_element_type3A_107, %cond3A_108 : i32
        scf.if %cond3A_109 {
          %dma_wait3A_184 = arith.constant 0 : i32
          %dma_wait3A_185 = arith.constant 0 : i32
          %dma_wait3A_186 = tpu.memref_slice %arg31[%dma_wait3A_184, %dma_wait3A_185] : memref<10112x128xf32, #tpu.memory_space<vmem_shared>> -> memref<10112x128xf32, #tpu.memory_space<vmem_shared>>
          tpu.wait_indirect_dma semaphore(%arg30 : memref<!tpu.dma_semaphore, #tpu.memory_space<semaphore_mem>>) src(%arg18 : memref<80x128xf32, #tpu.memory_space<vmem>>) dst(%dma_wait3A_186 : memref<10112x128xf32, #tpu.memory_space<vmem_shared>>)
        } else {
        }
        %add3A_110 = arith.constant 2 : i32
        %add3A_111 = arith.addi %add3A_94, %add3A_110 : i32
        %lt3A_112 = arith.cmpi slt, %add3A_111, %select_n3A : i32
        %convert_element_type3A_113 = arith.extui %lt3A_112 : i1 to i32
        %cond3A_114 = arith.constant 0 : i32
        %cond3A_115 = arith.cmpi ne, %convert_element_type3A_113, %cond3A_114 : i32
        scf.if %cond3A_115 {
          %add3A_184 = arith.constant 2 : i32
          %add3A_185 = arith.addi %add3A_94, %add3A_184 : i32
          %mul3A_186 = arith.constant 80 : i32
          %mul3A_187 = arith.muli %add3A_185, %mul3A_186 : i32
          %add3A_188 = arith.addi %add3A_22, %mul3A_187 : i32
          %dma_start3A_189 = tpu.memref_slice %arg3[%add3A_188] : memref<3932160xi32, #tpu.memory_space<hbm>> -> memref<80xi32, #tpu.memory_space<hbm>>
          %dma_start3A_190 = tpu.memref_slice %arg3[%add3A_188] : memref<3932160xi32, #tpu.memory_space<hbm>> -> memref<80xi32, #tpu.memory_space<hbm>>
          tpu.enqueue_dma source(%dma_start3A_190 : memref<80xi32, #tpu.memory_space<hbm>>) target(%arg10 : memref<80xi32, #tpu.memory_space<vmem>>) target_semaphore(%arg22 : memref<!tpu.dma_semaphore, #tpu.memory_space<semaphore_mem>>)
          %mul3A_191 = arith.constant 80 : i32
          %mul3A_192 = arith.muli %add3A_185, %mul3A_191 : i32
          %add3A_193 = arith.addi %add3A_22, %mul3A_192 : i32
          %dma_start3A_194 = tpu.memref_slice %arg4[%add3A_193] : memref<3932160xi32, #tpu.memory_space<hbm>> -> memref<80xi32, #tpu.memory_space<hbm>>
          %dma_start3A_195 = tpu.memref_slice %arg4[%add3A_193] : memref<3932160xi32, #tpu.memory_space<hbm>> -> memref<80xi32, #tpu.memory_space<hbm>>
          tpu.enqueue_dma source(%dma_start3A_195 : memref<80xi32, #tpu.memory_space<hbm>>) target(%arg14 : memref<80xi32, #tpu.memory_space<vmem>>) target_semaphore(%arg22 : memref<!tpu.dma_semaphore, #tpu.memory_space<semaphore_mem>>)
        } else {
        }
        %add3A_116 = arith.constant 1 : i32
        %add3A_117 = arith.addi %add3A_94, %add3A_116 : i32
        %lt3A_118 = arith.cmpi slt, %add3A_117, %select_n3A : i32
        %convert_element_type3A_119 = arith.extui %lt3A_118 : i1 to i32
        %cond3A_120 = arith.constant 0 : i32
        %cond3A_121 = arith.cmpi ne, %convert_element_type3A_119, %cond3A_120 : i32
        scf.if %cond3A_121 {
          %dma_wait3A_184 = arith.constant 0 : i32
          %dma_wait3A_185 = tpu.memref_slice %arg3[%dma_wait3A_184] : memref<3932160xi32, #tpu.memory_space<hbm>> -> memref<80xi32, #tpu.memory_space<hbm>>
          %dma_wait3A_186 = arith.constant 0 : i32
          %dma_wait3A_187 = tpu.memref_slice %arg3[%dma_wait3A_186] : memref<3932160xi32, #tpu.memory_space<hbm>> -> memref<80xi32, #tpu.memory_space<hbm>>
          tpu.wait_dma2 semaphore(%arg21 : memref<!tpu.dma_semaphore, #tpu.memory_space<semaphore_mem>>) src(%dma_wait3A_187 : memref<80xi32, #tpu.memory_space<hbm>>) dst(%arg9 : memref<80xi32, #tpu.memory_space<vmem>>)
          %dma_wait3A_188 = arith.constant 0 : i32
          %dma_wait3A_189 = tpu.memref_slice %arg4[%dma_wait3A_188] : memref<3932160xi32, #tpu.memory_space<hbm>> -> memref<80xi32, #tpu.memory_space<hbm>>
          %dma_wait3A_190 = arith.constant 0 : i32
          %dma_wait3A_191 = tpu.memref_slice %arg4[%dma_wait3A_190] : memref<3932160xi32, #tpu.memory_space<hbm>> -> memref<80xi32, #tpu.memory_space<hbm>>
          tpu.wait_dma2 semaphore(%arg21 : memref<!tpu.dma_semaphore, #tpu.memory_space<semaphore_mem>>) src(%dma_wait3A_191 : memref<80xi32, #tpu.memory_space<hbm>>) dst(%arg13 : memref<80xi32, #tpu.memory_space<vmem>>)
          %dma_start3A_192 = arith.constant 0 : i32
          %dma_start3A_193 = arith.constant 0 : i32
          %dma_start3A_194 = tpu.memref_slice %arg2[%dma_start3A_192, %dma_start3A_193] : memref<122880x128xf32, #tpu.memory_space<hbm>> -> memref<122880x128xf32, #tpu.memory_space<hbm>>
          tpu.enqueue_indirect_dma source(%dma_start3A_194 : memref<122880x128xf32, #tpu.memory_space<hbm>>) target(%arg17 : memref<80x128xf32, #tpu.memory_space<vmem>>) offsets(%arg9 : memref<80xi32, #tpu.memory_space<vmem>>) semaphore(%arg25 : memref<!tpu.dma_semaphore, #tpu.memory_space<semaphore_mem>>)
        } else {
        }
        %mul3A_122 = arith.constant 4 : i32
        %mul3A_123 = arith.muli %scan3A_65, %mul3A_122 : i32
        %add3A_124 = arith.constant 2 : i32
        %add3A_125 = arith.addi %mul3A_123, %add3A_124 : i32
        %lt3A_126 = arith.cmpi slt, %add3A_125, %select_n3A : i32
        %convert_element_type3A_127 = arith.extui %lt3A_126 : i1 to i32
        %cond3A_128 = arith.constant 0 : i32
        %cond3A_129 = arith.cmpi ne, %convert_element_type3A_127, %cond3A_128 : i32
        scf.if %cond3A_129 {
          %dma_wait3A_184 = arith.constant 0 : i32
          %dma_wait3A_185 = arith.constant 0 : i32
          %dma_wait3A_186 = tpu.memref_slice %arg2[%dma_wait3A_184, %dma_wait3A_185] : memref<122880x128xf32, #tpu.memory_space<hbm>> -> memref<122880x128xf32, #tpu.memory_space<hbm>>
          tpu.wait_indirect_dma semaphore(%arg25 : memref<!tpu.dma_semaphore, #tpu.memory_space<semaphore_mem>>) src(%dma_wait3A_186 : memref<122880x128xf32, #tpu.memory_space<hbm>>) dst(%arg17 : memref<80x128xf32, #tpu.memory_space<vmem>>)
          %dma_start3A_187 = arith.constant 0 : i32
          %dma_start3A_188 = arith.constant 0 : i32
          %dma_start3A_189 = tpu.memref_slice %arg31[%dma_start3A_187, %dma_start3A_188] : memref<10112x128xf32, #tpu.memory_space<vmem_shared>> -> memref<10112x128xf32, #tpu.memory_space<vmem_shared>>
          tpu.enqueue_indirect_dma source(%arg17 : memref<80x128xf32, #tpu.memory_space<vmem>>) target(%dma_start3A_189 : memref<10112x128xf32, #tpu.memory_space<vmem_shared>>) offsets(%arg13 : memref<80xi32, #tpu.memory_space<vmem>>) semaphore(%arg29 : memref<!tpu.dma_semaphore, #tpu.memory_space<semaphore_mem>>) {add = true}
        } else {
        }
        %sub3A_130 = arith.constant 2 : i32
        %sub3A_131 = arith.subi %add3A_125, %sub3A_130 : i32
        %ge3A_132 = arith.constant 0 : i32
        %ge3A_133 = arith.cmpi sge, %sub3A_131, %ge3A_132 : i32
        %sub3A_134 = arith.constant 2 : i32
        %sub3A_135 = arith.subi %add3A_125, %sub3A_134 : i32
        %lt3A_136 = arith.cmpi slt, %sub3A_135, %select_n3A : i32
        %and3A_137 = arith.andi %ge3A_133, %lt3A_136 : i1
        %convert_element_type3A_138 = arith.extui %and3A_137 : i1 to i32
        %cond3A_139 = arith.constant 0 : i32
        %cond3A_140 = arith.cmpi ne, %convert_element_type3A_138, %cond3A_139 : i32
        scf.if %cond3A_140 {
          %dma_wait3A_184 = arith.constant 0 : i32
          %dma_wait3A_185 = arith.constant 0 : i32
          %dma_wait3A_186 = tpu.memref_slice %arg31[%dma_wait3A_184, %dma_wait3A_185] : memref<10112x128xf32, #tpu.memory_space<vmem_shared>> -> memref<10112x128xf32, #tpu.memory_space<vmem_shared>>
          tpu.wait_indirect_dma semaphore(%arg27 : memref<!tpu.dma_semaphore, #tpu.memory_space<semaphore_mem>>) src(%arg15 : memref<80x128xf32, #tpu.memory_space<vmem>>) dst(%dma_wait3A_186 : memref<10112x128xf32, #tpu.memory_space<vmem_shared>>)
        } else {
        }
        %add3A_141 = arith.constant 2 : i32
        %add3A_142 = arith.addi %add3A_125, %add3A_141 : i32
        %lt3A_143 = arith.cmpi slt, %add3A_142, %select_n3A : i32
        %convert_element_type3A_144 = arith.extui %lt3A_143 : i1 to i32
        %cond3A_145 = arith.constant 0 : i32
        %cond3A_146 = arith.cmpi ne, %convert_element_type3A_144, %cond3A_145 : i32
        scf.if %cond3A_146 {
          %add3A_184 = arith.constant 2 : i32
          %add3A_185 = arith.addi %add3A_125, %add3A_184 : i32
          %mul3A_186 = arith.constant 80 : i32
          %mul3A_187 = arith.muli %add3A_185, %mul3A_186 : i32
          %add3A_188 = arith.addi %add3A_22, %mul3A_187 : i32
          %dma_start3A_189 = tpu.memref_slice %arg3[%add3A_188] : memref<3932160xi32, #tpu.memory_space<hbm>> -> memref<80xi32, #tpu.memory_space<hbm>>
          %dma_start3A_190 = tpu.memref_slice %arg3[%add3A_188] : memref<3932160xi32, #tpu.memory_space<hbm>> -> memref<80xi32, #tpu.memory_space<hbm>>
          tpu.enqueue_dma source(%dma_start3A_190 : memref<80xi32, #tpu.memory_space<hbm>>) target(%arg7 : memref<80xi32, #tpu.memory_space<vmem>>) target_semaphore(%arg19 : memref<!tpu.dma_semaphore, #tpu.memory_space<semaphore_mem>>)
          %mul3A_191 = arith.constant 80 : i32
          %mul3A_192 = arith.muli %add3A_185, %mul3A_191 : i32
          %add3A_193 = arith.addi %add3A_22, %mul3A_192 : i32
          %dma_start3A_194 = tpu.memref_slice %arg4[%add3A_193] : memref<3932160xi32, #tpu.memory_space<hbm>> -> memref<80xi32, #tpu.memory_space<hbm>>
          %dma_start3A_195 = tpu.memref_slice %arg4[%add3A_193] : memref<3932160xi32, #tpu.memory_space<hbm>> -> memref<80xi32, #tpu.memory_space<hbm>>
          tpu.enqueue_dma source(%dma_start3A_195 : memref<80xi32, #tpu.memory_space<hbm>>) target(%arg11 : memref<80xi32, #tpu.memory_space<vmem>>) target_semaphore(%arg19 : memref<!tpu.dma_semaphore, #tpu.memory_space<semaphore_mem>>)
        } else {
        }
        %add3A_147 = arith.constant 1 : i32
        %add3A_148 = arith.addi %add3A_125, %add3A_147 : i32
        %lt3A_149 = arith.cmpi slt, %add3A_148, %select_n3A : i32
        %convert_element_type3A_150 = arith.extui %lt3A_149 : i1 to i32
        %cond3A_151 = arith.constant 0 : i32
        %cond3A_152 = arith.cmpi ne, %convert_element_type3A_150, %cond3A_151 : i32
        scf.if %cond3A_152 {
          %dma_wait3A_184 = arith.constant 0 : i32
          %dma_wait3A_185 = tpu.memref_slice %arg3[%dma_wait3A_184] : memref<3932160xi32, #tpu.memory_space<hbm>> -> memref<80xi32, #tpu.memory_space<hbm>>
          %dma_wait3A_186 = arith.constant 0 : i32
          %dma_wait3A_187 = tpu.memref_slice %arg3[%dma_wait3A_186] : memref<3932160xi32, #tpu.memory_space<hbm>> -> memref<80xi32, #tpu.memory_space<hbm>>
          tpu.wait_dma2 semaphore(%arg22 : memref<!tpu.dma_semaphore, #tpu.memory_space<semaphore_mem>>) src(%dma_wait3A_187 : memref<80xi32, #tpu.memory_space<hbm>>) dst(%arg10 : memref<80xi32, #tpu.memory_space<vmem>>)
          %dma_wait3A_188 = arith.constant 0 : i32
          %dma_wait3A_189 = tpu.memref_slice %arg4[%dma_wait3A_188] : memref<3932160xi32, #tpu.memory_space<hbm>> -> memref<80xi32, #tpu.memory_space<hbm>>
          %dma_wait3A_190 = arith.constant 0 : i32
          %dma_wait3A_191 = tpu.memref_slice %arg4[%dma_wait3A_190] : memref<3932160xi32, #tpu.memory_space<hbm>> -> memref<80xi32, #tpu.memory_space<hbm>>
          tpu.wait_dma2 semaphore(%arg22 : memref<!tpu.dma_semaphore, #tpu.memory_space<semaphore_mem>>) src(%dma_wait3A_191 : memref<80xi32, #tpu.memory_space<hbm>>) dst(%arg14 : memref<80xi32, #tpu.memory_space<vmem>>)
          %dma_start3A_192 = arith.constant 0 : i32
          %dma_start3A_193 = arith.constant 0 : i32
          %dma_start3A_194 = tpu.memref_slice %arg2[%dma_start3A_192, %dma_start3A_193] : memref<122880x128xf32, #tpu.memory_space<hbm>> -> memref<122880x128xf32, #tpu.memory_space<hbm>>
          tpu.enqueue_indirect_dma source(%dma_start3A_194 : memref<122880x128xf32, #tpu.memory_space<hbm>>) target(%arg18 : memref<80x128xf32, #tpu.memory_space<vmem>>) offsets(%arg10 : memref<80xi32, #tpu.memory_space<vmem>>) semaphore(%arg26 : memref<!tpu.dma_semaphore, #tpu.memory_space<semaphore_mem>>)
        } else {
        }
        %mul3A_153 = arith.constant 4 : i32
        %mul3A_154 = arith.muli %scan3A_65, %mul3A_153 : i32
        %add3A_155 = arith.constant 3 : i32
        %add3A_156 = arith.addi %mul3A_154, %add3A_155 : i32
        %lt3A_157 = arith.cmpi slt, %add3A_156, %select_n3A : i32
        %convert_element_type3A_158 = arith.extui %lt3A_157 : i1 to i32
        %cond3A_159 = arith.constant 0 : i32
        %cond3A_160 = arith.cmpi ne, %convert_element_type3A_158, %cond3A_159 : i32
        scf.if %cond3A_160 {
          %dma_wait3A_184 = arith.constant 0 : i32
          %dma_wait3A_185 = arith.constant 0 : i32
          %dma_wait3A_186 = tpu.memref_slice %arg2[%dma_wait3A_184, %dma_wait3A_185] : memref<122880x128xf32, #tpu.memory_space<hbm>> -> memref<122880x128xf32, #tpu.memory_space<hbm>>
          tpu.wait_indirect_dma semaphore(%arg26 : memref<!tpu.dma_semaphore, #tpu.memory_space<semaphore_mem>>) src(%dma_wait3A_186 : memref<122880x128xf32, #tpu.memory_space<hbm>>) dst(%arg18 : memref<80x128xf32, #tpu.memory_space<vmem>>)
          %dma_start3A_187 = arith.constant 0 : i32
          %dma_start3A_188 = arith.constant 0 : i32
          %dma_start3A_189 = tpu.memref_slice %arg31[%dma_start3A_187, %dma_start3A_188] : memref<10112x128xf32, #tpu.memory_space<vmem_shared>> -> memref<10112x128xf32, #tpu.memory_space<vmem_shared>>
          tpu.enqueue_indirect_dma source(%arg18 : memref<80x128xf32, #tpu.memory_space<vmem>>) target(%dma_start3A_189 : memref<10112x128xf32, #tpu.memory_space<vmem_shared>>) offsets(%arg14 : memref<80xi32, #tpu.memory_space<vmem>>) semaphore(%arg30 : memref<!tpu.dma_semaphore, #tpu.memory_space<semaphore_mem>>) {add = true}
        } else {
        }
        %sub3A_161 = arith.constant 2 : i32
        %sub3A_162 = arith.subi %add3A_156, %sub3A_161 : i32
        %ge3A_163 = arith.constant 0 : i32
        %ge3A_164 = arith.cmpi sge, %sub3A_162, %ge3A_163 : i32
        %sub3A_165 = arith.constant 2 : i32
        %sub3A_166 = arith.subi %add3A_156, %sub3A_165 : i32
        %lt3A_167 = arith.cmpi slt, %sub3A_166, %select_n3A : i32
        %and3A_168 = arith.andi %ge3A_164, %lt3A_167 : i1
        %convert_element_type3A_169 = arith.extui %and3A_168 : i1 to i32
        %cond3A_170 = arith.constant 0 : i32
        %cond3A_171 = arith.cmpi ne, %convert_element_type3A_169, %cond3A_170 : i32
        scf.if %cond3A_171 {
          %dma_wait3A_184 = arith.constant 0 : i32
          %dma_wait3A_185 = arith.constant 0 : i32
          %dma_wait3A_186 = tpu.memref_slice %arg31[%dma_wait3A_184, %dma_wait3A_185] : memref<10112x128xf32, #tpu.memory_space<vmem_shared>> -> memref<10112x128xf32, #tpu.memory_space<vmem_shared>>
          tpu.wait_indirect_dma semaphore(%arg28 : memref<!tpu.dma_semaphore, #tpu.memory_space<semaphore_mem>>) src(%arg16 : memref<80x128xf32, #tpu.memory_space<vmem>>) dst(%dma_wait3A_186 : memref<10112x128xf32, #tpu.memory_space<vmem_shared>>)
        } else {
        }
        %add3A_172 = arith.constant 2 : i32
        %add3A_173 = arith.addi %add3A_156, %add3A_172 : i32
        %lt3A_174 = arith.cmpi slt, %add3A_173, %select_n3A : i32
        %convert_element_type3A_175 = arith.extui %lt3A_174 : i1 to i32
        %cond3A_176 = arith.constant 0 : i32
        %cond3A_177 = arith.cmpi ne, %convert_element_type3A_175, %cond3A_176 : i32
        scf.if %cond3A_177 {
          %add3A_184 = arith.constant 2 : i32
          %add3A_185 = arith.addi %add3A_156, %add3A_184 : i32
          %mul3A_186 = arith.constant 80 : i32
          %mul3A_187 = arith.muli %add3A_185, %mul3A_186 : i32
          %add3A_188 = arith.addi %add3A_22, %mul3A_187 : i32
          %dma_start3A_189 = tpu.memref_slice %arg3[%add3A_188] : memref<3932160xi32, #tpu.memory_space<hbm>> -> memref<80xi32, #tpu.memory_space<hbm>>
          %dma_start3A_190 = tpu.memref_slice %arg3[%add3A_188] : memref<3932160xi32, #tpu.memory_space<hbm>> -> memref<80xi32, #tpu.memory_space<hbm>>
          tpu.enqueue_dma source(%dma_start3A_190 : memref<80xi32, #tpu.memory_space<hbm>>) target(%arg8 : memref<80xi32, #tpu.memory_space<vmem>>) target_semaphore(%arg20 : memref<!tpu.dma_semaphore, #tpu.memory_space<semaphore_mem>>)
          %mul3A_191 = arith.constant 80 : i32
          %mul3A_192 = arith.muli %add3A_185, %mul3A_191 : i32
          %add3A_193 = arith.addi %add3A_22, %mul3A_192 : i32
          %dma_start3A_194 = tpu.memref_slice %arg4[%add3A_193] : memref<3932160xi32, #tpu.memory_space<hbm>> -> memref<80xi32, #tpu.memory_space<hbm>>
          %dma_start3A_195 = tpu.memref_slice %arg4[%add3A_193] : memref<3932160xi32, #tpu.memory_space<hbm>> -> memref<80xi32, #tpu.memory_space<hbm>>
          tpu.enqueue_dma source(%dma_start3A_195 : memref<80xi32, #tpu.memory_space<hbm>>) target(%arg12 : memref<80xi32, #tpu.memory_space<vmem>>) target_semaphore(%arg20 : memref<!tpu.dma_semaphore, #tpu.memory_space<semaphore_mem>>)
        } else {
        }
        %add3A_178 = arith.constant 1 : i32
        %add3A_179 = arith.addi %add3A_156, %add3A_178 : i32
        %lt3A_180 = arith.cmpi slt, %add3A_179, %select_n3A : i32
        %convert_element_type3A_181 = arith.extui %lt3A_180 : i1 to i32
        %cond3A_182 = arith.constant 0 : i32
        %cond3A_183 = arith.cmpi ne, %convert_element_type3A_181, %cond3A_182 : i32
        scf.if %cond3A_183 {
          %dma_wait3A_184 = arith.constant 0 : i32
          %dma_wait3A_185 = tpu.memref_slice %arg3[%dma_wait3A_184] : memref<3932160xi32, #tpu.memory_space<hbm>> -> memref<80xi32, #tpu.memory_space<hbm>>
          %dma_wait3A_186 = arith.constant 0 : i32
          %dma_wait3A_187 = tpu.memref_slice %arg3[%dma_wait3A_186] : memref<3932160xi32, #tpu.memory_space<hbm>> -> memref<80xi32, #tpu.memory_space<hbm>>
          tpu.wait_dma2 semaphore(%arg19 : memref<!tpu.dma_semaphore, #tpu.memory_space<semaphore_mem>>) src(%dma_wait3A_187 : memref<80xi32, #tpu.memory_space<hbm>>) dst(%arg7 : memref<80xi32, #tpu.memory_space<vmem>>)
          %dma_wait3A_188 = arith.constant 0 : i32
          %dma_wait3A_189 = tpu.memref_slice %arg4[%dma_wait3A_188] : memref<3932160xi32, #tpu.memory_space<hbm>> -> memref<80xi32, #tpu.memory_space<hbm>>
          %dma_wait3A_190 = arith.constant 0 : i32
          %dma_wait3A_191 = tpu.memref_slice %arg4[%dma_wait3A_190] : memref<3932160xi32, #tpu.memory_space<hbm>> -> memref<80xi32, #tpu.memory_space<hbm>>
          tpu.wait_dma2 semaphore(%arg19 : memref<!tpu.dma_semaphore, #tpu.memory_space<semaphore_mem>>) src(%dma_wait3A_191 : memref<80xi32, #tpu.memory_space<hbm>>) dst(%arg11 : memref<80xi32, #tpu.memory_space<vmem>>)
          %dma_start3A_192 = arith.constant 0 : i32
          %dma_start3A_193 = arith.constant 0 : i32
          %dma_start3A_194 = tpu.memref_slice %arg2[%dma_start3A_192, %dma_start3A_193] : memref<122880x128xf32, #tpu.memory_space<hbm>> -> memref<122880x128xf32, #tpu.memory_space<hbm>>
          tpu.enqueue_indirect_dma source(%dma_start3A_194 : memref<122880x128xf32, #tpu.memory_space<hbm>>) target(%arg15 : memref<80x128xf32, #tpu.memory_space<vmem>>) offsets(%arg7 : memref<80xi32, #tpu.memory_space<vmem>>) semaphore(%arg23 : memref<!tpu.dma_semaphore, #tpu.memory_space<semaphore_mem>>)
        } else {
        }
      }
      %scan3A_53 = arith.constant 58 : i32
      %barrier3A_54 = arith.constant 0 : index
      tpu.barrier barrier_id(%barrier3A_54)
      %mul3A_55 = arith.constant 12 : i32
      %mul3A_56 = arith.muli %arg0, %mul3A_55 : i32
      %add3A_57 = arith.addi %mul3A_56, %scan3A_8 : i32
      %mul3A_58 = arith.constant 10240 : i32
      %mul3A_59 = arith.muli %add3A_57, %mul3A_58 : i32
      %mul3A_60 = arith.constant 632 : i32
      %mul3A_61 = arith.muli %arg1, %mul3A_60 : i32
      %add3A_62 = arith.addi %mul3A_59, %mul3A_61 : i32
      %mul3A_63 = arith.constant 632 : i32
      %mul3A_64 = arith.muli %arg1, %mul3A_63 : i32
      "tpu.region"() ({
        %run_scoped3A = tpu.sem_alloc : memref<!tpu.dma_semaphore, #tpu.memory_space<semaphore_mem>>
        %dma_start3A_65 = arith.constant 0 : i32
        %dma_start3A_66 = tpu.memref_slice %arg6[%add3A_62, %dma_start3A_65] : memref<245760x128xf32, #tpu.memory_space<hbm>> -> memref<632x128xf32, #tpu.memory_space<hbm>>
        %dma_start3A_67 = arith.constant 0 : i32
        %dma_start3A_68 = tpu.memref_slice %arg31[%mul3A_64, %dma_start3A_67] : memref<10112x128xf32, #tpu.memory_space<vmem_shared>> -> memref<632x128xf32, #tpu.memory_space<vmem_shared>>
        tpu.enqueue_dma source(%dma_start3A_68 : memref<632x128xf32, #tpu.memory_space<vmem_shared>>) target(%dma_start3A_66 : memref<632x128xf32, #tpu.memory_space<hbm>>) target_semaphore(%run_scoped3A : memref<!tpu.dma_semaphore, #tpu.memory_space<semaphore_mem>>)
        %dma_wait3A_69 = arith.constant 0 : i32
        %dma_wait3A_70 = tpu.memref_slice %arg6[%add3A_62, %dma_wait3A_69] : memref<245760x128xf32, #tpu.memory_space<hbm>> -> memref<632x128xf32, #tpu.memory_space<hbm>>
        %dma_wait3A_71 = arith.constant 0 : i32
        %dma_wait3A_72 = tpu.memref_slice %arg31[%mul3A_64, %dma_wait3A_71] : memref<10112x128xf32, #tpu.memory_space<vmem_shared>> -> memref<632x128xf32, #tpu.memory_space<vmem_shared>>
        tpu.wait_dma2 semaphore(%run_scoped3A : memref<!tpu.dma_semaphore, #tpu.memory_space<semaphore_mem>>) src(%dma_wait3A_72 : memref<632x128xf32, #tpu.memory_space<vmem_shared>>) dst(%dma_wait3A_70 : memref<632x128xf32, #tpu.memory_space<hbm>>)
        tpu.yield
      }) : () -> ()
    }
    %scan3A_7 = arith.constant 12 : i32
    return
  }
}

module attributes {stable_mosaic.version = 14 : i64} {
  func.func @_prep_body(%arg0: i32, %arg1: i32, %arg2: memref<1024x128xf32, #tpu.memory_space<vmem>>, %arg3: memref<1024x128xf32, #tpu.memory_space<vmem>>, %arg4: memref<1024x128xf32, #tpu.memory_space<vmem>>, %arg5: memref<1024x32xf32, #tpu.memory_space<vmem>>, %arg6: memref<1024x8xf32, #tpu.memory_space<vmem>>, %arg7: memref<1024x128xf32, #tpu.memory_space<vmem>>) attributes {dimension_semantics = [#tpu.dimension_semantics<arbitrary>, #tpu.dimension_semantics<arbitrary>], iteration_bounds = array<i64: 12, 10>, scalar_prefetch = 0 : i64, scratch_operands = 0 : i64, tpu.core_type = #tpu.core_type<tc>, window_params = [{transform_indices = @transform_0, window_bounds = array<i64: 1024, 128>}, {transform_indices = @transform_1, window_bounds = array<i64: 1024, 128>}, {transform_indices = @transform_2, window_bounds = array<i64: 1024, 128>}, {transform_indices = @transform_3, window_bounds = array<i64: 1024, 32>}, {transform_indices = @transform_4, window_bounds = array<i64: 1024, 8>}, {transform_indices = @transform_5, window_bounds = array<i64: 1024, 128>}]} {
    %get3A = arith.constant 0 : index
    %get3A_0 = arith.constant 0 : index
    %get3A_1 = vector.load %arg2[%get3A, %get3A_0] : memref<1024x128xf32, #tpu.memory_space<vmem>>, vector<1024x1xf32>
    %get3A_2 = arith.constant 0 : index
    %get3A_3 = arith.constant 0 : index
    %get3A_4 = vector.load %arg3[%get3A_2, %get3A_3] : memref<1024x128xf32, #tpu.memory_space<vmem>>, vector<1024x1xf32>
    %add3A = arith.addf %get3A_1, %get3A_4 : vector<1024x1xf32>
    %add3A_5 = arith.constant 1.000000e+00 : f32
    %add3A_6 = vector.broadcast %add3A_5 : f32 to vector<1024x1xf32>
    %add3A_7 = arith.addf %add3A, %add3A_6 : vector<1024x1xf32>
    %rsqrt3A = math.rsqrt %add3A_7 : vector<1024x1xf32>
    %broadcast_in_dim3A = vector.shape_cast %rsqrt3A : vector<1024x1xf32> to vector<1024x1xf32>
    %broadcast_in_dim3A_8 = vector.broadcast %broadcast_in_dim3A : vector<1024x1xf32> to vector<1024x8xf32>
    %swap3A = arith.constant 0 : index
    %swap3A_9 = arith.constant 0 : index
    %swap3A_10 = vector.load %arg6[%swap3A, %swap3A_9] : memref<1024x8xf32, #tpu.memory_space<vmem>>, vector<1024x8xf32>
    tpu.vector_store %arg6[%swap3A, %swap3A_9], %broadcast_in_dim3A_8 {strides = array<i32>} : memref<1024x8xf32, #tpu.memory_space<vmem>>, vector<1024x8xf32>,
    %get3A_11 = arith.constant 0 : index
    %get3A_12 = arith.constant 0 : index
    %get3A_13 = vector.load %arg4[%get3A_11, %get3A_12] : memref<1024x128xf32, #tpu.memory_space<vmem>>, vector<1024x96xf32>
    %get3A_14 = arith.constant 0 : index
    %get3A_15 = arith.constant 0 : index
    %get3A_16 = vector.load %arg5[%get3A_14, %get3A_15] : memref<1024x32xf32, #tpu.memory_space<vmem>>, vector<1024x32xf32>
    %concatenate3A = tpu.concatenate %get3A_13, %get3A_16 in 1 : vector<1024x96xf32>, vector<1024x32xf32> -> vector<1024x128xf32>
    %mul3A = vector.broadcast %rsqrt3A : vector<1024x1xf32> to vector<1024x128xf32>
    %mul3A_17 = arith.mulf %mul3A, %concatenate3A : vector<1024x128xf32>
    %swap3A_18 = arith.constant 0 : index
    %swap3A_19 = arith.constant 0 : index
    %swap3A_20 = vector.load %arg7[%swap3A_18, %swap3A_19] : memref<1024x128xf32, #tpu.memory_space<vmem>>, vector<1024x128xf32>
    tpu.vector_store %arg7[%swap3A_18, %swap3A_19], %mul3A_17 {strides = array<i32>} : memref<1024x128xf32, #tpu.memory_space<vmem>>, vector<1024x128xf32>,
    return
  }
  func.func @transform_0(%arg0: i32, %arg1: i32) -> (i32, i32) {
    %mul3A = arith.constant 10 : i32
    %mul3A_0 = arith.muli %arg0, %mul3A : i32
    %add3A = arith.addi %mul3A_0, %arg1 : i32
    %c0_i32 = arith.constant 0 : i32
    %c0_i32_1 = arith.constant 0 : i32
    return %add3A, %c0_i32 : i32, i32
  }
  func.func @transform_1(%arg0: i32, %arg1: i32) -> (i32, i32) {
    %add3A = arith.constant 12 : i32
    %add3A_0 = arith.addi %add3A, %arg0 : i32
    %mul3A = arith.constant 10 : i32
    %mul3A_1 = arith.muli %add3A_0, %mul3A : i32
    %add3A_2 = arith.addi %mul3A_1, %arg1 : i32
    %c0_i32 = arith.constant 0 : i32
    %c0_i32_3 = arith.constant 0 : i32
    return %add3A_2, %c0_i32 : i32, i32
  }
  func.func @transform_2(%arg0: i32, %arg1: i32) -> (i32, i32) {
    %mul3A = arith.constant 10 : i32
    %mul3A_0 = arith.muli %arg0, %mul3A : i32
    %add3A = arith.addi %mul3A_0, %arg1 : i32
    %c0_i32 = arith.constant 0 : i32
    %c0_i32_1 = arith.constant 0 : i32
    return %add3A, %c0_i32 : i32, i32
  }
  func.func @transform_3(%arg0: i32, %arg1: i32) -> (i32, i32) {
    %mul3A = arith.constant 10 : i32
    %mul3A_0 = arith.muli %arg0, %mul3A : i32
    %add3A = arith.addi %mul3A_0, %arg1 : i32
    %c0_i32 = arith.constant 0 : i32
    %c0_i32_1 = arith.constant 0 : i32
    return %add3A, %c0_i32 : i32, i32
  }
  func.func @transform_4(%arg0: i32, %arg1: i32) -> (i32, i32) {
    %mul3A = arith.constant 10 : i32
    %mul3A_0 = arith.muli %arg0, %mul3A : i32
    %add3A = arith.addi %mul3A_0, %arg1 : i32
    %c0_i32 = arith.constant 0 : i32
    %c0_i32_1 = arith.constant 0 : i32
    return %add3A, %c0_i32 : i32, i32
  }
  func.func @transform_5(%arg0: i32, %arg1: i32) -> (i32, i32) {
    %mul3A = arith.constant 10 : i32
    %mul3A_0 = arith.muli %arg0, %mul3A : i32
    %add3A = arith.addi %mul3A_0, %arg1 : i32
    %c0_i32 = arith.constant 0 : i32
    %c0_i32_1 = arith.constant 0 : i32
    return %add3A, %c0_i32 : i32, i32
  }
}

module attributes {stable_mosaic.version = 14 : i64} {
  func.func @_mid_body(%arg0: i32, %arg1: i32, %arg2: memref<1024x128xf32, #tpu.memory_space<vmem>>, %arg3: memref<1024x128xf32, #tpu.memory_space<vmem>>, %arg4: memref<1024x128xf32, #tpu.memory_space<vmem>>, %arg5: memref<1024x8xf32, #tpu.memory_space<vmem>>, %arg6: memref<1x128x256xf32, #tpu.memory_space<vmem>>, %arg7: memref<1x1x256xf32, #tpu.memory_space<vmem>>, %arg8: memref<1x256x128xf32, #tpu.memory_space<vmem>>, %arg9: memref<1024x128xf32, #tpu.memory_space<vmem>>) attributes {dimension_semantics = [#tpu.dimension_semantics<arbitrary>, #tpu.dimension_semantics<arbitrary>], iteration_bounds = array<i64: 12, 10>, scalar_prefetch = 0 : i64, scratch_operands = 0 : i64, tpu.core_type = #tpu.core_type<tc>, window_params = [{transform_indices = @transform_0, window_bounds = array<i64: 1024, 128>}, {transform_indices = @transform_1, window_bounds = array<i64: 1024, 128>}, {transform_indices = @transform_2, window_bounds = array<i64: 1024, 128>}, {transform_indices = @transform_3, window_bounds = array<i64: 1024, 8>}, {transform_indices = @transform_4, window_bounds = array<i64: 1, 128, 256>}, {transform_indices = @transform_5, window_bounds = array<i64: 1, 1, 256>}, {transform_indices = @transform_6, window_bounds = array<i64: 1, 256, 128>}, {transform_indices = @transform_7, window_bounds = array<i64: 1024, 128>}]} {
    %get3A = arith.constant 0 : index
    %get3A_0 = arith.constant 0 : index
    %get3A_1 = vector.load %arg5[%get3A, %get3A_0] : memref<1024x8xf32, #tpu.memory_space<vmem>>, vector<1024x1xf32>
    %get3A_2 = arith.constant 0 : index
    %get3A_3 = arith.constant 0 : index
    %get3A_4 = vector.load %arg2[%get3A_2, %get3A_3] : memref<1024x128xf32, #tpu.memory_space<vmem>>, vector<1024x128xf32>
    %get3A_5 = arith.constant 0 : index
    %get3A_6 = arith.constant 0 : index
    %get3A_7 = vector.load %arg3[%get3A_5, %get3A_6] : memref<1024x128xf32, #tpu.memory_space<vmem>>, vector<1024x128xf32>
    %add3A = arith.addf %get3A_4, %get3A_7 : vector<1024x128xf32>
    %get3A_8 = arith.constant 0 : index
    %get3A_9 = arith.constant 0 : index
    %get3A_10 = vector.load %arg4[%get3A_8, %get3A_9] : memref<1024x128xf32, #tpu.memory_space<vmem>>, vector<1024x128xf32>
    %add3A_11 = arith.addf %add3A, %get3A_10 : vector<1024x128xf32>
    %mul3A = vector.broadcast %get3A_1 : vector<1024x1xf32> to vector<1024x128xf32>
    %mul3A_12 = arith.mulf %mul3A, %add3A_11 : vector<1024x128xf32>
    %get3A_13 = arith.constant 0 : index
    %get3A_14 = arith.constant 0 : index
    %get3A_15 = arith.constant 0 : index
    %get3A_16 = vector.load %arg6[%get3A_13, %get3A_14, %get3A_15] : memref<1x128x256xf32, #tpu.memory_space<vmem>>, vector<1x128x256xf32>
    %get3A_17 = vector.shape_cast %get3A_16 : vector<1x128x256xf32> to vector<128x256xf32>
    %dot_general3A = arith.constant dense<0.000000e+00> : vector<1024x256xf32>
    %dot_general3A_18 = tpu.matmul %mul3A_12, %get3A_17, %dot_general3A {dimension_numbers = #tpu.dot_dimension_numbers<[1], [0], [0], [1], [0, 0, 1, 1], [], []>, transpose_lhs_hint = false} : vector<1024x128xf32>, vector<128x256xf32>, vector<1024x256xf32> -> vector<1024x256xf32>
    %get3A_19 = arith.constant 0 : index
    %get3A_20 = arith.constant 0 : index
    %get3A_21 = arith.constant 0 : index
    %get3A_22 = vector.load %arg7[%get3A_19, %get3A_20, %get3A_21] : memref<1x1x256xf32, #tpu.memory_space<vmem>>, vector<1x1x256xf32>
    %get3A_23 = vector.shape_cast %get3A_22 : vector<1x1x256xf32> to vector<1x256xf32>
    %add3A_24 = vector.broadcast %get3A_23 : vector<1x256xf32> to vector<1024x256xf32>
    %add3A_25 = arith.addf %dot_general3A_18, %add3A_24 : vector<1024x256xf32>
    %max3A = arith.constant 0.000000e+00 : f32
    %max3A_26 = vector.broadcast %max3A : f32 to vector<1024x256xf32>
    %max3A_27 = arith.maximumf %add3A_25, %max3A_26 : vector<1024x256xf32>
    %get3A_28 = arith.constant 0 : index
    %get3A_29 = arith.constant 0 : index
    %get3A_30 = arith.constant 0 : index
    %get3A_31 = vector.load %arg8[%get3A_28, %get3A_29, %get3A_30] : memref<1x256x128xf32, #tpu.memory_space<vmem>>, vector<1x256x128xf32>
    %get3A_32 = vector.shape_cast %get3A_31 : vector<1x256x128xf32> to vector<256x128xf32>
    %dot_general3A_33 = arith.constant dense<0.000000e+00> : vector<1024x128xf32>
    %dot_general3A_34 = tpu.matmul %max3A_27, %get3A_32, %dot_general3A_33 {dimension_numbers = #tpu.dot_dimension_numbers<[1], [0], [0], [1], [0, 0, 1, 1], [], []>, transpose_lhs_hint = false} : vector<1024x256xf32>, vector<256x128xf32>, vector<1024x128xf32> -> vector<1024x128xf32>
    %mul3A_35 = vector.broadcast %get3A_1 : vector<1024x1xf32> to vector<1024x128xf32>
    %mul3A_36 = arith.mulf %mul3A_35, %dot_general3A_34 : vector<1024x128xf32>
    %swap3A = arith.constant 0 : index
    %swap3A_37 = arith.constant 0 : index
    %swap3A_38 = vector.load %arg9[%swap3A, %swap3A_37] : memref<1024x128xf32, #tpu.memory_space<vmem>>, vector<1024x128xf32>
    tpu.vector_store %arg9[%swap3A, %swap3A_37], %mul3A_36 {strides = array<i32>} : memref<1024x128xf32, #tpu.memory_space<vmem>>, vector<1024x128xf32>,
    return
  }
  func.func @transform_0(%arg0: i32, %arg1: i32) -> (i32, i32) {
    %mul3A = arith.constant 10 : i32
    %mul3A_0 = arith.muli %arg0, %mul3A : i32
    %add3A = arith.addi %mul3A_0, %arg1 : i32
    %c0_i32 = arith.constant 0 : i32
    %c0_i32_1 = arith.constant 0 : i32
    return %add3A, %c0_i32 : i32, i32
  }
  func.func @transform_1(%arg0: i32, %arg1: i32) -> (i32, i32) {
    %add3A = arith.constant 12 : i32
    %add3A_0 = arith.addi %add3A, %arg0 : i32
    %mul3A = arith.constant 10 : i32
    %mul3A_1 = arith.muli %add3A_0, %mul3A : i32
    %add3A_2 = arith.addi %mul3A_1, %arg1 : i32
    %c0_i32 = arith.constant 0 : i32
    %c0_i32_3 = arith.constant 0 : i32
    return %add3A_2, %c0_i32 : i32, i32
  }
  func.func @transform_2(%arg0: i32, %arg1: i32) -> (i32, i32) {
    %mul3A = arith.constant 10 : i32
    %mul3A_0 = arith.muli %arg0, %mul3A : i32
    %add3A = arith.addi %mul3A_0, %arg1 : i32
    %c0_i32 = arith.constant 0 : i32
    %c0_i32_1 = arith.constant 0 : i32
    return %add3A, %c0_i32 : i32, i32
  }
  func.func @transform_3(%arg0: i32, %arg1: i32) -> (i32, i32) {
    %mul3A = arith.constant 10 : i32
    %mul3A_0 = arith.muli %arg0, %mul3A : i32
    %add3A = arith.addi %mul3A_0, %arg1 : i32
    %c0_i32 = arith.constant 0 : i32
    %c0_i32_1 = arith.constant 0 : i32
    return %add3A, %c0_i32 : i32, i32
  }
  func.func @transform_4(%arg0: i32, %arg1: i32) -> (i32, i32, i32) {
    %c0_i32 = arith.constant 0 : i32
    %c0_i32_0 = arith.constant 0 : i32
    %c0_i32_1 = arith.constant 0 : i32
    return %arg0, %c0_i32, %c0_i32_0 : i32, i32, i32
  }
  func.func @transform_5(%arg0: i32, %arg1: i32) -> (i32, i32, i32) {
    %c0_i32 = arith.constant 0 : i32
    %c0_i32_0 = arith.constant 0 : i32
    %c0_i32_1 = arith.constant 0 : i32
    return %arg0, %c0_i32, %c0_i32_0 : i32, i32, i32
  }
  func.func @transform_6(%arg0: i32, %arg1: i32) -> (i32, i32, i32) {
    %c0_i32 = arith.constant 0 : i32
    %c0_i32_0 = arith.constant 0 : i32
    %c0_i32_1 = arith.constant 0 : i32
    return %arg0, %c0_i32, %c0_i32_0 : i32, i32, i32
  }
  func.func @transform_7(%arg0: i32, %arg1: i32) -> (i32, i32) {
    %mul3A = arith.constant 10 : i32
    %mul3A_0 = arith.muli %arg0, %mul3A : i32
    %add3A = arith.addi %mul3A_0, %arg1 : i32
    %c0_i32 = arith.constant 0 : i32
    %c0_i32_1 = arith.constant 0 : i32
    return %add3A, %c0_i32 : i32, i32
  }
}

module attributes {stable_mosaic.version = 14 : i64} {
  func.func @_gru_body(%arg0: i32, %arg1: i32, %arg2: memref<1024x128xf32, #tpu.memory_space<vmem>>, %arg3: memref<1024x128xf32, #tpu.memory_space<vmem>>, %arg4: memref<1024x128xf32, #tpu.memory_space<vmem>>, %arg5: memref<1024x8xf32, #tpu.memory_space<vmem>>, %arg6: memref<1x1x128xf32, #tpu.memory_space<vmem>>, %arg7: memref<128x384xf32, #tpu.memory_space<vmem>>, %arg8: memref<128x384xf32, #tpu.memory_space<vmem>>, %arg9: memref<1x384xf32, #tpu.memory_space<vmem>>, %arg10: memref<1x384xf32, #tpu.memory_space<vmem>>, %arg11: memref<1024x128xf32, #tpu.memory_space<vmem>>, %arg12: memref<10240x128xf32, #tpu.memory_space<vmem>>) attributes {dimension_semantics = [#tpu.dimension_semantics<arbitrary>, #tpu.dimension_semantics<arbitrary>], iteration_bounds = array<i64: 12, 10>, scalar_prefetch = 0 : i64, scratch_operands = 1 : i64, tpu.core_type = #tpu.core_type<tc>, window_params = [{transform_indices = @transform_0, window_bounds = array<i64: 1024, 128>}, {transform_indices = @transform_1, window_bounds = array<i64: 1024, 128>}, {transform_indices = @transform_2, window_bounds = array<i64: 1024, 128>}, {transform_indices = @transform_3, window_bounds = array<i64: 1024, 8>}, {transform_indices = @transform_4, window_bounds = array<i64: 1, 1, 128>}, {pipeline_mode = #tpu.pipeline_mode<synchronous>, transform_indices = @transform_5, window_bounds = array<i64: 128, 384>}, {pipeline_mode = #tpu.pipeline_mode<synchronous>, transform_indices = @transform_6, window_bounds = array<i64: 128, 384>}, {pipeline_mode = #tpu.pipeline_mode<synchronous>, transform_indices = @transform_7, window_bounds = array<i64: 1, 384>}, {pipeline_mode = #tpu.pipeline_mode<synchronous>, transform_indices = @transform_8, window_bounds = array<i64: 1, 384>}, {transform_indices = @transform_9, window_bounds = array<i64: 1024, 128>}]} {
    %eq3A = arith.constant 0 : i32
    %eq3A_0 = arith.cmpi eq, %arg0, %eq3A : i32
    %convert_element_type3A = arith.extui %eq3A_0 : i1 to i32
    %cond3A = arith.constant 0 : i32
    %cond3A_1 = arith.cmpi ne, %convert_element_type3A, %cond3A : i32
    scf.if %cond3A_1 {
      %broadcast_in_dim3A = arith.constant 0.000000e+00 : f32
      %broadcast_in_dim3A_78 = vector.broadcast %broadcast_in_dim3A : f32 to vector<1024x128xf32>
      %mul3A_79 = arith.constant 1024 : i32
      %mul3A_80 = arith.muli %arg1, %mul3A_79 : i32
      %swap3A_81 = arith.index_cast %mul3A_80 : i32 to index
      %swap3A_82 = arith.constant 0 : index
      %swap3A_83 = vector.load %arg12[%swap3A_81, %swap3A_82] : memref<10240x128xf32, #tpu.memory_space<vmem>>, vector<1024x128xf32>
      tpu.vector_store %arg12[%swap3A_81, %swap3A_82], %broadcast_in_dim3A_78 {strides = array<i32>} : memref<10240x128xf32, #tpu.memory_space<vmem>>, vector<1024x128xf32>,
    } else {
    }
    %get3A = arith.constant 0 : index
    %get3A_2 = arith.constant 0 : index
    %get3A_3 = vector.load %arg5[%get3A, %get3A_2] : memref<1024x8xf32, #tpu.memory_space<vmem>>, vector<1024x1xf32>
    %get3A_4 = arith.constant 0 : index
    %get3A_5 = arith.constant 0 : index
    %get3A_6 = vector.load %arg2[%get3A_4, %get3A_5] : memref<1024x128xf32, #tpu.memory_space<vmem>>, vector<1024x128xf32>
    %get3A_7 = arith.constant 0 : index
    %get3A_8 = arith.constant 0 : index
    %get3A_9 = vector.load %arg3[%get3A_7, %get3A_8] : memref<1024x128xf32, #tpu.memory_space<vmem>>, vector<1024x128xf32>
    %add3A = arith.addf %get3A_6, %get3A_9 : vector<1024x128xf32>
    %get3A_10 = arith.constant 0 : index
    %get3A_11 = arith.constant 0 : index
    %get3A_12 = vector.load %arg4[%get3A_10, %get3A_11] : memref<1024x128xf32, #tpu.memory_space<vmem>>, vector<1024x128xf32>
    %add3A_13 = arith.addf %add3A, %get3A_12 : vector<1024x128xf32>
    %mul3A = vector.broadcast %get3A_3 : vector<1024x1xf32> to vector<1024x128xf32>
    %mul3A_14 = arith.mulf %mul3A, %add3A_13 : vector<1024x128xf32>
    %get3A_15 = arith.constant 0 : index
    %get3A_16 = arith.constant 0 : index
    %get3A_17 = arith.constant 0 : index
    %get3A_18 = vector.load %arg6[%get3A_15, %get3A_16, %get3A_17] : memref<1x1x128xf32, #tpu.memory_space<vmem>>, vector<1x1x128xf32>
    %get3A_19 = vector.shape_cast %get3A_18 : vector<1x1x128xf32> to vector<1x128xf32>
    %add3A_20 = vector.broadcast %get3A_19 : vector<1x128xf32> to vector<1024x128xf32>
    %add3A_21 = arith.addf %mul3A_14, %add3A_20 : vector<1024x128xf32>
    %mul3A_22 = arith.constant 1024 : i32
    %mul3A_23 = arith.muli %arg1, %mul3A_22 : i32
    %get3A_24 = arith.index_cast %mul3A_23 : i32 to index
    %get3A_25 = arith.constant 0 : index
    %get3A_26 = vector.load %arg12[%get3A_24, %get3A_25] : memref<10240x128xf32, #tpu.memory_space<vmem>>, vector<1024x128xf32>
    %get3A_27 = arith.constant 0 : index
    %get3A_28 = arith.constant 0 : index
    %get3A_29 = vector.load %arg7[%get3A_27, %get3A_28] : memref<128x384xf32, #tpu.memory_space<vmem>>, vector<128x384xf32>
    %dot_general3A = arith.constant dense<0.000000e+00> : vector<1024x384xf32>
    %dot_general3A_30 = tpu.matmul %add3A_21, %get3A_29, %dot_general3A {dimension_numbers = #tpu.dot_dimension_numbers<[1], [0], [0], [1], [0, 0, 1, 1], [], []>, transpose_lhs_hint = false} : vector<1024x128xf32>, vector<128x384xf32>, vector<1024x384xf32> -> vector<1024x384xf32>
    %get3A_31 = arith.constant 0 : index
    %get3A_32 = arith.constant 0 : index
    %get3A_33 = vector.load %arg9[%get3A_31, %get3A_32] : memref<1x384xf32, #tpu.memory_space<vmem>>, vector<1x384xf32>
    %add3A_34 = vector.broadcast %get3A_33 : vector<1x384xf32> to vector<1024x384xf32>
    %add3A_35 = arith.addf %dot_general3A_30, %add3A_34 : vector<1024x384xf32>
    %get3A_36 = arith.constant 0 : index
    %get3A_37 = arith.constant 0 : index
    %get3A_38 = vector.load %arg8[%get3A_36, %get3A_37] : memref<128x384xf32, #tpu.memory_space<vmem>>, vector<128x384xf32>
    %dot_general3A_39 = arith.constant dense<0.000000e+00> : vector<1024x384xf32>
    %dot_general3A_40 = tpu.matmul %get3A_26, %get3A_38, %dot_general3A_39 {dimension_numbers = #tpu.dot_dimension_numbers<[1], [0], [0], [1], [0, 0, 1, 1], [], []>, transpose_lhs_hint = false} : vector<1024x128xf32>, vector<128x384xf32>, vector<1024x384xf32> -> vector<1024x384xf32>
    %get3A_41 = arith.constant 0 : index
    %get3A_42 = arith.constant 0 : index
    %get3A_43 = vector.load %arg10[%get3A_41, %get3A_42] : memref<1x384xf32, #tpu.memory_space<vmem>>, vector<1x384xf32>
    %add3A_44 = vector.broadcast %get3A_43 : vector<1x384xf32> to vector<1024x384xf32>
    %add3A_45 = arith.addf %dot_general3A_40, %add3A_44 : vector<1024x384xf32>
    %slice3A = vector.extract_strided_slice %add3A_35 {offsets = [0, 0], sizes = [1024, 128], strides = [1, 1]} : vector<1024x384xf32> to vector<1024x128xf32>
    %slice3A_46 = vector.extract_strided_slice %add3A_45 {offsets = [0, 0], sizes = [1024, 128], strides = [1, 1]} : vector<1024x384xf32> to vector<1024x128xf32>
    %add3A_47 = arith.addf %slice3A, %slice3A_46 : vector<1024x128xf32>
    %logistic3A = arith.negf %add3A_47 : vector<1024x128xf32>
    %logistic3A_48 = math.exp %logistic3A : vector<1024x128xf32>
    %logistic3A_49 = arith.constant 1.000000e+00 : f32
    %logistic3A_50 = vector.broadcast %logistic3A_49 : f32 to vector<1024x128xf32>
    %logistic3A_51 = arith.addf %logistic3A_50, %logistic3A_48 : vector<1024x128xf32>
    %logistic3A_52 = arith.divf %logistic3A_50, %logistic3A_51 : vector<1024x128xf32>
    %slice3A_53 = vector.extract_strided_slice %add3A_35 {offsets = [0, 128], sizes = [1024, 128], strides = [1, 1]} : vector<1024x384xf32> to vector<1024x128xf32>
    %slice3A_54 = vector.extract_strided_slice %add3A_45 {offsets = [0, 128], sizes = [1024, 128], strides = [1, 1]} : vector<1024x384xf32> to vector<1024x128xf32>
    %add3A_55 = arith.addf %slice3A_53, %slice3A_54 : vector<1024x128xf32>
    %logistic3A_56 = arith.negf %add3A_55 : vector<1024x128xf32>
    %logistic3A_57 = math.exp %logistic3A_56 : vector<1024x128xf32>
    %logistic3A_58 = arith.constant 1.000000e+00 : f32
    %logistic3A_59 = vector.broadcast %logistic3A_58 : f32 to vector<1024x128xf32>
    %logistic3A_60 = arith.addf %logistic3A_59, %logistic3A_57 : vector<1024x128xf32>
    %logistic3A_61 = arith.divf %logistic3A_59, %logistic3A_60 : vector<1024x128xf32>
    %slice3A_62 = vector.extract_strided_slice %add3A_35 {offsets = [0, 256], sizes = [1024, 128], strides = [1, 1]} : vector<1024x384xf32> to vector<1024x128xf32>
    %slice3A_63 = vector.extract_strided_slice %add3A_45 {offsets = [0, 256], sizes = [1024, 128], strides = [1, 1]} : vector<1024x384xf32> to vector<1024x128xf32>
    %mul3A_64 = arith.mulf %logistic3A_52, %slice3A_63 : vector<1024x128xf32>
    %add3A_65 = arith.addf %slice3A_62, %mul3A_64 : vector<1024x128xf32>
    %tanh3A = math.tanh %add3A_65 : vector<1024x128xf32>
    %sub3A = arith.constant 1.000000e+00 : f32
    %sub3A_66 = vector.broadcast %sub3A : f32 to vector<1024x128xf32>
    %sub3A_67 = arith.subf %sub3A_66, %logistic3A_61 : vector<1024x128xf32>
    %mul3A_68 = arith.mulf %sub3A_67, %tanh3A : vector<1024x128xf32>
    %mul3A_69 = arith.mulf %logistic3A_61, %get3A_26 : vector<1024x128xf32>
    %add3A_70 = arith.addf %mul3A_68, %mul3A_69 : vector<1024x128xf32>
    %mul3A_71 = arith.constant 1024 : i32
    %mul3A_72 = arith.muli %arg1, %mul3A_71 : i32
    %swap3A = arith.index_cast %mul3A_72 : i32 to index
    %swap3A_73 = arith.constant 0 : index
    %swap3A_74 = vector.load %arg12[%swap3A, %swap3A_73] : memref<10240x128xf32, #tpu.memory_space<vmem>>, vector<1024x128xf32>
    tpu.vector_store %arg12[%swap3A, %swap3A_73], %add3A_70 {strides = array<i32>} : memref<10240x128xf32, #tpu.memory_space<vmem>>, vector<1024x128xf32>,
    %swap3A_75 = arith.constant 0 : index
    %swap3A_76 = arith.constant 0 : index
    %swap3A_77 = vector.load %arg11[%swap3A_75, %swap3A_76] : memref<1024x128xf32, #tpu.memory_space<vmem>>, vector<1024x128xf32>
    tpu.vector_store %arg11[%swap3A_75, %swap3A_76], %add3A_70 {strides = array<i32>} : memref<1024x128xf32, #tpu.memory_space<vmem>>, vector<1024x128xf32>,
    return
  }
  func.func @transform_0(%arg0: i32, %arg1: i32) -> (i32, i32) {
    %mul3A = arith.constant 10 : i32
    %mul3A_0 = arith.muli %arg0, %mul3A : i32
    %add3A = arith.addi %mul3A_0, %arg1 : i32
    %c0_i32 = arith.constant 0 : i32
    %c0_i32_1 = arith.constant 0 : i32
    return %add3A, %c0_i32 : i32, i32
  }
  func.func @transform_1(%arg0: i32, %arg1: i32) -> (i32, i32) {
    %add3A = arith.constant 12 : i32
    %add3A_0 = arith.addi %add3A, %arg0 : i32
    %mul3A = arith.constant 10 : i32
    %mul3A_1 = arith.muli %add3A_0, %mul3A : i32
    %add3A_2 = arith.addi %mul3A_1, %arg1 : i32
    %c0_i32 = arith.constant 0 : i32
    %c0_i32_3 = arith.constant 0 : i32
    return %add3A_2, %c0_i32 : i32, i32
  }
  func.func @transform_2(%arg0: i32, %arg1: i32) -> (i32, i32) {
    %mul3A = arith.constant 10 : i32
    %mul3A_0 = arith.muli %arg0, %mul3A : i32
    %add3A = arith.addi %mul3A_0, %arg1 : i32
    %c0_i32 = arith.constant 0 : i32
    %c0_i32_1 = arith.constant 0 : i32
    return %add3A, %c0_i32 : i32, i32
  }
  func.func @transform_3(%arg0: i32, %arg1: i32) -> (i32, i32) {
    %mul3A = arith.constant 10 : i32
    %mul3A_0 = arith.muli %arg0, %mul3A : i32
    %add3A = arith.addi %mul3A_0, %arg1 : i32
    %c0_i32 = arith.constant 0 : i32
    %c0_i32_1 = arith.constant 0 : i32
    return %add3A, %c0_i32 : i32, i32
  }
  func.func @transform_4(%arg0: i32, %arg1: i32) -> (i32, i32, i32) {
    %c0_i32 = arith.constant 0 : i32
    %c0_i32_0 = arith.constant 0 : i32
    %c0_i32_1 = arith.constant 0 : i32
    return %arg0, %c0_i32, %c0_i32_0 : i32, i32, i32
  }
  func.func @transform_5(%arg0: i32, %arg1: i32) -> (i32, i32) {
    %c0_i32 = arith.constant 0 : i32
    %c0_i32_0 = arith.constant 0 : i32
    %c0_i32_1 = arith.constant 0 : i32
    return %c0_i32, %c0_i32_0 : i32, i32
  }
  func.func @transform_6(%arg0: i32, %arg1: i32) -> (i32, i32) {
    %c0_i32 = arith.constant 0 : i32
    %c0_i32_0 = arith.constant 0 : i32
    %c0_i32_1 = arith.constant 0 : i32
    return %c0_i32, %c0_i32_0 : i32, i32
  }
  func.func @transform_7(%arg0: i32, %arg1: i32) -> (i32, i32) {
    %c0_i32 = arith.constant 0 : i32
    %c0_i32_0 = arith.constant 0 : i32
    %c0_i32_1 = arith.constant 0 : i32
    return %c0_i32, %c0_i32_0 : i32, i32
  }
  func.func @transform_8(%arg0: i32, %arg1: i32) -> (i32, i32) {
    %c0_i32 = arith.constant 0 : i32
    %c0_i32_0 = arith.constant 0 : i32
    %c0_i32_1 = arith.constant 0 : i32
    return %c0_i32, %c0_i32_0 : i32, i32
  }
  func.func @transform_9(%arg0: i32, %arg1: i32) -> (i32, i32) {
    %c0_i32 = arith.constant 0 : i32
    %c0_i32_0 = arith.constant 0 : i32
    return %arg1, %c0_i32 : i32, i32
  }
}

</mosaic_0001>

<sc_bundles>
// kernel: kernel.12.cloned.1.call-start
scs
__scs_entry_jumppad:
0x0: {  	(pc) =	sbr.rel $0x88, $3  }
0x1: {  	(tag) =	ssettag $0x0;
	lr =	simm.s32 $0x1  }
0x2: {  	[smem:$0x3F93] =	sst lr;
	_ =	strace $0xD0000000  }
0x3: {  	_ = 	snop  }
0x4: {  	_ = 	snop  }
0x5: {  	_ = 	snop  }
0x6: {  	_ = 	snop  }
0x7: {  	_ = 	snop  }
__scs_overlays_trampoline_lowered:
0x8: {  	[smem:$0x3FA2] =	sst s0  }
0x9: {  	[smem:$0x3FA3] =	sst s1  }
0xa: {  	[smem:$0x3FA4] =	sst s2  }
0xb: {  	[smem:$0x3FA5] =	sst s3  }
0xc: {  	[smem:$0x3FA6] =	sst s4  }
0xd: {  	[smem:$0x3FA7] =	sst s5  }
0xe: {  	[smem:$0x3FA8] =	sst s6  }
0xf: {  	[smem:$0x3FA9] =	sst s7  }
0x10: {  	[smem:$0x3FAA] =	sst s8  }
0x11: {  	[smem:$0x3FAB] =	sst s9;
	s0 =	simm.s32 @!p0 $0x0  }
0x12: {  	s1 =	sld [smem:$0x3F91];
	s0 =	simm.s32 @p0 $0x1  }
0x13: {  	[smem:$0x3FAC] =	sst s0;
	s0 =	simm.s32 @!p1 $0x0  }
0x14: {  	s2 =	sld [smem:$0x3F90];
	s0 =	simm.s32 @p1 $0x1  }
0x15: {  	[smem:$0x3FAD] =	sst s0;
	s0 =	simm.s32 @!p2 $0x0  }
0x16: {  	s3 =	sld [smem:$0x3FDB];
	s0 =	simm.s32 @p2 $0x1  }
0x17: {  	s4 =	simm.s32 $0x1BF5;
	[smem:$0x3FAF] =	sst s0  }
0x18: {  	s0 =	sld [smem:$0x3F92];
	_ =	swait.ge [sflag:s4], $0x0  }
0x19: {  	s7 =	sld [smem:$0x3F93]  }
0x1a: {  	s8 =	sadd.s32 $0xFFFFE003, lr  }
0x1b: {  	s9 =	sadd.s32 $0xFFFFFEF7, lr;
	s5 =	simm.s32 $0xFFFFFFFF;
	p2 =	slt.u32 s8, $0xFFFFF086  }
0x1c: {  	p1 =	slt.u32 s9, $0xF7A;
	s5 =	simm.s32 @!p2 $0x0  }
0x1d: {  	s5 =	simm.s32 @p1 $0x1;
	p0 =	seq.s32 s7, s2  }
0x1e: {  	s7 =	smul.u32 @!p0 $0xF7A, s2;
	p2 =	seq.s32 @!p0 s5, $0x0  }
0x1f: {  	s9 =	smul.u32 $0xF7A, s1;
	s8 =	simm.s32 @!p0 $0x1BF5;
	p2 =	por !p2, p0  }
0x20: {  	[sflag:s8] =	ssyncset.s32 @!p0 $0xFFFFF086;
	s6 =	sadd.s32 @!p0 s3, s7;
	s7 =	simm.s32 @!p0 $0x108  }
0x21: {  	s3 =	sadd.s32 s3, s9;
	s6 =	sadd.s32 @!p0 $0x88, s6;
	s7 =	simm.s32 @p2 $0x1082  }
0x22: {  	[simem:s7], [sflag:s8] =	dma.local @!p0 [hbm:s6], $0xF7A  }
0x23: {  	s9 =	sor.u32 $0xD0000000, s2;
	s6 =	simm.s32 $0x108;
	_ =	swait.ge @!p0 [sflag:s8], $0x0  }
0x24: {  	s3 =	sadd.s32 $0x88, s3;
	s6 =	simm.s32 @!p1 $0x1082;
	[sflag:s4] =	ssyncset.s32 $0xFFFFF086  }
0x25: {  	[simem:s6], [sflag:s4] =	dma.local [hbm:s3], $0xF7A  }
0x26: {  	[smem:$0x3F93] =	sst s1;
	(tag) =	ssettag s2;
	_ =	strace s9  }
0x27: {  	s1 =	sld [smem:$0x3FA3]  }
0x28: {  	s2 =	sld [smem:$0x3FA4]  }
0x29: {  	s4 =	sld [smem:$0x3FA6]  }
0x2a: {  	p0 =	seq.s32 s5, $0x0;
	s5 =	sld [smem:$0x3FA7]  }
0x2b: {  	s6 =	sld [smem:$0x3FA8]  }
0x2c: {  	s7 =	sld [smem:$0x3FA9]  }
0x2d: {  	s3 =	simm.s32 $0x108;
	s8 =	sld [smem:$0x3FAA]  }
0x2e: {  	s3 =	simm.s32 @!p0 $0x1082;
	s9 =	sld [smem:$0x3FAB]  }
0x2f: {  	lr =	sadd.s32 s0, s3;
	s0 =	sld [smem:$0x3FA2]  }
0x30: {  	s3 =	sld [smem:$0x3FA5]  }
0x31: {  	[smem:$0x3FAE] =	sst s10  }
0x32: {  	s10 =	sld [smem:$0x3FAC];
	_ =	sdelay $0x3  }
0x33: {  	p0 =	seq.s32 s10, $0x1;
	s10 =	sld [smem:$0x3FAE];
	_ =	sdelay $0x3  }
0x34: {  	[smem:$0x3FAE] =	sst s10  }
0x35: {  	s10 =	sld [smem:$0x3FAD];
	_ =	sdelay $0x3  }
0x36: {  	p1 =	seq.s32 s10, $0x1;
	s10 =	sld [smem:$0x3FAE];
	_ =	sdelay $0x3  }
0x37: {  	[smem:$0x3FAE] =	sst s10  }
0x38: {  	s10 =	sld [smem:$0x3FAF]  }
0x39: {  	_ = 	snop;
	(pc) =	sbr.ind lr, $3  }
0x3a: {  	_ = 	snop  }
0x3b: {  	_ = 	snop  }
0x3c: {  	p2 =	seq.s32 s10, $0x1;
	s10 =	sld [smem:$0x3FAE]  }
0x3d: {  	_ =	shalt  }
0x3e: {  	_ =	shalt  }
0x3f: {  	_ =	shalt  }
0x40: {  	_ =	shalt  }
0x41: {  	_ =	shalt  }
0x42: {  	_ =	shalt  }
0x43: {  	_ =	shalt  }
0x44: {  	_ =	shalt  }
0x45: {  	_ =	shalt  }
0x46: {  	_ =	shalt  }
0x47: {  	_ =	shalt  }
0x48: {  	_ =	shalt  }
0x49: {  	_ =	shalt  }
0x4a: {  	_ =	shalt  }
0x4b: {  	_ =	shalt  }
0x4c: {  	_ =	shalt  }
0x4d: {  	_ =	shalt  }
0x4e: {  	_ =	shalt  }
0x4f: {  	_ =	shalt  }
0x50: {  	_ =	shalt  }
0x51: {  	_ =	shalt  }
0x52: {  	_ =	shalt  }
0x53: {  	_ =	shalt  }
0x54: {  	_ =	shalt  }
0x55: {  	_ =	shalt  }
0x56: {  	_ =	shalt  }
0x57: {  	_ =	shalt  }
0x58: {  	_ =	shalt  }
0x59: {  	_ =	shalt  }
0x5a: {  	_ =	shalt  }
0x5b: {  	_ =	shalt  }
0x5c: {  	_ =	shalt  }
0x5d: {  	_ =	shalt  }
0x5e: {  	_ =	shalt  }
0x5f: {  	_ =	shalt  }
0x60: {  	_ =	shalt  }
0x61: {  	_ =	shalt  }
0x62: {  	_ =	shalt  }
0x63: {  	_ =	shalt  }
0x64: {  	_ =	shalt  }
0x65: {  	_ =	shalt  }
0x66: {  	_ =	shalt  }
0x67: {  	_ =	shalt  }
0x68: {  	_ =	shalt  }
0x69: {  	_ =	shalt  }
0x6a: {  	_ =	shalt  }
0x6b: {  	_ =	shalt  }
0x6c: {  	_ =	shalt  }
0x6d: {  	_ =	shalt  }
0x6e: {  	_ =	shalt  }
0x6f: {  	_ =	shalt  }
0x70: {  	_ =	shalt  }
0x71: {  	_ =	shalt  }
0x72: {  	_ =	shalt  }
0x73: {  	_ =	shalt  }
0x74: {  	_ =	shalt  }
0x75: {  	_ =	shalt  }
0x76: {  	_ =	shalt  }
0x77: {  	_ =	shalt  }
0x78: {  	_ =	shalt  }
0x79: {  	_ =	shalt  }
0x7a: {  	_ =	shalt  }
0x7b: {  	_ =	shalt  }
0x7c: {  	_ =	shalt  }
0x7d: {  	_ =	shalt  }
0x7e: {  	_ =	shalt  }
0x7f: {  	_ =	shalt  }
0x80: {  	_ =	shalt  }
0x81: {  	_ =	shalt  }
0x82: {  	_ =	shalt  }
0x83: {  	_ =	shalt  }
0x84: {  	_ =	shalt  }
0x85: {  	_ =	shalt  }
0x86: {  	_ =	shalt  }
0x87: {  	_ =	shalt  }
.Lfunc_end0:
.L_simem_size_0:
called_computation.1_lowered:
.L_overlay_start_0:
0x88: {  	s2 =	sld [smem:$0x3FD9]  }
0x89: {  	s3 =	sld [smem:$0x3FFE];
	_ =	sdelay $0x1  }
0x8a: {  	s1 =	srdreg.scid  }
0x8b: {  	s0 =	sand.u32 $0x1, s1  }
0x8c: {  	s17 =	sshll.u32 s0, $0xA;
	s2 =	sadd.s32 s3, s2  }
0x8d: {  	s2 =	sadd.s32 s2, s17  }
0x8e: {  	[smem:$0x3FBA] =	sst s2  }
0x8f: {  	_ = 	snop  }
0x90: {  	s18 =	sld [smem:$0x3FD0];
	(tm) =	ssettm $0x1  }
0x91: {  	s19 =	sld [smem:$0x3FFB];
	_ =	sdelay $0x3  }
0x92: {  	_ =	strace s19  }
0x93: {  	s2 =	sld [smem:$0x3FFC];
	_ =	sdelay $0x3  }
0x94: {  	_ =	strace s2  }
0x95: {  	s2 =	sld [smem:$0x3FFD];
	_ =	sdelay $0x3  }
0x96: {  	_ =	strace s2  }
0x97: {  	_ =	strace $0x8FFFFFFF  }
0x98: {  	s20 =	sld [smem:$0x3FDB];
	_ =	sdelay $0x1  }
0x99: {  	s4 =	simm.s32 $_scs_section_size  }
0x9a: {  	s5 =	simm.s32 $_size__tile_overlayer_lowered;
	s6 =	simm.s32 $_tile_overlayer_lowered  }
0x9b: {  	s7 =	simm.s32 $0x1BFF;
	s21 =	sshll.u32 s6, $0x1;
	s4 =	sadd.s32 s4, s20  }
0x9c: {  	s22 =	simm.s32 $0x0;
	s5 =	sshll.u32 s5, $0x1;
	s6 =	sadd.s32 s21, s4  }
0x9d: {  	[timem:s22], [sflag:s7] =	dma.local [hbm:s6], s5  }
0x9e: {  	_ =	swait.ge [sflag:s7], s5  }
0x9f: {  	s5 =	ssub.s32 $0x0, s5;
	[sflag:s7] =	ssyncset.done $0x0  }
0xa0: {  	[sflag:s7] =	ssyncadd.s32 s5;
	_ =	sdelay $0x1  }
0xa1: {  	s23 =	simm.s32 $0x1B8B  }
0xa2: {  	_ =	swait.ge [sflag:s23], $0x1  }
0xa3: {  	[sflag:s23] =	ssyncset.done $0x0  }
0xa4: {  	[sflag:s23] =	ssyncadd.s32 $0xFFFFFFFF  }
0xa5: {  	s5 =	sld [smem:$0x0]  }
0xa6: {  	s6 =	sand.u32 $0xFFFFFFFE, s1  }
0xa7: {  	p0 =	sne.s32 s1, s6  }
0xa8: {  	s6 =	sshll.u32 @p0 s6, $0xE  }
0xa9: {  	s6 =	sadd.s32 @p0 $0x11B8D, s6;
	s7 =	sshll.u32 @p0 s5, $0x11  }
0xaa: {  	s6 =	sor.u32 @p0 s7, s6  }
0xab: {  	[sflag:s6] =	ssyncadd.remote.s32 @p0 $0x1;
	_ =	sdelay $0x1  }
0xac: {  	s6 =	simm.s32 @p0 $0x1B8D  }
0xad: {  	_ =	swait.eq @p0 [sflag:s6], $0x1  }
0xae: {  	[sflag:s6] =	ssyncadd.s32 @p0 $0xFFFFFFFF  }
0xaf: {  	s7 =	sshll.u32 @!p0 s1, $0xE  }
0xb0: {  	s7 =	sor.u32 @!p0 $0x4000, s7;
	s6 =	simm.s32 @!p0 $0x1B8D  }
0xb1: {  	s5 =	sshll.u32 @!p0 s5, $0x11;
	s7 =	sadd.s32 @!p0 $0x11B8D, s7;
	_ =	swait.eq @!p0 [sflag:s6], $0x1  }
0xb2: {  	s5 =	sor.u32 @!p0 s5, s7;
	[sflag:s6] =	ssyncadd.s32 @!p0 $0xFFFFFFFF  }
0xb3: {  	s25 =	simm.s32 $0x1B8E;
	s24 =	sld [smem:$0x3FFE];
	[sflag:s5] =	ssyncadd.remote.s32 @!p0 $0x1  }
0xb4: {  	s26 =	simm.s32 $execute0_lowered;
	[smem:$0x3FD2] =	sst s25  }
0xb5: {  	s6 =	sshll.u32 s26, $0x1;
	_ =	strace $0x80000049;
	[dreg:$0x1] =	wrdreg $0xFFFFFFFF  }
0xb6: {  	s28 =	simm.s32 $_size_execute0_lowered;
	s4 =	sadd.s32 s4, s6;
	[dreg:$0x0] =	wrdreg $0x0  }
0xb7: {  	s6 =	sshll.u32 s28, $0x1;
	[dreg:$0x2] =	wrdreg s4  }
0xb8: {  	[dreg:$0x3] =	wrdreg s6  }
0xb9: {  	[dreg:$0x4] =	wrdreg $0xC0  }
0xba: {  	_ =	task [dreg:s22], $0x5FFFF  }
0xbb: {  	[dreg:$0x1] =	wrdreg $0xFFFFFFFF  }
0xbc: {  	[dreg:$0x0] =	wrdreg $0x60  }
0xbd: {  	[dreg:$0x2] =	wrdreg s18  }
0xbe: {  	[dreg:$0x3] =	wrdreg s24  }
0xbf: {  	[dreg:$0x4] =	wrdreg $0xA  }
0xc0: {  	_ =	task.clear_ibuf [dreg:s22], $0x5FFFF;
	_ =	strace $0x90000049  }
0xc1: {  	s29 =	simm.s32 $0xA;
	_ =	strace $0x8000004B  }
0xc2: {  	_ =	swait.ge [sflag:s29], $0x1  }
0xc3: {  	[sflag:s29] =	ssyncadd.s32 $0xFFFFFFFF  }
0xc4: {  	_ =	strace $0x9000004B  }
0xc5: {  	_ =	sfence  }
0xc6: {  	s30 =	sld [smem:$0x0];
	_ =	sdelay $0x2  }
0xc7: {  	s31 =	sshll.u32 s1, $0xD;
	s1 =	sshrl.u32 s1, $0x2  }
0xc8: {  	s4 =	sand.u32 $0x4000, s31;
	s1 =	sadd.s32 s1, s30  }
0xc9: {  	s0 =	sor.u32 s4, s0;
	s1 =	sshll.u32 s1, $0x11  }
0xca: {  	s0 =	sor.u32 s1, s0  }
0xcb: {  	s0 =	sadd.s32 $0x8F2B, s0  }
0xcc: {  	[sflag:s0] =	ssyncadd.remote.s32 $0x1  }
0xcd: {  	_ =	sfence.sel $0xFFFF  }
0xce: {  	[dreg:$0x0] =	wrdreg $0xFFFFFFFF;
	(pc) =	sbr.abs _section_cstart, $3  }
0xcf: {  	[dreg:$0x1] =	wrdreg $0xFFFFFFFF  }
0xd0: {  	_ =	task.clear_ibuf [dreg:s22], $0x2FFFF;
	_ =	strace $0x9FFFFFFF  }
0xd1: {  	(tm) =	ssettm $0x7FFFFFFF  }
tec
execute0_lowered:
.L_overlay_start_1:
0x0: {  	(tag) =	ssettag $0x1  }
0x1: {  	s10 =	rddreg [dreg:$0x0]  }
0x2: {  	s0 =	srdreg.scid;
	s6 =	rddreg [dreg:$0x1];
	s2 =	simm.s32 $0x0  }
0x3: {  	s13 =	stileid.u32;
	s26 =	simm.s32 $0xFFFFFFFF;
	s29 =	simm.s32 $0x1  }
0x4: {  	s30 =	simm.s32 $0x400;
	s31 =	simm.s32 $0x800;
	s1 =	sand.u32 $0x1, s0  }
0x5: {  	[smem:$0x7FF] =	sst s2;
	s12 =	smul.u32 $0x2800, s13;
	s4 =	sadd.s32 $0xB800, s6  }
0x6: {  	s5 =	sadd.s32 $0xF800, s6;
	s23 =	sshll.u32 s13, $0x7;
	s14 =	sshll.u32 s13, $0x3  }
0x7: {  	p0 =	sne.s32 s13, $0x0;
	_ =	strace $0x8000004A;
	[dreg:$0x4] =	wrdreg s26  }
0x8: {  	s13 =	simm.s32 $0x6;
	s3 =	smul.u32 $0x27100, s1;
	[dreg:$0x5] =	wrdreg s29  }
0x9: {  	s7 =	smul.u32 $0x28000, s1;
	s8 =	ssub.s32 $0x2, s1;
	[dreg:$0x7] =	wrdreg s30  }
0xa: {  	s22 =	smul.u32 $0x1800, s1;
	s24 =	sshll.u32 s1, $0x7;
	[dreg:$0x8] =	wrdreg s31  }
0xb: {  	s11 =	sshrl.u32 s8, $0x1;
	s25 =	sor.u32 s14, s24;
	s14 =	simm.s32 $0x0  }
0xc: {  	s9 =	sadd.s32 s3, s6;
	s3 =	sadd.s32 $0x7800, s6;
	s8 =	ssub.s32 s8, s11  }
0xd: {  	s19 =	sadd.s32 s7, s6;
	s7 =	sadd.s32 s7, s12;
	[dreg:$0xa] =	wrdreg s25  }
0xe: {  	s10 =	sadd.s32 s22, s10;
	s28 =	sor.u32 $0x7, s25;
	[dreg:$0x3] =	wrdreg s7  }
0xf: {  	s0 =	sor.u32 $0x3, s25;
	s20 =	smax.u32 s8, $0x1;
	[dreg:$0xb] =	wrdreg s28  }
0x10: {  	s21 =	sadd.s32 s12, s19;
	s9 =	sadd.s32 s12, s9;
	[dreg:$0xc] =	wrdreg s0  }
0x11: {  	s11 =	sadd.s32 s23, s10;
	[dreg:$0x9] =	wrdreg s20;
	s7 =	sadd.s32 $0x831E00, s21  }
0x12: {  	s8 =	sadd.s32 $0xA11E00, s21;
	s9 =	sadd.s32 $0x65D200, s9;
	[dreg:$0x6] =	wrdreg s11  }
.LBB2_1:
0x13: {  	s15 =	rddreg [dreg:$0x3]  }
0x14: {  	s16 =	sadd.s32 $0x0, s15  }
0x15: {  	p1 =	seq.s32 s16, $0x0  }
0x16: {  	p1 =	por !p0, !p1  }
0x17: {  	s15 =	rddreg [dreg:$0x4];
	p1 =	por !p1, !p1  }
0x18: {  	s15 =	simm.s32 @!p1 $0x0  }
0x19: {  	s31 =	rddreg [dreg:$0x6];
	s17 =	sshll.u32 s15, $0xC  }
0x1a: {  	s16 =	sadd.s32 $0x0, s31;
	s17 =	sadd.s32 $0x0, s17  }
0x1b: {  	s16 =	sadd.s32 s17, s16  }
0x1c: {  	[tilespmem:s2], [sflag:$0x6] =	stream.linear.gather [hbm4b:s16+s2], $0x400, $0x38;
	[tilespmem:$0x5C00] =	vst v63  }
0x1d: {  	s18 =	rddreg [dreg:$0x5];
	_ =	swait.ge [sflag:s13], $0x400  }
0x1e: {  	s18 =	simm.s32 @!p1 $0x0;
	[sflag:s13] =	ssyncset.done $0x0  }
0x1f: {  	s19 =	sadd.s32 $0x800, s16;
	s0 =	rddreg [dreg:$0x7];
	[sflag:s13] =	ssyncadd.s32 $0xFFFFFC00  }
0x20: {  	[tilespmem:s0], [sflag:$0x6] =	stream.linear.gather [hbm4b:s19+s2], $0x400, $0x38;
	[tilespmem:$0x5C00] =	vst v63  }
0x21: {  	s18 =	ssub.s32 s1, s18;
	_ =	swait.ge [sflag:s13], $0x400  }
0x22: {  	s6 =	sshll.u32 s18, $0x7;
	s0 =	rddreg [dreg:$0xa]  }
0x23: {  	s16 =	sadd.s32 $0x1000, s16;
	[sflag:s13] =	ssyncset.done $0x0;
	s17 =	ssub.s32 s0, s6  }
0x24: {  	s10 =	rddreg [dreg:$0x8];
	[sflag:s13] =	ssyncadd.s32 $0xFFFFFC00;
	p1 =	sgt.s32 s17, $0x7C  }
0x25: {  	[tilespmem:s10], [sflag:$0x6] =	stream.linear.gather [hbm4b:s16+s2], $0x400, $0x38;
	[tilespmem:$0x5C00] =	vst v63  }
0x26: {  	s17 =	smul.u32 @!p1 $0xF00, s15;
	_ =	swait.ge [sflag:s13], $0x400;
	s18 =	simm.s32 @!p1 $0x0  }
0x27: {  	s19 =	simm.s32 @!p1 $0xC00;
	s20 =	simm.s32 @!p1 $0x50;
	[sflag:s13] =	ssyncset.done $0x0  }
0x28: {  	s16 =	ssub.s32 @!p1 $0x0, s17;
	s17 =	sadd.s32 @!p1 $0x0, s9;
	[sflag:s13] =	ssyncadd.s32 $0xFFFFFC00  }
0x29: {  	[tilespmem:s19], [sflag:$0x1] =	stream.indirect.gather @!p1 [hbm4b:s3+s20], $0x80, s18, s20, $0xb8;
	[tilespmem:$0x5C00] =	vst v63  }
0x2a: {  	s21 =	simm.s32 @!p1 $0x3400;
	s16 =	sadd.s32 @!p1 s16, s17;
	s17 =	simm.s32 @!p1 $0x1  }
0x2b: {  	[tilespmem:s21], [sflag:$0x4] =	stream.linear.gather @!p1 [hbm4b:s16+s18], $0x2800, $0x38;
	[tilespmem:$0x5C00] =	vst v63  }
0x2c: {  	_ =	swait.ge @!p1 [sflag:s17], $0x2800  }
0x2d: {  	[sflag:s17] =	ssyncset.done @!p1 $0x0  }
0x2e: {  	s16 =	simm.s32 @!p1 $0x400;
	[sflag:s17] =	ssyncadd.s32 @!p1 $0xFFFFD800  }
0x2f: {  	[tilespmem:s19], [sflag:$0x2] =	stream.indirect.gather.add.f32 @!p1 [hbm:s4], $0x80, s16, s20, $0xb8;
	[tilespmem:$0x5C00] =	vst v63  }
0x30: {  	s17 =	simm.s32 @!p1 $0x2;
	s16 =	simm.s32 @!p1 $0x800  }
0x31: {  	[tilespmem:s19], [sflag:$0x3] =	stream.indirect.gather.add.f32 @!p1 [hbm:s5], $0x80, s16, s20, $0xb8;
	[tilespmem:$0x5C00] =	vst v63  }
0x32: {  	_ =	swait.ge @!p1 [sflag:s17], $0x2800  }
0x33: {  	[sflag:s17] =	ssyncset.done @!p1 $0x0  }
0x34: {  	s16 =	simm.s32 @!p1 $0x3;
	[sflag:s17] =	ssyncadd.s32 @!p1 $0xFFFFD800  }
0x35: {  	_ =	swait.ge @!p1 [sflag:s16], $0x2800  }
0x36: {  	[sflag:s16] =	ssyncset.done @!p1 $0x0  }
0x37: {  	s20 =	simm.s32 @!p1 $0x4;
	[sflag:s16] =	ssyncadd.s32 @!p1 $0xFFFFD800  }
0x38: {  	s11 =	sadd.s32 s15, s1;
	_ =	swait.ge @!p1 [sflag:s20], $0x2800  }
0x39: {  	s12 =	sshll.u32 s11, $0x7;
	s22 =	sadd.s32 @!p1 $0x0, s7;
	[sflag:s20] =	ssyncset.done @!p1 $0x0  }
0x3a: {  	s23 =	simm.s32 @!p1 $0x6;
	s17 =	ssub.s32 s0, s12;
	[sflag:s20] =	ssyncadd.s32 @!p1 $0xFFFFD800  }
0x3b: {  	[hbm4b:s22+s18] =	stream.linear.scatter @!p1 [tilespmem:s19], [sflag:$0x6], $0x2800, $0x38;
	[tilespmem:$0x5C00] =	vst v63  }
0x3c: {  	s22 =	sadd.s32 $0x1, s17;
	_ =	swait.ge @!p1 [sflag:s23], $0x2800  }
0x3d: {  	s20 =	sadd.s32 @!p1 $0x0, s8;
	p2 =	sgt.s32 s22, $0x7C;
	[sflag:s23] =	ssyncset.done @!p1 $0x0  }
0x3e: {  	s19 =	smul.u32 @!p2 $0xF00, s15;
	s22 =	sadd.s32 @!p2 $0x0, s9;
	[sflag:s23] =	ssyncadd.s32 @!p1 $0xFFFFD800  }
0x3f: {  	[hbm4b:s20+s18] =	stream.linear.scatter @!p1 [tilespmem:s21], [sflag:$0x6], $0x2800, $0x38;
	[tilespmem:$0x5C00] =	vst v63  }
0x40: {  	s18 =	simm.s32 @!p2 $0xC00;
	s19 =	ssub.s32 @!p2 $0x0, s19;
	_ =	swait.ge @!p1 [sflag:s23], $0x2800  }
0x41: {  	s20 =	simm.s32 @!p2 $0x3400;
	s21 =	simm.s32 @!p2 $0x80;
	[sflag:s23] =	ssyncset.done @!p1 $0x0  }
0x42: {  	s19 =	sadd.s32 @!p2 s19, s22;
	s22 =	simm.s32 @!p2 $0x50;
	[sflag:s23] =	ssyncadd.s32 @!p1 $0xFFFFD800  }
0x43: {  	[tilespmem:s18], [sflag:$0x1] =	stream.indirect.gather @!p2 [hbm4b:s3+s22], $0x80, s21, s22, $0xb8;
	[tilespmem:$0x5C00] =	vst v63  }
0x44: {  	s19 =	sadd.s32 @!p2 $0x500, s19;
	s23 =	simm.s32 @!p2 $0x1;
	s21 =	simm.s32 @!p2 $0x0  }
0x45: {  	[tilespmem:s20], [sflag:$0x4] =	stream.linear.gather @!p2 [hbm4b:s19+s21], $0x2800, $0x38;
	[tilespmem:$0x5C00] =	vst v63  }
0x46: {  	_ =	swait.ge @!p2 [sflag:s23], $0x2800  }
0x47: {  	[sflag:s23] =	ssyncset.done @!p2 $0x0  }
0x48: {  	s19 =	simm.s32 @!p2 $0x480;
	[sflag:s23] =	ssyncadd.s32 @!p2 $0xFFFFD800  }
0x49: {  	[tilespmem:s18], [sflag:$0x2] =	stream.indirect.gather.add.f32 @!p2 [hbm:s4], $0x80, s19, s22, $0xb8;
	[tilespmem:$0x5C00] =	vst v63  }
0x4a: {  	s23 =	simm.s32 @!p2 $0x2;
	s19 =	simm.s32 @!p2 $0x880  }
0x4b: {  	[tilespmem:s18], [sflag:$0x3] =	stream.indirect.gather.add.f32 @!p2 [hbm:s5], $0x80, s19, s22, $0xb8;
	[tilespmem:$0x5C00] =	vst v63  }
0x4c: {  	_ =	swait.ge @!p2 [sflag:s23], $0x2800  }
0x4d: {  	[sflag:s23] =	ssyncset.done @!p2 $0x0  }
0x4e: {  	s19 =	simm.s32 @!p2 $0x3;
	[sflag:s23] =	ssyncadd.s32 @!p2 $0xFFFFD800  }
0x4f: {  	_ =	swait.ge @!p2 [sflag:s19], $0x2800  }
0x50: {  	[sflag:s19] =	ssyncset.done @!p2 $0x0  }
0x51: {  	s22 =	simm.s32 @!p2 $0x4;
	[sflag:s19] =	ssyncadd.s32 @!p2 $0xFFFFD800  }
0x52: {  	s24 =	sadd.s32 $0x2, s17;
	_ =	swait.ge @!p2 [sflag:s22], $0x2800  }
0x53: {  	p1 =	sgt.s32 s24, $0x7C;
	s19 =	sadd.s32 @!p2 $0x0, s7;
	[sflag:s22] =	ssyncset.done @!p2 $0x0  }
0x54: {  	s23 =	simm.s32 @!p2 $0x6;
	s19 =	sadd.s32 @!p2 $0x500, s19;
	[sflag:s22] =	ssyncadd.s32 @!p2 $0xFFFFD800  }
0x55: {  	[hbm4b:s19+s21] =	stream.linear.scatter @!p2 [tilespmem:s18], [sflag:$0x6], $0x2800, $0x38;
	[tilespmem:$0x5C00] =	vst v63  }
0x56: {  	s19 =	smul.u32 @!p1 $0xF00, s15;
	_ =	swait.ge @!p2 [sflag:s23], $0x2800  }
0x57: {  	s22 =	sadd.s32 @!p1 $0x0, s9;
	s18 =	sadd.s32 @!p2 $0x0, s8;
	[sflag:s23] =	ssyncset.done @!p2 $0x0  }
0x58: {  	s18 =	sadd.s32 @!p2 $0x500, s18;
	s19 =	ssub.s32 @!p1 $0x0, s19;
	[sflag:s23] =	ssyncadd.s32 @!p2 $0xFFFFD800  }
0x59: {  	[hbm4b:s18+s21] =	stream.linear.scatter @!p2 [tilespmem:s20], [sflag:$0x6], $0x2800, $0x38;
	[tilespmem:$0x5C00] =	vst v63  }
0x5a: {  	s19 =	sadd.s32 @!p1 s19, s22;
	_ =	swait.ge @!p2 [sflag:s23], $0x2800  }
0x5b: {  	s22 =	simm.s32 @!p1 $0xC00;
	s18 =	simm.s32 @!p1 $0x3400;
	[sflag:s23] =	ssyncset.done @!p2 $0x0  }
0x5c: {  	s20 =	simm.s32 @!p1 $0x50;
	s21 =	simm.s32 @!p1 $0x100;
	[sflag:s23] =	ssyncadd.s32 @!p2 $0xFFFFD800  }
0x5d: {  	[tilespmem:s22], [sflag:$0x1] =	stream.indirect.gather @!p1 [hbm4b:s3+s20], $0x80, s21, s20, $0xb8;
	[tilespmem:$0x5C00] =	vst v63  }
0x5e: {  	s19 =	sadd.s32 @!p1 $0xA00, s19;
	s23 =	simm.s32 @!p1 $0x1;
	s21 =	simm.s32 @!p1 $0x0  }
0x5f: {  	[tilespmem:s18], [sflag:$0x4] =	stream.linear.gather @!p1 [hbm4b:s19+s21], $0x2800, $0x38;
	[tilespmem:$0x5C00] =	vst v63  }
0x60: {  	_ =	swait.ge @!p1 [sflag:s23], $0x2800  }
0x61: {  	[sflag:s23] =	ssyncset.done @!p1 $0x0  }
0x62: {  	s19 =	simm.s32 @!p1 $0x500;
	[sflag:s23] =	ssyncadd.s32 @!p1 $0xFFFFD800  }
0x63: {  	[tilespmem:s22], [sflag:$0x2] =	stream.indirect.gather.add.f32 @!p1 [hbm:s4], $0x80, s19, s20, $0xb8;
	[tilespmem:$0x5C00] =	vst v63  }
0x64: {  	s23 =	simm.s32 @!p1 $0x2;
	s19 =	simm.s32 @!p1 $0x900  }
0x65: {  	[tilespmem:s22], [sflag:$0x3] =	stream.indirect.gather.add.f32 @!p1 [hbm:s5], $0x80, s19, s20, $0xb8;
	[tilespmem:$0x5C00] =	vst v63  }
0x66: {  	_ =	swait.ge @!p1 [sflag:s23], $0x2800  }
0x67: {  	[sflag:s23] =	ssyncset.done @!p1 $0x0  }
0x68: {  	s19 =	simm.s32 @!p1 $0x3;
	[sflag:s23] =	ssyncadd.s32 @!p1 $0xFFFFD800  }
0x69: {  	_ =	swait.ge @!p1 [sflag:s19], $0x2800  }
0x6a: {  	[sflag:s19] =	ssyncset.done @!p1 $0x0  }
0x6b: {  	s20 =	simm.s32 @!p1 $0x4;
	[sflag:s19] =	ssyncadd.s32 @!p1 $0xFFFFD800  }
0x6c: {  	_ =	swait.ge @!p1 [sflag:s20], $0x2800  }
0x6d: {  	s23 =	simm.s32 @!p1 $0x6;
	s19 =	sadd.s32 @!p1 $0x0, s7;
	[sflag:s20] =	ssyncset.done @!p1 $0x0  }
0x6e: {  	s19 =	sadd.s32 @!p1 $0xA00, s19;
	s10 =	rddreg [dreg:$0xc];
	[sflag:s20] =	ssyncadd.s32 @!p1 $0xFFFFD800  }
0x6f: {  	[hbm4b:s19+s21] =	stream.linear.scatter @!p1 [tilespmem:s22], [sflag:$0x6], $0x2800, $0x38;
	[tilespmem:$0x5C00] =	vst v63  }
0x70: {  	s25 =	ssub.s32 s10, s12;
	s19 =	sadd.s32 @!p1 $0x0, s8;
	_ =	swait.ge @!p1 [sflag:s23], $0x2800  }
0x71: {  	p2 =	sgt.s32 s25, $0x7C;
	s19 =	sadd.s32 @!p1 $0xA00, s19;
	[sflag:s23] =	ssyncset.done @!p1 $0x0  }
0x72: {  	s20 =	smul.u32 @!p2 $0xF00, s15;
	s22 =	sadd.s32 @!p2 $0x0, s9;
	[sflag:s23] =	ssyncadd.s32 @!p1 $0xFFFFD800  }
0x73: {  	[hbm4b:s19+s21] =	stream.linear.scatter @!p1 [tilespmem:s18], [sflag:$0x6], $0x2800, $0x38;
	[tilespmem:$0x5C00] =	vst v63  }
0x74: {  	s18 =	simm.s32 @!p2 $0x50;
	s19 =	ssub.s32 @!p2 $0x0, s20;
	_ =	swait.ge @!p1 [sflag:s23], $0x2800  }
0x75: {  	s20 =	simm.s32 @!p2 $0x180;
	s21 =	simm.s32 @!p2 $0xC00;
	[sflag:s23] =	ssyncset.done @!p1 $0x0  }
0x76: {  	s19 =	sadd.s32 @!p2 s19, s22;
	s22 =	simm.s32 @!p2 $0x0;
	[sflag:s23] =	ssyncadd.s32 @!p1 $0xFFFFD800  }
0x77: {  	[tilespmem:s21], [sflag:$0x1] =	stream.indirect.gather @!p2 [hbm4b:s3+s18], $0x80, s20, s18, $0xb8;
	[tilespmem:$0x5C00] =	vst v63  }
0x78: {  	s19 =	sadd.s32 @!p2 $0xF00, s19;
	s23 =	simm.s32 @!p2 $0x1;
	s20 =	simm.s32 @!p2 $0x3400  }
0x79: {  	[tilespmem:s20], [sflag:$0x4] =	stream.linear.gather @!p2 [hbm4b:s19+s22], $0x2800, $0x38;
	[tilespmem:$0x5C00] =	vst v63  }
0x7a: {  	_ =	swait.ge @!p2 [sflag:s23], $0x2800  }
0x7b: {  	[sflag:s23] =	ssyncset.done @!p2 $0x0  }
0x7c: {  	s19 =	simm.s32 @!p2 $0x580;
	[sflag:s23] =	ssyncadd.s32 @!p2 $0xFFFFD800  }
0x7d: {  	[tilespmem:s21], [sflag:$0x2] =	stream.indirect.gather.add.f32 @!p2 [hbm:s4], $0x80, s19, s18, $0xb8;
	[tilespmem:$0x5C00] =	vst v63  }
0x7e: {  	s23 =	simm.s32 @!p2 $0x2;
	s19 =	simm.s32 @!p2 $0x980  }
0x7f: {  	[tilespmem:s21], [sflag:$0x3] =	stream.indirect.gather.add.f32 @!p2 [hbm:s5], $0x80, s19, s18, $0xb8;
	[tilespmem:$0x5C00] =	vst v63  }
0x80: {  	_ =	swait.ge @!p2 [sflag:s23], $0x2800  }
0x81: {  	[sflag:s23] =	ssyncset.done @!p2 $0x0  }
0x82: {  	s18 =	simm.s32 @!p2 $0x3;
	[sflag:s23] =	ssyncadd.s32 @!p2 $0xFFFFD800  }
0x83: {  	_ =	swait.ge @!p2 [sflag:s18], $0x2800  }
0x84: {  	[sflag:s18] =	ssyncset.done @!p2 $0x0  }
0x85: {  	s19 =	simm.s32 @!p2 $0x4;
	[sflag:s18] =	ssyncadd.s32 @!p2 $0xFFFFD800  }
0x86: {  	s26 =	sadd.s32 $0x4, s17;
	_ =	swait.ge @!p2 [sflag:s19], $0x2800  }
0x87: {  	p1 =	sgt.s32 s26, $0x7C;
	s18 =	sadd.s32 @!p2 $0x0, s7;
	[sflag:s19] =	ssyncset.done @!p2 $0x0  }
0x88: {  	s23 =	simm.s32 @!p2 $0x6;
	s18 =	sadd.s32 @!p2 $0xF00, s18;
	[sflag:s19] =	ssyncadd.s32 @!p2 $0xFFFFD800  }
0x89: {  	[hbm4b:s18+s22] =	stream.linear.scatter @!p2 [tilespmem:s21], [sflag:$0x6], $0x2800, $0x38;
	[tilespmem:$0x5C00] =	vst v63  }
0x8a: {  	s19 =	smul.u32 @!p1 $0xF00, s15;
	_ =	swait.ge @!p2 [sflag:s23], $0x2800  }
0x8b: {  	s18 =	sadd.s32 @!p2 $0x0, s8;
	s21 =	sadd.s32 @!p1 $0x0, s9;
	[sflag:s23] =	ssyncset.done @!p2 $0x0  }
0x8c: {  	s18 =	sadd.s32 @!p2 $0xF00, s18;
	s19 =	ssub.s32 @!p1 $0x0, s19;
	[sflag:s23] =	ssyncadd.s32 @!p2 $0xFFFFD800  }
0x8d: {  	[hbm4b:s18+s22] =	stream.linear.scatter @!p2 [tilespmem:s20], [sflag:$0x6], $0x2800, $0x38;
	[tilespmem:$0x5C00] =	vst v63  }
0x8e: {  	s19 =	sadd.s32 @!p1 s19, s21;
	_ =	swait.ge @!p2 [sflag:s23], $0x2800  }
0x8f: {  	s21 =	simm.s32 @!p1 $0x1;
	s18 =	simm.s32 @!p1 $0x200;
	[sflag:s23] =	ssyncset.done @!p2 $0x0  }
0x90: {  	s20 =	simm.s32 @!p1 $0xC00;
	s22 =	simm.s32 @!p1 $0x50;
	[sflag:s23] =	ssyncadd.s32 @!p2 $0xFFFFD800  }
0x91: {  	[tilespmem:s20], [sflag:$0x1] =	stream.indirect.gather @!p1 [hbm4b:s3+s22], $0x80, s18, s22, $0xb8;
	[tilespmem:$0x5C00] =	vst v63  }
0x92: {  	s23 =	simm.s32 @!p1 $0x3400;
	s18 =	sadd.s32 @!p1 $0x1400, s19;
	s19 =	simm.s32 @!p1 $0x0  }
0x93: {  	[tilespmem:s23], [sflag:$0x4] =	stream.linear.gather @!p1 [hbm4b:s18+s19], $0x2800, $0x38;
	[tilespmem:$0x5C00] =	vst v63  }
0x94: {  	_ =	swait.ge @!p1 [sflag:s21], $0x2800  }
0x95: {  	[sflag:s21] =	ssyncset.done @!p1 $0x0  }
0x96: {  	s18 =	simm.s32 @!p1 $0x600;
	[sflag:s21] =	ssyncadd.s32 @!p1 $0xFFFFD800  }
0x97: {  	[tilespmem:s20], [sflag:$0x2] =	stream.indirect.gather.add.f32 @!p1 [hbm:s4], $0x80, s18, s22, $0xb8;
	[tilespmem:$0x5C00] =	vst v63  }
0x98: {  	s21 =	simm.s32 @!p1 $0x2;
	s18 =	simm.s32 @!p1 $0xA00  }
0x99: {  	[tilespmem:s20], [sflag:$0x3] =	stream.indirect.gather.add.f32 @!p1 [hbm:s5], $0x80, s18, s22, $0xb8;
	[tilespmem:$0x5C00] =	vst v63  }
0x9a: {  	_ =	swait.ge @!p1 [sflag:s21], $0x2800  }
0x9b: {  	[sflag:s21] =	ssyncset.done @!p1 $0x0  }
0x9c: {  	s18 =	simm.s32 @!p1 $0x3;
	[sflag:s21] =	ssyncadd.s32 @!p1 $0xFFFFD800  }
0x9d: {  	_ =	swait.ge @!p1 [sflag:s18], $0x2800  }
0x9e: {  	[sflag:s18] =	ssyncset.done @!p1 $0x0  }
0x9f: {  	[sflag:s18] =	ssyncadd.s32 @!p1 $0xFFFFD800;
	s18 =	simm.s32 @!p1 $0x4  }
0xa0: {  	_ =	swait.ge @!p1 [sflag:s18], $0x2800  }
0xa1: {  	s21 =	sadd.s32 @!p1 $0x0, s7;
	[sflag:s18] =	ssyncset.done @!p1 $0x0  }
0xa2: {  	s21 =	sadd.s32 @!p1 $0x1400, s21;
	[sflag:s18] =	ssyncadd.s32 @!p1 $0xFFFFD800;
	s18 =	simm.s32 @!p1 $0x6  }
0xa3: {  	[hbm4b:s21+s19] =	stream.linear.scatter @!p1 [tilespmem:s20], [sflag:$0x6], $0x2800, $0x38;
	[tilespmem:$0x5C00] =	vst v63  }
0xa4: {  	_ =	swait.ge @!p1 [sflag:s18], $0x2800  }
0xa5: {  	s31 =	sadd.s32 $0x5, s17;
	s20 =	sadd.s32 @!p1 $0x0, s8;
	[sflag:s18] =	ssyncset.done @!p1 $0x0  }
0xa6: {  	p2 =	sgt.s32 s31, $0x7C;
	s20 =	sadd.s32 @!p1 $0x1400, s20;
	[sflag:s18] =	ssyncadd.s32 @!p1 $0xFFFFD800  }
0xa7: {  	[hbm4b:s20+s19] =	stream.linear.scatter @!p1 [tilespmem:s23], [sflag:$0x6], $0x2800, $0x38;
	[tilespmem:$0x5C00] =	vst v63  }
0xa8: {  	s22 =	simm.s32 @!p2 $0xC00;
	s19 =	smul.u32 @!p2 $0xF00, s15  }
0xa9: {  	s21 =	simm.s32 @!p2 $0x280;
	s20 =	sadd.s32 @!p2 $0x0, s9;
	_ =	swait.ge @!p1 [sflag:s18], $0x2800  }
0xaa: {  	s23 =	simm.s32 @!p2 $0x1;
	[sflag:s18] =	ssyncset.done @!p1 $0x0;
	s19 =	ssub.s32 @!p2 $0x0, s19  }
0xab: {  	[sflag:s18] =	ssyncadd.s32 @!p1 $0xFFFFD800;
	s18 =	simm.s32 @!p2 $0x50;
	s19 =	sadd.s32 @!p2 s19, s20  }
0xac: {  	[tilespmem:s22], [sflag:$0x1] =	stream.indirect.gather @!p2 [hbm4b:s3+s18], $0x80, s21, s18, $0xb8;
	[tilespmem:$0x5C00] =	vst v63  }
0xad: {  	s20 =	simm.s32 @!p2 $0x0;
	s21 =	simm.s32 @!p2 $0x3400;
	s19 =	sadd.s32 @!p2 $0x1900, s19  }
0xae: {  	[tilespmem:s21], [sflag:$0x4] =	stream.linear.gather @!p2 [hbm4b:s19+s20], $0x2800, $0x38;
	[tilespmem:$0x5C00] =	vst v63  }
0xaf: {  	_ =	swait.ge @!p2 [sflag:s23], $0x2800  }
0xb0: {  	[sflag:s23] =	ssyncset.done @!p2 $0x0  }
0xb1: {  	s19 =	simm.s32 @!p2 $0x680;
	[sflag:s23] =	ssyncadd.s32 @!p2 $0xFFFFD800  }
0xb2: {  	[tilespmem:s22], [sflag:$0x2] =	stream.indirect.gather.add.f32 @!p2 [hbm:s4], $0x80, s19, s18, $0xb8;
	[tilespmem:$0x5C00] =	vst v63  }
0xb3: {  	s23 =	simm.s32 @!p2 $0x2;
	s19 =	simm.s32 @!p2 $0xA80  }
0xb4: {  	[tilespmem:s22], [sflag:$0x3] =	stream.indirect.gather.add.f32 @!p2 [hbm:s5], $0x80, s19, s18, $0xb8;
	[tilespmem:$0x5C00] =	vst v63  }
0xb5: {  	_ =	swait.ge @!p2 [sflag:s23], $0x2800  }
0xb6: {  	[sflag:s23] =	ssyncset.done @!p2 $0x0  }
0xb7: {  	s18 =	simm.s32 @!p2 $0x3;
	[sflag:s23] =	ssyncadd.s32 @!p2 $0xFFFFD800  }
0xb8: {  	_ =	swait.ge @!p2 [sflag:s18], $0x2800  }
0xb9: {  	[sflag:s18] =	ssyncset.done @!p2 $0x0  }
0xba: {  	[sflag:s18] =	ssyncadd.s32 @!p2 $0xFFFFD800;
	s18 =	simm.s32 @!p2 $0x4  }
0xbb: {  	_ =	swait.ge @!p2 [sflag:s18], $0x2800  }
0xbc: {  	s19 =	sadd.s32 @!p2 $0x0, s7;
	[sflag:s18] =	ssyncset.done @!p2 $0x0  }
0xbd: {  	s19 =	sadd.s32 @!p2 $0x1900, s19;
	[sflag:s18] =	ssyncadd.s32 @!p2 $0xFFFFD800;
	s18 =	simm.s32 @!p2 $0x6  }
0xbe: {  	[hbm4b:s19+s20] =	stream.linear.scatter @!p2 [tilespmem:s22], [sflag:$0x6], $0x2800, $0x38;
	[tilespmem:$0x5C00] =	vst v63  }
0xbf: {  	_ =	swait.ge @!p2 [sflag:s18], $0x2800  }
0xc0: {  	s17 =	sadd.s32 $0x6, s17;
	s19 =	sadd.s32 @!p2 $0x0, s8;
	[sflag:s18] =	ssyncset.done @!p2 $0x0  }
0xc1: {  	p1 =	sgt.s32 s17, $0x7C;
	s19 =	sadd.s32 @!p2 $0x1900, s19;
	[sflag:s18] =	ssyncadd.s32 @!p2 $0xFFFFD800  }
0xc2: {  	[hbm4b:s19+s20] =	stream.linear.scatter @!p2 [tilespmem:s21], [sflag:$0x6], $0x2800, $0x38;
	[tilespmem:$0x5C00] =	vst v63  }
0xc3: {  	s17 =	simm.s32 @!p1 $0xC00;
	s19 =	smul.u32 @!p1 $0xF00, s15  }
0xc4: {  	s22 =	simm.s32 @!p1 $0x3400;
	s20 =	simm.s32 @!p1 $0x300;
	_ =	swait.ge @!p2 [sflag:s18], $0x2800  }
0xc5: {  	s21 =	sadd.s32 @!p1 $0x0, s9;
	[sflag:s18] =	ssyncset.done @!p2 $0x0;
	s19 =	ssub.s32 @!p1 $0x0, s19  }
0xc6: {  	[sflag:s18] =	ssyncadd.s32 @!p2 $0xFFFFD800;
	s18 =	simm.s32 @!p1 $0x50;
	s19 =	sadd.s32 @!p1 s19, s21  }
0xc7: {  	[tilespmem:s17], [sflag:$0x1] =	stream.indirect.gather @!p1 [hbm4b:s3+s18], $0x80, s20, s18, $0xb8;
	[tilespmem:$0x5C00] =	vst v63  }
0xc8: {  	s21 =	simm.s32 @!p1 $0x0;
	s20 =	simm.s32 @!p1 $0x1;
	s19 =	sadd.s32 @!p1 $0x1E00, s19  }
0xc9: {  	[tilespmem:s22], [sflag:$0x4] =	stream.linear.gather @!p1 [hbm4b:s19+s21], $0x2800, $0x38;
	[tilespmem:$0x5C00] =	vst v63  }
0xca: {  	_ =	swait.ge @!p1 [sflag:s20], $0x2800  }
0xcb: {  	[sflag:s20] =	ssyncset.done @!p1 $0x0  }
0xcc: {  	s19 =	simm.s32 @!p1 $0x700;
	[sflag:s20] =	ssyncadd.s32 @!p1 $0xFFFFD800  }
0xcd: {  	[tilespmem:s17], [sflag:$0x2] =	stream.indirect.gather.add.f32 @!p1 [hbm:s4], $0x80, s19, s18, $0xb8;
	[tilespmem:$0x5C00] =	vst v63  }
0xce: {  	s20 =	simm.s32 @!p1 $0x2;
	s19 =	simm.s32 @!p1 $0xB00  }
0xcf: {  	[tilespmem:s17], [sflag:$0x3] =	stream.indirect.gather.add.f32 @!p1 [hbm:s5], $0x80, s19, s18, $0xb8;
	[tilespmem:$0x5C00] =	vst v63  }
0xd0: {  	_ =	swait.ge @!p1 [sflag:s20], $0x2800  }
0xd1: {  	[sflag:s20] =	ssyncset.done @!p1 $0x0  }
0xd2: {  	s18 =	simm.s32 @!p1 $0x3;
	[sflag:s20] =	ssyncadd.s32 @!p1 $0xFFFFD800  }
0xd3: {  	_ =	swait.ge @!p1 [sflag:s18], $0x2800  }
0xd4: {  	[sflag:s18] =	ssyncset.done @!p1 $0x0  }
0xd5: {  	[sflag:s18] =	ssyncadd.s32 @!p1 $0xFFFFD800;
	s18 =	simm.s32 @!p1 $0x4  }
0xd6: {  	_ =	swait.ge @!p1 [sflag:s18], $0x2800  }
0xd7: {  	s19 =	sadd.s32 @!p1 $0x0, s7;
	[sflag:s18] =	ssyncset.done @!p1 $0x0  }
0xd8: {  	s19 =	sadd.s32 @!p1 $0x1E00, s19;
	[sflag:s18] =	ssyncadd.s32 @!p1 $0xFFFFD800;
	s18 =	simm.s32 @!p1 $0x6  }
0xd9: {  	[hbm4b:s19+s21] =	stream.linear.scatter @!p1 [tilespmem:s17], [sflag:$0x6], $0x2800, $0x38;
	[tilespmem:$0x5C00] =	vst v63  }
0xda: {  	_ =	swait.ge @!p1 [sflag:s18], $0x2800  }
0xdb: {  	s6 =	rddreg [dreg:$0xb]  }
0xdc: {  	s17 =	sadd.s32 @!p1 $0x0, s8;
	[sflag:s18] =	ssyncset.done @!p1 $0x0;
	s16 =	ssub.s32 s6, s12  }
0xdd: {  	s17 =	sadd.s32 @!p1 $0x1E00, s17;
	[sflag:s18] =	ssyncadd.s32 @!p1 $0xFFFFD800;
	p2 =	sgt.s32 s16, $0x7C  }
0xde: {  	[hbm4b:s17+s21] =	stream.linear.scatter @!p1 [tilespmem:s22], [sflag:$0x6], $0x2800, $0x38;
	[tilespmem:$0x5C00] =	vst v63  }
0xdf: {  	_ =	swait.ge @!p1 [sflag:s18], $0x2800;
	s15 =	smul.u32 @!p2 $0xF00, s15;
	s16 =	sadd.s32 @!p2 $0x0, s9  }
0xe0: {  	s17 =	simm.s32 @!p2 $0x380;
	s24 =	simm.s32 @!p2 $0xC00;
	[sflag:s18] =	ssyncset.done @!p1 $0x0  }
0xe1: {  	[sflag:s18] =	ssyncadd.s32 @!p1 $0xFFFFD800;
	s18 =	simm.s32 @!p2 $0x50;
	s15 =	ssub.s32 @!p2 $0x0, s15  }
0xe2: {  	[tilespmem:s24], [sflag:$0x1] =	stream.indirect.gather @!p2 [hbm4b:s3+s18], $0x80, s17, s18, $0xb8;
	[tilespmem:$0x5C00] =	vst v63  }
0xe3: {  	s25 =	simm.s32 @!p2 $0x0;
	s15 =	sadd.s32 @!p2 s15, s16  }
0xe4: {  	s26 =	simm.s32 @!p2 $0x3400;
	s16 =	simm.s32 @!p2 $0x1;
	s15 =	sadd.s32 @!p2 $0x2300, s15  }
0xe5: {  	[tilespmem:s26], [sflag:$0x4] =	stream.linear.gather @!p2 [hbm4b:s15+s25], $0x2800, $0x38;
	[tilespmem:$0x5C00] =	vst v63  }
0xe6: {  	_ =	swait.ge @!p2 [sflag:s16], $0x2800  }
0xe7: {  	[sflag:s16] =	ssyncset.done @!p2 $0x0  }
0xe8: {  	s15 =	simm.s32 @!p2 $0x780;
	[sflag:s16] =	ssyncadd.s32 @!p2 $0xFFFFD800  }
0xe9: {  	[tilespmem:s24], [sflag:$0x2] =	stream.indirect.gather.add.f32 @!p2 [hbm:s4], $0x80, s15, s18, $0xb8;
	[tilespmem:$0x5C00] =	vst v63  }
0xea: {  	s16 =	simm.s32 @!p2 $0x2;
	s15 =	simm.s32 @!p2 $0xB80  }
0xeb: {  	[tilespmem:s24], [sflag:$0x3] =	stream.indirect.gather.add.f32 @!p2 [hbm:s5], $0x80, s15, s18, $0xb8;
	[tilespmem:$0x5C00] =	vst v63  }
0xec: {  	s20 =	simm.s32 $0xFFFFE200;
	_ =	swait.ge @!p2 [sflag:s16], $0x2800  }
0xed: {  	s19 =	sadd.s32 $0x100, s10;
	s17 =	sadd.s32 @!p2 $0x0, s7;
	[sflag:s16] =	ssyncset.done @!p2 $0x0  }
0xee: {  	s29 =	sadd.s32 @!p2 $0x2300, s17;
	s17 =	simm.s32 @!p2 $0x3;
	[sflag:s16] =	ssyncadd.s32 @!p2 $0xFFFFD800  }
0xef: {  	s21 =	sadd.s32 $0x100, s6;
	s22 =	smov.u32 s1;
	_ =	swait.ge @!p2 [sflag:s17], $0x2800  }
0xf0: {  	s28 =	simm.s32 @!p2 $0x6;
	s23 =	simm.s32 @!p2 $0x4;
	[sflag:s17] =	ssyncset.done @!p2 $0x0  }
0xf1: {  	s15 =	simm.s32 $0x50000;
	s16 =	sadd.s32 @!p2 $0x0, s8;
	[sflag:s17] =	ssyncadd.s32 @!p2 $0xFFFFD800  }
0xf2: {  	s18 =	sadd.s32 $0x100, s0;
	s30 =	sadd.s32 @!p2 $0x2300, s16;
	_ =	swait.ge @!p2 [sflag:s23], $0x2800  }
0xf3: {  	s16 =	simm.s32 $0x2000;
	s17 =	simm.s32 $0x1000;
	[sflag:s23] =	ssyncset.done @!p2 $0x0  }
.LBB2_2:
0xf4: {  	[sflag:s23] =	ssyncadd.s32 @!p2 $0xFFFFD800  }
0xf5: {  	[hbm4b:s29+s25] =	stream.linear.scatter @!p2 [tilespmem:s24], [sflag:$0x6], $0x2800, $0x38;
	[tilespmem:$0x5C00] =	vst v63  }
0xf6: {  	_ =	swait.ge @!p2 [sflag:s28], $0x2800  }
0xf7: {  	[sflag:s28] =	ssyncset.done @!p2 $0x0  }
0xf8: {  	s24 =	simm.s32 @!p2 $0x5;
	[sflag:s28] =	ssyncadd.s32 @!p2 $0xFFFFD800  }
0xf9: {  	[hbm4b:s30+s25] =	stream.linear.scatter @!p2 [tilespmem:s26], [sflag:$0x5], $0x2800, $0x38;
	[tilespmem:$0x5C00] =	vst v63  }
0xfa: {  	_ =	swait.ge @!p2 [sflag:s24], $0x2800  }
0xfb: {  	s23 =	smov.u32 s15;
	s31 =	rddreg [dreg:$0x3]  }
0xfc: {  	s25 =	sadd.s32 s23, s31  }
0xfd: {  	[sflag:s24] =	ssyncset.done @!p2 $0x0;
	p6 =	seq.s32 s25, $0x0  }
0xfe: {  	[sflag:s24] =	ssyncadd.s32 @!p2 $0xFFFFD800;
	p2 =	por !p0, !p6  }
0xff: {  	s24 =	rddreg [dreg:$0x4];
	p2 =	por !p2, !p2  }
0x100: {  	s0 =	rddreg [dreg:$0x6];
	s24 =	simm.s32 @!p2 $0x0  }
0x101: {  	s22 =	sadd.s32 $0x2, s22;
	s28 =	rddreg [dreg:$0x5];
	s6 =	sshll.u32 s24, $0xC  }
0x102: {  	s26 =	sadd.s32 s17, s0;
	s29 =	sadd.s32 s24, s22;
	s30 =	sadd.s32 s6, s16  }
0x103: {  	s28 =	simm.s32 @!p2 $0x0;
	s25 =	sshll.u32 s29, $0x7;
	s29 =	sadd.s32 s30, s26  }
0x104: {  	[tilespmem:s2], [sflag:$0x6] =	stream.linear.gather [hbm4b:s29+s2], $0x400, $0x38;
	[tilespmem:$0x5C00] =	vst v63  }
0x105: {  	s28 =	ssub.s32 s22, s28;
	_ =	swait.ge [sflag:s13], $0x400  }
0x106: {  	s28 =	sshll.u32 s28, $0x7;
	[sflag:s13] =	ssyncset.done $0x0  }
0x107: {  	s31 =	sadd.s32 $0x800, s29;
	s30 =	rddreg [dreg:$0x7];
	[sflag:s13] =	ssyncadd.s32 $0xFFFFFC00  }
0x108: {  	[tilespmem:s30], [sflag:$0x6] =	stream.linear.gather [hbm4b:s31+s2], $0x400, $0x38;
	[tilespmem:$0x5C00] =	vst v63  }
0x109: {  	s28 =	ssub.s32 s18, s28;
	_ =	swait.ge [sflag:s13], $0x400  }
0x10a: {  	p3 =	sgt.s32 s28, $0x7C;
	s29 =	sadd.s32 $0x1000, s29;
	[sflag:s13] =	ssyncset.done $0x0  }
0x10b: {  	s28 =	smul.u32 @!p3 $0xF00, s24;
	s30 =	rddreg [dreg:$0x8];
	[sflag:s13] =	ssyncadd.s32 $0xFFFFFC00  }
0x10c: {  	[tilespmem:s30], [sflag:$0x6] =	stream.linear.gather [hbm4b:s29+s2], $0x400, $0x38;
	[tilespmem:$0x5C00] =	vst v63  }
0x10d: {  	s28 =	ssub.s32 @!p3 s20, s28;
	s31 =	sadd.s32 @!p3 s23, s9;
	_ =	swait.ge [sflag:s13], $0x400  }
0x10e: {  	s28 =	sadd.s32 @!p3 s28, s31;
	s31 =	simm.s32 @!p3 $0x50;
	[sflag:s13] =	ssyncset.done $0x0  }
0x10f: {  	s29 =	simm.s32 @!p3 $0x0;
	s30 =	simm.s32 @!p3 $0xC00;
	[sflag:s13] =	ssyncadd.s32 $0xFFFFFC00  }
0x110: {  	[tilespmem:s30], [sflag:$0x1] =	stream.indirect.gather @!p3 [hbm4b:s3+s31], $0x80, s29, s31, $0xb8;
	[tilespmem:$0x5C00] =	vst v63  }
0x111: {  	s0 =	simm.s32 @!p3 $0x3400;
	s6 =	simm.s32 @!p3 $0x1  }
0x112: {  	[tilespmem:s0], [sflag:$0x4] =	stream.linear.gather @!p3 [hbm4b:s28+s29], $0x2800, $0x38;
	[tilespmem:$0x5C00] =	vst v63  }
0x113: {  	_ =	swait.ge @!p3 [sflag:s6], $0x2800  }
0x114: {  	[sflag:s6] =	ssyncset.done @!p3 $0x0  }
0x115: {  	s28 =	simm.s32 @!p3 $0x400;
	[sflag:s6] =	ssyncadd.s32 @!p3 $0xFFFFD800  }
0x116: {  	[tilespmem:s30], [sflag:$0x2] =	stream.indirect.gather.add.f32 @!p3 [hbm:s4], $0x80, s28, s31, $0xb8;
	[tilespmem:$0x5C00] =	vst v63  }
0x117: {  	s6 =	simm.s32 @!p3 $0x800;
	s28 =	simm.s32 @!p3 $0x2  }
0x118: {  	[tilespmem:s30], [sflag:$0x3] =	stream.indirect.gather.add.f32 @!p3 [hbm:s5], $0x80, s6, s31, $0xb8;
	[tilespmem:$0x5C00] =	vst v63  }
0x119: {  	_ =	swait.ge @!p3 [sflag:s28], $0x2800  }
0x11a: {  	[sflag:s28] =	ssyncset.done @!p3 $0x0  }
0x11b: {  	s6 =	simm.s32 @!p3 $0x3;
	[sflag:s28] =	ssyncadd.s32 @!p3 $0xFFFFD800  }
0x11c: {  	_ =	swait.ge @!p3 [sflag:s6], $0x2800  }
0x11d: {  	[sflag:s6] =	ssyncset.done @!p3 $0x0  }
0x11e: {  	s26 =	ssub.s32 s18, s25;
	s31 =	simm.s32 @!p3 $0x4;
	[sflag:s6] =	ssyncadd.s32 @!p3 $0xFFFFD800  }
0x11f: {  	s10 =	sadd.s32 $0x1, s26;
	_ =	swait.ge @!p3 [sflag:s31], $0x2800  }
0x120: {  	s11 =	simm.s32 @!p3 $0x6;
	p2 =	sgt.s32 s10, $0x7C;
	[sflag:s31] =	ssyncset.done @!p3 $0x0  }
0x121: {  	s28 =	sadd.s32 @!p3 s23, s7;
	s6 =	smul.u32 @!p2 $0xF00, s24;
	[sflag:s31] =	ssyncadd.s32 @!p3 $0xFFFFD800  }
0x122: {  	[hbm4b:s28+s29] =	stream.linear.scatter @!p3 [tilespmem:s30], [sflag:$0x6], $0x2800, $0x38;
	[tilespmem:$0x5C00] =	vst v63  }
0x123: {  	_ =	swait.ge @!p3 [sflag:s11], $0x2800  }
0x124: {  	s12 =	sadd.s32 @!p3 s23, s8;
	s6 =	ssub.s32 @!p2 s20, s6;
	[sflag:s11] =	ssyncset.done @!p3 $0x0  }
0x125: {  	s31 =	sadd.s32 @!p2 s23, s9;
	s30 =	simm.s32 @!p2 $0xC00;
	[sflag:s11] =	ssyncadd.s32 @!p3 $0xFFFFD800  }
0x126: {  	[hbm4b:s12+s29] =	stream.linear.scatter @!p3 [tilespmem:s0], [sflag:$0x6], $0x2800, $0x38;
	[tilespmem:$0x5C00] =	vst v63  }
0x127: {  	s28 =	simm.s32 @!p2 $0x3400;
	s6 =	sadd.s32 @!p2 s6, s31;
	_ =	swait.ge @!p3 [sflag:s11], $0x2800  }
0x128: {  	s6 =	sadd.s32 @!p2 $0x500, s6;
	s0 =	simm.s32 @!p2 $0x80;
	[sflag:s11] =	ssyncset.done @!p3 $0x0  }
0x129: {  	s12 =	simm.s32 @!p2 $0x50;
	s29 =	sadd.s32 @!p2 s23, s8;
	[sflag:s11] =	ssyncadd.s32 @!p3 $0xFFFFD800  }
0x12a: {  	[tilespmem:s30], [sflag:$0x1] =	stream.indirect.gather @!p2 [hbm4b:s3+s12], $0x80, s0, s12, $0xb8;
	[tilespmem:$0x5C00] =	vst v63  }
0x12b: {  	s11 =	sadd.s32 @!p2 $0x500, s29;
	s29 =	simm.s32 @!p2 $0x1;
	s0 =	simm.s32 @!p2 $0x0  }
0x12c: {  	[tilespmem:s28], [sflag:$0x4] =	stream.linear.gather @!p2 [hbm4b:s6+s0], $0x2800, $0x38;
	[tilespmem:$0x5C00] =	vst v63  }
0x12d: {  	_ =	swait.ge @!p2 [sflag:s29], $0x2800  }
0x12e: {  	[sflag:s29] =	ssyncset.done @!p2 $0x0  }
0x12f: {  	s6 =	simm.s32 @!p2 $0x480;
	[sflag:s29] =	ssyncadd.s32 @!p2 $0xFFFFD800  }
0x130: {  	[tilespmem:s30], [sflag:$0x2] =	stream.indirect.gather.add.f32 @!p2 [hbm:s4], $0x80, s6, s12, $0xb8;
	[tilespmem:$0x5C00] =	vst v63  }
0x131: {  	s29 =	simm.s32 @!p2 $0x2;
	s6 =	simm.s32 @!p2 $0x880  }
0x132: {  	[tilespmem:s30], [sflag:$0x3] =	stream.indirect.gather.add.f32 @!p2 [hbm:s5], $0x80, s6, s12, $0xb8;
	[tilespmem:$0x5C00] =	vst v63  }
0x133: {  	_ =	swait.ge @!p2 [sflag:s29], $0x2800  }
0x134: {  	[sflag:s29] =	ssyncset.done @!p2 $0x0  }
0x135: {  	s6 =	simm.s32 @!p2 $0x3;
	[sflag:s29] =	ssyncadd.s32 @!p2 $0xFFFFD800  }
0x136: {  	_ =	swait.ge @!p2 [sflag:s6], $0x2800  }
0x137: {  	[sflag:s6] =	ssyncset.done @!p2 $0x0  }
0x138: {  	s12 =	simm.s32 @!p2 $0x4;
	[sflag:s6] =	ssyncadd.s32 @!p2 $0xFFFFD800  }
0x139: {  	_ =	swait.ge @!p2 [sflag:s12], $0x2800  }
0x13a: {  	s10 =	sadd.s32 @!p2 s23, s7;
	[sflag:s12] =	ssyncset.done @!p2 $0x0  }
0x13b: {  	s10 =	sadd.s32 @!p2 $0x500, s10;
	s6 =	simm.s32 @!p2 $0x6;
	[sflag:s12] =	ssyncadd.s32 @!p2 $0xFFFFD800  }
0x13c: {  	[hbm4b:s10+s0] =	stream.linear.scatter @!p2 [tilespmem:s30], [sflag:$0x6], $0x2800, $0x38;
	[tilespmem:$0x5C00] =	vst v63  }
0x13d: {  	s29 =	sadd.s32 $0x2, s26;
	_ =	swait.ge @!p2 [sflag:s6], $0x2800  }
0x13e: {  	p3 =	sgt.s32 s29, $0x7C;
	[sflag:s6] =	ssyncset.done @!p2 $0x0  }
0x13f: {  	s29 =	simm.s32 @!p3 $0x3400;
	s10 =	smul.u32 @!p3 $0xF00, s24;
	[sflag:s6] =	ssyncadd.s32 @!p2 $0xFFFFD800  }
0x140: {  	[hbm4b:s11+s0] =	stream.linear.scatter @!p2 [tilespmem:s28], [sflag:$0x6], $0x2800, $0x38;
	[tilespmem:$0x5C00] =	vst v63  }
0x141: {  	s12 =	sadd.s32 @!p3 s23, s9;
	s10 =	ssub.s32 @!p3 s20, s10;
	_ =	swait.ge @!p2 [sflag:s6], $0x2800  }
0x142: {  	s31 =	simm.s32 @!p3 $0x50;
	s0 =	sadd.s32 @!p3 s10, s12;
	[sflag:s6] =	ssyncset.done @!p2 $0x0  }
0x143: {  	s10 =	simm.s32 @!p3 $0x100;
	s11 =	simm.s32 @!p3 $0xC00;
	[sflag:s6] =	ssyncadd.s32 @!p2 $0xFFFFD800  }
0x144: {  	[tilespmem:s11], [sflag:$0x1] =	stream.indirect.gather @!p3 [hbm4b:s3+s31], $0x80, s10, s31, $0xb8;
	[tilespmem:$0x5C00] =	vst v63  }
0x145: {  	s28 =	simm.s32 @!p3 $0x0;
	s0 =	sadd.s32 @!p3 $0xA00, s0;
	s6 =	simm.s32 @!p3 $0x1  }
0x146: {  	[tilespmem:s29], [sflag:$0x4] =	stream.linear.gather @!p3 [hbm4b:s0+s28], $0x2800, $0x38;
	[tilespmem:$0x5C00] =	vst v63  }
0x147: {  	_ =	swait.ge @!p3 [sflag:s6], $0x2800  }
0x148: {  	[sflag:s6] =	ssyncset.done @!p3 $0x0  }
0x149: {  	s30 =	sadd.s32 @!p3 s23, s7;
	[sflag:s6] =	ssyncadd.s32 @!p3 $0xFFFFD800;
	s6 =	simm.s32 @!p3 $0x500  }
0x14a: {  	[tilespmem:s11], [sflag:$0x2] =	stream.indirect.gather.add.f32 @!p3 [hbm:s4], $0x80, s6, s31, $0xb8;
	[tilespmem:$0x5C00] =	vst v63  }
0x14b: {  	s10 =	sadd.s32 @!p3 $0xA00, s30;
	s30 =	simm.s32 @!p3 $0x2;
	s0 =	simm.s32 @!p3 $0x900  }
0x14c: {  	[tilespmem:s11], [sflag:$0x3] =	stream.indirect.gather.add.f32 @!p3 [hbm:s5], $0x80, s0, s31, $0xb8;
	[tilespmem:$0x5C00] =	vst v63  }
0x14d: {  	_ =	swait.ge @!p3 [sflag:s30], $0x2800  }
0x14e: {  	[sflag:s30] =	ssyncset.done @!p3 $0x0  }
0x14f: {  	s0 =	simm.s32 @!p3 $0x3;
	[sflag:s30] =	ssyncadd.s32 @!p3 $0xFFFFD800  }
0x150: {  	_ =	swait.ge @!p3 [sflag:s0], $0x2800  }
0x151: {  	[sflag:s0] =	ssyncset.done @!p3 $0x0  }
0x152: {  	s6 =	simm.s32 @!p3 $0x4;
	[sflag:s0] =	ssyncadd.s32 @!p3 $0xFFFFD800  }
0x153: {  	_ =	swait.ge @!p3 [sflag:s6], $0x2800  }
0x154: {  	[sflag:s6] =	ssyncset.done @!p3 $0x0  }
0x155: {  	s0 =	simm.s32 @!p3 $0x6;
	[sflag:s6] =	ssyncadd.s32 @!p3 $0xFFFFD800  }
0x156: {  	[hbm4b:s10+s28] =	stream.linear.scatter @!p3 [tilespmem:s11], [sflag:$0x6], $0x2800, $0x38;
	[tilespmem:$0x5C00] =	vst v63  }
0x157: {  	s12 =	sadd.s32 @!p3 s23, s8;
	s31 =	ssub.s32 s19, s25;
	_ =	swait.ge @!p3 [sflag:s0], $0x2800  }
0x158: {  	s12 =	sadd.s32 @!p3 $0xA00, s12;
	p2 =	sgt.s32 s31, $0x7C;
	[sflag:s0] =	ssyncset.done @!p3 $0x0  }
0x159: {  	s30 =	sadd.s32 @!p2 s23, s9;
	s11 =	smul.u32 @!p2 $0xF00, s24;
	[sflag:s0] =	ssyncadd.s32 @!p3 $0xFFFFD800  }
0x15a: {  	[hbm4b:s12+s28] =	stream.linear.scatter @!p3 [tilespmem:s29], [sflag:$0x6], $0x2800, $0x38;
	[tilespmem:$0x5C00] =	vst v63  }
0x15b: {  	s11 =	ssub.s32 @!p2 s20, s11;
	s12 =	simm.s32 @!p2 $0x50;
	_ =	swait.ge @!p3 [sflag:s0], $0x2800  }
0x15c: {  	s28 =	simm.s32 @!p2 $0x180;
	s29 =	simm.s32 @!p2 $0xC00;
	[sflag:s0] =	ssyncset.done @!p3 $0x0  }
0x15d: {  	[sflag:s0] =	ssyncadd.s32 @!p3 $0xFFFFD800;
	s0 =	sadd.s32 @!p2 s11, s30;
	s11 =	simm.s32 @!p2 $0x0  }
0x15e: {  	[tilespmem:s29], [sflag:$0x1] =	stream.indirect.gather @!p2 [hbm4b:s3+s12], $0x80, s28, s12, $0xb8;
	[tilespmem:$0x5C00] =	vst v63  }
0x15f: {  	s30 =	simm.s32 @!p2 $0x1;
	s0 =	sadd.s32 @!p2 $0xF00, s0;
	s28 =	simm.s32 @!p2 $0x3400  }
0x160: {  	[tilespmem:s28], [sflag:$0x4] =	stream.linear.gather @!p2 [hbm4b:s0+s11], $0x2800, $0x38;
	[tilespmem:$0x5C00] =	vst v63  }
0x161: {  	_ =	swait.ge @!p2 [sflag:s30], $0x2800  }
0x162: {  	[sflag:s30] =	ssyncset.done @!p2 $0x0  }
0x163: {  	s0 =	simm.s32 @!p2 $0x580;
	[sflag:s30] =	ssyncadd.s32 @!p2 $0xFFFFD800  }
0x164: {  	[tilespmem:s29], [sflag:$0x2] =	stream.indirect.gather.add.f32 @!p2 [hbm:s4], $0x80, s0, s12, $0xb8;
	[tilespmem:$0x5C00] =	vst v63  }
0x165: {  	s31 =	simm.s32 @!p2 $0x980;
	s0 =	simm.s32 @!p2 $0x2  }
0x166: {  	[tilespmem:s29], [sflag:$0x3] =	stream.indirect.gather.add.f32 @!p2 [hbm:s5], $0x80, s31, s12, $0xb8;
	[tilespmem:$0x5C00] =	vst v63  }
0x167: {  	_ =	swait.ge @!p2 [sflag:s0], $0x2800  }
0x168: {  	[sflag:s0] =	ssyncset.done @!p2 $0x0  }
0x169: {  	s12 =	simm.s32 @!p2 $0x3;
	[sflag:s0] =	ssyncadd.s32 @!p2 $0xFFFFD800  }
0x16a: {  	_ =	swait.ge @!p2 [sflag:s12], $0x2800  }
0x16b: {  	[sflag:s12] =	ssyncset.done @!p2 $0x0  }
0x16c: {  	s0 =	simm.s32 @!p2 $0x4;
	[sflag:s12] =	ssyncadd.s32 @!p2 $0xFFFFD800  }
0x16d: {  	_ =	swait.ge @!p2 [sflag:s0], $0x2800  }
0x16e: {  	s6 =	sadd.s32 @!p2 s23, s7;
	[sflag:s0] =	ssyncset.done @!p2 $0x0  }
0x16f: {  	s6 =	sadd.s32 @!p2 $0xF00, s6;
	s12 =	simm.s32 @!p2 $0x6;
	[sflag:s0] =	ssyncadd.s32 @!p2 $0xFFFFD800  }
0x170: {  	[hbm4b:s6+s11] =	stream.linear.scatter @!p2 [tilespmem:s29], [sflag:$0x6], $0x2800, $0x38;
	[tilespmem:$0x5C00] =	vst v63  }
0x171: {  	s10 =	sadd.s32 @!p2 s23, s8;
	s6 =	sadd.s32 $0x4, s26;
	_ =	swait.ge @!p2 [sflag:s12], $0x2800  }
0x172: {  	s10 =	sadd.s32 @!p2 $0xF00, s10;
	p3 =	sgt.s32 s6, $0x7C;
	[sflag:s12] =	ssyncset.done @!p2 $0x0  }
0x173: {  	s0 =	smul.u32 @!p3 $0xF00, s24;
	s6 =	sadd.s32 @!p3 s23, s9;
	[sflag:s12] =	ssyncadd.s32 @!p2 $0xFFFFD800  }
0x174: {  	[hbm4b:s10+s11] =	stream.linear.scatter @!p2 [tilespmem:s28], [sflag:$0x6], $0x2800, $0x38;
	[tilespmem:$0x5C00] =	vst v63  }
0x175: {  	s10 =	simm.s32 @!p3 $0x200;
	s11 =	simm.s32 @!p3 $0xC00;
	_ =	swait.ge @!p2 [sflag:s12], $0x2800  }
0x176: {  	s28 =	simm.s32 @!p3 $0x50;
	s0 =	ssub.s32 @!p3 s20, s0;
	[sflag:s12] =	ssyncset.done @!p2 $0x0  }
0x177: {  	s0 =	sadd.s32 @!p3 s0, s6;
	s6 =	simm.s32 @!p3 $0x1;
	[sflag:s12] =	ssyncadd.s32 @!p2 $0xFFFFD800  }
0x178: {  	[tilespmem:s11], [sflag:$0x1] =	stream.indirect.gather @!p3 [hbm4b:s3+s28], $0x80, s10, s28, $0xb8;
	[tilespmem:$0x5C00] =	vst v63  }
0x179: {  	s0 =	sadd.s32 @!p3 $0x1400, s0;
	s12 =	simm.s32 @!p3 $0x3400;
	s10 =	simm.s32 @!p3 $0x0  }
0x17a: {  	[tilespmem:s12], [sflag:$0x4] =	stream.linear.gather @!p3 [hbm4b:s0+s10], $0x2800, $0x38;
	[tilespmem:$0x5C00] =	vst v63  }
0x17b: {  	_ =	swait.ge @!p3 [sflag:s6], $0x2800  }
0x17c: {  	[sflag:s6] =	ssyncset.done @!p3 $0x0  }
0x17d: {  	[sflag:s6] =	ssyncadd.s32 @!p3 $0xFFFFD800;
	s6 =	simm.s32 @!p3 $0x600  }
0x17e: {  	[tilespmem:s11], [sflag:$0x2] =	stream.indirect.gather.add.f32 @!p3 [hbm:s4], $0x80, s6, s28, $0xb8;
	[tilespmem:$0x5C00] =	vst v63  }
0x17f: {  	s30 =	simm.s32 @!p3 $0x2;
	s6 =	simm.s32 @!p3 $0xA00  }
0x180: {  	[tilespmem:s11], [sflag:$0x3] =	stream.indirect.gather.add.f32 @!p3 [hbm:s5], $0x80, s6, s28, $0xb8;
	[tilespmem:$0x5C00] =	vst v63  }
0x181: {  	_ =	swait.ge @!p3 [sflag:s30], $0x2800  }
0x182: {  	[sflag:s30] =	ssyncset.done @!p3 $0x0  }
0x183: {  	s6 =	simm.s32 @!p3 $0x3;
	[sflag:s30] =	ssyncadd.s32 @!p3 $0xFFFFD800  }
0x184: {  	_ =	swait.ge @!p3 [sflag:s6], $0x2800  }
0x185: {  	[sflag:s6] =	ssyncset.done @!p3 $0x0  }
0x186: {  	[sflag:s6] =	ssyncadd.s32 @!p3 $0xFFFFD800;
	s6 =	simm.s32 @!p3 $0x4  }
0x187: {  	_ =	swait.ge @!p3 [sflag:s6], $0x2800  }
0x188: {  	s0 =	sadd.s32 @!p3 s23, s7;
	[sflag:s6] =	ssyncset.done @!p3 $0x0  }
0x189: {  	s0 =	sadd.s32 @!p3 $0x1400, s0;
	[sflag:s6] =	ssyncadd.s32 @!p3 $0xFFFFD800;
	s6 =	simm.s32 @!p3 $0x6  }
0x18a: {  	[hbm4b:s0+s10] =	stream.linear.scatter @!p3 [tilespmem:s11], [sflag:$0x6], $0x2800, $0x38;
	[tilespmem:$0x5C00] =	vst v63  }
0x18b: {  	s29 =	sadd.s32 @!p3 s23, s8;
	s11 =	sadd.s32 $0x5, s26;
	_ =	swait.ge @!p3 [sflag:s6], $0x2800  }
0x18c: {  	s29 =	sadd.s32 @!p3 $0x1400, s29;
	p2 =	sgt.s32 s11, $0x7C;
	[sflag:s6] =	ssyncset.done @!p3 $0x0  }
0x18d: {  	s0 =	smul.u32 @!p2 $0xF00, s24;
	s11 =	simm.s32 @!p2 $0x280;
	[sflag:s6] =	ssyncadd.s32 @!p3 $0xFFFFD800  }
0x18e: {  	[hbm4b:s29+s10] =	stream.linear.scatter @!p3 [tilespmem:s12], [sflag:$0x6], $0x2800, $0x38;
	[tilespmem:$0x5C00] =	vst v63  }
0x18f: {  	s28 =	simm.s32 @!p2 $0x1;
	s10 =	sadd.s32 @!p2 s23, s9;
	_ =	swait.ge @!p3 [sflag:s6], $0x2800  }
0x190: {  	s12 =	simm.s32 @!p2 $0xC00;
	s0 =	ssub.s32 @!p2 s20, s0;
	[sflag:s6] =	ssyncset.done @!p3 $0x0  }
0x191: {  	s0 =	sadd.s32 @!p2 s0, s10;
	[sflag:s6] =	ssyncadd.s32 @!p3 $0xFFFFD800;
	s6 =	simm.s32 @!p2 $0x50  }
0x192: {  	[tilespmem:s12], [sflag:$0x1] =	stream.indirect.gather @!p2 [hbm4b:s3+s6], $0x80, s11, s6, $0xb8;
	[tilespmem:$0x5C00] =	vst v63  }
0x193: {  	s10 =	simm.s32 @!p2 $0x0;
	s0 =	sadd.s32 @!p2 $0x1900, s0;
	s11 =	simm.s32 @!p2 $0x3400  }
0x194: {  	[tilespmem:s11], [sflag:$0x4] =	stream.linear.gather @!p2 [hbm4b:s0+s10], $0x2800, $0x38;
	[tilespmem:$0x5C00] =	vst v63  }
0x195: {  	_ =	swait.ge @!p2 [sflag:s28], $0x2800  }
0x196: {  	[sflag:s28] =	ssyncset.done @!p2 $0x0  }
0x197: {  	[sflag:s28] =	ssyncadd.s32 @!p2 $0xFFFFD800;
	s28 =	simm.s32 @!p2 $0x680  }
0x198: {  	[tilespmem:s12], [sflag:$0x2] =	stream.indirect.gather.add.f32 @!p2 [hbm:s4], $0x80, s28, s6, $0xb8;
	[tilespmem:$0x5C00] =	vst v63  }
0x199: {  	s30 =	simm.s32 @!p2 $0x2;
	s28 =	simm.s32 @!p2 $0xA80  }
0x19a: {  	[tilespmem:s12], [sflag:$0x3] =	stream.indirect.gather.add.f32 @!p2 [hbm:s5], $0x80, s28, s6, $0xb8;
	[tilespmem:$0x5C00] =	vst v63  }
0x19b: {  	_ =	swait.ge @!p2 [sflag:s30], $0x2800  }
0x19c: {  	[sflag:s30] =	ssyncset.done @!p2 $0x0  }
0x19d: {  	s6 =	simm.s32 @!p2 $0x3;
	[sflag:s30] =	ssyncadd.s32 @!p2 $0xFFFFD800  }
0x19e: {  	_ =	swait.ge @!p2 [sflag:s6], $0x2800  }
0x19f: {  	[sflag:s6] =	ssyncset.done @!p2 $0x0  }
0x1a0: {  	[sflag:s6] =	ssyncadd.s32 @!p2 $0xFFFFD800;
	s6 =	simm.s32 @!p2 $0x4  }
0x1a1: {  	_ =	swait.ge @!p2 [sflag:s6], $0x2800  }
0x1a2: {  	s29 =	sadd.s32 @!p2 s23, s7;
	[sflag:s6] =	ssyncset.done @!p2 $0x0  }
0x1a3: {  	s0 =	sadd.s32 @!p2 $0x1900, s29;
	[sflag:s6] =	ssyncadd.s32 @!p2 $0xFFFFD800;
	s6 =	simm.s32 @!p2 $0x6  }
0x1a4: {  	[hbm4b:s0+s10] =	stream.linear.scatter @!p2 [tilespmem:s12], [sflag:$0x6], $0x2800, $0x38;
	[tilespmem:$0x5C00] =	vst v63  }
0x1a5: {  	_ =	swait.ge @!p2 [sflag:s6], $0x2800  }
0x1a6: {  	s26 =	sadd.s32 $0x6, s26;
	s29 =	sadd.s32 @!p2 s23, s8;
	[sflag:s6] =	ssyncset.done @!p2 $0x0  }
0x1a7: {  	p3 =	sgt.s32 s26, $0x7C;
	s29 =	sadd.s32 @!p2 $0x1900, s29;
	[sflag:s6] =	ssyncadd.s32 @!p2 $0xFFFFD800  }
0x1a8: {  	[hbm4b:s29+s10] =	stream.linear.scatter @!p2 [tilespmem:s11], [sflag:$0x6], $0x2800, $0x38;
	[tilespmem:$0x5C00] =	vst v63  }
0x1a9: {  	s26 =	simm.s32 @!p3 $0x0;
	s10 =	smul.u32 @!p3 $0xF00, s24  }
0x1aa: {  	s0 =	simm.s32 @!p3 $0xC00;
	s12 =	sadd.s32 @!p3 s23, s9;
	_ =	swait.ge @!p2 [sflag:s6], $0x2800  }
0x1ab: {  	s11 =	simm.s32 @!p3 $0x300;
	[sflag:s6] =	ssyncset.done @!p2 $0x0;
	s10 =	ssub.s32 @!p3 s20, s10  }
0x1ac: {  	[sflag:s6] =	ssyncadd.s32 @!p2 $0xFFFFD800;
	s6 =	simm.s32 @!p3 $0x50;
	s10 =	sadd.s32 @!p3 s10, s12  }
0x1ad: {  	[tilespmem:s0], [sflag:$0x1] =	stream.indirect.gather @!p3 [hbm4b:s3+s6], $0x80, s11, s6, $0xb8;
	[tilespmem:$0x5C00] =	vst v63  }
0x1ae: {  	s28 =	simm.s32 @!p3 $0x3400;
	s11 =	simm.s32 @!p3 $0x1;
	s10 =	sadd.s32 @!p3 $0x1E00, s10  }
0x1af: {  	[tilespmem:s28], [sflag:$0x4] =	stream.linear.gather @!p3 [hbm4b:s10+s26], $0x2800, $0x38;
	[tilespmem:$0x5C00] =	vst v63  }
0x1b0: {  	_ =	swait.ge @!p3 [sflag:s11], $0x2800  }
0x1b1: {  	[sflag:s11] =	ssyncset.done @!p3 $0x0  }
0x1b2: {  	[sflag:s11] =	ssyncadd.s32 @!p3 $0xFFFFD800;
	s11 =	simm.s32 @!p3 $0x700  }
0x1b3: {  	[tilespmem:s0], [sflag:$0x2] =	stream.indirect.gather.add.f32 @!p3 [hbm:s4], $0x80, s11, s6, $0xb8;
	[tilespmem:$0x5C00] =	vst v63  }
0x1b4: {  	s29 =	simm.s32 @!p3 $0x2;
	s11 =	simm.s32 @!p3 $0xB00  }
0x1b5: {  	[tilespmem:s0], [sflag:$0x3] =	stream.indirect.gather.add.f32 @!p3 [hbm:s5], $0x80, s11, s6, $0xb8;
	[tilespmem:$0x5C00] =	vst v63  }
0x1b6: {  	_ =	swait.ge @!p3 [sflag:s29], $0x2800  }
0x1b7: {  	[sflag:s29] =	ssyncset.done @!p3 $0x0  }
0x1b8: {  	s6 =	simm.s32 @!p3 $0x3;
	[sflag:s29] =	ssyncadd.s32 @!p3 $0xFFFFD800  }
0x1b9: {  	_ =	swait.ge @!p3 [sflag:s6], $0x2800  }
0x1ba: {  	[sflag:s6] =	ssyncset.done @!p3 $0x0  }
0x1bb: {  	[sflag:s6] =	ssyncadd.s32 @!p3 $0xFFFFD800;
	s6 =	simm.s32 @!p3 $0x4  }
0x1bc: {  	_ =	swait.ge @!p3 [sflag:s6], $0x2800  }
0x1bd: {  	s31 =	ssub.s32 s21, s25;
	s12 =	sadd.s32 @!p3 s23, s7;
	[sflag:s6] =	ssyncset.done @!p3 $0x0  }
0x1be: {  	s10 =	sadd.s32 @!p3 $0x1E00, s12;
	[sflag:s6] =	ssyncadd.s32 @!p3 $0xFFFFD800;
	s6 =	simm.s32 @!p3 $0x6  }
0x1bf: {  	[hbm4b:s10+s26] =	stream.linear.scatter @!p3 [tilespmem:s0], [sflag:$0x6], $0x2800, $0x38;
	[tilespmem:$0x5C00] =	vst v63  }
0x1c0: {  	p2 =	sgt.s32 s31, $0x7C;
	_ =	swait.ge @!p3 [sflag:s6], $0x2800  }
0x1c1: {  	s25 =	simm.s32 @!p2 $0x0;
	s12 =	sadd.s32 @!p3 s23, s8;
	[sflag:s6] =	ssyncset.done @!p3 $0x0  }
0x1c2: {  	s12 =	sadd.s32 @!p3 $0x1E00, s12;
	s0 =	smul.u32 @!p2 $0xF00, s24;
	[sflag:s6] =	ssyncadd.s32 @!p3 $0xFFFFD800  }
0x1c3: {  	[hbm4b:s12+s26] =	stream.linear.scatter @!p3 [tilespmem:s28], [sflag:$0x6], $0x2800, $0x38;
	[tilespmem:$0x5C00] =	vst v63  }
0x1c4: {  	s11 =	simm.s32 @!p2 $0x380;
	s10 =	sadd.s32 @!p2 s23, s9;
	_ =	swait.ge @!p3 [sflag:s6], $0x2800  }
0x1c5: {  	s24 =	simm.s32 @!p2 $0xC00;
	s0 =	ssub.s32 @!p2 s20, s0;
	[sflag:s6] =	ssyncset.done @!p3 $0x0  }
0x1c6: {  	s0 =	sadd.s32 @!p2 s0, s10;
	[sflag:s6] =	ssyncadd.s32 @!p3 $0xFFFFD800;
	s6 =	simm.s32 @!p2 $0x50  }
0x1c7: {  	[tilespmem:s24], [sflag:$0x1] =	stream.indirect.gather @!p2 [hbm4b:s3+s6], $0x80, s11, s6, $0xb8;
	[tilespmem:$0x5C00] =	vst v63  }
0x1c8: {  	s10 =	simm.s32 @!p2 $0x1;
	s26 =	simm.s32 @!p2 $0x3400;
	s0 =	sadd.s32 @!p2 $0x2300, s0  }
0x1c9: {  	[tilespmem:s26], [sflag:$0x4] =	stream.linear.gather @!p2 [hbm4b:s0+s25], $0x2800, $0x38;
	[tilespmem:$0x5C00] =	vst v63  }
0x1ca: {  	_ =	swait.ge @!p2 [sflag:s10], $0x2800  }
0x1cb: {  	[sflag:s10] =	ssyncset.done @!p2 $0x0  }
0x1cc: {  	s0 =	simm.s32 @!p2 $0x780;
	[sflag:s10] =	ssyncadd.s32 @!p2 $0xFFFFD800  }
0x1cd: {  	[tilespmem:s24], [sflag:$0x2] =	stream.indirect.gather.add.f32 @!p2 [hbm:s4], $0x80, s0, s6, $0xb8;
	[tilespmem:$0x5C00] =	vst v63  }
0x1ce: {  	s15 =	sadd.s32 $0x50000, s15;
	s10 =	simm.s32 @!p2 $0xB80;
	s0 =	simm.s32 @!p2 $0x2  }
0x1cf: {  	[tilespmem:s24], [sflag:$0x3] =	stream.indirect.gather.add.f32 @!p2 [hbm:s5], $0x80, s10, s6, $0xb8;
	[tilespmem:$0x5C00] =	vst v63  }
0x1d0: {  	p1 =	sne.s32 s15, $0x1E0000;
	_ =	swait.ge @!p2 [sflag:s0], $0x2800  }
0x1d1: {  	s17 =	sadd.s32 $0x1000, s17;
	s16 =	sadd.s32 $0x2000, s16;
	[sflag:s0] =	ssyncset.done @!p2 $0x0  }
0x1d2: {  	s18 =	sadd.s32 $0x100, s18;
	s6 =	simm.s32 @!p2 $0x3;
	[sflag:s0] =	ssyncadd.s32 @!p2 $0xFFFFD800  }
.Ltmp0:
0x1d3: {  	s11 =	sadd.s32 @!p2 s23, s7;
	_ =	swait.ge @!p2 [sflag:s6], $0x2800;
	(pc) =	sbr.rel @p1 .LBB2_2-.Ltmp0, $4  }
0x1d4: {  	s19 =	sadd.s32 $0x100, s19;
	s29 =	sadd.s32 @!p2 $0x2300, s11;
	[sflag:s6] =	ssyncset.done @!p2 $0x0  }
0x1d5: {  	s11 =	sadd.s32 @!p2 s23, s8;
	s23 =	simm.s32 @!p2 $0x4;
	[sflag:s6] =	ssyncadd.s32 @!p2 $0xFFFFD800  }
0x1d6: {  	s21 =	sadd.s32 $0x100, s21;
	s20 =	sadd.s32 $0xFFFFE200, s20;
	_ =	swait.ge @!p2 [sflag:s23], $0x2800  }
0x1d7: {  	s28 =	simm.s32 @!p2 $0x6;
	s30 =	sadd.s32 @!p2 $0x2300, s11;
	[sflag:s23] =	ssyncset.done @!p2 $0x0  }
0x1d8: {  	[sflag:s23] =	ssyncadd.s32 @!p2 $0xFFFFD800  }
0x1d9: {  	[hbm4b:s29+s25] =	stream.linear.scatter @!p2 [tilespmem:s24], [sflag:$0x6], $0x2800, $0x38;
	[tilespmem:$0x5C00] =	vst v63  }
0x1da: {  	_ =	swait.ge @!p2 [sflag:s28], $0x2800  }
0x1db: {  	[sflag:s28] =	ssyncset.done @!p2 $0x0  }
0x1dc: {  	s0 =	simm.s32 @!p2 $0x5;
	[sflag:s28] =	ssyncadd.s32 @!p2 $0xFFFFD800  }
0x1dd: {  	[hbm4b:s30+s25] =	stream.linear.scatter @!p2 [tilespmem:s26], [sflag:$0x5], $0x2800, $0x38;
	[tilespmem:$0x5C00] =	vst v63  }
0x1de: {  	_ =	swait.ge @!p2 [sflag:s0], $0x2800  }
0x1df: {  	s14 =	sadd.s32 $0x1, s14;
	s6 =	rddreg [dreg:$0x9]  }
0x1e0: {  	p1 =	sne.s32 s14, s6  }
.Ltmp1:
0x1e1: {  	_ = 	snop;
	(pc) =	sbr.rel @p1 .LBB2_1-.Ltmp1, $3  }
0x1e2: {  	_ =	sdelay $0x1  }
0x1e3: {  	[sflag:s0] =	ssyncset.done @!p2 $0x0  }
0x1e4: {  	[sflag:s0] =	ssyncadd.s32 @!p2 $0xFFFFD800  }
0x1e5: {  	_ =	sfence.sel $0x180000  }
0x1e6: {  	[bflag:$0x0] =	sbarrier.arrive $0xFFFF  }
0x1e7: {  	_ =	strace $0x9000004A  }
0x1e8: {  	[bflag:$0x2] =	sbarrier.arrive $0xFFFF  }
0x1e9: {  	s0 =	rddreg [dreg:$0x2]  }
0x1ea: {  	s0 =	sadd.s32 @!p0 $0x100000, s0  }
0x1eb: {  	[sflag:s0] =	ssyncadd.tile.s32 @!p0 $0x1;
	_ =	shalt  }
.Lfunc_end2:
_tile_overlayer_lowered:
.L_overlay_start_2:
0x1ec: {  	(tag) =	ssettag $0x2  }
0x1ed: {  	s0 =	rddreg [dreg:$0x0];
	s2 =	stileid.u32  }
0x1ee: {  	s1 =	rddreg [dreg:$0x1];
	p0 =	sne.s32 s2, $0x0  }
0x1ef: {  	s3 =	rddreg [dreg:$0x2];
	[bflag:$0x3] =	sbarrier.arrive $0xFFFF;
	s2 =	simm.s32 @!p0 $0x1C05  }
0x1f0: {  	[timem:s3], [sflag:s2] =	dma.local @!p0 [hbm:s0], s1  }
0x1f1: {  	s0 =	simm.s32 @!p0 $0x5  }
0x1f2: {  	_ =	swait.ge @!p0 [sflag:s0], s1  }
0x1f3: {  	s1 =	ssub.s32 @!p0 $0x0, s1;
	[sflag:s0] =	ssyncset.done @!p0 $0x0  }
0x1f4: {  	[sflag:s0] =	ssyncadd.s32 @!p0 s1  }
0x1f5: {  	[bflag:$0x3] =	sbarrier.arrive $0xFFFF  }
0x1f6: {  	_ =	shalt  }

// kernel: kernel.15.cloned.1.call-start
scs
__scs_entry_jumppad:
0x0: {  	(pc) =	sbr.rel $0x88, $3  }
0x1: {  	(tag) =	ssettag $0x0;
	lr =	simm.s32 $0x1  }
0x2: {  	[smem:$0x3F93] =	sst lr;
	_ =	strace $0xD0000000  }
0x3: {  	_ = 	snop  }
0x4: {  	_ = 	snop  }
0x5: {  	_ = 	snop  }
0x6: {  	_ = 	snop  }
0x7: {  	_ = 	snop  }
__scs_overlays_trampoline_lowered:
0x8: {  	[smem:$0x3FA2] =	sst s0  }
0x9: {  	[smem:$0x3FA3] =	sst s1  }
0xa: {  	[smem:$0x3FA4] =	sst s2  }
0xb: {  	[smem:$0x3FA5] =	sst s3  }
0xc: {  	[smem:$0x3FA6] =	sst s4  }
0xd: {  	[smem:$0x3FA7] =	sst s5  }
0xe: {  	[smem:$0x3FA8] =	sst s6  }
0xf: {  	[smem:$0x3FA9] =	sst s7  }
0x10: {  	[smem:$0x3FAA] =	sst s8  }
0x11: {  	[smem:$0x3FAB] =	sst s9;
	s0 =	simm.s32 @!p0 $0x0  }
0x12: {  	s1 =	sld [smem:$0x3F91];
	s0 =	simm.s32 @p0 $0x1  }
0x13: {  	[smem:$0x3FAC] =	sst s0;
	s0 =	simm.s32 @!p1 $0x0  }
0x14: {  	s2 =	sld [smem:$0x3F90];
	s0 =	simm.s32 @p1 $0x1  }
0x15: {  	[smem:$0x3FAD] =	sst s0;
	s0 =	simm.s32 @!p2 $0x0  }
0x16: {  	s3 =	sld [smem:$0x3FDB];
	s0 =	simm.s32 @p2 $0x1  }
0x17: {  	s4 =	simm.s32 $0x1BF5;
	[smem:$0x3FAF] =	sst s0  }
0x18: {  	s0 =	sld [smem:$0x3F92];
	_ =	swait.ge [sflag:s4], $0x0  }
0x19: {  	s7 =	sld [smem:$0x3F93]  }
0x1a: {  	s8 =	sadd.s32 $0xFFFFE003, lr  }
0x1b: {  	s9 =	sadd.s32 $0xFFFFFEF7, lr;
	s5 =	simm.s32 $0xFFFFFFFF;
	p2 =	slt.u32 s8, $0xFFFFF086  }
0x1c: {  	p1 =	slt.u32 s9, $0xF7A;
	s5 =	simm.s32 @!p2 $0x0  }
0x1d: {  	s5 =	simm.s32 @p1 $0x1;
	p0 =	seq.s32 s7, s2  }
0x1e: {  	s7 =	smul.u32 @!p0 $0xF7A, s2;
	p2 =	seq.s32 @!p0 s5, $0x0  }
0x1f: {  	s9 =	smul.u32 $0xF7A, s1;
	s8 =	simm.s32 @!p0 $0x1BF5;
	p2 =	por !p2, p0  }
0x20: {  	[sflag:s8] =	ssyncset.s32 @!p0 $0xFFFFF086;
	s6 =	sadd.s32 @!p0 s3, s7;
	s7 =	simm.s32 @!p0 $0x108  }
0x21: {  	s3 =	sadd.s32 s3, s9;
	s6 =	sadd.s32 @!p0 $0x88, s6;
	s7 =	simm.s32 @p2 $0x1082  }
0x22: {  	[simem:s7], [sflag:s8] =	dma.local @!p0 [hbm:s6], $0xF7A  }
0x23: {  	s9 =	sor.u32 $0xD0000000, s2;
	s6 =	simm.s32 $0x108;
	_ =	swait.ge @!p0 [sflag:s8], $0x0  }
0x24: {  	s3 =	sadd.s32 $0x88, s3;
	s6 =	simm.s32 @!p1 $0x1082;
	[sflag:s4] =	ssyncset.s32 $0xFFFFF086  }
0x25: {  	[simem:s6], [sflag:s4] =	dma.local [hbm:s3], $0xF7A  }
0x26: {  	[smem:$0x3F93] =	sst s1;
	(tag) =	ssettag s2;
	_ =	strace s9  }
0x27: {  	s1 =	sld [smem:$0x3FA3]  }
0x28: {  	s2 =	sld [smem:$0x3FA4]  }
0x29: {  	s4 =	sld [smem:$0x3FA6]  }
0x2a: {  	p0 =	seq.s32 s5, $0x0;
	s5 =	sld [smem:$0x3FA7]  }
0x2b: {  	s6 =	sld [smem:$0x3FA8]  }
0x2c: {  	s7 =	sld [smem:$0x3FA9]  }
0x2d: {  	s3 =	simm.s32 $0x108;
	s8 =	sld [smem:$0x3FAA]  }
0x2e: {  	s3 =	simm.s32 @!p0 $0x1082;
	s9 =	sld [smem:$0x3FAB]  }
0x2f: {  	lr =	sadd.s32 s0, s3;
	s0 =	sld [smem:$0x3FA2]  }
0x30: {  	s3 =	sld [smem:$0x3FA5]  }
0x31: {  	[smem:$0x3FAE] =	sst s10  }
0x32: {  	s10 =	sld [smem:$0x3FAC];
	_ =	sdelay $0x3  }
0x33: {  	p0 =	seq.s32 s10, $0x1;
	s10 =	sld [smem:$0x3FAE];
	_ =	sdelay $0x3  }
0x34: {  	[smem:$0x3FAE] =	sst s10  }
0x35: {  	s10 =	sld [smem:$0x3FAD];
	_ =	sdelay $0x3  }
0x36: {  	p1 =	seq.s32 s10, $0x1;
	s10 =	sld [smem:$0x3FAE];
	_ =	sdelay $0x3  }
0x37: {  	[smem:$0x3FAE] =	sst s10  }
0x38: {  	s10 =	sld [smem:$0x3FAF]  }
0x39: {  	_ = 	snop;
	(pc) =	sbr.ind lr, $3  }
0x3a: {  	_ = 	snop  }
0x3b: {  	_ = 	snop  }
0x3c: {  	p2 =	seq.s32 s10, $0x1;
	s10 =	sld [smem:$0x3FAE]  }
0x3d: {  	_ =	shalt  }
0x3e: {  	_ =	shalt  }
0x3f: {  	_ =	shalt  }
0x40: {  	_ =	shalt  }
0x41: {  	_ =	shalt  }
0x42: {  	_ =	shalt  }
0x43: {  	_ =	shalt  }
0x44: {  	_ =	shalt  }
0x45: {  	_ =	shalt  }
0x46: {  	_ =	shalt  }
0x47: {  	_ =	shalt  }
0x48: {  	_ =	shalt  }
0x49: {  	_ =	shalt  }
0x4a: {  	_ =	shalt  }
0x4b: {  	_ =	shalt  }
0x4c: {  	_ =	shalt  }
0x4d: {  	_ =	shalt  }
0x4e: {  	_ =	shalt  }
0x4f: {  	_ =	shalt  }
0x50: {  	_ =	shalt  }
0x51: {  	_ =	shalt  }
0x52: {  	_ =	shalt  }
0x53: {  	_ =	shalt  }
0x54: {  	_ =	shalt  }
0x55: {  	_ =	shalt  }
0x56: {  	_ =	shalt  }
0x57: {  	_ =	shalt  }
0x58: {  	_ =	shalt  }
0x59: {  	_ =	shalt  }
0x5a: {  	_ =	shalt  }
0x5b: {  	_ =	shalt  }
0x5c: {  	_ =	shalt  }
0x5d: {  	_ =	shalt  }
0x5e: {  	_ =	shalt  }
0x5f: {  	_ =	shalt  }
0x60: {  	_ =	shalt  }
0x61: {  	_ =	shalt  }
0x62: {  	_ =	shalt  }
0x63: {  	_ =	shalt  }
0x64: {  	_ =	shalt  }
0x65: {  	_ =	shalt  }
0x66: {  	_ =	shalt  }
0x67: {  	_ =	shalt  }
0x68: {  	_ =	shalt  }
0x69: {  	_ =	shalt  }
0x6a: {  	_ =	shalt  }
0x6b: {  	_ =	shalt  }
0x6c: {  	_ =	shalt  }
0x6d: {  	_ =	shalt  }
0x6e: {  	_ =	shalt  }
0x6f: {  	_ =	shalt  }
0x70: {  	_ =	shalt  }
0x71: {  	_ =	shalt  }
0x72: {  	_ =	shalt  }
0x73: {  	_ =	shalt  }
0x74: {  	_ =	shalt  }
0x75: {  	_ =	shalt  }
0x76: {  	_ =	shalt  }
0x77: {  	_ =	shalt  }
0x78: {  	_ =	shalt  }
0x79: {  	_ =	shalt  }
0x7a: {  	_ =	shalt  }
0x7b: {  	_ =	shalt  }
0x7c: {  	_ =	shalt  }
0x7d: {  	_ =	shalt  }
0x7e: {  	_ =	shalt  }
0x7f: {  	_ =	shalt  }
0x80: {  	_ =	shalt  }
0x81: {  	_ =	shalt  }
0x82: {  	_ =	shalt  }
0x83: {  	_ =	shalt  }
0x84: {  	_ =	shalt  }
0x85: {  	_ =	shalt  }
0x86: {  	_ =	shalt  }
0x87: {  	_ =	shalt  }
.Lfunc_end0:
.L_simem_size_0:
called_computation.2_lowered:
.L_overlay_start_0:
0x88: {  	s2 =	sld [smem:$0x3FD9]  }
0x89: {  	s3 =	sld [smem:$0x3FFE];
	_ =	sdelay $0x1  }
0x8a: {  	s1 =	srdreg.scid  }
0x8b: {  	s0 =	sand.u32 $0x1, s1  }
0x8c: {  	s16 =	sshll.u32 s0, $0xA;
	s2 =	sadd.s32 s3, s2  }
0x8d: {  	s2 =	sadd.s32 s2, s16  }
0x8e: {  	[smem:$0x3FBA] =	sst s2  }
0x8f: {  	_ = 	snop  }
0x90: {  	(tm) =	ssettm $0x1  }
0x91: {  	s17 =	sld [smem:$0x3FFB];
	_ =	sdelay $0x3  }
0x92: {  	_ =	strace s17  }
0x93: {  	s2 =	sld [smem:$0x3FFC];
	_ =	sdelay $0x3  }
0x94: {  	_ =	strace s2  }
0x95: {  	s2 =	sld [smem:$0x3FFD];
	_ =	sdelay $0x3  }
0x96: {  	_ =	strace s2  }
0x97: {  	_ =	strace $0x8FFFFFFF  }
0x98: {  	s18 =	sld [smem:$0x3FDB];
	_ =	sdelay $0x1  }
0x99: {  	s19 =	simm.s32 $_scs_section_size  }
0x9a: {  	s4 =	simm.s32 $_size__tile_overlayer_lowered;
	s5 =	simm.s32 $_tile_overlayer_lowered  }
0x9b: {  	s22 =	simm.s32 $0x1BFF;
	s21 =	sshll.u32 s5, $0x1;
	s2 =	sadd.s32 s19, s18  }
0x9c: {  	s6 =	simm.s32 $0x0;
	s20 =	sshll.u32 s4, $0x1;
	s4 =	sadd.s32 s21, s2  }
0x9d: {  	[timem:s6], [sflag:s22] =	dma.local [hbm:s4], s20  }
0x9e: {  	_ =	swait.ge [sflag:s22], s20  }
0x9f: {  	s3 =	ssub.s32 $0x0, s20;
	[sflag:s22] =	ssyncset.done $0x0  }
0xa0: {  	[sflag:s22] =	ssyncadd.s32 s3;
	_ =	sdelay $0x1  }
0xa1: {  	s23 =	simm.s32 $0x1B8B  }
0xa2: {  	_ =	swait.ge [sflag:s23], $0x1  }
0xa3: {  	[sflag:s23] =	ssyncset.done $0x0  }
0xa4: {  	s25 =	simm.s32 $0x1B8E;
	s24 =	sld [smem:$0x3FFE];
	[sflag:s23] =	ssyncadd.s32 $0xFFFFFFFF  }
0xa5: {  	s26 =	simm.s32 $execute0_lowered;
	[smem:$0x3FD2] =	sst s25  }
0xa6: {  	s4 =	sshll.u32 s26, $0x1;
	_ =	strace $0x8000004C;
	[dreg:$0x1] =	wrdreg $0xFFFFFFFF  }
0xa7: {  	s28 =	simm.s32 $_size_execute0_lowered;
	s2 =	sadd.s32 s2, s4;
	[dreg:$0x0] =	wrdreg $0x0  }
0xa8: {  	s4 =	sshll.u32 s28, $0x1;
	[dreg:$0x2] =	wrdreg s2  }
0xa9: {  	[dreg:$0x3] =	wrdreg s4  }
0xaa: {  	[dreg:$0x4] =	wrdreg $0xC0  }
0xab: {  	_ =	task [dreg:s6], $0x5FFFF  }
0xac: {  	[dreg:$0x1] =	wrdreg $0xFFFFFFFF  }
0xad: {  	[dreg:$0x0] =	wrdreg $0x60  }
0xae: {  	[dreg:$0x2] =	wrdreg s24  }
0xaf: {  	[dreg:$0x3] =	wrdreg $0xA4000  }
0xb0: {  	[dreg:$0x4] =	wrdreg $0x9  }
0xb1: {  	_ =	task.clear_ibuf [dreg:s6], $0x5FFFF;
	_ =	strace $0x9000004C  }
0xb2: {  	s29 =	simm.s32 $0x9;
	_ =	strace $0x8000004E  }
0xb3: {  	_ =	swait.ge [sflag:s29], $0x1  }
0xb4: {  	[sflag:s29] =	ssyncadd.s32 $0xFFFFFFFF  }
0xb5: {  	_ =	strace $0x9000004E  }
0xb6: {  	_ =	sfence  }
0xb7: {  	s30 =	sld [smem:$0x0];
	_ =	sdelay $0x2  }
0xb8: {  	s31 =	sshll.u32 s1, $0xD;
	s1 =	sshrl.u32 s1, $0x2  }
0xb9: {  	s3 =	sand.u32 $0x4000, s31;
	s1 =	sadd.s32 s1, s30  }
0xba: {  	s0 =	sor.u32 s3, s0;
	s1 =	sshll.u32 s1, $0x11  }
0xbb: {  	s0 =	sor.u32 s1, s0  }
0xbc: {  	s0 =	sadd.s32 $0x8F2B, s0  }
0xbd: {  	[sflag:s0] =	ssyncadd.remote.s32 $0x1  }
0xbe: {  	_ =	sfence.sel $0xFFFF  }
0xbf: {  	[dreg:$0x0] =	wrdreg $0xFFFFFFFF;
	(pc) =	sbr.abs _section_cstart, $3  }
0xc0: {  	[dreg:$0x1] =	wrdreg $0xFFFFFFFF  }
0xc1: {  	_ =	task.clear_ibuf [dreg:s6], $0x2FFFF;
	_ =	strace $0x9FFFFFFF  }
0xc2: {  	(tm) =	ssettm $0x7FFFFFFF  }
0xc3: {  	_ =	shalt  }
tec
execute0_lowered:
.L_overlay_start_1:
0x0: {  	(tag) =	ssettag $0x1  }
0x1: {  	s0 =	rddreg [dreg:$0x0]  }
0x2: {  	s1 =	rddreg [dreg:$0x1];
	s10 =	simm.s32 $0x0  }
0x3: {  	s2 =	srdreg.scid;
	s11 =	stileid.u32;
	s9 =	simm.s32 $0xE4  }
0x4: {  	[smem:$0x7FF] =	sst s10;
	s3 =	sadd.s32 $0xBF1E00, s0;
	s2 =	sand.u32 $0x1, s2  }
0x5: {  	s5 =	sadd.s32 $0x8B800, s0;
	s6 =	sadd.s32 $0x13800, s0;
	s17 =	smul.u32 $0x4F000, s11  }
0x6: {  	s7 =	sadd.s32 $0x5000, s0;
	s0 =	sadd.s32 $0x103800, s0;
	s18 =	smul.u32 $0x8C0, s11  }
0x7: {  	s8 =	smul.u32 $0x4740, s11;
	_ =	strace $0x8000004D;
	[dreg:$0x5] =	wrdreg s7  }
0x8: {  	s12 =	smul.u32 $0x278, s11;
	s4 =	ssub.s32 $0x2, s2;
	[dreg:$0x6] =	wrdreg s0  }
0x9: {  	p0 =	seq.s32 s2, $0x0;
	s2 =	smul.u32 $0xC, s2;
	s15 =	sshrl.u32 s4, $0x1  }
0xa: {  	s9 =	simm.s32 @!p0 $0x1C;
	[dreg:$0x7] =	wrdreg s12;
	s12 =	sadd.s32 $0x47400, s18  }
0xb: {  	s16 =	ssub.s32 s4, s15;
	s20 =	sadd.s32 $0xFFFFFFFF, s9;
	[dreg:$0xa] =	wrdreg s2  }
0xc: {  	s4 =	sshrl.u32 s17, $0x2;
	s12 =	smov.u32 @p0 s8;
	[dreg:$0x3] =	wrdreg s20  }
0xd: {  	s4 =	sadd.s32 s4, s1;
	[dreg:$0x9] =	wrdreg s12;
	s21 =	sshrl.u32 s12, $0x3  }
0xe: {  	s0 =	smax.u32 s16, $0x1;
	[dreg:$0x8] =	wrdreg s4;
	s22 =	sadd.s32 $0x1E, s21  }
0xf: {  	[dreg:$0xb] =	wrdreg s0;
	s23 =	sadd.s32 s22, s6  }
0x10: {  	s24 =	sadd.s32 $0x14, s21;
	s0 =	sadd.s32 s22, s5;
	[dreg:$0xc] =	wrdreg s23  }
0x11: {  	s26 =	sadd.s32 $0x28, s21;
	s25 =	sadd.s32 s24, s6;
	[dreg:$0xd] =	wrdreg s0  }
0x12: {  	s30 =	sadd.s32 $0x32, s21;
	s28 =	sadd.s32 s26, s6;
	[dreg:$0xe] =	wrdreg s25  }
0x13: {  	s31 =	sadd.s32 s30, s6;
	[dreg:$0x10] =	wrdreg s28  }
0x14: {  	s0 =	sadd.s32 s24, s5;
	[dreg:$0x12] =	wrdreg s31  }
0x15: {  	s29 =	simm.s32 $0x1;
	[dreg:$0xf] =	wrdreg s0;
	s0 =	sadd.s32 s26, s5  }
0x16: {  	s19 =	sshll.u32 s11, $0x6;
	[dreg:$0x11] =	wrdreg s0;
	s0 =	sadd.s32 s30, s5  }
0x17: {  	s13 =	sor.u32 $0x1C0D, s19;
	s24 =	simm.s32 $0xD;
	[dreg:$0x13] =	wrdreg s0  }
.LBB2_1:
0x18: {  	[dreg:$0x4] =	wrdreg s10  }
0x19: {  	s23 =	rddreg [dreg:$0x13]  }
0x1a: {  	s22 =	rddreg [dreg:$0x12]  }
0x1b: {  	s21 =	rddreg [dreg:$0x11]  }
0x1c: {  	s20 =	rddreg [dreg:$0x10]  }
0x1d: {  	s19 =	rddreg [dreg:$0xf]  }
0x1e: {  	s18 =	rddreg [dreg:$0xe]  }
0x1f: {  	s17 =	rddreg [dreg:$0xd]  }
0x20: {  	s16 =	rddreg [dreg:$0xc];
	s15 =	simm.s32 $0x0  }
.LBB2_2:
0x21: {  	s0 =	rddreg [dreg:$0x8]  }
0x22: {  	s7 =	rddreg [dreg:$0x5];
	s4 =	sshrl.u32 s0, $0x3  }
0x23: {  	[spmem:s4], [sflag:s13] =	dma.local [hbm:s7], $0x2780  }
0x24: {  	s8 =	smul.u32 $0x50000, s15;
	_ =	swait.ge [sflag:s24], $0x2780  }
0x25: {  	s2 =	rddreg [dreg:$0x9]  }
0x26: {  	[sflag:s24] =	ssyncset.done $0x0;
	s0 =	sadd.s32 s2, s8  }
0x27: {  	[sflag:s24] =	ssyncadd.s32 $0xFFFFD880;
	s0 =	sshrl.u32 s0, $0x3  }
0x28: {  	s7 =	simm.s32 $0x0;
	[bflag:$0x0] =	sbarrier.arrive $0xFFFF;
	s10 =	sadd.s32 s5, s0  }
0x29: {  	[tilespmem:s7], [sflag:$0x1] =	stream.linear.gather [hbm4b:s10+s7], $0x50, $0x38;
	[tilespmem:$0x1E000] =	vst v63  }
0x2a: {  	s8 =	simm.s32 $0x200;
	s11 =	sadd.s32 s6, s0;
	s0 =	sadd.s32 $0xA, s0  }
0x2b: {  	[tilespmem:s8], [sflag:$0x1] =	stream.linear.gather [hbm4b:s11+s7], $0x50, $0x38;
	[tilespmem:$0x1E000] =	vst v63  }
0x2c: {  	s14 =	simm.s32 $0x80;
	s12 =	sadd.s32 s5, s0  }
0x2d: {  	[tilespmem:s14], [sflag:$0x2] =	stream.linear.gather [hbm4b:s12+s7], $0x50, $0x38;
	[tilespmem:$0x1E000] =	vst v63  }
0x2e: {  	s25 =	simm.s32 $0x280;
	s0 =	sadd.s32 s6, s0  }
0x2f: {  	[tilespmem:s25], [sflag:$0x2] =	stream.linear.gather [hbm4b:s0+s7], $0x50, $0x38;
	[tilespmem:$0x1E000] =	vst v63  }
0x30: {  	_ =	swait.ge [sflag:s29], $0x50  }
0x31: {  	[sflag:s29] =	ssyncset.done $0x0  }
0x32: {  	[sflag:s29] =	ssyncadd.s32 $0xFFFFFFB0  }
0x33: {  	_ =	swait.ge [sflag:s29], $0x50  }
0x34: {  	s26 =	simm.s32 $0x50;
	p2 =	sle.u32 s9, $0x0;
	[sflag:s29] =	ssyncset.done $0x0  }
0x35: {  	s28 =	simm.s32 $0x400;
	s0 =	simm.s32 @!p2 $0x5;
	[sflag:s29] =	ssyncadd.s32 $0xFFFFFFB0  }
0x36: {  	[tilespmem:s28], [sflag:$0x5] =	stream.indirect.gather [hbm4b:s3+s26], $0x80, s7, s26, $0xb8;
	[tilespmem:$0x1E000] =	vst v63  }
0x37: {  	p1 =	sle.u32 s9, $0xFFFFFFFE;
	p0 =	sle.u32 s9, $0x2;
	_ =	swait.ge @!p2 [sflag:s0], $0x2800  }
0x38: {  	s2 =	simm.s32 @!p2 $0x400;
	s8 =	simm.s32 @!p1 $0xB;
	[sflag:s0] =	ssyncset.done @!p2 $0x0  }
0x39: {  	s7 =	simm.s32 @!p2 $0x50;
	[sflag:s0] =	ssyncadd.s32 @!p2 $0xFFFFD800;
	s0 =	simm.s32 @!p2 $0x200  }
0x3a: {  	[spmem:s1] =	stream.indirect.scatter.add.f32 @!p2 [tilespmem:s2], [sflag:$0x9], $0x80, s0, s7, $0xb8;
	[tilespmem:$0x1E000] =	vst v63  }
0x3b: {  	s0 =	simm.s32 @!p0 $0x100;
	_ =	swait.ge @!p1 [sflag:s8], $0x2800  }
0x3c: {  	s7 =	sadd.s32 @!p0 $0x0, s19;
	[sflag:s8] =	ssyncset.done @!p1 $0x0;
	s31 =	rddreg [dreg:$0x3]  }
0x3d: {  	[sflag:s8] =	ssyncadd.s32 @!p1 $0xFFFFD800;
	s8 =	simm.s32 @!p0 $0x0;
	p1 =	sle.u32 s31, $0x0  }
0x3e: {  	[tilespmem:s0], [sflag:$0x3] =	stream.linear.gather @!p0 [hbm4b:s7+s8], $0x50, $0x38;
	[tilespmem:$0x1E000] =	vst v63  }
0x3f: {  	s25 =	simm.s32 @!p0 $0x300;
	s7 =	sadd.s32 @!p0 $0x0, s18;
	s2 =	simm.s32 @!p1 $0x2  }
0x40: {  	[tilespmem:s25], [sflag:$0x3] =	stream.linear.gather @!p0 [hbm4b:s7+s8], $0x50, $0x38;
	[tilespmem:$0x1E000] =	vst v63  }
0x41: {  	_ =	swait.ge @!p1 [sflag:s2], $0x50  }
0x42: {  	[sflag:s2] =	ssyncset.done @!p1 $0x0  }
0x43: {  	[sflag:s2] =	ssyncadd.s32 @!p1 $0xFFFFFFB0  }
0x44: {  	_ =	swait.ge @!p1 [sflag:s2], $0x50  }
0x45: {  	s26 =	simm.s32 @!p1 $0x50;
	s7 =	simm.s32 @!p1 $0x2C00;
	[sflag:s2] =	ssyncset.done @!p1 $0x0  }
0x46: {  	s8 =	simm.s32 @!p1 $0x6;
	[sflag:s2] =	ssyncadd.s32 @!p1 $0xFFFFFFB0;
	s2 =	simm.s32 @!p1 $0x80  }
0x47: {  	[tilespmem:s7], [sflag:$0x6] =	stream.indirect.gather @!p1 [hbm4b:s3+s26], $0x80, s2, s26, $0xb8;
	[tilespmem:$0x1E000] =	vst v63  }
0x48: {  	_ =	swait.ge @!p1 [sflag:s8], $0x2800  }
0x49: {  	p4 =	sle.u32 s9, $0xFFFFFFFF;
	[sflag:s8] =	ssyncset.done @!p1 $0x0  }
0x4a: {  	s2 =	simm.s32 @!p1 $0x280;
	[sflag:s8] =	ssyncadd.s32 @!p1 $0xFFFFD800;
	s8 =	simm.s32 @!p4 $0xC  }
0x4b: {  	[spmem:s1] =	stream.indirect.scatter.add.f32 @!p1 [tilespmem:s7], [sflag:$0xA], $0x80, s2, s26, $0xb8;
	[tilespmem:$0x1E000] =	vst v63  }
0x4c: {  	p3 =	sle.u32 s9, $0x3;
	_ =	swait.ge @!p4 [sflag:s8], $0x2800  }
0x4d: {  	s2 =	sadd.s32 @!p3 $0x0, s17;
	[sflag:s8] =	ssyncset.done @!p4 $0x0  }
0x4e: {  	s7 =	simm.s32 @!p3 $0x0;
	[sflag:s8] =	ssyncadd.s32 @!p4 $0xFFFFD800;
	s8 =	simm.s32 @!p3 $0x180  }
0x4f: {  	[tilespmem:s8], [sflag:$0x4] =	stream.linear.gather @!p3 [hbm4b:s2+s7], $0x50, $0x38;
	[tilespmem:$0x1E000] =	vst v63  }
0x50: {  	s26 =	sadd.s32 @!p3 $0x0, s16;
	s2 =	simm.s32 @!p3 $0x380  }
0x51: {  	[tilespmem:s2], [sflag:$0x4] =	stream.linear.gather @!p3 [hbm4b:s26+s7], $0x50, $0x38;
	[tilespmem:$0x1E000] =	vst v63  }
0x52: {  	s7 =	simm.s32 @!p0 $0x3  }
0x53: {  	_ =	swait.ge @!p0 [sflag:s7], $0x50  }
0x54: {  	[sflag:s7] =	ssyncset.done @!p0 $0x0  }
0x55: {  	[sflag:s7] =	ssyncadd.s32 @!p0 $0xFFFFFFB0  }
0x56: {  	_ =	swait.ge @!p0 [sflag:s7], $0x50  }
0x57: {  	[sflag:s7] =	ssyncset.done @!p0 $0x0  }
0x58: {  	s26 =	simm.s32 @!p0 $0x50;
	[sflag:s7] =	ssyncadd.s32 @!p0 $0xFFFFFFB0;
	s7 =	simm.s32 @!p0 $0x5400  }
0x59: {  	[tilespmem:s7], [sflag:$0x7] =	stream.indirect.gather @!p0 [hbm4b:s3+s26], $0x80, s0, s26, $0xb8;
	[tilespmem:$0x1E000] =	vst v63  }
0x5a: {  	s0 =	simm.s32 @!p0 $0x7  }
0x5b: {  	_ =	swait.ge @!p0 [sflag:s0], $0x2800  }
0x5c: {  	[sflag:s0] =	ssyncset.done @!p0 $0x0  }
0x5d: {  	[sflag:s0] =	ssyncadd.s32 @!p0 $0xFFFFD800;
	s0 =	simm.s32 @!p2 $0x9  }
0x5e: {  	[spmem:s1] =	stream.indirect.scatter.add.f32 @!p0 [tilespmem:s7], [sflag:$0xB], $0x80, s25, s26, $0xb8;
	[tilespmem:$0x1E000] =	vst v63  }
0x5f: {  	_ =	swait.ge @!p2 [sflag:s0], $0x2800  }
0x60: {  	p0 =	sle.u32 s9, $0x4;
	[sflag:s0] =	ssyncset.done @!p2 $0x0  }
0x61: {  	s7 =	sadd.s32 @!p0 $0x0, s21;
	s30 =	simm.s32 @!p0 $0x0;
	[sflag:s0] =	ssyncadd.s32 @!p2 $0xFFFFD800  }
0x62: {  	[tilespmem:s30], [sflag:$0x1] =	stream.linear.gather @!p0 [hbm4b:s7+s30], $0x50, $0x38;
	[tilespmem:$0x1E000] =	vst v63  }
0x63: {  	s25 =	simm.s32 @!p3 $0x4;
	s0 =	sadd.s32 @!p0 $0x0, s20;
	s7 =	simm.s32 @!p0 $0x200  }
0x64: {  	[tilespmem:s7], [sflag:$0x1] =	stream.linear.gather @!p0 [hbm4b:s0+s30], $0x50, $0x38;
	[tilespmem:$0x1E000] =	vst v63  }
0x65: {  	_ =	swait.ge @!p3 [sflag:s25], $0x50  }
0x66: {  	[sflag:s25] =	ssyncset.done @!p3 $0x0  }
0x67: {  	[sflag:s25] =	ssyncadd.s32 @!p3 $0xFFFFFFB0  }
0x68: {  	_ =	swait.ge @!p3 [sflag:s25], $0x50  }
0x69: {  	s0 =	simm.s32 @!p3 $0x50;
	[sflag:s25] =	ssyncset.done @!p3 $0x0  }
0x6a: {  	s7 =	simm.s32 @!p3 $0x7C00;
	[sflag:s25] =	ssyncadd.s32 @!p3 $0xFFFFFFB0;
	s25 =	simm.s32 @!p3 $0x8  }
0x6b: {  	[tilespmem:s7], [sflag:$0x8] =	stream.indirect.gather @!p3 [hbm4b:s3+s0], $0x80, s8, s0, $0xb8;
	[tilespmem:$0x1E000] =	vst v63  }
0x6c: {  	_ =	swait.ge @!p3 [sflag:s25], $0x2800  }
0x6d: {  	[sflag:s25] =	ssyncset.done @!p3 $0x0  }
0x6e: {  	s8 =	simm.s32 @!p1 $0xA;
	[sflag:s25] =	ssyncadd.s32 @!p3 $0xFFFFD800  }
0x6f: {  	[spmem:s1] =	stream.indirect.scatter.add.f32 @!p3 [tilespmem:s7], [sflag:$0xC], $0x80, s2, s0, $0xb8;
	[tilespmem:$0x1E000] =	vst v63  }
0x70: {  	p2 =	sle.u32 s9, $0x5;
	_ =	swait.ge @!p1 [sflag:s8], $0x2800  }
0x71: {  	s26 =	simm.s32 $0x50;
	s0 =	sadd.s32 @!p2 $0x0, s23;
	[sflag:s8] =	ssyncset.done @!p1 $0x0  }
0x72: {  	s2 =	simm.s32 @!p2 $0x0;
	s7 =	simm.s32 @!p2 $0x80;
	[sflag:s8] =	ssyncadd.s32 @!p1 $0xFFFFD800  }
0x73: {  	[tilespmem:s7], [sflag:$0x2] =	stream.linear.gather @!p2 [hbm4b:s0+s2], $0x50, $0x38;
	[tilespmem:$0x1E000] =	vst v63  }
0x74: {  	s25 =	simm.s32 $0x4;
	s0 =	simm.s32 @!p2 $0x280;
	s7 =	sadd.s32 @!p2 $0x0, s22  }
0x75: {  	[tilespmem:s0], [sflag:$0x2] =	stream.linear.gather @!p2 [hbm4b:s7+s2], $0x50, $0x38;
	[tilespmem:$0x1E000] =	vst v63  }
0x76: {  	s8 =	simm.s32 @!p0 $0x1;
	s0 =	simm.s32 $0x28;
	s2 =	simm.s32 $0x9  }
.LBB2_3:
0x77: {  	_ =	swait.ge @!p0 [sflag:s8], $0x50  }
0x78: {  	[sflag:s8] =	ssyncset.done @!p0 $0x0  }
0x79: {  	[sflag:s8] =	ssyncadd.s32 @!p0 $0xFFFFFFB0  }
0x7a: {  	p2 =	sge.u32 s25, s9;
	s31 =	simm.s32 @!p0 $0x50;
	_ =	swait.ge @!p0 [sflag:s8], $0x50  }
0x7b: {  	s10 =	simm.s32 @!p0 $0x400;
	s12 =	sadd.s32 $0xFFFFFFFE, s25;
	[sflag:s8] =	ssyncset.done @!p0 $0x0  }
0x7c: {  	s14 =	sadd.s32 $0x2, s25;
	s7 =	simm.s32 @!p2 $0x5;
	[sflag:s8] =	ssyncadd.s32 @!p0 $0xFFFFFFB0  }
0x7d: {  	[tilespmem:s10], [sflag:$0x5] =	stream.indirect.gather @!p0 [hbm4b:s3+s31], $0x80, s30, s31, $0xb8;
	[tilespmem:$0x1E000] =	vst v63  }
0x7e: {  	s11 =	simm.s32 @!p2 $0x400;
	p3 =	sge.u32 s12, s9;
	_ =	swait.ge @!p2 [sflag:s7], $0x2800  }
0x7f: {  	s12 =	simm.s32 @!p3 $0xB;
	s8 =	simm.s32 @!p2 $0x50;
	[sflag:s7] =	ssyncset.done @!p2 $0x0  }
0x80: {  	p0 =	sge.u32 s14, s9;
	[sflag:s7] =	ssyncadd.s32 @!p2 $0xFFFFD800;
	s7 =	simm.s32 @!p2 $0x200  }
0x81: {  	[spmem:s1] =	stream.indirect.scatter.add.f32 @!p2 [tilespmem:s11], [sflag:$0x9], $0x80, s7, s8, $0xb8;
	[tilespmem:$0x1E000] =	vst v63  }
0x82: {  	s30 =	simm.s32 @!p0 $0x100;
	_ =	swait.ge @!p3 [sflag:s12], $0x2800  }
0x83: {  	s10 =	simm.s32 @!p0 $0x0;
	[sflag:s12] =	ssyncset.done @!p3 $0x0;
	s31 =	rddreg [dreg:$0x3]  }
0x84: {  	s7 =	sadd.s32 @!p0 s0, s19;
	[sflag:s12] =	ssyncadd.s32 @!p3 $0xFFFFD800;
	p3 =	sge.u32 s25, s31  }
0x85: {  	[tilespmem:s30], [sflag:$0x3] =	stream.linear.gather @!p0 [hbm4b:s7+s10], $0x50, $0x38;
	[tilespmem:$0x1E000] =	vst v63  }
0x86: {  	s11 =	sadd.s32 @!p0 s0, s18;
	s7 =	simm.s32 @!p0 $0x300;
	s8 =	simm.s32 @!p3 $0x2  }
0x87: {  	[tilespmem:s7], [sflag:$0x3] =	stream.linear.gather @!p0 [hbm4b:s11+s10], $0x50, $0x38;
	[tilespmem:$0x1E000] =	vst v63  }
0x88: {  	_ =	swait.ge @!p3 [sflag:s8], $0x50  }
0x89: {  	[sflag:s8] =	ssyncset.done @!p3 $0x0  }
0x8a: {  	[sflag:s8] =	ssyncadd.s32 @!p3 $0xFFFFFFB0  }
0x8b: {  	_ =	swait.ge @!p3 [sflag:s8], $0x50  }
0x8c: {  	s12 =	simm.s32 @!p3 $0x50;
	s31 =	simm.s32 @!p3 $0x80;
	[sflag:s8] =	ssyncset.done @!p3 $0x0  }
0x8d: {  	s10 =	simm.s32 @!p3 $0x2C00;
	s11 =	simm.s32 @!p3 $0x6;
	[sflag:s8] =	ssyncadd.s32 @!p3 $0xFFFFFFB0  }
0x8e: {  	[tilespmem:s10], [sflag:$0x6] =	stream.indirect.gather @!p3 [hbm4b:s3+s12], $0x80, s31, s12, $0xb8;
	[tilespmem:$0x1E000] =	vst v63  }
0x8f: {  	s14 =	sadd.s32 $0xFFFFFFFF, s25;
	_ =	swait.ge @!p3 [sflag:s11], $0x2800  }
0x90: {  	p5 =	sge.u32 s14, s9;
	s14 =	sadd.s32 $0x3, s25;
	[sflag:s11] =	ssyncset.done @!p3 $0x0  }
0x91: {  	s8 =	simm.s32 @!p5 $0xC;
	s31 =	simm.s32 @!p3 $0x280;
	[sflag:s11] =	ssyncadd.s32 @!p3 $0xFFFFD800  }
0x92: {  	[spmem:s1] =	stream.indirect.scatter.add.f32 @!p3 [tilespmem:s10], [sflag:$0xA], $0x80, s31, s12, $0xb8;
	[tilespmem:$0x1E000] =	vst v63  }
0x93: {  	p4 =	sge.u32 s14, s9;
	_ =	swait.ge @!p5 [sflag:s8], $0x2800  }
0x94: {  	s11 =	simm.s32 @!p4 $0x0;
	[sflag:s8] =	ssyncset.done @!p5 $0x0  }
0x95: {  	s10 =	sadd.s32 @!p4 s0, s17;
	[sflag:s8] =	ssyncadd.s32 @!p5 $0xFFFFD800;
	s8 =	simm.s32 @!p4 $0x180  }
0x96: {  	[tilespmem:s8], [sflag:$0x4] =	stream.linear.gather @!p4 [hbm4b:s10+s11], $0x50, $0x38;
	[tilespmem:$0x1E000] =	vst v63  }
0x97: {  	s31 =	simm.s32 @!p4 $0x380;
	s12 =	simm.s32 @!p0 $0x3;
	s10 =	sadd.s32 @!p4 s0, s16  }
0x98: {  	[tilespmem:s31], [sflag:$0x4] =	stream.linear.gather @!p4 [hbm4b:s10+s11], $0x50, $0x38;
	[tilespmem:$0x1E000] =	vst v63  }
0x99: {  	_ =	swait.ge @!p0 [sflag:s12], $0x50  }
0x9a: {  	[sflag:s12] =	ssyncset.done @!p0 $0x0  }
0x9b: {  	[sflag:s12] =	ssyncadd.s32 @!p0 $0xFFFFFFB0  }
0x9c: {  	_ =	swait.ge @!p0 [sflag:s12], $0x50  }
0x9d: {  	s14 =	simm.s32 @!p0 $0x5400;
	[sflag:s12] =	ssyncset.done @!p0 $0x0  }
0x9e: {  	s10 =	simm.s32 @!p0 $0x7;
	s11 =	simm.s32 @!p0 $0x50;
	[sflag:s12] =	ssyncadd.s32 @!p0 $0xFFFFFFB0  }
0x9f: {  	[tilespmem:s14], [sflag:$0x7] =	stream.indirect.gather @!p0 [hbm4b:s3+s11], $0x80, s30, s11, $0xb8;
	[tilespmem:$0x1E000] =	vst v63  }
0xa0: {  	_ =	swait.ge @!p0 [sflag:s10], $0x2800  }
0xa1: {  	[sflag:s10] =	ssyncset.done @!p0 $0x0  }
0xa2: {  	s12 =	simm.s32 @!p2 $0x9;
	[sflag:s10] =	ssyncadd.s32 @!p0 $0xFFFFD800  }
0xa3: {  	[spmem:s1] =	stream.indirect.scatter.add.f32 @!p0 [tilespmem:s14], [sflag:$0xB], $0x80, s7, s11, $0xb8;
	[tilespmem:$0x1E000] =	vst v63  }
0xa4: {  	s25 =	sadd.s32 $0x4, s25;
	_ =	swait.ge @!p2 [sflag:s12], $0x2800  }
0xa5: {  	p0 =	sge.u32 s25, s9;
	[sflag:s12] =	ssyncset.done @!p2 $0x0  }
0xa6: {  	s11 =	sadd.s32 @!p0 s0, s21;
	s30 =	simm.s32 @!p0 $0x0;
	[sflag:s12] =	ssyncadd.s32 @!p2 $0xFFFFD800  }
0xa7: {  	[tilespmem:s30], [sflag:$0x1] =	stream.linear.gather @!p0 [hbm4b:s11+s30], $0x50, $0x38;
	[tilespmem:$0x1E000] =	vst v63  }
0xa8: {  	s7 =	simm.s32 @!p0 $0x200;
	s12 =	sadd.s32 @!p0 s0, s20;
	s11 =	simm.s32 @!p4 $0x4  }
0xa9: {  	[tilespmem:s7], [sflag:$0x1] =	stream.linear.gather @!p0 [hbm4b:s12+s30], $0x50, $0x38;
	[tilespmem:$0x1E000] =	vst v63  }
0xaa: {  	_ =	swait.ge @!p4 [sflag:s11], $0x50  }
0xab: {  	[sflag:s11] =	ssyncset.done @!p4 $0x0  }
0xac: {  	[sflag:s11] =	ssyncadd.s32 @!p4 $0xFFFFFFB0  }
0xad: {  	_ =	swait.ge @!p4 [sflag:s11], $0x50  }
0xae: {  	s14 =	simm.s32 @!p4 $0x7C00;
	[sflag:s11] =	ssyncset.done @!p4 $0x0  }
0xaf: {  	s12 =	simm.s32 @!p4 $0x50;
	[sflag:s11] =	ssyncadd.s32 @!p4 $0xFFFFFFB0;
	s11 =	simm.s32 @!p4 $0x8  }
0xb0: {  	[tilespmem:s14], [sflag:$0x8] =	stream.indirect.gather @!p4 [hbm4b:s3+s12], $0x80, s8, s12, $0xb8;
	[tilespmem:$0x1E000] =	vst v63  }
0xb1: {  	s28 =	smov.u32 s26;
	s26 =	sadd.s32 $0x28, s26;
	_ =	swait.ge @!p4 [sflag:s11], $0x2800  }
0xb2: {  	p1 =	sne.s32 s26, $0x910;
	s10 =	sadd.s32 $0x5, s25;
	[sflag:s11] =	ssyncset.done @!p4 $0x0  }
0xb3: {  	p2 =	sge.u32 s2, s9;
	s8 =	simm.s32 @!p3 $0xA;
	[sflag:s11] =	ssyncadd.s32 @!p4 $0xFFFFD800  }
0xb4: {  	[spmem:s1] =	stream.indirect.scatter.add.f32 @!p4 [tilespmem:s14], [sflag:$0xC], $0x80, s31, s12, $0xb8;
	[tilespmem:$0x1E000] =	vst v63  }
0xb5: {  	s2 =	smov.u32 s10;
	s10 =	sadd.s32 @!p2 s0, s23;
	_ =	swait.ge @!p3 [sflag:s8], $0x2800  }
.Ltmp0:
0xb6: {  	s11 =	simm.s32 @!p2 $0x280;
	[sflag:s8] =	ssyncset.done @!p3 $0x0;
	(pc) =	sbr.rel @p1 .LBB2_3-.Ltmp0, $4  }
0xb7: {  	s12 =	simm.s32 @!p2 $0x0;
	[sflag:s8] =	ssyncadd.s32 @!p3 $0xFFFFD800;
	s8 =	simm.s32 @!p2 $0x80  }
0xb8: {  	[tilespmem:s8], [sflag:$0x2] =	stream.linear.gather @!p2 [hbm4b:s10+s12], $0x50, $0x38;
	[tilespmem:$0x1E000] =	vst v63  }
0xb9: {  	s10 =	sadd.s32 @!p2 s0, s22;
	s8 =	simm.s32 @!p0 $0x1;
	s0 =	smov.u32 s28  }
0xba: {  	[tilespmem:s11], [sflag:$0x2] =	stream.linear.gather @!p2 [hbm4b:s10+s12], $0x50, $0x38;
	[tilespmem:$0x1E000] =	vst v63  }
0xbb: {  	_ =	swait.ge @!p0 [sflag:s8], $0x50  }
0xbc: {  	[sflag:s8] =	ssyncset.done @!p0 $0x0  }
0xbd: {  	[sflag:s8] =	ssyncadd.s32 @!p0 $0xFFFFFFB0  }
0xbe: {  	_ =	swait.ge @!p0 [sflag:s8], $0x50  }
0xbf: {  	s10 =	simm.s32 @!p0 $0x5;
	[sflag:s8] =	ssyncset.done @!p0 $0x0  }
0xc0: {  	s11 =	simm.s32 @!p0 $0x50;
	s12 =	simm.s32 @!p0 $0x400;
	[sflag:s8] =	ssyncadd.s32 @!p0 $0xFFFFFFB0  }
0xc1: {  	[tilespmem:s12], [sflag:$0x5] =	stream.indirect.gather @!p0 [hbm4b:s3+s11], $0x80, s30, s11, $0xb8;
	[tilespmem:$0x1E000] =	vst v63  }
0xc2: {  	s26 =	sadd.s32 $0xFFFFFFFE, s25;
	_ =	swait.ge @!p0 [sflag:s10], $0x2800  }
0xc3: {  	s28 =	sadd.s32 $0x2, s25;
	p1 =	sge.u32 s26, s9;
	[sflag:s10] =	ssyncset.done @!p0 $0x0  }
0xc4: {  	p2 =	sge.u32 s28, s9;
	s14 =	simm.s32 @!p1 $0xB;
	[sflag:s10] =	ssyncadd.s32 @!p0 $0xFFFFD800  }
0xc5: {  	[spmem:s1] =	stream.indirect.scatter.add.f32 @!p0 [tilespmem:s12], [sflag:$0x9], $0x80, s7, s11, $0xb8;
	[tilespmem:$0x1E000] =	vst v63  }
0xc6: {  	s10 =	sadd.s32 @!p2 s0, s19;
	_ =	swait.ge @!p1 [sflag:s14], $0x2800  }
0xc7: {  	s7 =	simm.s32 @!p2 $0x100;
	[sflag:s14] =	ssyncset.done @!p1 $0x0;
	s30 =	rddreg [dreg:$0x3]  }
0xc8: {  	s11 =	simm.s32 @!p2 $0x0;
	[sflag:s14] =	ssyncadd.s32 @!p1 $0xFFFFD800;
	p1 =	sge.u32 s25, s30  }
0xc9: {  	[tilespmem:s7], [sflag:$0x3] =	stream.linear.gather @!p2 [hbm4b:s10+s11], $0x50, $0x38;
	[tilespmem:$0x1E000] =	vst v63  }
0xca: {  	s12 =	simm.s32 @!p2 $0x300;
	s10 =	sadd.s32 @!p2 s0, s18;
	s8 =	simm.s32 @!p1 $0x2  }
0xcb: {  	[tilespmem:s12], [sflag:$0x3] =	stream.linear.gather @!p2 [hbm4b:s10+s11], $0x50, $0x38;
	[tilespmem:$0x1E000] =	vst v63  }
0xcc: {  	_ =	swait.ge @!p1 [sflag:s8], $0x50  }
0xcd: {  	[sflag:s8] =	ssyncset.done @!p1 $0x0  }
0xce: {  	[sflag:s8] =	ssyncadd.s32 @!p1 $0xFFFFFFB0  }
0xcf: {  	_ =	swait.ge @!p1 [sflag:s8], $0x50  }
0xd0: {  	s14 =	simm.s32 @!p1 $0x50;
	s10 =	simm.s32 @!p1 $0x2C00;
	[sflag:s8] =	ssyncset.done @!p1 $0x0  }
0xd1: {  	s11 =	simm.s32 @!p1 $0x6;
	[sflag:s8] =	ssyncadd.s32 @!p1 $0xFFFFFFB0;
	s8 =	simm.s32 @!p1 $0x80  }
0xd2: {  	[tilespmem:s10], [sflag:$0x6] =	stream.indirect.gather @!p1 [hbm4b:s3+s14], $0x80, s8, s14, $0xb8;
	[tilespmem:$0x1E000] =	vst v63  }
0xd3: {  	_ =	swait.ge @!p1 [sflag:s11], $0x2800  }
0xd4: {  	s31 =	sadd.s32 $0xFFFFFFFF, s25;
	[sflag:s11] =	ssyncset.done @!p1 $0x0  }
0xd5: {  	p4 =	sge.u32 s31, s9;
	s8 =	simm.s32 @!p1 $0x280;
	[sflag:s11] =	ssyncadd.s32 @!p1 $0xFFFFD800  }
0xd6: {  	[spmem:s1] =	stream.indirect.scatter.add.f32 @!p1 [tilespmem:s10], [sflag:$0xA], $0x80, s8, s14, $0xb8;
	[tilespmem:$0x1E000] =	vst v63  }
0xd7: {  	s8 =	simm.s32 @!p4 $0xC;
	s14 =	sadd.s32 $0x3, s25  }
0xd8: {  	_ =	swait.ge @!p4 [sflag:s8], $0x2800;
	p3 =	sge.u32 s14, s9  }
0xd9: {  	[sflag:s8] =	ssyncset.done @!p4 $0x0;
	s10 =	sadd.s32 @!p3 s0, s17  }
0xda: {  	s11 =	simm.s32 @!p3 $0x180;
	[sflag:s8] =	ssyncadd.s32 @!p4 $0xFFFFD800;
	s8 =	simm.s32 @!p3 $0x0  }
0xdb: {  	[tilespmem:s11], [sflag:$0x4] =	stream.linear.gather @!p3 [hbm4b:s10+s8], $0x50, $0x38;
	[tilespmem:$0x1E000] =	vst v63  }
0xdc: {  	s14 =	sadd.s32 @!p3 s0, s16;
	s10 =	simm.s32 @!p3 $0x380  }
0xdd: {  	[tilespmem:s10], [sflag:$0x4] =	stream.linear.gather @!p3 [hbm4b:s14+s8], $0x50, $0x38;
	[tilespmem:$0x1E000] =	vst v63  }
0xde: {  	s8 =	simm.s32 @!p2 $0x3  }
0xdf: {  	_ =	swait.ge @!p2 [sflag:s8], $0x50  }
0xe0: {  	[sflag:s8] =	ssyncset.done @!p2 $0x0  }
0xe1: {  	[sflag:s8] =	ssyncadd.s32 @!p2 $0xFFFFFFB0  }
0xe2: {  	_ =	swait.ge @!p2 [sflag:s8], $0x50  }
0xe3: {  	[sflag:s8] =	ssyncset.done @!p2 $0x0  }
0xe4: {  	s14 =	simm.s32 @!p2 $0x50;
	[sflag:s8] =	ssyncadd.s32 @!p2 $0xFFFFFFB0;
	s8 =	simm.s32 @!p2 $0x5400  }
0xe5: {  	[tilespmem:s8], [sflag:$0x7] =	stream.indirect.gather @!p2 [hbm4b:s3+s14], $0x80, s7, s14, $0xb8;
	[tilespmem:$0x1E000] =	vst v63  }
0xe6: {  	s7 =	simm.s32 @!p2 $0x7  }
0xe7: {  	_ =	swait.ge @!p2 [sflag:s7], $0x2800  }
0xe8: {  	[sflag:s7] =	ssyncset.done @!p2 $0x0  }
0xe9: {  	[sflag:s7] =	ssyncadd.s32 @!p2 $0xFFFFD800;
	s7 =	simm.s32 @!p0 $0x9  }
0xea: {  	[spmem:s1] =	stream.indirect.scatter.add.f32 @!p2 [tilespmem:s8], [sflag:$0xB], $0x80, s12, s14, $0xb8;
	[tilespmem:$0x1E000] =	vst v63  }
0xeb: {  	s26 =	sadd.s32 $0x4, s25;
	_ =	swait.ge @!p0 [sflag:s7], $0x2800  }
0xec: {  	p2 =	sge.u32 s26, s9;
	[sflag:s7] =	ssyncset.done @!p0 $0x0  }
0xed: {  	s8 =	sadd.s32 @!p2 s0, s21;
	s12 =	simm.s32 @!p2 $0x0;
	[sflag:s7] =	ssyncadd.s32 @!p0 $0xFFFFD800  }
0xee: {  	[tilespmem:s12], [sflag:$0x1] =	stream.linear.gather @!p2 [hbm4b:s8+s12], $0x50, $0x38;
	[tilespmem:$0x1E000] =	vst v63  }
0xef: {  	s7 =	sadd.s32 @!p2 s0, s20;
	s8 =	simm.s32 @!p2 $0x200  }
0xf0: {  	[tilespmem:s8], [sflag:$0x1] =	stream.linear.gather @!p2 [hbm4b:s7+s12], $0x50, $0x38;
	[tilespmem:$0x1E000] =	vst v63  }
0xf1: {  	s7 =	simm.s32 @!p3 $0x4  }
0xf2: {  	_ =	swait.ge @!p3 [sflag:s7], $0x50  }
0xf3: {  	[sflag:s7] =	ssyncset.done @!p3 $0x0  }
0xf4: {  	[sflag:s7] =	ssyncadd.s32 @!p3 $0xFFFFFFB0  }
0xf5: {  	_ =	swait.ge @!p3 [sflag:s7], $0x50  }
0xf6: {  	[sflag:s7] =	ssyncset.done @!p3 $0x0  }
0xf7: {  	s8 =	simm.s32 @!p3 $0x50;
	[sflag:s7] =	ssyncadd.s32 @!p3 $0xFFFFFFB0;
	s7 =	simm.s32 @!p3 $0x7C00  }
0xf8: {  	[tilespmem:s7], [sflag:$0x8] =	stream.indirect.gather @!p3 [hbm4b:s3+s8], $0x80, s11, s8, $0xb8;
	[tilespmem:$0x1E000] =	vst v63  }
0xf9: {  	s11 =	simm.s32 @!p3 $0x8  }
0xfa: {  	_ =	swait.ge @!p3 [sflag:s11], $0x2800  }
0xfb: {  	[sflag:s11] =	ssyncset.done @!p3 $0x0  }
0xfc: {  	[sflag:s11] =	ssyncadd.s32 @!p3 $0xFFFFD800  }
0xfd: {  	[spmem:s1] =	stream.indirect.scatter.add.f32 @!p3 [tilespmem:s7], [sflag:$0xC], $0x80, s10, s8, $0xb8;
	[tilespmem:$0x1E000] =	vst v63  }
0xfe: {  	s7 =	simm.s32 @!p1 $0xA  }
0xff: {  	p0 =	sge.u32 s2, s9;
	_ =	swait.ge @!p1 [sflag:s7], $0x2800  }
0x100: {  	s2 =	sadd.s32 @!p0 s0, s23;
	[sflag:s7] =	ssyncset.done @!p1 $0x0  }
0x101: {  	s8 =	simm.s32 @!p0 $0x80;
	[sflag:s7] =	ssyncadd.s32 @!p1 $0xFFFFD800;
	s7 =	simm.s32 @!p0 $0x0  }
0x102: {  	[tilespmem:s8], [sflag:$0x2] =	stream.linear.gather @!p0 [hbm4b:s2+s7], $0x50, $0x38;
	[tilespmem:$0x1E000] =	vst v63  }
0x103: {  	s0 =	sadd.s32 @!p0 s0, s22;
	s2 =	simm.s32 @!p0 $0x280  }
0x104: {  	[tilespmem:s2], [sflag:$0x2] =	stream.linear.gather @!p0 [hbm4b:s0+s7], $0x50, $0x38;
	[tilespmem:$0x1E000] =	vst v63  }
0x105: {  	s0 =	simm.s32 @!p2 $0x1  }
0x106: {  	_ =	swait.ge @!p2 [sflag:s0], $0x50  }
0x107: {  	[sflag:s0] =	ssyncset.done @!p2 $0x0  }
0x108: {  	[sflag:s0] =	ssyncadd.s32 @!p2 $0xFFFFFFB0  }
0x109: {  	_ =	swait.ge @!p2 [sflag:s0], $0x50  }
0x10a: {  	s19 =	sadd.s32 $0xA000, s19;
	s2 =	simm.s32 @!p2 $0x50;
	s28 =	rddreg [dreg:$0xa]  }
0x10b: {  	[sflag:s0] =	ssyncset.done @!p2 $0x0;
	s30 =	rddreg [dreg:$0x7];
	s7 =	sadd.s32 s28, s15  }
0x10c: {  	[sflag:s0] =	ssyncadd.s32 @!p2 $0xFFFFFFB0;
	s0 =	simm.s32 @!p2 $0x400;
	s7 =	smul.u32 $0x2800, s7  }
0x10d: {  	[tilespmem:s0], [sflag:$0x5] =	stream.indirect.gather @!p2 [hbm4b:s3+s2], $0x80, s12, s2, $0xb8;
	[tilespmem:$0x1E000] =	vst v63  }
0x10e: {  	s15 =	sadd.s32 $0x1, s15;
	[bflag:$0x0] =	sbarrier.arrive $0xFFFF;
	s0 =	sadd.s32 s30, s7  }
0x10f: {  	p0 =	sne.s32 s15, $0xC;
	s31 =	rddreg [dreg:$0x6];
	s0 =	sshll.u32 s0, $0x4  }
.Ltmp1:
0x110: {  	s18 =	sadd.s32 $0xA000, s18;
	s0 =	sadd.s32 s31, s0;
	(pc) =	sbr.rel @p0 .LBB2_2-.Ltmp1, $4  }
0x111: {  	[hbm:s0], [sflag:s13] =	dma.local [spmem:s4], $0x2780  }
0x112: {  	s16 =	sadd.s32 $0xA000, s16;
	s17 =	sadd.s32 $0xA000, s17;
	_ =	swait.ge [sflag:s24], $0x2780  }
0x113: {  	s21 =	sadd.s32 $0xA000, s21;
	s20 =	sadd.s32 $0xA000, s20;
	[sflag:s24] =	ssyncset.done $0x0  }
0x114: {  	s22 =	sadd.s32 $0xA000, s22;
	s23 =	sadd.s32 $0xA000, s23;
	[sflag:s24] =	ssyncadd.s32 $0xFFFFD880  }
0x115: {  	s10 =	rddreg [dreg:$0x4]  }
0x116: {  	s0 =	rddreg [dreg:$0xb];
	s10 =	sadd.s32 $0x1, s10  }
0x117: {  	p0 =	sne.s32 s10, s0  }
.Ltmp2:
0x118: {  	_ = 	snop;
	(pc) =	sbr.rel @p0 .LBB2_1-.Ltmp2, $1  }
0x119: {  	_ =	sdelay $0x3  }
0x11a: {  	_ =	sfence.sel $0x180000  }
0x11b: {  	[bflag:$0x0] =	sbarrier.arrive $0xFFFF  }
0x11c: {  	_ =	strace $0x9000004D  }
0x11d: {  	s0 =	stileid.u32;
	[bflag:$0x2] =	sbarrier.arrive $0xFFFF  }
0x11e: {  	p0 =	sne.s32 s0, $0x0;
	s0 =	rddreg [dreg:$0x2]  }
0x11f: {  	s0 =	sadd.s32 @!p0 $0x100000, s0  }
0x120: {  	[sflag:s0] =	ssyncadd.tile.s32 @!p0 $0x1;
	_ =	shalt  }
.Lfunc_end2:
_tile_overlayer_lowered:
.L_overlay_start_2:
0x121: {  	(tag) =	ssettag $0x2  }
0x122: {  	s0 =	rddreg [dreg:$0x0];
	s2 =	stileid.u32  }
0x123: {  	s1 =	rddreg [dreg:$0x1];
	p0 =	sne.s32 s2, $0x0  }
0x124: {  	s3 =	rddreg [dreg:$0x2];
	[bflag:$0x3] =	sbarrier.arrive $0xFFFF;
	s2 =	simm.s32 @!p0 $0x1C0D  }
0x125: {  	[timem:s3], [sflag:s2] =	dma.local @!p0 [hbm:s0], s1  }
0x126: {  	s0 =	simm.s32 @!p0 $0xD  }
0x127: {  	_ =	swait.ge @!p0 [sflag:s0], s1  }
0x128: {  	s1 =	ssub.s32 @!p0 $0x0, s1;
	[sflag:s0] =	ssyncset.done @!p0 $0x0  }
0x129: {  	[sflag:s0] =	ssyncadd.s32 @!p0 s1  }
0x12a: {  	[bflag:$0x3] =	sbarrier.arrive $0xFFFF  }
0x12b: {  	_ =	shalt  }

// kernel: kernel.18.cloned.1.call-start
scs
__scs_entry_jumppad:
0x0: {  	(pc) =	sbr.rel $0x88, $3  }
0x1: {  	(tag) =	ssettag $0x0;
	lr =	simm.s32 $0x1  }
0x2: {  	[smem:$0x3F93] =	sst lr;
	_ =	strace $0xD0000000  }
0x3: {  	_ = 	snop  }
0x4: {  	_ = 	snop  }
0x5: {  	_ = 	snop  }
0x6: {  	_ = 	snop  }
0x7: {  	_ = 	snop  }
__scs_overlays_trampoline_lowered:
0x8: {  	[smem:$0x3FA2] =	sst s0  }
0x9: {  	[smem:$0x3FA3] =	sst s1  }
0xa: {  	[smem:$0x3FA4] =	sst s2  }
0xb: {  	[smem:$0x3FA5] =	sst s3  }
0xc: {  	[smem:$0x3FA6] =	sst s4  }
0xd: {  	[smem:$0x3FA7] =	sst s5  }
0xe: {  	[smem:$0x3FA8] =	sst s6  }
0xf: {  	[smem:$0x3FA9] =	sst s7  }
0x10: {  	[smem:$0x3FAA] =	sst s8  }
0x11: {  	[smem:$0x3FAB] =	sst s9;
	s0 =	simm.s32 @!p0 $0x0  }
0x12: {  	s1 =	sld [smem:$0x3F91];
	s0 =	simm.s32 @p0 $0x1  }
0x13: {  	[smem:$0x3FAC] =	sst s0;
	s0 =	simm.s32 @!p1 $0x0  }
0x14: {  	s2 =	sld [smem:$0x3F90];
	s0 =	simm.s32 @p1 $0x1  }
0x15: {  	[smem:$0x3FAD] =	sst s0;
	s0 =	simm.s32 @!p2 $0x0  }
0x16: {  	s3 =	sld [smem:$0x3FDB];
	s0 =	simm.s32 @p2 $0x1  }
0x17: {  	s4 =	simm.s32 $0x1BF5;
	[smem:$0x3FAF] =	sst s0  }
0x18: {  	s0 =	sld [smem:$0x3F92];
	_ =	swait.ge [sflag:s4], $0x0  }
0x19: {  	s7 =	sld [smem:$0x3F93]  }
0x1a: {  	s8 =	sadd.s32 $0xFFFFE003, lr  }
0x1b: {  	s9 =	sadd.s32 $0xFFFFFEF7, lr;
	s5 =	simm.s32 $0xFFFFFFFF;
	p2 =	slt.u32 s8, $0xFFFFF086  }
0x1c: {  	p1 =	slt.u32 s9, $0xF7A;
	s5 =	simm.s32 @!p2 $0x0  }
0x1d: {  	s5 =	simm.s32 @p1 $0x1;
	p0 =	seq.s32 s7, s2  }
0x1e: {  	s7 =	smul.u32 @!p0 $0xF7A, s2;
	p2 =	seq.s32 @!p0 s5, $0x0  }
0x1f: {  	s9 =	smul.u32 $0xF7A, s1;
	s8 =	simm.s32 @!p0 $0x1BF5;
	p2 =	por !p2, p0  }
0x20: {  	[sflag:s8] =	ssyncset.s32 @!p0 $0xFFFFF086;
	s6 =	sadd.s32 @!p0 s3, s7;
	s7 =	simm.s32 @!p0 $0x108  }
0x21: {  	s3 =	sadd.s32 s3, s9;
	s6 =	sadd.s32 @!p0 $0x88, s6;
	s7 =	simm.s32 @p2 $0x1082  }
0x22: {  	[simem:s7], [sflag:s8] =	dma.local @!p0 [hbm:s6], $0xF7A  }
0x23: {  	s9 =	sor.u32 $0xD0000000, s2;
	s6 =	simm.s32 $0x108;
	_ =	swait.ge @!p0 [sflag:s8], $0x0  }
0x24: {  	s3 =	sadd.s32 $0x88, s3;
	s6 =	simm.s32 @!p1 $0x1082;
	[sflag:s4] =	ssyncset.s32 $0xFFFFF086  }
0x25: {  	[simem:s6], [sflag:s4] =	dma.local [hbm:s3], $0xF7A  }
0x26: {  	[smem:$0x3F93] =	sst s1;
	(tag) =	ssettag s2;
	_ =	strace s9  }
0x27: {  	s1 =	sld [smem:$0x3FA3]  }
0x28: {  	s2 =	sld [smem:$0x3FA4]  }
0x29: {  	s4 =	sld [smem:$0x3FA6]  }
0x2a: {  	p0 =	seq.s32 s5, $0x0;
	s5 =	sld [smem:$0x3FA7]  }
0x2b: {  	s6 =	sld [smem:$0x3FA8]  }
0x2c: {  	s7 =	sld [smem:$0x3FA9]  }
0x2d: {  	s3 =	simm.s32 $0x108;
	s8 =	sld [smem:$0x3FAA]  }
0x2e: {  	s3 =	simm.s32 @!p0 $0x1082;
	s9 =	sld [smem:$0x3FAB]  }
0x2f: {  	lr =	sadd.s32 s0, s3;
	s0 =	sld [smem:$0x3FA2]  }
0x30: {  	s3 =	sld [smem:$0x3FA5]  }
0x31: {  	[smem:$0x3FAE] =	sst s10  }
0x32: {  	s10 =	sld [smem:$0x3FAC];
	_ =	sdelay $0x3  }
0x33: {  	p0 =	seq.s32 s10, $0x1;
	s10 =	sld [smem:$0x3FAE];
	_ =	sdelay $0x3  }
0x34: {  	[smem:$0x3FAE] =	sst s10  }
0x35: {  	s10 =	sld [smem:$0x3FAD];
	_ =	sdelay $0x3  }
0x36: {  	p1 =	seq.s32 s10, $0x1;
	s10 =	sld [smem:$0x3FAE];
	_ =	sdelay $0x3  }
0x37: {  	[smem:$0x3FAE] =	sst s10  }
0x38: {  	s10 =	sld [smem:$0x3FAF]  }
0x39: {  	_ = 	snop;
	(pc) =	sbr.ind lr, $3  }
0x3a: {  	_ = 	snop  }
0x3b: {  	_ = 	snop  }
0x3c: {  	p2 =	seq.s32 s10, $0x1;
	s10 =	sld [smem:$0x3FAE]  }
0x3d: {  	_ =	shalt  }
0x3e: {  	_ =	shalt  }
0x3f: {  	_ =	shalt  }
0x40: {  	_ =	shalt  }
0x41: {  	_ =	shalt  }
0x42: {  	_ =	shalt  }
0x43: {  	_ =	shalt  }
0x44: {  	_ =	shalt  }
0x45: {  	_ =	shalt  }
0x46: {  	_ =	shalt  }
0x47: {  	_ =	shalt  }
0x48: {  	_ =	shalt  }
0x49: {  	_ =	shalt  }
0x4a: {  	_ =	shalt  }
0x4b: {  	_ =	shalt  }
0x4c: {  	_ =	shalt  }
0x4d: {  	_ =	shalt  }
0x4e: {  	_ =	shalt  }
0x4f: {  	_ =	shalt  }
0x50: {  	_ =	shalt  }
0x51: {  	_ =	shalt  }
0x52: {  	_ =	shalt  }
0x53: {  	_ =	shalt  }
0x54: {  	_ =	shalt  }
0x55: {  	_ =	shalt  }
0x56: {  	_ =	shalt  }
0x57: {  	_ =	shalt  }
0x58: {  	_ =	shalt  }
0x59: {  	_ =	shalt  }
0x5a: {  	_ =	shalt  }
0x5b: {  	_ =	shalt  }
0x5c: {  	_ =	shalt  }
0x5d: {  	_ =	shalt  }
0x5e: {  	_ =	shalt  }
0x5f: {  	_ =	shalt  }
0x60: {  	_ =	shalt  }
0x61: {  	_ =	shalt  }
0x62: {  	_ =	shalt  }
0x63: {  	_ =	shalt  }
0x64: {  	_ =	shalt  }
0x65: {  	_ =	shalt  }
0x66: {  	_ =	shalt  }
0x67: {  	_ =	shalt  }
0x68: {  	_ =	shalt  }
0x69: {  	_ =	shalt  }
0x6a: {  	_ =	shalt  }
0x6b: {  	_ =	shalt  }
0x6c: {  	_ =	shalt  }
0x6d: {  	_ =	shalt  }
0x6e: {  	_ =	shalt  }
0x6f: {  	_ =	shalt  }
0x70: {  	_ =	shalt  }
0x71: {  	_ =	shalt  }
0x72: {  	_ =	shalt  }
0x73: {  	_ =	shalt  }
0x74: {  	_ =	shalt  }
0x75: {  	_ =	shalt  }
0x76: {  	_ =	shalt  }
0x77: {  	_ =	shalt  }
0x78: {  	_ =	shalt  }
0x79: {  	_ =	shalt  }
0x7a: {  	_ =	shalt  }
0x7b: {  	_ =	shalt  }
0x7c: {  	_ =	shalt  }
0x7d: {  	_ =	shalt  }
0x7e: {  	_ =	shalt  }
0x7f: {  	_ =	shalt  }
0x80: {  	_ =	shalt  }
0x81: {  	_ =	shalt  }
0x82: {  	_ =	shalt  }
0x83: {  	_ =	shalt  }
0x84: {  	_ =	shalt  }
0x85: {  	_ =	shalt  }
0x86: {  	_ =	shalt  }
0x87: {  	_ =	shalt  }
.Lfunc_end0:
.L_simem_size_0:
called_computation.3_lowered:
.L_overlay_start_0:
0x88: {  	s2 =	sld [smem:$0x3FD9]  }
0x89: {  	s3 =	sld [smem:$0x3FFE];
	_ =	sdelay $0x1  }
0x8a: {  	s1 =	srdreg.scid  }
0x8b: {  	s0 =	sand.u32 $0x1, s1  }
0x8c: {  	s16 =	sshll.u32 s0, $0xA;
	s2 =	sadd.s32 s3, s2  }
0x8d: {  	s2 =	sadd.s32 s2, s16  }
0x8e: {  	[smem:$0x3FBA] =	sst s2  }
0x8f: {  	_ = 	snop  }
0x90: {  	(tm) =	ssettm $0x1  }
0x91: {  	s17 =	sld [smem:$0x3FFB];
	_ =	sdelay $0x3  }
0x92: {  	_ =	strace s17  }
0x93: {  	s2 =	sld [smem:$0x3FFC];
	_ =	sdelay $0x3  }
0x94: {  	_ =	strace s2  }
0x95: {  	s2 =	sld [smem:$0x3FFD];
	_ =	sdelay $0x3  }
0x96: {  	_ =	strace s2  }
0x97: {  	_ =	strace $0x8FFFFFFF  }
0x98: {  	s18 =	sld [smem:$0x3FDB];
	_ =	sdelay $0x1  }
0x99: {  	s19 =	simm.s32 $_scs_section_size  }
0x9a: {  	s4 =	simm.s32 $_size__tile_overlayer_lowered;
	s5 =	simm.s32 $_tile_overlayer_lowered  }
0x9b: {  	s22 =	simm.s32 $0x1BFF;
	s21 =	sshll.u32 s5, $0x1;
	s2 =	sadd.s32 s19, s18  }
0x9c: {  	s6 =	simm.s32 $0x0;
	s20 =	sshll.u32 s4, $0x1;
	s4 =	sadd.s32 s21, s2  }
0x9d: {  	[timem:s6], [sflag:s22] =	dma.local [hbm:s4], s20  }
0x9e: {  	_ =	swait.ge [sflag:s22], s20  }
0x9f: {  	s3 =	ssub.s32 $0x0, s20;
	[sflag:s22] =	ssyncset.done $0x0  }
0xa0: {  	[sflag:s22] =	ssyncadd.s32 s3;
	_ =	sdelay $0x1  }
0xa1: {  	s23 =	simm.s32 $0x1B8B  }
0xa2: {  	_ =	swait.ge [sflag:s23], $0x1  }
0xa3: {  	[sflag:s23] =	ssyncset.done $0x0  }
0xa4: {  	s25 =	simm.s32 $0x1B8E;
	s24 =	sld [smem:$0x3FFE];
	[sflag:s23] =	ssyncadd.s32 $0xFFFFFFFF  }
0xa5: {  	s26 =	simm.s32 $execute0_lowered;
	[smem:$0x3FD2] =	sst s25  }
0xa6: {  	s4 =	sshll.u32 s26, $0x1;
	_ =	strace $0x8000004F;
	[dreg:$0x1] =	wrdreg $0xFFFFFFFF  }
0xa7: {  	s28 =	simm.s32 $_size_execute0_lowered;
	s2 =	sadd.s32 s2, s4;
	[dreg:$0x0] =	wrdreg $0x0  }
0xa8: {  	s4 =	sshll.u32 s28, $0x1;
	[dreg:$0x2] =	wrdreg s2  }
0xa9: {  	[dreg:$0x3] =	wrdreg s4  }
0xaa: {  	[dreg:$0x4] =	wrdreg $0xC0  }
0xab: {  	_ =	task [dreg:s6], $0x5FFFF  }
0xac: {  	[dreg:$0x1] =	wrdreg $0xFFFFFFFF  }
0xad: {  	[dreg:$0x0] =	wrdreg $0x60  }
0xae: {  	[dreg:$0x2] =	wrdreg s24  }
0xaf: {  	[dreg:$0x3] =	wrdreg $0xA4000  }
0xb0: {  	[dreg:$0x4] =	wrdreg $0x9  }
0xb1: {  	_ =	task.clear_ibuf [dreg:s6], $0x5FFFF;
	_ =	strace $0x9000004F  }
0xb2: {  	s29 =	simm.s32 $0x9;
	_ =	strace $0x80000051  }
0xb3: {  	_ =	swait.ge [sflag:s29], $0x1  }
0xb4: {  	[sflag:s29] =	ssyncadd.s32 $0xFFFFFFFF  }
0xb5: {  	_ =	strace $0x90000051  }
0xb6: {  	_ =	sfence  }
0xb7: {  	s30 =	sld [smem:$0x0];
	_ =	sdelay $0x2  }
0xb8: {  	s31 =	sshll.u32 s1, $0xD;
	s1 =	sshrl.u32 s1, $0x2  }
0xb9: {  	s3 =	sand.u32 $0x4000, s31;
	s1 =	sadd.s32 s1, s30  }
0xba: {  	s0 =	sor.u32 s3, s0;
	s1 =	sshll.u32 s1, $0x11  }
0xbb: {  	s0 =	sor.u32 s1, s0  }
0xbc: {  	s0 =	sadd.s32 $0x8F2B, s0  }
0xbd: {  	[sflag:s0] =	ssyncadd.remote.s32 $0x1  }
0xbe: {  	_ =	sfence.sel $0xFFFF  }
0xbf: {  	[dreg:$0x0] =	wrdreg $0xFFFFFFFF;
	(pc) =	sbr.abs _section_cstart, $3  }
0xc0: {  	[dreg:$0x1] =	wrdreg $0xFFFFFFFF  }
0xc1: {  	_ =	task.clear_ibuf [dreg:s6], $0x2FFFF;
	_ =	strace $0x9FFFFFFF  }
0xc2: {  	(tm) =	ssettm $0x7FFFFFFF  }
0xc3: {  	_ =	shalt  }
tec
execute0_lowered:
.L_overlay_start_1:
0x0: {  	(tag) =	ssettag $0x1  }
0x1: {  	s0 =	rddreg [dreg:$0x0]  }
0x2: {  	s1 =	rddreg [dreg:$0x1];
	s10 =	simm.s32 $0x0  }
0x3: {  	s2 =	srdreg.scid;
	s11 =	stileid.u32;
	s9 =	simm.s32 $0xE4  }
0x4: {  	[smem:$0x7FF] =	sst s10;
	s3 =	sadd.s32 $0x4C3800, s0;
	s2 =	sand.u32 $0x1, s2  }
0x5: {  	s5 =	sadd.s32 $0x8B800, s0;
	s6 =	sadd.s32 $0x13800, s0;
	s17 =	smul.u32 $0x4F000, s11  }
0x6: {  	s7 =	sadd.s32 $0x5000, s0;
	s0 =	sadd.s32 $0x103800, s0;
	s18 =	smul.u32 $0x8C0, s11  }
0x7: {  	s8 =	smul.u32 $0x4740, s11;
	_ =	strace $0x80000050;
	[dreg:$0x5] =	wrdreg s7  }
0x8: {  	s12 =	smul.u32 $0x278, s11;
	s4 =	ssub.s32 $0x2, s2;
	[dreg:$0x6] =	wrdreg s0  }
0x9: {  	p0 =	seq.s32 s2, $0x0;
	s2 =	smul.u32 $0xC, s2;
	s15 =	sshrl.u32 s4, $0x1  }
0xa: {  	s9 =	simm.s32 @!p0 $0x1C;
	[dreg:$0x7] =	wrdreg s12;
	s12 =	sadd.s32 $0x47400, s18  }
0xb: {  	s16 =	ssub.s32 s4, s15;
	s20 =	sadd.s32 $0xFFFFFFFF, s9;
	[dreg:$0xa] =	wrdreg s2  }
0xc: {  	s4 =	sshrl.u32 s17, $0x2;
	s12 =	smov.u32 @p0 s8;
	[dreg:$0x3] =	wrdreg s20  }
0xd: {  	s4 =	sadd.s32 s4, s1;
	[dreg:$0x9] =	wrdreg s12;
	s21 =	sshrl.u32 s12, $0x3  }
0xe: {  	s0 =	smax.u32 s16, $0x1;
	[dreg:$0x8] =	wrdreg s4;
	s22 =	sadd.s32 $0x1E, s21  }
0xf: {  	[dreg:$0xb] =	wrdreg s0;
	s23 =	sadd.s32 s22, s6  }
0x10: {  	s24 =	sadd.s32 $0x14, s21;
	s0 =	sadd.s32 s22, s5;
	[dreg:$0xc] =	wrdreg s23  }
0x11: {  	s26 =	sadd.s32 $0x28, s21;
	s25 =	sadd.s32 s24, s6;
	[dreg:$0xd] =	wrdreg s0  }
0x12: {  	s30 =	sadd.s32 $0x32, s21;
	s28 =	sadd.s32 s26, s6;
	[dreg:$0xe] =	wrdreg s25  }
0x13: {  	s31 =	sadd.s32 s30, s6;
	[dreg:$0x10] =	wrdreg s28  }
0x14: {  	s0 =	sadd.s32 s24, s5;
	[dreg:$0x12] =	wrdreg s31  }
0x15: {  	s29 =	simm.s32 $0x1;
	[dreg:$0xf] =	wrdreg s0;
	s0 =	sadd.s32 s26, s5  }
0x16: {  	s19 =	sshll.u32 s11, $0x6;
	[dreg:$0x11] =	wrdreg s0;
	s0 =	sadd.s32 s30, s5  }
0x17: {  	s13 =	sor.u32 $0x1C0D, s19;
	s24 =	simm.s32 $0xD;
	[dreg:$0x13] =	wrdreg s0  }
.LBB2_1:
0x18: {  	[dreg:$0x4] =	wrdreg s10  }
0x19: {  	s23 =	rddreg [dreg:$0x13]  }
0x1a: {  	s22 =	rddreg [dreg:$0x12]  }
0x1b: {  	s21 =	rddreg [dreg:$0x11]  }
0x1c: {  	s20 =	rddreg [dreg:$0x10]  }
0x1d: {  	s19 =	rddreg [dreg:$0xf]  }
0x1e: {  	s18 =	rddreg [dreg:$0xe]  }
0x1f: {  	s17 =	rddreg [dreg:$0xd]  }
0x20: {  	s16 =	rddreg [dreg:$0xc];
	s15 =	simm.s32 $0x0  }
.LBB2_2:
0x21: {  	s0 =	rddreg [dreg:$0x8]  }
0x22: {  	s7 =	rddreg [dreg:$0x5];
	s4 =	sshrl.u32 s0, $0x3  }
0x23: {  	[spmem:s4], [sflag:s13] =	dma.local [hbm:s7], $0x2780  }
0x24: {  	s8 =	smul.u32 $0x50000, s15;
	_ =	swait.ge [sflag:s24], $0x2780  }
0x25: {  	s2 =	rddreg [dreg:$0x9]  }
0x26: {  	[sflag:s24] =	ssyncset.done $0x0;
	s0 =	sadd.s32 s2, s8  }
0x27: {  	[sflag:s24] =	ssyncadd.s32 $0xFFFFD880;
	s0 =	sshrl.u32 s0, $0x3  }
0x28: {  	s7 =	simm.s32 $0x0;
	[bflag:$0x0] =	sbarrier.arrive $0xFFFF;
	s10 =	sadd.s32 s5, s0  }
0x29: {  	[tilespmem:s7], [sflag:$0x1] =	stream.linear.gather [hbm4b:s10+s7], $0x50, $0x38;
	[tilespmem:$0x1E000] =	vst v63  }
0x2a: {  	s8 =	simm.s32 $0x200;
	s11 =	sadd.s32 s6, s0;
	s0 =	sadd.s32 $0xA, s0  }
0x2b: {  	[tilespmem:s8], [sflag:$0x1] =	stream.linear.gather [hbm4b:s11+s7], $0x50, $0x38;
	[tilespmem:$0x1E000] =	vst v63  }
0x2c: {  	s14 =	simm.s32 $0x80;
	s12 =	sadd.s32 s5, s0  }
0x2d: {  	[tilespmem:s14], [sflag:$0x2] =	stream.linear.gather [hbm4b:s12+s7], $0x50, $0x38;
	[tilespmem:$0x1E000] =	vst v63  }
0x2e: {  	s25 =	simm.s32 $0x280;
	s0 =	sadd.s32 s6, s0  }
0x2f: {  	[tilespmem:s25], [sflag:$0x2] =	stream.linear.gather [hbm4b:s0+s7], $0x50, $0x38;
	[tilespmem:$0x1E000] =	vst v63  }
0x30: {  	_ =	swait.ge [sflag:s29], $0x50  }
0x31: {  	[sflag:s29] =	ssyncset.done $0x0  }
0x32: {  	[sflag:s29] =	ssyncadd.s32 $0xFFFFFFB0  }
0x33: {  	_ =	swait.ge [sflag:s29], $0x50  }
0x34: {  	s26 =	simm.s32 $0x50;
	p2 =	sle.u32 s9, $0x0;
	[sflag:s29] =	ssyncset.done $0x0  }
0x35: {  	s28 =	simm.s32 $0x400;
	s0 =	simm.s32 @!p2 $0x5;
	[sflag:s29] =	ssyncadd.s32 $0xFFFFFFB0  }
0x36: {  	[tilespmem:s28], [sflag:$0x5] =	stream.indirect.gather [hbm4b:s3+s26], $0x80, s7, s26, $0xb8;
	[tilespmem:$0x1E000] =	vst v63  }
0x37: {  	p1 =	sle.u32 s9, $0xFFFFFFFE;
	p0 =	sle.u32 s9, $0x2;
	_ =	swait.ge @!p2 [sflag:s0], $0x2800  }
0x38: {  	s2 =	simm.s32 @!p2 $0x400;
	s8 =	simm.s32 @!p1 $0xB;
	[sflag:s0] =	ssyncset.done @!p2 $0x0  }
0x39: {  	s7 =	simm.s32 @!p2 $0x50;
	[sflag:s0] =	ssyncadd.s32 @!p2 $0xFFFFD800;
	s0 =	simm.s32 @!p2 $0x200  }
0x3a: {  	[spmem:s1] =	stream.indirect.scatter.add.f32 @!p2 [tilespmem:s2], [sflag:$0x9], $0x80, s0, s7, $0xb8;
	[tilespmem:$0x1E000] =	vst v63  }
0x3b: {  	s0 =	simm.s32 @!p0 $0x100;
	_ =	swait.ge @!p1 [sflag:s8], $0x2800  }
0x3c: {  	s7 =	sadd.s32 @!p0 $0x0, s19;
	[sflag:s8] =	ssyncset.done @!p1 $0x0;
	s31 =	rddreg [dreg:$0x3]  }
0x3d: {  	[sflag:s8] =	ssyncadd.s32 @!p1 $0xFFFFD800;
	s8 =	simm.s32 @!p0 $0x0;
	p1 =	sle.u32 s31, $0x0  }
0x3e: {  	[tilespmem:s0], [sflag:$0x3] =	stream.linear.gather @!p0 [hbm4b:s7+s8], $0x50, $0x38;
	[tilespmem:$0x1E000] =	vst v63  }
0x3f: {  	s25 =	simm.s32 @!p0 $0x300;
	s7 =	sadd.s32 @!p0 $0x0, s18;
	s2 =	simm.s32 @!p1 $0x2  }
0x40: {  	[tilespmem:s25], [sflag:$0x3] =	stream.linear.gather @!p0 [hbm4b:s7+s8], $0x50, $0x38;
	[tilespmem:$0x1E000] =	vst v63  }
0x41: {  	_ =	swait.ge @!p1 [sflag:s2], $0x50  }
0x42: {  	[sflag:s2] =	ssyncset.done @!p1 $0x0  }
0x43: {  	[sflag:s2] =	ssyncadd.s32 @!p1 $0xFFFFFFB0  }
0x44: {  	_ =	swait.ge @!p1 [sflag:s2], $0x50  }
0x45: {  	s26 =	simm.s32 @!p1 $0x50;
	s7 =	simm.s32 @!p1 $0x2C00;
	[sflag:s2] =	ssyncset.done @!p1 $0x0  }
0x46: {  	s8 =	simm.s32 @!p1 $0x6;
	[sflag:s2] =	ssyncadd.s32 @!p1 $0xFFFFFFB0;
	s2 =	simm.s32 @!p1 $0x80  }
0x47: {  	[tilespmem:s7], [sflag:$0x6] =	stream.indirect.gather @!p1 [hbm4b:s3+s26], $0x80, s2, s26, $0xb8;
	[tilespmem:$0x1E000] =	vst v63  }
0x48: {  	_ =	swait.ge @!p1 [sflag:s8], $0x2800  }
0x49: {  	p4 =	sle.u32 s9, $0xFFFFFFFF;
	[sflag:s8] =	ssyncset.done @!p1 $0x0  }
0x4a: {  	s2 =	simm.s32 @!p1 $0x280;
	[sflag:s8] =	ssyncadd.s32 @!p1 $0xFFFFD800;
	s8 =	simm.s32 @!p4 $0xC  }
0x4b: {  	[spmem:s1] =	stream.indirect.scatter.add.f32 @!p1 [tilespmem:s7], [sflag:$0xA], $0x80, s2, s26, $0xb8;
	[tilespmem:$0x1E000] =	vst v63  }
0x4c: {  	p3 =	sle.u32 s9, $0x3;
	_ =	swait.ge @!p4 [sflag:s8], $0x2800  }
0x4d: {  	s2 =	sadd.s32 @!p3 $0x0, s17;
	[sflag:s8] =	ssyncset.done @!p4 $0x0  }
0x4e: {  	s7 =	simm.s32 @!p3 $0x0;
	[sflag:s8] =	ssyncadd.s32 @!p4 $0xFFFFD800;
	s8 =	simm.s32 @!p3 $0x180  }
0x4f: {  	[tilespmem:s8], [sflag:$0x4] =	stream.linear.gather @!p3 [hbm4b:s2+s7], $0x50, $0x38;
	[tilespmem:$0x1E000] =	vst v63  }
0x50: {  	s26 =	sadd.s32 @!p3 $0x0, s16;
	s2 =	simm.s32 @!p3 $0x380  }
0x51: {  	[tilespmem:s2], [sflag:$0x4] =	stream.linear.gather @!p3 [hbm4b:s26+s7], $0x50, $0x38;
	[tilespmem:$0x1E000] =	vst v63  }
0x52: {  	s7 =	simm.s32 @!p0 $0x3  }
0x53: {  	_ =	swait.ge @!p0 [sflag:s7], $0x50  }
0x54: {  	[sflag:s7] =	ssyncset.done @!p0 $0x0  }
0x55: {  	[sflag:s7] =	ssyncadd.s32 @!p0 $0xFFFFFFB0  }
0x56: {  	_ =	swait.ge @!p0 [sflag:s7], $0x50  }
0x57: {  	[sflag:s7] =	ssyncset.done @!p0 $0x0  }
0x58: {  	s26 =	simm.s32 @!p0 $0x50;
	[sflag:s7] =	ssyncadd.s32 @!p0 $0xFFFFFFB0;
	s7 =	simm.s32 @!p0 $0x5400  }
0x59: {  	[tilespmem:s7], [sflag:$0x7] =	stream.indirect.gather @!p0 [hbm4b:s3+s26], $0x80, s0, s26, $0xb8;
	[tilespmem:$0x1E000] =	vst v63  }
0x5a: {  	s0 =	simm.s32 @!p0 $0x7  }
0x5b: {  	_ =	swait.ge @!p0 [sflag:s0], $0x2800  }
0x5c: {  	[sflag:s0] =	ssyncset.done @!p0 $0x0  }
0x5d: {  	[sflag:s0] =	ssyncadd.s32 @!p0 $0xFFFFD800;
	s0 =	simm.s32 @!p2 $0x9  }
0x5e: {  	[spmem:s1] =	stream.indirect.scatter.add.f32 @!p0 [tilespmem:s7], [sflag:$0xB], $0x80, s25, s26, $0xb8;
	[tilespmem:$0x1E000] =	vst v63  }
0x5f: {  	_ =	swait.ge @!p2 [sflag:s0], $0x2800  }
0x60: {  	p0 =	sle.u32 s9, $0x4;
	[sflag:s0] =	ssyncset.done @!p2 $0x0  }
0x61: {  	s7 =	sadd.s32 @!p0 $0x0, s21;
	s30 =	simm.s32 @!p0 $0x0;
	[sflag:s0] =	ssyncadd.s32 @!p2 $0xFFFFD800  }
0x62: {  	[tilespmem:s30], [sflag:$0x1] =	stream.linear.gather @!p0 [hbm4b:s7+s30], $0x50, $0x38;
	[tilespmem:$0x1E000] =	vst v63  }
0x63: {  	s25 =	simm.s32 @!p3 $0x4;
	s0 =	sadd.s32 @!p0 $0x0, s20;
	s7 =	simm.s32 @!p0 $0x200  }
0x64: {  	[tilespmem:s7], [sflag:$0x1] =	stream.linear.gather @!p0 [hbm4b:s0+s30], $0x50, $0x38;
	[tilespmem:$0x1E000] =	vst v63  }
0x65: {  	_ =	swait.ge @!p3 [sflag:s25], $0x50  }
0x66: {  	[sflag:s25] =	ssyncset.done @!p3 $0x0  }
0x67: {  	[sflag:s25] =	ssyncadd.s32 @!p3 $0xFFFFFFB0  }
0x68: {  	_ =	swait.ge @!p3 [sflag:s25], $0x50  }
0x69: {  	s0 =	simm.s32 @!p3 $0x50;
	[sflag:s25] =	ssyncset.done @!p3 $0x0  }
0x6a: {  	s7 =	simm.s32 @!p3 $0x7C00;
	[sflag:s25] =	ssyncadd.s32 @!p3 $0xFFFFFFB0;
	s25 =	simm.s32 @!p3 $0x8  }
0x6b: {  	[tilespmem:s7], [sflag:$0x8] =	stream.indirect.gather @!p3 [hbm4b:s3+s0], $0x80, s8, s0, $0xb8;
	[tilespmem:$0x1E000] =	vst v63  }
0x6c: {  	_ =	swait.ge @!p3 [sflag:s25], $0x2800  }
0x6d: {  	[sflag:s25] =	ssyncset.done @!p3 $0x0  }
0x6e: {  	s8 =	simm.s32 @!p1 $0xA;
	[sflag:s25] =	ssyncadd.s32 @!p3 $0xFFFFD800  }
0x6f: {  	[spmem:s1] =	stream.indirect.scatter.add.f32 @!p3 [tilespmem:s7], [sflag:$0xC], $0x80, s2, s0, $0xb8;
	[tilespmem:$0x1E000] =	vst v63  }
0x70: {  	p2 =	sle.u32 s9, $0x5;
	_ =	swait.ge @!p1 [sflag:s8], $0x2800  }
0x71: {  	s26 =	simm.s32 $0x50;
	s0 =	sadd.s32 @!p2 $0x0, s23;
	[sflag:s8] =	ssyncset.done @!p1 $0x0  }
0x72: {  	s2 =	simm.s32 @!p2 $0x0;
	s7 =	simm.s32 @!p2 $0x80;
	[sflag:s8] =	ssyncadd.s32 @!p1 $0xFFFFD800  }
0x73: {  	[tilespmem:s7], [sflag:$0x2] =	stream.linear.gather @!p2 [hbm4b:s0+s2], $0x50, $0x38;
	[tilespmem:$0x1E000] =	vst v63  }
0x74: {  	s25 =	simm.s32 $0x4;
	s0 =	simm.s32 @!p2 $0x280;
	s7 =	sadd.s32 @!p2 $0x0, s22  }
0x75: {  	[tilespmem:s0], [sflag:$0x2] =	stream.linear.gather @!p2 [hbm4b:s7+s2], $0x50, $0x38;
	[tilespmem:$0x1E000] =	vst v63  }
0x76: {  	s8 =	simm.s32 @!p0 $0x1;
	s0 =	simm.s32 $0x28;
	s2 =	simm.s32 $0x9  }
.LBB2_3:
0x77: {  	_ =	swait.ge @!p0 [sflag:s8], $0x50  }
0x78: {  	[sflag:s8] =	ssyncset.done @!p0 $0x0  }
0x79: {  	[sflag:s8] =	ssyncadd.s32 @!p0 $0xFFFFFFB0  }
0x7a: {  	p2 =	sge.u32 s25, s9;
	s31 =	simm.s32 @!p0 $0x50;
	_ =	swait.ge @!p0 [sflag:s8], $0x50  }
0x7b: {  	s10 =	simm.s32 @!p0 $0x400;
	s12 =	sadd.s32 $0xFFFFFFFE, s25;
	[sflag:s8] =	ssyncset.done @!p0 $0x0  }
0x7c: {  	s14 =	sadd.s32 $0x2, s25;
	s7 =	simm.s32 @!p2 $0x5;
	[sflag:s8] =	ssyncadd.s32 @!p0 $0xFFFFFFB0  }
0x7d: {  	[tilespmem:s10], [sflag:$0x5] =	stream.indirect.gather @!p0 [hbm4b:s3+s31], $0x80, s30, s31, $0xb8;
	[tilespmem:$0x1E000] =	vst v63  }
0x7e: {  	s11 =	simm.s32 @!p2 $0x400;
	p3 =	sge.u32 s12, s9;
	_ =	swait.ge @!p2 [sflag:s7], $0x2800  }
0x7f: {  	s12 =	simm.s32 @!p3 $0xB;
	s8 =	simm.s32 @!p2 $0x50;
	[sflag:s7] =	ssyncset.done @!p2 $0x0  }
0x80: {  	p0 =	sge.u32 s14, s9;
	[sflag:s7] =	ssyncadd.s32 @!p2 $0xFFFFD800;
	s7 =	simm.s32 @!p2 $0x200  }
0x81: {  	[spmem:s1] =	stream.indirect.scatter.add.f32 @!p2 [tilespmem:s11], [sflag:$0x9], $0x80, s7, s8, $0xb8;
	[tilespmem:$0x1E000] =	vst v63  }
0x82: {  	s30 =	simm.s32 @!p0 $0x100;
	_ =	swait.ge @!p3 [sflag:s12], $0x2800  }
0x83: {  	s10 =	simm.s32 @!p0 $0x0;
	[sflag:s12] =	ssyncset.done @!p3 $0x0;
	s31 =	rddreg [dreg:$0x3]  }
0x84: {  	s7 =	sadd.s32 @!p0 s0, s19;
	[sflag:s12] =	ssyncadd.s32 @!p3 $0xFFFFD800;
	p3 =	sge.u32 s25, s31  }
0x85: {  	[tilespmem:s30], [sflag:$0x3] =	stream.linear.gather @!p0 [hbm4b:s7+s10], $0x50, $0x38;
	[tilespmem:$0x1E000] =	vst v63  }
0x86: {  	s11 =	sadd.s32 @!p0 s0, s18;
	s7 =	simm.s32 @!p0 $0x300;
	s8 =	simm.s32 @!p3 $0x2  }
0x87: {  	[tilespmem:s7], [sflag:$0x3] =	stream.linear.gather @!p0 [hbm4b:s11+s10], $0x50, $0x38;
	[tilespmem:$0x1E000] =	vst v63  }
0x88: {  	_ =	swait.ge @!p3 [sflag:s8], $0x50  }
0x89: {  	[sflag:s8] =	ssyncset.done @!p3 $0x0  }
0x8a: {  	[sflag:s8] =	ssyncadd.s32 @!p3 $0xFFFFFFB0  }
0x8b: {  	_ =	swait.ge @!p3 [sflag:s8], $0x50  }
0x8c: {  	s12 =	simm.s32 @!p3 $0x50;
	s31 =	simm.s32 @!p3 $0x80;
	[sflag:s8] =	ssyncset.done @!p3 $0x0  }
0x8d: {  	s10 =	simm.s32 @!p3 $0x2C00;
	s11 =	simm.s32 @!p3 $0x6;
	[sflag:s8] =	ssyncadd.s32 @!p3 $0xFFFFFFB0  }
0x8e: {  	[tilespmem:s10], [sflag:$0x6] =	stream.indirect.gather @!p3 [hbm4b:s3+s12], $0x80, s31, s12, $0xb8;
	[tilespmem:$0x1E000] =	vst v63  }
0x8f: {  	s14 =	sadd.s32 $0xFFFFFFFF, s25;
	_ =	swait.ge @!p3 [sflag:s11], $0x2800  }
0x90: {  	p5 =	sge.u32 s14, s9;
	s14 =	sadd.s32 $0x3, s25;
	[sflag:s11] =	ssyncset.done @!p3 $0x0  }
0x91: {  	s8 =	simm.s32 @!p5 $0xC;
	s31 =	simm.s32 @!p3 $0x280;
	[sflag:s11] =	ssyncadd.s32 @!p3 $0xFFFFD800  }
0x92: {  	[spmem:s1] =	stream.indirect.scatter.add.f32 @!p3 [tilespmem:s10], [sflag:$0xA], $0x80, s31, s12, $0xb8;
	[tilespmem:$0x1E000] =	vst v63  }
0x93: {  	p4 =	sge.u32 s14, s9;
	_ =	swait.ge @!p5 [sflag:s8], $0x2800  }
0x94: {  	s11 =	simm.s32 @!p4 $0x0;
	[sflag:s8] =	ssyncset.done @!p5 $0x0  }
0x95: {  	s10 =	sadd.s32 @!p4 s0, s17;
	[sflag:s8] =	ssyncadd.s32 @!p5 $0xFFFFD800;
	s8 =	simm.s32 @!p4 $0x180  }
0x96: {  	[tilespmem:s8], [sflag:$0x4] =	stream.linear.gather @!p4 [hbm4b:s10+s11], $0x50, $0x38;
	[tilespmem:$0x1E000] =	vst v63  }
0x97: {  	s31 =	simm.s32 @!p4 $0x380;
	s12 =	simm.s32 @!p0 $0x3;
	s10 =	sadd.s32 @!p4 s0, s16  }
0x98: {  	[tilespmem:s31], [sflag:$0x4] =	stream.linear.gather @!p4 [hbm4b:s10+s11], $0x50, $0x38;
	[tilespmem:$0x1E000] =	vst v63  }
0x99: {  	_ =	swait.ge @!p0 [sflag:s12], $0x50  }
0x9a: {  	[sflag:s12] =	ssyncset.done @!p0 $0x0  }
0x9b: {  	[sflag:s12] =	ssyncadd.s32 @!p0 $0xFFFFFFB0  }
0x9c: {  	_ =	swait.ge @!p0 [sflag:s12], $0x50  }
0x9d: {  	s14 =	simm.s32 @!p0 $0x5400;
	[sflag:s12] =	ssyncset.done @!p0 $0x0  }
0x9e: {  	s10 =	simm.s32 @!p0 $0x7;
	s11 =	simm.s32 @!p0 $0x50;
	[sflag:s12] =	ssyncadd.s32 @!p0 $0xFFFFFFB0  }
0x9f: {  	[tilespmem:s14], [sflag:$0x7] =	stream.indirect.gather @!p0 [hbm4b:s3+s11], $0x80, s30, s11, $0xb8;
	[tilespmem:$0x1E000] =	vst v63  }
0xa0: {  	_ =	swait.ge @!p0 [sflag:s10], $0x2800  }
0xa1: {  	[sflag:s10] =	ssyncset.done @!p0 $0x0  }
0xa2: {  	s12 =	simm.s32 @!p2 $0x9;
	[sflag:s10] =	ssyncadd.s32 @!p0 $0xFFFFD800  }
0xa3: {  	[spmem:s1] =	stream.indirect.scatter.add.f32 @!p0 [tilespmem:s14], [sflag:$0xB], $0x80, s7, s11, $0xb8;
	[tilespmem:$0x1E000] =	vst v63  }
0xa4: {  	s25 =	sadd.s32 $0x4, s25;
	_ =	swait.ge @!p2 [sflag:s12], $0x2800  }
0xa5: {  	p0 =	sge.u32 s25, s9;
	[sflag:s12] =	ssyncset.done @!p2 $0x0  }
0xa6: {  	s11 =	sadd.s32 @!p0 s0, s21;
	s30 =	simm.s32 @!p0 $0x0;
	[sflag:s12] =	ssyncadd.s32 @!p2 $0xFFFFD800  }
0xa7: {  	[tilespmem:s30], [sflag:$0x1] =	stream.linear.gather @!p0 [hbm4b:s11+s30], $0x50, $0x38;
	[tilespmem:$0x1E000] =	vst v63  }
0xa8: {  	s7 =	simm.s32 @!p0 $0x200;
	s12 =	sadd.s32 @!p0 s0, s20;
	s11 =	simm.s32 @!p4 $0x4  }
0xa9: {  	[tilespmem:s7], [sflag:$0x1] =	stream.linear.gather @!p0 [hbm4b:s12+s30], $0x50, $0x38;
	[tilespmem:$0x1E000] =	vst v63  }
0xaa: {  	_ =	swait.ge @!p4 [sflag:s11], $0x50  }
0xab: {  	[sflag:s11] =	ssyncset.done @!p4 $0x0  }
0xac: {  	[sflag:s11] =	ssyncadd.s32 @!p4 $0xFFFFFFB0  }
0xad: {  	_ =	swait.ge @!p4 [sflag:s11], $0x50  }
0xae: {  	s14 =	simm.s32 @!p4 $0x7C00;
	[sflag:s11] =	ssyncset.done @!p4 $0x0  }
0xaf: {  	s12 =	simm.s32 @!p4 $0x50;
	[sflag:s11] =	ssyncadd.s32 @!p4 $0xFFFFFFB0;
	s11 =	simm.s32 @!p4 $0x8  }
0xb0: {  	[tilespmem:s14], [sflag:$0x8] =	stream.indirect.gather @!p4 [hbm4b:s3+s12], $0x80, s8, s12, $0xb8;
	[tilespmem:$0x1E000] =	vst v63  }
0xb1: {  	s28 =	smov.u32 s26;
	s26 =	sadd.s32 $0x28, s26;
	_ =	swait.ge @!p4 [sflag:s11], $0x2800  }
0xb2: {  	p1 =	sne.s32 s26, $0x910;
	s10 =	sadd.s32 $0x5, s25;
	[sflag:s11] =	ssyncset.done @!p4 $0x0  }
0xb3: {  	p2 =	sge.u32 s2, s9;
	s8 =	simm.s32 @!p3 $0xA;
	[sflag:s11] =	ssyncadd.s32 @!p4 $0xFFFFD800  }
0xb4: {  	[spmem:s1] =	stream.indirect.scatter.add.f32 @!p4 [tilespmem:s14], [sflag:$0xC], $0x80, s31, s12, $0xb8;
	[tilespmem:$0x1E000] =	vst v63  }
0xb5: {  	s2 =	smov.u32 s10;
	s10 =	sadd.s32 @!p2 s0, s23;
	_ =	swait.ge @!p3 [sflag:s8], $0x2800  }
.Ltmp0:
0xb6: {  	s11 =	simm.s32 @!p2 $0x280;
	[sflag:s8] =	ssyncset.done @!p3 $0x0;
	(pc) =	sbr.rel @p1 .LBB2_3-.Ltmp0, $4  }
0xb7: {  	s12 =	simm.s32 @!p2 $0x0;
	[sflag:s8] =	ssyncadd.s32 @!p3 $0xFFFFD800;
	s8 =	simm.s32 @!p2 $0x80  }
0xb8: {  	[tilespmem:s8], [sflag:$0x2] =	stream.linear.gather @!p2 [hbm4b:s10+s12], $0x50, $0x38;
	[tilespmem:$0x1E000] =	vst v63  }
0xb9: {  	s10 =	sadd.s32 @!p2 s0, s22;
	s8 =	simm.s32 @!p0 $0x1;
	s0 =	smov.u32 s28  }
0xba: {  	[tilespmem:s11], [sflag:$0x2] =	stream.linear.gather @!p2 [hbm4b:s10+s12], $0x50, $0x38;
	[tilespmem:$0x1E000] =	vst v63  }
0xbb: {  	_ =	swait.ge @!p0 [sflag:s8], $0x50  }
0xbc: {  	[sflag:s8] =	ssyncset.done @!p0 $0x0  }
0xbd: {  	[sflag:s8] =	ssyncadd.s32 @!p0 $0xFFFFFFB0  }
0xbe: {  	_ =	swait.ge @!p0 [sflag:s8], $0x50  }
0xbf: {  	s10 =	simm.s32 @!p0 $0x5;
	[sflag:s8] =	ssyncset.done @!p0 $0x0  }
0xc0: {  	s11 =	simm.s32 @!p0 $0x50;
	s12 =	simm.s32 @!p0 $0x400;
	[sflag:s8] =	ssyncadd.s32 @!p0 $0xFFFFFFB0  }
0xc1: {  	[tilespmem:s12], [sflag:$0x5] =	stream.indirect.gather @!p0 [hbm4b:s3+s11], $0x80, s30, s11, $0xb8;
	[tilespmem:$0x1E000] =	vst v63  }
0xc2: {  	s26 =	sadd.s32 $0xFFFFFFFE, s25;
	_ =	swait.ge @!p0 [sflag:s10], $0x2800  }
0xc3: {  	s28 =	sadd.s32 $0x2, s25;
	p1 =	sge.u32 s26, s9;
	[sflag:s10] =	ssyncset.done @!p0 $0x0  }
0xc4: {  	p2 =	sge.u32 s28, s9;
	s14 =	simm.s32 @!p1 $0xB;
	[sflag:s10] =	ssyncadd.s32 @!p0 $0xFFFFD800  }
0xc5: {  	[spmem:s1] =	stream.indirect.scatter.add.f32 @!p0 [tilespmem:s12], [sflag:$0x9], $0x80, s7, s11, $0xb8;
	[tilespmem:$0x1E000] =	vst v63  }
0xc6: {  	s10 =	sadd.s32 @!p2 s0, s19;
	_ =	swait.ge @!p1 [sflag:s14], $0x2800  }
0xc7: {  	s7 =	simm.s32 @!p2 $0x100;
	[sflag:s14] =	ssyncset.done @!p1 $0x0;
	s30 =	rddreg [dreg:$0x3]  }
0xc8: {  	s11 =	simm.s32 @!p2 $0x0;
	[sflag:s14] =	ssyncadd.s32 @!p1 $0xFFFFD800;
	p1 =	sge.u32 s25, s30  }
0xc9: {  	[tilespmem:s7], [sflag:$0x3] =	stream.linear.gather @!p2 [hbm4b:s10+s11], $0x50, $0x38;
	[tilespmem:$0x1E000] =	vst v63  }
0xca: {  	s12 =	simm.s32 @!p2 $0x300;
	s10 =	sadd.s32 @!p2 s0, s18;
	s8 =	simm.s32 @!p1 $0x2  }
0xcb: {  	[tilespmem:s12], [sflag:$0x3] =	stream.linear.gather @!p2 [hbm4b:s10+s11], $0x50, $0x38;
	[tilespmem:$0x1E000] =	vst v63  }
0xcc: {  	_ =	swait.ge @!p1 [sflag:s8], $0x50  }
0xcd: {  	[sflag:s8] =	ssyncset.done @!p1 $0x0  }
0xce: {  	[sflag:s8] =	ssyncadd.s32 @!p1 $0xFFFFFFB0  }
0xcf: {  	_ =	swait.ge @!p1 [sflag:s8], $0x50  }
0xd0: {  	s14 =	simm.s32 @!p1 $0x50;
	s10 =	simm.s32 @!p1 $0x2C00;
	[sflag:s8] =	ssyncset.done @!p1 $0x0  }
0xd1: {  	s11 =	simm.s32 @!p1 $0x6;
	[sflag:s8] =	ssyncadd.s32 @!p1 $0xFFFFFFB0;
	s8 =	simm.s32 @!p1 $0x80  }
0xd2: {  	[tilespmem:s10], [sflag:$0x6] =	stream.indirect.gather @!p1 [hbm4b:s3+s14], $0x80, s8, s14, $0xb8;
	[tilespmem:$0x1E000] =	vst v63  }
0xd3: {  	_ =	swait.ge @!p1 [sflag:s11], $0x2800  }
0xd4: {  	s31 =	sadd.s32 $0xFFFFFFFF, s25;
	[sflag:s11] =	ssyncset.done @!p1 $0x0  }
0xd5: {  	p4 =	sge.u32 s31, s9;
	s8 =	simm.s32 @!p1 $0x280;
	[sflag:s11] =	ssyncadd.s32 @!p1 $0xFFFFD800  }
0xd6: {  	[spmem:s1] =	stream.indirect.scatter.add.f32 @!p1 [tilespmem:s10], [sflag:$0xA], $0x80, s8, s14, $0xb8;
	[tilespmem:$0x1E000] =	vst v63  }
0xd7: {  	s8 =	simm.s32 @!p4 $0xC;
	s14 =	sadd.s32 $0x3, s25  }
0xd8: {  	_ =	swait.ge @!p4 [sflag:s8], $0x2800;
	p3 =	sge.u32 s14, s9  }
0xd9: {  	[sflag:s8] =	ssyncset.done @!p4 $0x0;
	s10 =	sadd.s32 @!p3 s0, s17  }
0xda: {  	s11 =	simm.s32 @!p3 $0x180;
	[sflag:s8] =	ssyncadd.s32 @!p4 $0xFFFFD800;
	s8 =	simm.s32 @!p3 $0x0  }
0xdb: {  	[tilespmem:s11], [sflag:$0x4] =	stream.linear.gather @!p3 [hbm4b:s10+s8], $0x50, $0x38;
	[tilespmem:$0x1E000] =	vst v63  }
0xdc: {  	s14 =	sadd.s32 @!p3 s0, s16;
	s10 =	simm.s32 @!p3 $0x380  }
0xdd: {  	[tilespmem:s10], [sflag:$0x4] =	stream.linear.gather @!p3 [hbm4b:s14+s8], $0x50, $0x38;
	[tilespmem:$0x1E000] =	vst v63  }
0xde: {  	s8 =	simm.s32 @!p2 $0x3  }
0xdf: {  	_ =	swait.ge @!p2 [sflag:s8], $0x50  }
0xe0: {  	[sflag:s8] =	ssyncset.done @!p2 $0x0  }
0xe1: {  	[sflag:s8] =	ssyncadd.s32 @!p2 $0xFFFFFFB0  }
0xe2: {  	_ =	swait.ge @!p2 [sflag:s8], $0x50  }
0xe3: {  	[sflag:s8] =	ssyncset.done @!p2 $0x0  }
0xe4: {  	s14 =	simm.s32 @!p2 $0x50;
	[sflag:s8] =	ssyncadd.s32 @!p2 $0xFFFFFFB0;
	s8 =	simm.s32 @!p2 $0x5400  }
0xe5: {  	[tilespmem:s8], [sflag:$0x7] =	stream.indirect.gather @!p2 [hbm4b:s3+s14], $0x80, s7, s14, $0xb8;
	[tilespmem:$0x1E000] =	vst v63  }
0xe6: {  	s7 =	simm.s32 @!p2 $0x7  }
0xe7: {  	_ =	swait.ge @!p2 [sflag:s7], $0x2800  }
0xe8: {  	[sflag:s7] =	ssyncset.done @!p2 $0x0  }
0xe9: {  	[sflag:s7] =	ssyncadd.s32 @!p2 $0xFFFFD800;
	s7 =	simm.s32 @!p0 $0x9  }
0xea: {  	[spmem:s1] =	stream.indirect.scatter.add.f32 @!p2 [tilespmem:s8], [sflag:$0xB], $0x80, s12, s14, $0xb8;
	[tilespmem:$0x1E000] =	vst v63  }
0xeb: {  	s26 =	sadd.s32 $0x4, s25;
	_ =	swait.ge @!p0 [sflag:s7], $0x2800  }
0xec: {  	p2 =	sge.u32 s26, s9;
	[sflag:s7] =	ssyncset.done @!p0 $0x0  }
0xed: {  	s8 =	sadd.s32 @!p2 s0, s21;
	s12 =	simm.s32 @!p2 $0x0;
	[sflag:s7] =	ssyncadd.s32 @!p0 $0xFFFFD800  }
0xee: {  	[tilespmem:s12], [sflag:$0x1] =	stream.linear.gather @!p2 [hbm4b:s8+s12], $0x50, $0x38;
	[tilespmem:$0x1E000] =	vst v63  }
0xef: {  	s7 =	sadd.s32 @!p2 s0, s20;
	s8 =	simm.s32 @!p2 $0x200  }
0xf0: {  	[tilespmem:s8], [sflag:$0x1] =	stream.linear.gather @!p2 [hbm4b:s7+s12], $0x50, $0x38;
	[tilespmem:$0x1E000] =	vst v63  }
0xf1: {  	s7 =	simm.s32 @!p3 $0x4  }
0xf2: {  	_ =	swait.ge @!p3 [sflag:s7], $0x50  }
0xf3: {  	[sflag:s7] =	ssyncset.done @!p3 $0x0  }
0xf4: {  	[sflag:s7] =	ssyncadd.s32 @!p3 $0xFFFFFFB0  }
0xf5: {  	_ =	swait.ge @!p3 [sflag:s7], $0x50  }
0xf6: {  	[sflag:s7] =	ssyncset.done @!p3 $0x0  }
0xf7: {  	s8 =	simm.s32 @!p3 $0x50;
	[sflag:s7] =	ssyncadd.s32 @!p3 $0xFFFFFFB0;
	s7 =	simm.s32 @!p3 $0x7C00  }
0xf8: {  	[tilespmem:s7], [sflag:$0x8] =	stream.indirect.gather @!p3 [hbm4b:s3+s8], $0x80, s11, s8, $0xb8;
	[tilespmem:$0x1E000] =	vst v63  }
0xf9: {  	s11 =	simm.s32 @!p3 $0x8  }
0xfa: {  	_ =	swait.ge @!p3 [sflag:s11], $0x2800  }
0xfb: {  	[sflag:s11] =	ssyncset.done @!p3 $0x0  }
0xfc: {  	[sflag:s11] =	ssyncadd.s32 @!p3 $0xFFFFD800  }
0xfd: {  	[spmem:s1] =	stream.indirect.scatter.add.f32 @!p3 [tilespmem:s7], [sflag:$0xC], $0x80, s10, s8, $0xb8;
	[tilespmem:$0x1E000] =	vst v63  }
0xfe: {  	s7 =	simm.s32 @!p1 $0xA  }
0xff: {  	p0 =	sge.u32 s2, s9;
	_ =	swait.ge @!p1 [sflag:s7], $0x2800  }
0x100: {  	s2 =	sadd.s32 @!p0 s0, s23;
	[sflag:s7] =	ssyncset.done @!p1 $0x0  }
0x101: {  	s8 =	simm.s32 @!p0 $0x80;
	[sflag:s7] =	ssyncadd.s32 @!p1 $0xFFFFD800;
	s7 =	simm.s32 @!p0 $0x0  }
0x102: {  	[tilespmem:s8], [sflag:$0x2] =	stream.linear.gather @!p0 [hbm4b:s2+s7], $0x50, $0x38;
	[tilespmem:$0x1E000] =	vst v63  }
0x103: {  	s0 =	sadd.s32 @!p0 s0, s22;
	s2 =	simm.s32 @!p0 $0x280  }
0x104: {  	[tilespmem:s2], [sflag:$0x2] =	stream.linear.gather @!p0 [hbm4b:s0+s7], $0x50, $0x38;
	[tilespmem:$0x1E000] =	vst v63  }
0x105: {  	s0 =	simm.s32 @!p2 $0x1  }
0x106: {  	_ =	swait.ge @!p2 [sflag:s0], $0x50  }
0x107: {  	[sflag:s0] =	ssyncset.done @!p2 $0x0  }
0x108: {  	[sflag:s0] =	ssyncadd.s32 @!p2 $0xFFFFFFB0  }
0x109: {  	_ =	swait.ge @!p2 [sflag:s0], $0x50  }
0x10a: {  	s19 =	sadd.s32 $0xA000, s19;
	s2 =	simm.s32 @!p2 $0x50;
	s28 =	rddreg [dreg:$0xa]  }
0x10b: {  	[sflag:s0] =	ssyncset.done @!p2 $0x0;
	s30 =	rddreg [dreg:$0x7];
	s7 =	sadd.s32 s28, s15  }
0x10c: {  	[sflag:s0] =	ssyncadd.s32 @!p2 $0xFFFFFFB0;
	s0 =	simm.s32 @!p2 $0x400;
	s7 =	smul.u32 $0x2800, s7  }
0x10d: {  	[tilespmem:s0], [sflag:$0x5] =	stream.indirect.gather @!p2 [hbm4b:s3+s2], $0x80, s12, s2, $0xb8;
	[tilespmem:$0x1E000] =	vst v63  }
0x10e: {  	s15 =	sadd.s32 $0x1, s15;
	[bflag:$0x0] =	sbarrier.arrive $0xFFFF;
	s0 =	sadd.s32 s30, s7  }
0x10f: {  	p0 =	sne.s32 s15, $0xC;
	s31 =	rddreg [dreg:$0x6];
	s0 =	sshll.u32 s0, $0x4  }
.Ltmp1:
0x110: {  	s18 =	sadd.s32 $0xA000, s18;
	s0 =	sadd.s32 s31, s0;
	(pc) =	sbr.rel @p0 .LBB2_2-.Ltmp1, $4  }
0x111: {  	[hbm:s0], [sflag:s13] =	dma.local [spmem:s4], $0x2780  }
0x112: {  	s16 =	sadd.s32 $0xA000, s16;
	s17 =	sadd.s32 $0xA000, s17;
	_ =	swait.ge [sflag:s24], $0x2780  }
0x113: {  	s21 =	sadd.s32 $0xA000, s21;
	s20 =	sadd.s32 $0xA000, s20;
	[sflag:s24] =	ssyncset.done $0x0  }
0x114: {  	s22 =	sadd.s32 $0xA000, s22;
	s23 =	sadd.s32 $0xA000, s23;
	[sflag:s24] =	ssyncadd.s32 $0xFFFFD880  }
0x115: {  	s10 =	rddreg [dreg:$0x4]  }
0x116: {  	s0 =	rddreg [dreg:$0xb];
	s10 =	sadd.s32 $0x1, s10  }
0x117: {  	p0 =	sne.s32 s10, s0  }
.Ltmp2:
0x118: {  	_ = 	snop;
	(pc) =	sbr.rel @p0 .LBB2_1-.Ltmp2, $1  }
0x119: {  	_ =	sdelay $0x3  }
0x11a: {  	_ =	sfence.sel $0x180000  }
0x11b: {  	[bflag:$0x0] =	sbarrier.arrive $0xFFFF  }
0x11c: {  	_ =	strace $0x90000050  }
0x11d: {  	s0 =	stileid.u32;
	[bflag:$0x2] =	sbarrier.arrive $0xFFFF  }
0x11e: {  	p0 =	sne.s32 s0, $0x0;
	s0 =	rddreg [dreg:$0x2]  }
0x11f: {  	s0 =	sadd.s32 @!p0 $0x100000, s0  }
0x120: {  	[sflag:s0] =	ssyncadd.tile.s32 @!p0 $0x1;
	_ =	shalt  }
.Lfunc_end2:
_tile_overlayer_lowered:
.L_overlay_start_2:
0x121: {  	(tag) =	ssettag $0x2  }
0x122: {  	s0 =	rddreg [dreg:$0x0];
	s2 =	stileid.u32  }
0x123: {  	s1 =	rddreg [dreg:$0x1];
	p0 =	sne.s32 s2, $0x0  }
0x124: {  	s3 =	rddreg [dreg:$0x2];
	[bflag:$0x3] =	sbarrier.arrive $0xFFFF;
	s2 =	simm.s32 @!p0 $0x1C0D  }
0x125: {  	[timem:s3], [sflag:s2] =	dma.local @!p0 [hbm:s0], s1  }
0x126: {  	s0 =	simm.s32 @!p0 $0xD  }
0x127: {  	_ =	swait.ge @!p0 [sflag:s0], s1  }
0x128: {  	s1 =	ssub.s32 @!p0 $0x0, s1;
	[sflag:s0] =	ssyncset.done @!p0 $0x0  }
0x129: {  	[sflag:s0] =	ssyncadd.s32 @!p0 s1  }
0x12a: {  	[bflag:$0x3] =	sbarrier.arrive $0xFFFF  }
0x12b: {  	_ =	shalt  }

// kernel: kernel.9.cloned.1.call-start
scs
__scs_entry_jumppad:
0x0: {  	(pc) =	sbr.rel $0x88, $3  }
0x1: {  	(tag) =	ssettag $0x0;
	lr =	simm.s32 $0x1  }
0x2: {  	[smem:$0x3F93] =	sst lr;
	_ =	strace $0xD0000000  }
0x3: {  	_ = 	snop  }
0x4: {  	_ = 	snop  }
0x5: {  	_ = 	snop  }
0x6: {  	_ = 	snop  }
0x7: {  	_ = 	snop  }
__scs_overlays_trampoline_lowered:
0x8: {  	[smem:$0x3FA2] =	sst s0  }
0x9: {  	[smem:$0x3FA3] =	sst s1  }
0xa: {  	[smem:$0x3FA4] =	sst s2  }
0xb: {  	[smem:$0x3FA5] =	sst s3  }
0xc: {  	[smem:$0x3FA6] =	sst s4  }
0xd: {  	[smem:$0x3FA7] =	sst s5  }
0xe: {  	[smem:$0x3FA8] =	sst s6  }
0xf: {  	[smem:$0x3FA9] =	sst s7  }
0x10: {  	[smem:$0x3FAA] =	sst s8  }
0x11: {  	[smem:$0x3FAB] =	sst s9;
	s0 =	simm.s32 @!p0 $0x0  }
0x12: {  	s1 =	sld [smem:$0x3F91];
	s0 =	simm.s32 @p0 $0x1  }
0x13: {  	[smem:$0x3FAC] =	sst s0;
	s0 =	simm.s32 @!p1 $0x0  }
0x14: {  	s2 =	sld [smem:$0x3F90];
	s0 =	simm.s32 @p1 $0x1  }
0x15: {  	[smem:$0x3FAD] =	sst s0;
	s0 =	simm.s32 @!p2 $0x0  }
0x16: {  	s3 =	sld [smem:$0x3FDB];
	s0 =	simm.s32 @p2 $0x1  }
0x17: {  	s4 =	simm.s32 $0x1BF5;
	[smem:$0x3FAF] =	sst s0  }
0x18: {  	s0 =	sld [smem:$0x3F92];
	_ =	swait.ge [sflag:s4], $0x0  }
0x19: {  	s7 =	sld [smem:$0x3F93]  }
0x1a: {  	s8 =	sadd.s32 $0xFFFFE003, lr  }
0x1b: {  	s9 =	sadd.s32 $0xFFFFFEF7, lr;
	s5 =	simm.s32 $0xFFFFFFFF;
	p2 =	slt.u32 s8, $0xFFFFF086  }
0x1c: {  	p1 =	slt.u32 s9, $0xF7A;
	s5 =	simm.s32 @!p2 $0x0  }
0x1d: {  	s5 =	simm.s32 @p1 $0x1;
	p0 =	seq.s32 s7, s2  }
0x1e: {  	s7 =	smul.u32 @!p0 $0xF7A, s2;
	p2 =	seq.s32 @!p0 s5, $0x0  }
0x1f: {  	s9 =	smul.u32 $0xF7A, s1;
	s8 =	simm.s32 @!p0 $0x1BF5;
	p2 =	por !p2, p0  }
0x20: {  	[sflag:s8] =	ssyncset.s32 @!p0 $0xFFFFF086;
	s6 =	sadd.s32 @!p0 s3, s7;
	s7 =	simm.s32 @!p0 $0x108  }
0x21: {  	s3 =	sadd.s32 s3, s9;
	s6 =	sadd.s32 @!p0 $0x88, s6;
	s7 =	simm.s32 @p2 $0x1082  }
0x22: {  	[simem:s7], [sflag:s8] =	dma.local @!p0 [hbm:s6], $0xF7A  }
0x23: {  	s9 =	sor.u32 $0xD0000000, s2;
	s6 =	simm.s32 $0x108;
	_ =	swait.ge @!p0 [sflag:s8], $0x0  }
0x24: {  	s3 =	sadd.s32 $0x88, s3;
	s6 =	simm.s32 @!p1 $0x1082;
	[sflag:s4] =	ssyncset.s32 $0xFFFFF086  }
0x25: {  	[simem:s6], [sflag:s4] =	dma.local [hbm:s3], $0xF7A  }
0x26: {  	[smem:$0x3F93] =	sst s1;
	(tag) =	ssettag s2;
	_ =	strace s9  }
0x27: {  	s1 =	sld [smem:$0x3FA3]  }
0x28: {  	s2 =	sld [smem:$0x3FA4]  }
0x29: {  	s4 =	sld [smem:$0x3FA6]  }
0x2a: {  	p0 =	seq.s32 s5, $0x0;
	s5 =	sld [smem:$0x3FA7]  }
0x2b: {  	s6 =	sld [smem:$0x3FA8]  }
0x2c: {  	s7 =	sld [smem:$0x3FA9]  }
0x2d: {  	s3 =	simm.s32 $0x108;
	s8 =	sld [smem:$0x3FAA]  }
0x2e: {  	s3 =	simm.s32 @!p0 $0x1082;
	s9 =	sld [smem:$0x3FAB]  }
0x2f: {  	lr =	sadd.s32 s0, s3;
	s0 =	sld [smem:$0x3FA2]  }
0x30: {  	s3 =	sld [smem:$0x3FA5]  }
0x31: {  	[smem:$0x3FAE] =	sst s10  }
0x32: {  	s10 =	sld [smem:$0x3FAC];
	_ =	sdelay $0x3  }
0x33: {  	p0 =	seq.s32 s10, $0x1;
	s10 =	sld [smem:$0x3FAE];
	_ =	sdelay $0x3  }
0x34: {  	[smem:$0x3FAE] =	sst s10  }
0x35: {  	s10 =	sld [smem:$0x3FAD];
	_ =	sdelay $0x3  }
0x36: {  	p1 =	seq.s32 s10, $0x1;
	s10 =	sld [smem:$0x3FAE];
	_ =	sdelay $0x3  }
0x37: {  	[smem:$0x3FAE] =	sst s10  }
0x38: {  	s10 =	sld [smem:$0x3FAF]  }
0x39: {  	_ = 	snop;
	(pc) =	sbr.ind lr, $3  }
0x3a: {  	_ = 	snop  }
0x3b: {  	_ = 	snop  }
0x3c: {  	p2 =	seq.s32 s10, $0x1;
	s10 =	sld [smem:$0x3FAE]  }
0x3d: {  	_ =	shalt  }
0x3e: {  	_ =	shalt  }
0x3f: {  	_ =	shalt  }
0x40: {  	_ =	shalt  }
0x41: {  	_ =	shalt  }
0x42: {  	_ =	shalt  }
0x43: {  	_ =	shalt  }
0x44: {  	_ =	shalt  }
0x45: {  	_ =	shalt  }
0x46: {  	_ =	shalt  }
0x47: {  	_ =	shalt  }
0x48: {  	_ =	shalt  }
0x49: {  	_ =	shalt  }
0x4a: {  	_ =	shalt  }
0x4b: {  	_ =	shalt  }
0x4c: {  	_ =	shalt  }
0x4d: {  	_ =	shalt  }
0x4e: {  	_ =	shalt  }
0x4f: {  	_ =	shalt  }
0x50: {  	_ =	shalt  }
0x51: {  	_ =	shalt  }
0x52: {  	_ =	shalt  }
0x53: {  	_ =	shalt  }
0x54: {  	_ =	shalt  }
0x55: {  	_ =	shalt  }
0x56: {  	_ =	shalt  }
0x57: {  	_ =	shalt  }
0x58: {  	_ =	shalt  }
0x59: {  	_ =	shalt  }
0x5a: {  	_ =	shalt  }
0x5b: {  	_ =	shalt  }
0x5c: {  	_ =	shalt  }
0x5d: {  	_ =	shalt  }
0x5e: {  	_ =	shalt  }
0x5f: {  	_ =	shalt  }
0x60: {  	_ =	shalt  }
0x61: {  	_ =	shalt  }
0x62: {  	_ =	shalt  }
0x63: {  	_ =	shalt  }
0x64: {  	_ =	shalt  }
0x65: {  	_ =	shalt  }
0x66: {  	_ =	shalt  }
0x67: {  	_ =	shalt  }
0x68: {  	_ =	shalt  }
0x69: {  	_ =	shalt  }
0x6a: {  	_ =	shalt  }
0x6b: {  	_ =	shalt  }
0x6c: {  	_ =	shalt  }
0x6d: {  	_ =	shalt  }
0x6e: {  	_ =	shalt  }
0x6f: {  	_ =	shalt  }
0x70: {  	_ =	shalt  }
0x71: {  	_ =	shalt  }
0x72: {  	_ =	shalt  }
0x73: {  	_ =	shalt  }
0x74: {  	_ =	shalt  }
0x75: {  	_ =	shalt  }
0x76: {  	_ =	shalt  }
0x77: {  	_ =	shalt  }
0x78: {  	_ =	shalt  }
0x79: {  	_ =	shalt  }
0x7a: {  	_ =	shalt  }
0x7b: {  	_ =	shalt  }
0x7c: {  	_ =	shalt  }
0x7d: {  	_ =	shalt  }
0x7e: {  	_ =	shalt  }
0x7f: {  	_ =	shalt  }
0x80: {  	_ =	shalt  }
0x81: {  	_ =	shalt  }
0x82: {  	_ =	shalt  }
0x83: {  	_ =	shalt  }
0x84: {  	_ =	shalt  }
0x85: {  	_ =	shalt  }
0x86: {  	_ =	shalt  }
0x87: {  	_ =	shalt  }
.Lfunc_end0:
.L_simem_size_0:
called_computation_lowered:
.L_overlay_start_0:
0x88: {  	s2 =	sld [smem:$0x3FD9]  }
0x89: {  	s3 =	sld [smem:$0x3FFE];
	_ =	sdelay $0x1  }
0x8a: {  	s1 =	srdreg.scid  }
0x8b: {  	s0 =	sand.u32 $0x1, s1  }
0x8c: {  	s16 =	sshll.u32 s0, $0xA;
	s2 =	sadd.s32 s3, s2  }
0x8d: {  	s2 =	sadd.s32 s2, s16  }
0x8e: {  	[smem:$0x3FBA] =	sst s2  }
0x8f: {  	_ = 	snop  }
0x90: {  	(tm) =	ssettm $0x1  }
0x91: {  	s17 =	sld [smem:$0x3FFB];
	_ =	sdelay $0x3  }
0x92: {  	_ =	strace s17  }
0x93: {  	s2 =	sld [smem:$0x3FFC];
	_ =	sdelay $0x3  }
0x94: {  	_ =	strace s2  }
0x95: {  	s2 =	sld [smem:$0x3FFD];
	_ =	sdelay $0x3  }
0x96: {  	_ =	strace s2  }
0x97: {  	_ =	strace $0x8FFFFFFF  }
0x98: {  	s18 =	sld [smem:$0x3FDB];
	_ =	sdelay $0x1  }
0x99: {  	s19 =	simm.s32 $_scs_section_size  }
0x9a: {  	s4 =	simm.s32 $_size__tile_overlayer_lowered;
	s5 =	simm.s32 $_tile_overlayer_lowered  }
0x9b: {  	s22 =	simm.s32 $0x1BFF;
	s21 =	sshll.u32 s5, $0x1;
	s2 =	sadd.s32 s19, s18  }
0x9c: {  	s6 =	simm.s32 $0x0;
	s20 =	sshll.u32 s4, $0x1;
	s4 =	sadd.s32 s21, s2  }
0x9d: {  	[timem:s6], [sflag:s22] =	dma.local [hbm:s4], s20  }
0x9e: {  	_ =	swait.ge [sflag:s22], s20  }
0x9f: {  	s3 =	ssub.s32 $0x0, s20;
	[sflag:s22] =	ssyncset.done $0x0  }
0xa0: {  	[sflag:s22] =	ssyncadd.s32 s3;
	_ =	sdelay $0x1  }
0xa1: {  	s23 =	simm.s32 $0x1B8B  }
0xa2: {  	_ =	swait.ge [sflag:s23], $0x1  }
0xa3: {  	[sflag:s23] =	ssyncset.done $0x0  }
0xa4: {  	s25 =	simm.s32 $0x1B8E;
	s24 =	sld [smem:$0x3FFE];
	[sflag:s23] =	ssyncadd.s32 $0xFFFFFFFF  }
0xa5: {  	s26 =	simm.s32 $execute0_lowered;
	[smem:$0x3FD2] =	sst s25  }
0xa6: {  	s4 =	sshll.u32 s26, $0x1;
	_ =	strace $0x80000046;
	[dreg:$0x1] =	wrdreg $0xFFFFFFFF  }
0xa7: {  	s28 =	simm.s32 $_size_execute0_lowered;
	s2 =	sadd.s32 s2, s4;
	[dreg:$0x0] =	wrdreg $0x0  }
0xa8: {  	s4 =	sshll.u32 s28, $0x1;
	[dreg:$0x2] =	wrdreg s2  }
0xa9: {  	[dreg:$0x3] =	wrdreg s4  }
0xaa: {  	[dreg:$0x4] =	wrdreg $0xC0  }
0xab: {  	_ =	task [dreg:s6], $0x5FFFF  }
0xac: {  	[dreg:$0x1] =	wrdreg $0xFFFFFFFF  }
0xad: {  	[dreg:$0x0] =	wrdreg $0x60  }
0xae: {  	[dreg:$0x2] =	wrdreg s24  }
0xaf: {  	[dreg:$0x3] =	wrdreg $0x68000  }
0xb0: {  	[dreg:$0x4] =	wrdreg $0x9  }
0xb1: {  	_ =	task.clear_ibuf [dreg:s6], $0x5FFFF;
	_ =	strace $0x90000046  }
0xb2: {  	s29 =	simm.s32 $0x9;
	_ =	strace $0x80000048  }
0xb3: {  	_ =	swait.ge [sflag:s29], $0x1  }
0xb4: {  	[sflag:s29] =	ssyncadd.s32 $0xFFFFFFFF  }
0xb5: {  	_ =	strace $0x90000048  }
0xb6: {  	_ =	sfence  }
0xb7: {  	s30 =	sld [smem:$0x0];
	_ =	sdelay $0x2  }
0xb8: {  	s31 =	sshll.u32 s1, $0xD;
	s1 =	sshrl.u32 s1, $0x2  }
0xb9: {  	s3 =	sand.u32 $0x4000, s31;
	s1 =	sadd.s32 s1, s30  }
0xba: {  	s0 =	sor.u32 s3, s0;
	s1 =	sshll.u32 s1, $0x11  }
0xbb: {  	s0 =	sor.u32 s1, s0  }
0xbc: {  	s0 =	sadd.s32 $0x8F2B, s0  }
0xbd: {  	[sflag:s0] =	ssyncadd.remote.s32 $0x1  }
0xbe: {  	_ =	sfence.sel $0xFFFF  }
0xbf: {  	[dreg:$0x0] =	wrdreg $0xFFFFFFFF;
	(pc) =	sbr.abs _section_cstart, $3  }
0xc0: {  	[dreg:$0x1] =	wrdreg $0xFFFFFFFF  }
0xc1: {  	_ =	task.clear_ibuf [dreg:s6], $0x2FFFF;
	_ =	strace $0x9FFFFFFF  }
0xc2: {  	(tm) =	ssettm $0x7FFFFFFF  }
0xc3: {  	_ =	shalt  }
tec
execute0_lowered:
.L_overlay_start_1:
0x0: {  	(tag) =	ssettag $0x1  }
0x1: {  	s6 =	rddreg [dreg:$0x0]  }
0x2: {  	s2 =	rddreg [dreg:$0x1]  }
0x3: {  	s0 =	rddreg [dreg:$0x2];
	s3 =	simm.s32 $0x0  }
0x4: {  	s1 =	stileid.u32;
	s4 =	srdreg.scid;
	s15 =	simm.s32 $0x50  }
0x5: {  	s16 =	simm.s32 $0x1;
	s17 =	simm.s32 $0x0;
	[smem:$0x7FF] =	sst s3  }
0x6: {  	s5 =	sshll.u32 s1, $0xB;
	s9 =	sand.u32 $0x1, s4;
	s4 =	sadd.s32 $0x4A00, s6  }
0x7: {  	s11 =	smul.u32 $0x4F000, s1;
	s13 =	sshll.u32 s1, $0x6;
	_ =	strace $0x80000047  }
0x8: {  	s8 =	sadd.s32 s5, s6;
	s7 =	ssub.s32 $0x2, s9;
	s5 =	sadd.s32 $0x5000, s6  }
0x9: {  	s6 =	sadd.s32 $0x29D200, s6;
	s12 =	sshll.u32 s9, $0xF;
	s9 =	smul.u32 $0xC, s9  }
0xa: {  	s13 =	sor.u32 $0x1C02, s13;
	s10 =	sshrl.u32 s7, $0x1;
	s11 =	sshrl.u32 s11, $0x2  }
0xb: {  	s8 =	sadd.s32 s12, s8;
	s12 =	simm.s32 $0x2;
	s10 =	ssub.s32 s7, s10  }
0xc: {  	s7 =	smul.u32 $0x278, s1;
	s14 =	sadd.s32 s11, s2;
	s8 =	sadd.s32 $0x1DD200, s8  }
0xd: {  	s11 =	simm.s32 $0x4000;
	s10 =	smax.u32 s10, $0x1;
	s14 =	sshrl.u32 s14, $0x3  }
.LBB2_1:
0xe: {  	[tilespmem:s11], [sflag:$0x2] =	stream.linear.gather [hbm4b:s4+s3], $0x2800, $0x38;
	[tilespmem:$0x1A400] =	vst v63  }
0xf: {  	_ =	swait.ge [sflag:s12], $0x2800  }
0x10: {  	[sflag:s12] =	ssyncset.done $0x0  }
0x11: {  	s18 =	simm.s32 $0x0;
	[sflag:s12] =	ssyncadd.s32 $0xFFFFD800  }
.LBB2_2:
0x12: {  	[spmem:s14], [sflag:s13] =	dma.local [hbm:s5], $0x2780  }
0x13: {  	_ =	swait.ge [sflag:s12], $0x2780  }
0x14: {  	[sflag:s12] =	ssyncset.done $0x0  }
0x15: {  	s19 =	sshll.u32 s18, $0x10;
	[sflag:s12] =	ssyncadd.s32 $0xFFFFD880  }
0x16: {  	s20 =	simm.s32 $0x0;
	s19 =	sadd.s32 s19, s8;
	[bflag:$0x0] =	sbarrier.arrive $0xFFFF  }
0x17: {  	[tilespmem:s20], [sflag:$0x2] =	stream.linear.gather [hbm4b:s19+s20], $0x4000, $0x38;
	[tilespmem:$0x1A400] =	vst v63  }
0x18: {  	_ =	swait.ge [sflag:s12], $0x4000  }
0x19: {  	[sflag:s12] =	ssyncset.done $0x0  }
0x1a: {  	s23 =	simm.s32 $0x0;
	[sflag:s12] =	ssyncadd.s32 $0xFFFFC000  }
0x1b: {  	[spmem:s2] =	stream.indirect.scatter.add.f32 [tilespmem:s11], [sflag:$0x1], $0x80, s23, s15, $0xb8;
	[tilespmem:$0x1A400] =	vst v63  }
0x1c: {  	s24 =	simm.s32 $0x80  }
0x1d: {  	[spmem:s2] =	stream.indirect.scatter.add.f32 [tilespmem:s11], [sflag:$0x1], $0x80, s24, s15, $0xb8;
	[tilespmem:$0x1A400] =	vst v63  }
0x1e: {  	s25 =	simm.s32 $0x100  }
0x1f: {  	[spmem:s2] =	stream.indirect.scatter.add.f32 [tilespmem:s11], [sflag:$0x1], $0x80, s25, s15, $0xb8;
	[tilespmem:$0x1A400] =	vst v63  }
0x20: {  	s26 =	simm.s32 $0x180  }
0x21: {  	[spmem:s2] =	stream.indirect.scatter.add.f32 [tilespmem:s11], [sflag:$0x1], $0x80, s26, s15, $0xb8;
	[tilespmem:$0x1A400] =	vst v63  }
0x22: {  	s28 =	simm.s32 $0x200  }
0x23: {  	[spmem:s2] =	stream.indirect.scatter.add.f32 [tilespmem:s11], [sflag:$0x1], $0x80, s28, s15, $0xb8;
	[tilespmem:$0x1A400] =	vst v63  }
0x24: {  	s29 =	simm.s32 $0x280  }
0x25: {  	[spmem:s2] =	stream.indirect.scatter.add.f32 [tilespmem:s11], [sflag:$0x1], $0x80, s29, s15, $0xb8;
	[tilespmem:$0x1A400] =	vst v63  }
0x26: {  	s30 =	simm.s32 $0x300  }
0x27: {  	[spmem:s2] =	stream.indirect.scatter.add.f32 [tilespmem:s11], [sflag:$0x1], $0x80, s30, s15, $0xb8;
	[tilespmem:$0x1A400] =	vst v63  }
0x28: {  	s31 =	simm.s32 $0x380  }
0x29: {  	[spmem:s2] =	stream.indirect.scatter.add.f32 [tilespmem:s11], [sflag:$0x1], $0x80, s31, s15, $0xb8;
	[tilespmem:$0x1A400] =	vst v63  }
0x2a: {  	_ =	swait.ge [sflag:s16], $0x2800  }
0x2b: {  	[sflag:s16] =	ssyncset.done $0x0  }
0x2c: {  	[sflag:s16] =	ssyncadd.s32 $0xFFFFD800  }
0x2d: {  	_ =	swait.ge [sflag:s16], $0x2800  }
0x2e: {  	[sflag:s16] =	ssyncset.done $0x0  }
0x2f: {  	[sflag:s16] =	ssyncadd.s32 $0xFFFFD800  }
0x30: {  	_ =	swait.ge [sflag:s16], $0x2800  }
0x31: {  	[sflag:s16] =	ssyncset.done $0x0  }
0x32: {  	[sflag:s16] =	ssyncadd.s32 $0xFFFFD800  }
0x33: {  	_ =	swait.ge [sflag:s16], $0x2800  }
0x34: {  	[sflag:s16] =	ssyncset.done $0x0  }
0x35: {  	[sflag:s16] =	ssyncadd.s32 $0xFFFFD800  }
0x36: {  	_ =	swait.ge [sflag:s16], $0x2800  }
0x37: {  	[sflag:s16] =	ssyncset.done $0x0  }
0x38: {  	[sflag:s16] =	ssyncadd.s32 $0xFFFFD800  }
0x39: {  	_ =	swait.ge [sflag:s16], $0x2800  }
0x3a: {  	[sflag:s16] =	ssyncset.done $0x0  }
0x3b: {  	[sflag:s16] =	ssyncadd.s32 $0xFFFFD800  }
0x3c: {  	_ =	swait.ge [sflag:s16], $0x2800  }
0x3d: {  	[sflag:s16] =	ssyncset.done $0x0  }
0x3e: {  	[sflag:s16] =	ssyncadd.s32 $0xFFFFD800  }
0x3f: {  	_ =	swait.ge [sflag:s16], $0x2800  }
0x40: {  	s21 =	simm.s32 $0x2000;
	s19 =	simm.s32 $0x1000;
	[sflag:s16] =	ssyncset.done $0x0  }
.LBB2_3:
0x41: {  	s22 =	sshra.s32 s19, $0x2  }
0x42: {  	[sflag:s16] =	ssyncadd.s32 $0xFFFFD800;
	s19 =	smov.u32 s21;
	s20 =	sadd.s32 $0x1000, s21  }
0x43: {  	[spmem:s2] =	stream.indirect.scatter.add.f32 [tilespmem:s11], [sflag:$0x1], $0x80, s22, s15, $0xb8;
	[tilespmem:$0x1A400] =	vst v63  }
0x44: {  	p0 =	sne.s32 s21, $0xF000;
	s21 =	sadd.s32 $0x80, s22  }
0x45: {  	[spmem:s2] =	stream.indirect.scatter.add.f32 [tilespmem:s11], [sflag:$0x1], $0x80, s21, s15, $0xb8;
	[tilespmem:$0x1A400] =	vst v63  }
0x46: {  	s21 =	sadd.s32 $0x100, s22  }
0x47: {  	[spmem:s2] =	stream.indirect.scatter.add.f32 [tilespmem:s11], [sflag:$0x1], $0x80, s21, s15, $0xb8;
	[tilespmem:$0x1A400] =	vst v63  }
0x48: {  	s21 =	sadd.s32 $0x180, s22  }
0x49: {  	[spmem:s2] =	stream.indirect.scatter.add.f32 [tilespmem:s11], [sflag:$0x1], $0x80, s21, s15, $0xb8;
	[tilespmem:$0x1A400] =	vst v63  }
0x4a: {  	s21 =	sadd.s32 $0x200, s22  }
0x4b: {  	[spmem:s2] =	stream.indirect.scatter.add.f32 [tilespmem:s11], [sflag:$0x1], $0x80, s21, s15, $0xb8;
	[tilespmem:$0x1A400] =	vst v63  }
0x4c: {  	s21 =	sadd.s32 $0x280, s22  }
0x4d: {  	[spmem:s2] =	stream.indirect.scatter.add.f32 [tilespmem:s11], [sflag:$0x1], $0x80, s21, s15, $0xb8;
	[tilespmem:$0x1A400] =	vst v63  }
0x4e: {  	s21 =	sadd.s32 $0x300, s22  }
0x4f: {  	[spmem:s2] =	stream.indirect.scatter.add.f32 [tilespmem:s11], [sflag:$0x1], $0x80, s21, s15, $0xb8;
	[tilespmem:$0x1A400] =	vst v63  }
0x50: {  	s21 =	sadd.s32 $0x380, s22  }
0x51: {  	[spmem:s2] =	stream.indirect.scatter.add.f32 [tilespmem:s11], [sflag:$0x1], $0x80, s21, s15, $0xb8;
	[tilespmem:$0x1A400] =	vst v63  }
0x52: {  	_ =	swait.ge [sflag:s16], $0x2800  }
0x53: {  	[sflag:s16] =	ssyncset.done $0x0  }
0x54: {  	[sflag:s16] =	ssyncadd.s32 $0xFFFFD800  }
0x55: {  	_ =	swait.ge [sflag:s16], $0x2800  }
0x56: {  	[sflag:s16] =	ssyncset.done $0x0  }
0x57: {  	[sflag:s16] =	ssyncadd.s32 $0xFFFFD800  }
0x58: {  	_ =	swait.ge [sflag:s16], $0x2800  }
0x59: {  	[sflag:s16] =	ssyncset.done $0x0  }
0x5a: {  	[sflag:s16] =	ssyncadd.s32 $0xFFFFD800  }
0x5b: {  	_ =	swait.ge [sflag:s16], $0x2800  }
0x5c: {  	[sflag:s16] =	ssyncset.done $0x0  }
0x5d: {  	[sflag:s16] =	ssyncadd.s32 $0xFFFFD800  }
0x5e: {  	_ =	swait.ge [sflag:s16], $0x2800  }
0x5f: {  	[sflag:s16] =	ssyncset.done $0x0  }
0x60: {  	[sflag:s16] =	ssyncadd.s32 $0xFFFFD800  }
0x61: {  	_ =	swait.ge [sflag:s16], $0x2800  }
0x62: {  	[sflag:s16] =	ssyncset.done $0x0  }
0x63: {  	[sflag:s16] =	ssyncadd.s32 $0xFFFFD800  }
.Ltmp0:
0x64: {  	_ =	swait.ge [sflag:s16], $0x2800;
	(pc) =	sbr.rel @p0 .LBB2_3-.Ltmp0, $4  }
0x65: {  	[sflag:s16] =	ssyncset.done $0x0  }
0x66: {  	[sflag:s16] =	ssyncadd.s32 $0xFFFFD800  }
0x67: {  	_ =	swait.ge [sflag:s16], $0x2800  }
0x68: {  	s21 =	smov.u32 s20;
	[sflag:s16] =	ssyncset.done $0x0  }
0x69: {  	s19 =	sshra.s32 s19, $0x2;
	[sflag:s16] =	ssyncadd.s32 $0xFFFFD800  }
0x6a: {  	[spmem:s2] =	stream.indirect.scatter.add.f32 [tilespmem:s11], [sflag:$0x1], $0x80, s19, s15, $0xb8;
	[tilespmem:$0x1A400] =	vst v63  }
0x6b: {  	s20 =	sadd.s32 $0x80, s19  }
0x6c: {  	[spmem:s2] =	stream.indirect.scatter.add.f32 [tilespmem:s11], [sflag:$0x1], $0x80, s20, s15, $0xb8;
	[tilespmem:$0x1A400] =	vst v63  }
0x6d: {  	s25 =	sadd.s32 $0x100, s19  }
0x6e: {  	[spmem:s2] =	stream.indirect.scatter.add.f32 [tilespmem:s11], [sflag:$0x1], $0x80, s25, s15, $0xb8;
	[tilespmem:$0x1A400] =	vst v63  }
0x6f: {  	s26 =	sadd.s32 $0x180, s19  }
0x70: {  	[spmem:s2] =	stream.indirect.scatter.add.f32 [tilespmem:s11], [sflag:$0x1], $0x80, s26, s15, $0xb8;
	[tilespmem:$0x1A400] =	vst v63  }
0x71: {  	s28 =	sadd.s32 $0x200, s19  }
0x72: {  	[spmem:s2] =	stream.indirect.scatter.add.f32 [tilespmem:s11], [sflag:$0x1], $0x80, s28, s15, $0xb8;
	[tilespmem:$0x1A400] =	vst v63  }
0x73: {  	s29 =	sadd.s32 $0x280, s19  }
0x74: {  	[spmem:s2] =	stream.indirect.scatter.add.f32 [tilespmem:s11], [sflag:$0x1], $0x80, s29, s15, $0xb8;
	[tilespmem:$0x1A400] =	vst v63  }
0x75: {  	s30 =	sadd.s32 $0x300, s19  }
0x76: {  	[spmem:s2] =	stream.indirect.scatter.add.f32 [tilespmem:s11], [sflag:$0x1], $0x80, s30, s15, $0xb8;
	[tilespmem:$0x1A400] =	vst v63  }
0x77: {  	s19 =	sadd.s32 $0x380, s19  }
0x78: {  	[spmem:s2] =	stream.indirect.scatter.add.f32 [tilespmem:s11], [sflag:$0x1], $0x80, s19, s15, $0xb8;
	[tilespmem:$0x1A400] =	vst v63  }
0x79: {  	_ =	swait.ge [sflag:s16], $0x2800  }
0x7a: {  	[sflag:s16] =	ssyncset.done $0x0  }
0x7b: {  	[sflag:s16] =	ssyncadd.s32 $0xFFFFD800  }
0x7c: {  	_ =	swait.ge [sflag:s16], $0x2800  }
0x7d: {  	[sflag:s16] =	ssyncset.done $0x0  }
0x7e: {  	[sflag:s16] =	ssyncadd.s32 $0xFFFFD800  }
0x7f: {  	_ =	swait.ge [sflag:s16], $0x2800  }
0x80: {  	[sflag:s16] =	ssyncset.done $0x0  }
0x81: {  	[sflag:s16] =	ssyncadd.s32 $0xFFFFD800  }
0x82: {  	_ =	swait.ge [sflag:s16], $0x2800  }
0x83: {  	[sflag:s16] =	ssyncset.done $0x0  }
0x84: {  	[sflag:s16] =	ssyncadd.s32 $0xFFFFD800  }
0x85: {  	_ =	swait.ge [sflag:s16], $0x2800  }
0x86: {  	[sflag:s16] =	ssyncset.done $0x0  }
0x87: {  	[sflag:s16] =	ssyncadd.s32 $0xFFFFD800  }
0x88: {  	_ =	swait.ge [sflag:s16], $0x2800  }
0x89: {  	[sflag:s16] =	ssyncset.done $0x0  }
0x8a: {  	[sflag:s16] =	ssyncadd.s32 $0xFFFFD800  }
0x8b: {  	_ =	swait.ge [sflag:s16], $0x2800  }
0x8c: {  	s31 =	sadd.s32 s9, s18;
	[sflag:s16] =	ssyncset.done $0x0  }
0x8d: {  	s19 =	smul.u32 $0x2800, s31;
	[sflag:s16] =	ssyncadd.s32 $0xFFFFD800  }
0x8e: {  	_ =	swait.ge [sflag:s16], $0x2800  }
0x8f: {  	s18 =	sadd.s32 $0x1, s18;
	s19 =	sadd.s32 s7, s19;
	[sflag:s16] =	ssyncset.done $0x0  }
0x90: {  	p0 =	sne.s32 s18, $0xC;
	s19 =	sshll.u32 s19, $0x4;
	[sflag:s16] =	ssyncadd.s32 $0xFFFFD800  }
.Ltmp1:
0x91: {  	s19 =	sadd.s32 s6, s19;
	[bflag:$0x0] =	sbarrier.arrive $0xFFFF;
	(pc) =	sbr.rel @p0 .LBB2_2-.Ltmp1, $4  }
0x92: {  	[hbm:s19], [sflag:s13] =	dma.local [spmem:s14], $0x2780  }
0x93: {  	_ =	swait.ge [sflag:s12], $0x2780  }
0x94: {  	[sflag:s12] =	ssyncset.done $0x0  }
0x95: {  	[sflag:s12] =	ssyncadd.s32 $0xFFFFD880  }
0x96: {  	s17 =	sadd.s32 $0x1, s17  }
0x97: {  	p0 =	sne.s32 s17, s10  }
.Ltmp2:
0x98: {  	_ = 	snop;
	(pc) =	sbr.rel @p0 .LBB2_1-.Ltmp2, $1  }
0x99: {  	_ =	sdelay $0x3  }
0x9a: {  	_ =	sfence.sel $0x180000  }
0x9b: {  	[bflag:$0x0] =	sbarrier.arrive $0xFFFF  }
0x9c: {  	p0 =	sne.s32 s1, $0x0;
	_ =	strace $0x90000047  }
0x9d: {  	s0 =	sadd.s32 @!p0 $0x100000, s0;
	[bflag:$0x2] =	sbarrier.arrive $0xFFFF  }
0x9e: {  	[sflag:s0] =	ssyncadd.tile.s32 @!p0 $0x1;
	_ =	shalt  }
.Lfunc_end2:
_tile_overlayer_lowered:
.L_overlay_start_2:
0x9f: {  	(tag) =	ssettag $0x2  }
0xa0: {  	s0 =	rddreg [dreg:$0x0];
	s2 =	stileid.u32  }
0xa1: {  	s1 =	rddreg [dreg:$0x1];
	p0 =	sne.s32 s2, $0x0  }
0xa2: {  	s3 =	rddreg [dreg:$0x2];
	[bflag:$0x3] =	sbarrier.arrive $0xFFFF;
	s2 =	simm.s32 @!p0 $0x1C02  }
0xa3: {  	[timem:s3], [sflag:s2] =	dma.local @!p0 [hbm:s0], s1  }
0xa4: {  	s0 =	simm.s32 @!p0 $0x2  }
0xa5: {  	_ =	swait.ge @!p0 [sflag:s0], s1  }
0xa6: {  	s1 =	ssub.s32 @!p0 $0x0, s1;
	[sflag:s0] =	ssyncset.done @!p0 $0x0  }
0xa7: {  	[sflag:s0] =	ssyncadd.s32 @!p0 s1  }
0xa8: {  	[bflag:$0x3] =	sbarrier.arrive $0xFFFF  }
0xa9: {  	_ =	shalt  }

</sc_bundles>
